<compile_context>
chip_gen: v7x
topology: tpu7x:2x2x1
jax: 0.10.2.dev20260603
libtpu: 0.0.44.dev20260713+nightly
codegen_flags: <defaults>
</compile_context>

<pallas_src>
import functools

import jax
import jax.numpy as jnp
from jax import lax
from jax.experimental import pallas as pl
from jax.experimental.pallas import tpu as pltpu
from jax.experimental.pallas import tpu_sc as plsc

N = 10000
NFEAT = 128
NHID = 128
NCLASS = 64
E = 320000

NC = 2
NS = 16
NW = NC * NS
K = 128

N1 = 10112
RPT = N1 // NS
_CHUNKS = [(t * K, K) for t in range(RPT // K)] + [(RPT - RPT % K, RPT % K)]

NCH = -(-E // (NW * K))
EPAD = NW * NCH * K

_mesh = plsc.VectorSubcoreMesh(core_axis_name="c", subcore_axis_name="s")


@functools.partial(
    pl.kernel,
    mesh=_mesh,
    out_type=jax.ShapeDtypeStruct((NC * N1,), jnp.float32),
    scratch_types=[
        pltpu.VMEM((NCH, K), jnp.int32),
        pltpu.VMEM((K,), jnp.float32),
        pltpu.VMEM((RPT,), jnp.float32),
        pltpu.VMEM_SHARED((N1,), jnp.float32),
        pltpu.SemaphoreType.DMA,
    ],
)
def _deg_kernel(dsts, out, dst_v, ones_v, zld, deg_sh, sem):
    c = lax.axis_index("c")
    s = lax.axis_index("s")
    wid = c * NS + s

    for j in range(K // 16):
        ones_v[pl.ds(j * 16, 16)] = jnp.full((16,), 1.0, jnp.float32)

    def zfill(i, carry):
        zld[pl.ds(i * 16, 16)] = jnp.zeros((16,), jnp.float32)
        return carry

    lax.fori_loop(0, RPT // 16, zfill, 0)
    zld[pl.ds(RPT - 16, 16)] = jnp.zeros((16,), jnp.float32)

    pltpu.sync_copy(zld, deg_sh.at[pl.ds(s * RPT, RPT)])

    pltpu.sync_copy(dsts.at[wid], dst_v)
    plsc.subcore_barrier()

    def body(j, carry):
        pltpu.async_copy(ones_v, deg_sh.at[dst_v.at[j]], sem, add=True)
        return carry

    lax.fori_loop(0, NCH, body, 0)
    pltpu.make_async_copy(dsts.at[wid], dst_v, sem).wait()
    plsc.subcore_barrier()
    pltpu.sync_copy(deg_sh.at[pl.ds(s * RPT, RPT)], zld)
    pltpu.sync_copy(zld, out.at[pl.ds(c * N1 + s * RPT, RPT)])


def _make_scatter_kernel(D):
    @functools.partial(
        pl.kernel,
        mesh=_mesh,
        out_type=jax.ShapeDtypeStruct((NC, N1, D), jnp.float32),
        scratch_types=[
            pltpu.VMEM((3, K), jnp.int32),
            pltpu.VMEM((4, K), jnp.int32),
            pltpu.VMEM((3, K, D), jnp.float32),
            pltpu.VMEM_SHARED((N1, D), jnp.float32),
            pltpu.SemaphoreType.DMA,
            pltpu.SemaphoreType.DMA,
            pltpu.SemaphoreType.DMA,
        ],
    )
    def k(table, srcs, dsts, out, src3, dst4, rows3, acc, semg, semi, sems):
        c = lax.axis_index("c")
        s = lax.axis_index("s")
        wid = c * NS + s

        def zfill(i, carry):
            for j in range(D // 16):
                rows3[0, i, pl.ds(j * 16, 16)] = jnp.zeros((16,), jnp.float32)
            return carry

        lax.fori_loop(0, K, zfill, 0)
        for off, n in _CHUNKS:
            pltpu.async_copy(rows3.at[0, pl.ds(0, n)],
                             acc.at[pl.ds(s * RPT + off, n)], semi)
        for off, n in _CHUNKS:
            pltpu.make_async_copy(rows3.at[0, pl.ds(0, n)],
                                  acc.at[pl.ds(s * RPT + off, n)],
                                  semi).wait()

        pltpu.sync_copy(srcs.at[wid, 0], src3.at[0])
        pltpu.sync_copy(dsts.at[wid, 0], dst4.at[0])
        pltpu.async_copy(table.at[src3.at[0]], rows3.at[0], semg)
        pltpu.sync_copy(srcs.at[wid, 1], src3.at[1])
        pltpu.sync_copy(dsts.at[wid, 1], dst4.at[1])
        pltpu.async_copy(table.at[src3.at[1]], rows3.at[1], semg)
        pltpu.async_copy(srcs.at[wid, 2], src3.at[2], semi)
        pltpu.async_copy(dsts.at[wid, 2], dst4.at[2], semi)
        plsc.subcore_barrier()

        def body(j, carry):
            b = lax.rem(j, 3)
            b2 = lax.rem(j + 2, 3)
            pltpu.make_async_copy(table.at[src3.at[b]], rows3.at[b],
                                  semg).wait()
            pltpu.async_copy(rows3.at[b], acc.at[dst4.at[lax.rem(j, 4)]],
                             sems, add=True)

            @pl.when(j + 2 < NCH)
            def _():
                pltpu.make_async_copy(srcs.at[wid, j + 2], src3.at[b2],
                                      semi).wait()
                pltpu.make_async_copy(dsts.at[wid, j + 2],
                                      dst4.at[lax.rem(j + 2, 4)],
                                      semi).wait()

                @pl.when(j >= 1)
                def _():
                    pltpu.make_async_copy(rows3.at[b2],
                                          acc.at[dst4.at[lax.rem(j + 3, 4)]],
                                          sems).wait()

                pltpu.async_copy(table.at[src3.at[b2]], rows3.at[b2], semg)

                @pl.when(j + 3 < NCH)
                def _():
                    pltpu.async_copy(srcs.at[wid, j + 3], src3.at[b], semi)
                    pltpu.async_copy(dsts.at[wid, j + 3],
                                     dst4.at[lax.rem(j + 3, 4)], semi)

            return carry

        lax.fori_loop(0, NCH, body, 0)
        for _ in range(3):
            pltpu.make_async_copy(rows3.at[0], acc.at[dst4.at[0]],
                                  sems).wait()
        plsc.subcore_barrier()
        def _wr(i):
            off, n = _CHUNKS[i]
            return (rows3.at[i % 2, pl.ds(0, n)],
                    out.at[c, pl.ds(s * RPT + off, n)])

        for i, (off, n) in enumerate(_CHUNKS):
            if i >= 2:
                pltpu.make_async_copy(*_wr(i - 2), semi).wait()
            pltpu.sync_copy(acc.at[pl.ds(s * RPT + off, n)],
                            rows3.at[i % 2, pl.ds(0, n)])
            pltpu.async_copy(*_wr(i), semi)
        for i in range(max(0, len(_CHUNKS) - 2), len(_CHUNKS)):
            pltpu.make_async_copy(*_wr(i), semi).wait()

    return k


_scatter128 = _make_scatter_kernel(NHID)


def _tc_mm_body(x_ref, w1_ref, h_ref):
    h_ref[...] = jnp.dot(x_ref[...], w1_ref[...],
                         preferred_element_type=jnp.float32)


def _tc1_body(degp_ref, h_ref, h1s_ref, dis_ref):
    deg = (degp_ref[pl.ds(0, N1)] + degp_ref[pl.ds(N1, N1)] + 1.0)
    dis = jnp.where(deg > 0.0, lax.rsqrt(deg), 0.0).reshape(N1, 1)
    h1s_ref[pl.ds(0, N), :] = h_ref[...] * dis[:N]
    h1s_ref[pl.ds(N, N1 - N), :] = jnp.zeros((N1 - N, NHID), jnp.float32)
    dis_ref[...] = dis


def _tc2_body(accp_ref, h1s_ref, dis_ref, b1_ref, p_ref, w2_ref, h2s_ref):
    a = accp_ref[0] + accp_ref[1] + h1s_ref[...]
    dis = dis_ref[...]
    z = jnp.maximum(a * dis + b1_ref[...], 0.0) * jnp.clip(p_ref[...], 0.0, 1.0)
    row = lax.broadcasted_iota(jnp.int32, (N1, 1), 0)
    z = jnp.where(row < N, z, 0.0)
    h2s_ref[...] = jnp.dot(z, w2_ref[...],
                           preferred_element_type=jnp.float32) * dis


def _tc3_body(accp_ref, h2s_ref, dis_ref, b2_ref, out_ref):
    a = accp_ref[0] + accp_ref[1] + h2s_ref[...]
    full = a * dis_ref[...] + b2_ref[...]
    out_ref[...] = full[:N, :NCLASS]


_tc_mm = pl.pallas_call(
    _tc_mm_body,
    out_shape=jax.ShapeDtypeStruct((N, NHID), jnp.float32),
)

_tc1 = pl.pallas_call(
    _tc1_body,
    out_shape=(jax.ShapeDtypeStruct((N1, NHID), jnp.float32),
               jax.ShapeDtypeStruct((N1, 1), jnp.float32)),
)

_tc2 = pl.pallas_call(
    _tc2_body,
    out_shape=jax.ShapeDtypeStruct((N1, NHID), jnp.float32),
)

_tc3 = pl.pallas_call(
    _tc3_body,
    out_shape=jax.ShapeDtypeStruct((N, NCLASS), jnp.float32),
)


def kernel(x, edge_index, W1, b1, W2, b2, p):
    ei = edge_index.astype(jnp.int32)
    src = ei[0]
    dst = ei[1]
    npad = EPAD - E
    pad_i = jnp.arange(npad, dtype=jnp.int32)
    pad_src = (pad_i * 997) % N
    pad_dst = N + pad_i % (N1 - N)
    srcs = jnp.concatenate([src, pad_src]).reshape(NW, NCH, K)
    dsts = jnp.concatenate([dst, pad_dst]).reshape(NW, NCH, K)

    W2p = jnp.pad(W2, ((0, 0), (0, NHID - NCLASS)))
    b2p = jnp.pad(b2, (0, NHID - NCLASS)).reshape(1, NHID)

    h = _tc_mm(x, W1)
    degp = _deg_kernel(dsts)
    h1s, dis = _tc1(degp, h)
    acc1 = _scatter128(h1s, srcs, dsts)
    h2s = _tc2(acc1, h1s, dis, b1.reshape(1, NHID), p.reshape(1, NHID), W2p)
    acc2 = _scatter128(h2s, srcs, dsts)
    return _tc3(acc2, h2s, dis, b2p)

# --- scband reference (transcript-rebuilt; emitter-appended) ---
"""Pipeline reference for scband-gcn-4303557231207 (READ-ONLY COPY).

The authoritative reference and input builder live on the scoring server;
editing this copy changes nothing except your own understanding.
"""

import jax, jax.numpy as jnp
import numpy as np

N_NODES = 10000
NFEAT = 128
NHID = 128
NCLASS = 64
N_EDGES = 320000


def gcn_conv(x, W, b, edge_index, num_nodes):
    # PyG GCNConv with add_self_loops=True, normalize=True
    src = edge_index[0]
    dst = edge_index[1]
    loop = jnp.arange(num_nodes, dtype=edge_index.dtype)
    src = jnp.concatenate([src, loop])
    dst = jnp.concatenate([dst, loop])
    ew = jnp.ones(src.shape[0], dtype=x.dtype)
    deg = jnp.zeros(num_nodes, dtype=x.dtype).at[dst].add(ew)
    deg_inv_sqrt = jnp.where(deg > 0, 1.0 / jnp.sqrt(deg), 0.0)
    norm = deg_inv_sqrt[src] * deg_inv_sqrt[dst]
    h = x @ W
    msg = h[src] * norm[:, None]
    out = jnp.zeros((num_nodes, W.shape[1]), dtype=x.dtype).at[dst].add(msg)
    return out + b


def setup_inputs(seed: int = 0) -> dict:
    key = jax.random.key(seed)
    k_x, k_e, k_w1, k_w2 = jax.random.split(key, 4)
    x = jax.random.normal(k_x, (N_NODES, NFEAT), dtype=jnp.float32)
    edge_index = jax.random.randint(k_e, (2, N_EDGES), 0, N_NODES, dtype=jnp.int64)
    # glorot init for GCNConv weights
    s1 = float(np.sqrt(6.0 / (NFEAT + NHID)))
    W1 = jax.random.uniform(k_w1, (NFEAT, NHID), dtype=jnp.float32, minval=-s1, maxval=s1)
    b1 = jnp.zeros((NHID,), dtype=jnp.float32)
    s2 = float(np.sqrt(6.0 / (NHID + NCLASS)))
    W2 = jax.random.uniform(k_w2, (NHID, NCLASS), dtype=jnp.float32, minval=-s2, maxval=s2)
    b2 = jnp.zeros((NCLASS,), dtype=jnp.float32)
    # VariationalDropout retain probabilities, initialized to dropout=0.5
    p = jnp.full((NHID,), 0.5, dtype=jnp.float32)
    return {"x": x, "edge_index": edge_index, "W1": W1, "b1": b1, "W2": W2, "b2": b2, "p": p}


def reference(x, edge_index, W1, b1, W2, b2, p):
    h = gcn_conv(x, W1, b1, edge_index, N_NODES)
    h = jax.nn.relu(h)
    # VariationalDropout in 'deterministic' mode: multiply by clamped retain probs
    mask = jnp.clip(p, 0.0, 1.0).reshape(1, -1)
    h = h * mask
    out = gcn_conv(h, W2, b2, edge_index, N_NODES)
    return out

if __name__ == "__main__":
    import jax
    _d = setup_inputs()
    print(jax.jit(kernel)(*tuple(_d.values())))

</pallas_src>

<mosaic_0001>
#map = affine_map<(d0, d1) -> (0, 0)>
#map1 = affine_map<(d0, d1) -> (0, 0, 0)>
module attributes {stable_mosaic.version = 14 : i64} {
  func.func @k(%arg0: i32, %arg1: i32, %arg2: memref<10112x128xf32, #tpu.memory_space<hbm>>, %arg3: memref<32x79x128xi32, #tpu.memory_space<hbm>>, %arg4: memref<32x79x128xi32, #tpu.memory_space<hbm>>, %arg5: memref<2x10112x128xf32, #tpu.memory_space<hbm>>, %arg6: memref<3x128xi32, #tpu.memory_space<vmem>>, %arg7: memref<4x128xi32, #tpu.memory_space<vmem>>, %arg8: memref<3x128x128xf32, #tpu.memory_space<vmem>>, %arg9: memref<10112x128xf32, #tpu.memory_space<vmem_shared>>, %arg10: memref<!tpu.dma_semaphore, #tpu.memory_space<semaphore_mem>>, %arg11: memref<!tpu.dma_semaphore, #tpu.memory_space<semaphore_mem>>, %arg12: memref<!tpu.dma_semaphore, #tpu.memory_space<semaphore_mem>>) attributes {dimension_semantics = [#tpu.dimension_semantics<core_parallel>, #tpu.dimension_semantics<subcore_parallel>], iteration_bounds = array<i64: 2, 16>, scalar_prefetch = 0 : i64, scratch_operands = 7 : i64, tpu.core_type = #tpu.core_type<sc_vector_subcore>, window_params = [{transform_indices = #map}, {transform_indices = #map1}, {transform_indices = #map1}, {transform_indices = #map1}]} {
    %mul3A = arith.constant 16 : i32
    %mul3A_0 = arith.muli %arg0, %mul3A : i32
    %add3A = arith.addi %mul3A_0, %arg1 : i32
    %scan3A = arith.constant 0 : i32
    %scan3A_1 = arith.constant 0 : i32
    %scan3A_2 = arith.constant 128 : i32
    %scan3A_3 = arith.addi %scan3A_1, %scan3A_2 : i32
    %scan3A_4 = arith.constant 1 : i32
    scf.for %scan3A_491 = %scan3A_1 to %scan3A_3 step %scan3A_4  : i32 {
      %broadcast_in_dim3A = arith.constant 0.000000e+00 : f32
      %broadcast_in_dim3A_492 = vector.broadcast %broadcast_in_dim3A : f32 to vector<16xf32>
      %swap3A = arith.constant 0 : i32
      %swap3A_493 = arith.index_cast %swap3A : i32 to index
      %swap3A_494 = arith.index_cast %scan3A_491 : i32 to index
      %swap3A_495 = arith.constant 0 : index
      %swap3A_496 = tpu.vector_load %arg8[%swap3A_493, %swap3A_494, %swap3A_495] {strides = array<i32>} : memref<3x128x128xf32, #tpu.memory_space<vmem>>, vector<1x1x16xf32>,
      %swap3A_497 = vector.shape_cast %swap3A_496 : vector<1x1x16xf32> to vector<16xf32>
      %swap3A_498 = vector.shape_cast %broadcast_in_dim3A_492 : vector<16xf32> to vector<1x1x16xf32>
      tpu.vector_store %arg8[%swap3A_493, %swap3A_494, %swap3A_495], %swap3A_498 {strides = array<i32>} : memref<3x128x128xf32, #tpu.memory_space<vmem>>, vector<1x1x16xf32>,
      %broadcast_in_dim3A_499 = arith.constant 0.000000e+00 : f32
      %broadcast_in_dim3A_500 = vector.broadcast %broadcast_in_dim3A_499 : f32 to vector<16xf32>
      %swap3A_501 = arith.constant 0 : i32
      %swap3A_502 = arith.index_cast %swap3A_501 : i32 to index
      %swap3A_503 = arith.index_cast %scan3A_491 : i32 to index
      %swap3A_504 = arith.constant 16 : index
      %swap3A_505 = tpu.vector_load %arg8[%swap3A_502, %swap3A_503, %swap3A_504] {strides = array<i32>} : memref<3x128x128xf32, #tpu.memory_space<vmem>>, vector<1x1x16xf32>,
      %swap3A_506 = vector.shape_cast %swap3A_505 : vector<1x1x16xf32> to vector<16xf32>
      %swap3A_507 = vector.shape_cast %broadcast_in_dim3A_500 : vector<16xf32> to vector<1x1x16xf32>
      tpu.vector_store %arg8[%swap3A_502, %swap3A_503, %swap3A_504], %swap3A_507 {strides = array<i32>} : memref<3x128x128xf32, #tpu.memory_space<vmem>>, vector<1x1x16xf32>,
      %broadcast_in_dim3A_508 = arith.constant 0.000000e+00 : f32
      %broadcast_in_dim3A_509 = vector.broadcast %broadcast_in_dim3A_508 : f32 to vector<16xf32>
      %swap3A_510 = arith.constant 0 : i32
      %swap3A_511 = arith.index_cast %swap3A_510 : i32 to index
      %swap3A_512 = arith.index_cast %scan3A_491 : i32 to index
      %swap3A_513 = arith.constant 32 : index
      %swap3A_514 = tpu.vector_load %arg8[%swap3A_511, %swap3A_512, %swap3A_513] {strides = array<i32>} : memref<3x128x128xf32, #tpu.memory_space<vmem>>, vector<1x1x16xf32>,
      %swap3A_515 = vector.shape_cast %swap3A_514 : vector<1x1x16xf32> to vector<16xf32>
      %swap3A_516 = vector.shape_cast %broadcast_in_dim3A_509 : vector<16xf32> to vector<1x1x16xf32>
      tpu.vector_store %arg8[%swap3A_511, %swap3A_512, %swap3A_513], %swap3A_516 {strides = array<i32>} : memref<3x128x128xf32, #tpu.memory_space<vmem>>, vector<1x1x16xf32>,
      %broadcast_in_dim3A_517 = arith.constant 0.000000e+00 : f32
      %broadcast_in_dim3A_518 = vector.broadcast %broadcast_in_dim3A_517 : f32 to vector<16xf32>
      %swap3A_519 = arith.constant 0 : i32
      %swap3A_520 = arith.index_cast %swap3A_519 : i32 to index
      %swap3A_521 = arith.index_cast %scan3A_491 : i32 to index
      %swap3A_522 = arith.constant 48 : index
      %swap3A_523 = tpu.vector_load %arg8[%swap3A_520, %swap3A_521, %swap3A_522] {strides = array<i32>} : memref<3x128x128xf32, #tpu.memory_space<vmem>>, vector<1x1x16xf32>,
      %swap3A_524 = vector.shape_cast %swap3A_523 : vector<1x1x16xf32> to vector<16xf32>
      %swap3A_525 = vector.shape_cast %broadcast_in_dim3A_518 : vector<16xf32> to vector<1x1x16xf32>
      tpu.vector_store %arg8[%swap3A_520, %swap3A_521, %swap3A_522], %swap3A_525 {strides = array<i32>} : memref<3x128x128xf32, #tpu.memory_space<vmem>>, vector<1x1x16xf32>,
      %broadcast_in_dim3A_526 = arith.constant 0.000000e+00 : f32
      %broadcast_in_dim3A_527 = vector.broadcast %broadcast_in_dim3A_526 : f32 to vector<16xf32>
      %swap3A_528 = arith.constant 0 : i32
      %swap3A_529 = arith.index_cast %swap3A_528 : i32 to index
      %swap3A_530 = arith.index_cast %scan3A_491 : i32 to index
      %swap3A_531 = arith.constant 64 : index
      %swap3A_532 = tpu.vector_load %arg8[%swap3A_529, %swap3A_530, %swap3A_531] {strides = array<i32>} : memref<3x128x128xf32, #tpu.memory_space<vmem>>, vector<1x1x16xf32>,
      %swap3A_533 = vector.shape_cast %swap3A_532 : vector<1x1x16xf32> to vector<16xf32>
      %swap3A_534 = vector.shape_cast %broadcast_in_dim3A_527 : vector<16xf32> to vector<1x1x16xf32>
      tpu.vector_store %arg8[%swap3A_529, %swap3A_530, %swap3A_531], %swap3A_534 {strides = array<i32>} : memref<3x128x128xf32, #tpu.memory_space<vmem>>, vector<1x1x16xf32>,
      %broadcast_in_dim3A_535 = arith.constant 0.000000e+00 : f32
      %broadcast_in_dim3A_536 = vector.broadcast %broadcast_in_dim3A_535 : f32 to vector<16xf32>
      %swap3A_537 = arith.constant 0 : i32
      %swap3A_538 = arith.index_cast %swap3A_537 : i32 to index
      %swap3A_539 = arith.index_cast %scan3A_491 : i32 to index
      %swap3A_540 = arith.constant 80 : index
      %swap3A_541 = tpu.vector_load %arg8[%swap3A_538, %swap3A_539, %swap3A_540] {strides = array<i32>} : memref<3x128x128xf32, #tpu.memory_space<vmem>>, vector<1x1x16xf32>,
      %swap3A_542 = vector.shape_cast %swap3A_541 : vector<1x1x16xf32> to vector<16xf32>
      %swap3A_543 = vector.shape_cast %broadcast_in_dim3A_536 : vector<16xf32> to vector<1x1x16xf32>
      tpu.vector_store %arg8[%swap3A_538, %swap3A_539, %swap3A_540], %swap3A_543 {strides = array<i32>} : memref<3x128x128xf32, #tpu.memory_space<vmem>>, vector<1x1x16xf32>,
      %broadcast_in_dim3A_544 = arith.constant 0.000000e+00 : f32
      %broadcast_in_dim3A_545 = vector.broadcast %broadcast_in_dim3A_544 : f32 to vector<16xf32>
      %swap3A_546 = arith.constant 0 : i32
      %swap3A_547 = arith.index_cast %swap3A_546 : i32 to index
      %swap3A_548 = arith.index_cast %scan3A_491 : i32 to index
      %swap3A_549 = arith.constant 96 : index
      %swap3A_550 = tpu.vector_load %arg8[%swap3A_547, %swap3A_548, %swap3A_549] {strides = array<i32>} : memref<3x128x128xf32, #tpu.memory_space<vmem>>, vector<1x1x16xf32>,
      %swap3A_551 = vector.shape_cast %swap3A_550 : vector<1x1x16xf32> to vector<16xf32>
      %swap3A_552 = vector.shape_cast %broadcast_in_dim3A_545 : vector<16xf32> to vector<1x1x16xf32>
      tpu.vector_store %arg8[%swap3A_547, %swap3A_548, %swap3A_549], %swap3A_552 {strides = array<i32>} : memref<3x128x128xf32, #tpu.memory_space<vmem>>, vector<1x1x16xf32>,
      %broadcast_in_dim3A_553 = arith.constant 0.000000e+00 : f32
      %broadcast_in_dim3A_554 = vector.broadcast %broadcast_in_dim3A_553 : f32 to vector<16xf32>
      %swap3A_555 = arith.constant 0 : i32
      %swap3A_556 = arith.index_cast %swap3A_555 : i32 to index
      %swap3A_557 = arith.index_cast %scan3A_491 : i32 to index
      %swap3A_558 = arith.constant 112 : index
      %swap3A_559 = tpu.vector_load %arg8[%swap3A_556, %swap3A_557, %swap3A_558] {strides = array<i32>} : memref<3x128x128xf32, #tpu.memory_space<vmem>>, vector<1x1x16xf32>,
      %swap3A_560 = vector.shape_cast %swap3A_559 : vector<1x1x16xf32> to vector<16xf32>
      %swap3A_561 = vector.shape_cast %broadcast_in_dim3A_554 : vector<16xf32> to vector<1x1x16xf32>
      tpu.vector_store %arg8[%swap3A_556, %swap3A_557, %swap3A_558], %swap3A_561 {strides = array<i32>} : memref<3x128x128xf32, #tpu.memory_space<vmem>>, vector<1x1x16xf32>,
    }
    %scan3A_5 = arith.constant 128 : i32
    %mul3A_6 = arith.constant 632 : i32
    %mul3A_7 = arith.muli %arg1, %mul3A_6 : i32
    %add3A_8 = arith.constant 0 : i32
    %add3A_9 = arith.addi %mul3A_7, %add3A_8 : i32
    %dma_start3A = arith.constant 0 : i32
    %dma_start3A_10 = arith.constant 0 : i32
    %dma_start3A_11 = arith.constant 0 : i32
    %dma_start3A_12 = tpu.memref_slice %arg8[%dma_start3A, %dma_start3A_10, %dma_start3A_11] : memref<3x128x128xf32, #tpu.memory_space<vmem>> -> memref<1x128x128xf32, #tpu.memory_space<vmem>>
    %dma_start3A_13 = tpu.memref_squeeze %dma_start3A_12 : memref<1x128x128xf32, #tpu.memory_space<vmem>> -> memref<128x128xf32, #tpu.memory_space<vmem>>
    %dma_start3A_14 = arith.constant 0 : i32
    %dma_start3A_15 = tpu.memref_slice %arg9[%add3A_9, %dma_start3A_14] : memref<10112x128xf32, #tpu.memory_space<vmem_shared>> -> memref<128x128xf32, #tpu.memory_space<vmem_shared>>
    %dma_start3A_16 = arith.constant 0 : i32
    %dma_start3A_17 = tpu.memref_slice %arg9[%add3A_9, %dma_start3A_16] : memref<10112x128xf32, #tpu.memory_space<vmem_shared>> -> memref<128x128xf32, #tpu.memory_space<vmem_shared>>
    %dma_start3A_18 = arith.constant 0 : i32
    %dma_start3A_19 = arith.constant 0 : i32
    %dma_start3A_20 = tpu.memref_slice %arg8[%dma_start3A, %dma_start3A_18, %dma_start3A_19] : memref<3x128x128xf32, #tpu.memory_space<vmem>> -> memref<1x128x128xf32, #tpu.memory_space<vmem>>
    %dma_start3A_21 = tpu.memref_squeeze %dma_start3A_20 : memref<1x128x128xf32, #tpu.memory_space<vmem>> -> memref<128x128xf32, #tpu.memory_space<vmem>>
    tpu.enqueue_dma source(%dma_start3A_21 : memref<128x128xf32, #tpu.memory_space<vmem>>) target(%dma_start3A_17 : memref<128x128xf32, #tpu.memory_space<vmem_shared>>) target_semaphore(%arg11 : memref<!tpu.dma_semaphore, #tpu.memory_space<semaphore_mem>>)
    %mul3A_22 = arith.constant 632 : i32
    %mul3A_23 = arith.muli %arg1, %mul3A_22 : i32
    %add3A_24 = arith.constant 128 : i32
    %add3A_25 = arith.addi %mul3A_23, %add3A_24 : i32
    %dma_start3A_26 = arith.constant 0 : i32
    %dma_start3A_27 = arith.constant 0 : i32
    %dma_start3A_28 = arith.constant 0 : i32
    %dma_start3A_29 = tpu.memref_slice %arg8[%dma_start3A_26, %dma_start3A_27, %dma_start3A_28] : memref<3x128x128xf32, #tpu.memory_space<vmem>> -> memref<1x128x128xf32, #tpu.memory_space<vmem>>
    %dma_start3A_30 = tpu.memref_squeeze %dma_start3A_29 : memref<1x128x128xf32, #tpu.memory_space<vmem>> -> memref<128x128xf32, #tpu.memory_space<vmem>>
    %dma_start3A_31 = arith.constant 0 : i32
    %dma_start3A_32 = tpu.memref_slice %arg9[%add3A_25, %dma_start3A_31] : memref<10112x128xf32, #tpu.memory_space<vmem_shared>> -> memref<128x128xf32, #tpu.memory_space<vmem_shared>>
    %dma_start3A_33 = arith.constant 0 : i32
    %dma_start3A_34 = tpu.memref_slice %arg9[%add3A_25, %dma_start3A_33] : memref<10112x128xf32, #tpu.memory_space<vmem_shared>> -> memref<128x128xf32, #tpu.memory_space<vmem_shared>>
    %dma_start3A_35 = arith.constant 0 : i32
    %dma_start3A_36 = arith.constant 0 : i32
    %dma_start3A_37 = tpu.memref_slice %arg8[%dma_start3A_26, %dma_start3A_35, %dma_start3A_36] : memref<3x128x128xf32, #tpu.memory_space<vmem>> -> memref<1x128x128xf32, #tpu.memory_space<vmem>>
    %dma_start3A_38 = tpu.memref_squeeze %dma_start3A_37 : memref<1x128x128xf32, #tpu.memory_space<vmem>> -> memref<128x128xf32, #tpu.memory_space<vmem>>
    tpu.enqueue_dma source(%dma_start3A_38 : memref<128x128xf32, #tpu.memory_space<vmem>>) target(%dma_start3A_34 : memref<128x128xf32, #tpu.memory_space<vmem_shared>>) target_semaphore(%arg11 : memref<!tpu.dma_semaphore, #tpu.memory_space<semaphore_mem>>)
    %mul3A_39 = arith.constant 632 : i32
    %mul3A_40 = arith.muli %arg1, %mul3A_39 : i32
    %add3A_41 = arith.constant 256 : i32
    %add3A_42 = arith.addi %mul3A_40, %add3A_41 : i32
    %dma_start3A_43 = arith.constant 0 : i32
    %dma_start3A_44 = arith.constant 0 : i32
    %dma_start3A_45 = arith.constant 0 : i32
    %dma_start3A_46 = tpu.memref_slice %arg8[%dma_start3A_43, %dma_start3A_44, %dma_start3A_45] : memref<3x128x128xf32, #tpu.memory_space<vmem>> -> memref<1x128x128xf32, #tpu.memory_space<vmem>>
    %dma_start3A_47 = tpu.memref_squeeze %dma_start3A_46 : memref<1x128x128xf32, #tpu.memory_space<vmem>> -> memref<128x128xf32, #tpu.memory_space<vmem>>
    %dma_start3A_48 = arith.constant 0 : i32
    %dma_start3A_49 = tpu.memref_slice %arg9[%add3A_42, %dma_start3A_48] : memref<10112x128xf32, #tpu.memory_space<vmem_shared>> -> memref<128x128xf32, #tpu.memory_space<vmem_shared>>
    %dma_start3A_50 = arith.constant 0 : i32
    %dma_start3A_51 = tpu.memref_slice %arg9[%add3A_42, %dma_start3A_50] : memref<10112x128xf32, #tpu.memory_space<vmem_shared>> -> memref<128x128xf32, #tpu.memory_space<vmem_shared>>
    %dma_start3A_52 = arith.constant 0 : i32
    %dma_start3A_53 = arith.constant 0 : i32
    %dma_start3A_54 = tpu.memref_slice %arg8[%dma_start3A_43, %dma_start3A_52, %dma_start3A_53] : memref<3x128x128xf32, #tpu.memory_space<vmem>> -> memref<1x128x128xf32, #tpu.memory_space<vmem>>
    %dma_start3A_55 = tpu.memref_squeeze %dma_start3A_54 : memref<1x128x128xf32, #tpu.memory_space<vmem>> -> memref<128x128xf32, #tpu.memory_space<vmem>>
    tpu.enqueue_dma source(%dma_start3A_55 : memref<128x128xf32, #tpu.memory_space<vmem>>) target(%dma_start3A_51 : memref<128x128xf32, #tpu.memory_space<vmem_shared>>) target_semaphore(%arg11 : memref<!tpu.dma_semaphore, #tpu.memory_space<semaphore_mem>>)
    %mul3A_56 = arith.constant 632 : i32
    %mul3A_57 = arith.muli %arg1, %mul3A_56 : i32
    %add3A_58 = arith.constant 384 : i32
    %add3A_59 = arith.addi %mul3A_57, %add3A_58 : i32
    %dma_start3A_60 = arith.constant 0 : i32
    %dma_start3A_61 = arith.constant 0 : i32
    %dma_start3A_62 = arith.constant 0 : i32
    %dma_start3A_63 = tpu.memref_slice %arg8[%dma_start3A_60, %dma_start3A_61, %dma_start3A_62] : memref<3x128x128xf32, #tpu.memory_space<vmem>> -> memref<1x128x128xf32, #tpu.memory_space<vmem>>
    %dma_start3A_64 = tpu.memref_squeeze %dma_start3A_63 : memref<1x128x128xf32, #tpu.memory_space<vmem>> -> memref<128x128xf32, #tpu.memory_space<vmem>>
    %dma_start3A_65 = arith.constant 0 : i32
    %dma_start3A_66 = tpu.memref_slice %arg9[%add3A_59, %dma_start3A_65] : memref<10112x128xf32, #tpu.memory_space<vmem_shared>> -> memref<128x128xf32, #tpu.memory_space<vmem_shared>>
    %dma_start3A_67 = arith.constant 0 : i32
    %dma_start3A_68 = tpu.memref_slice %arg9[%add3A_59, %dma_start3A_67] : memref<10112x128xf32, #tpu.memory_space<vmem_shared>> -> memref<128x128xf32, #tpu.memory_space<vmem_shared>>
    %dma_start3A_69 = arith.constant 0 : i32
    %dma_start3A_70 = arith.constant 0 : i32
    %dma_start3A_71 = tpu.memref_slice %arg8[%dma_start3A_60, %dma_start3A_69, %dma_start3A_70] : memref<3x128x128xf32, #tpu.memory_space<vmem>> -> memref<1x128x128xf32, #tpu.memory_space<vmem>>
    %dma_start3A_72 = tpu.memref_squeeze %dma_start3A_71 : memref<1x128x128xf32, #tpu.memory_space<vmem>> -> memref<128x128xf32, #tpu.memory_space<vmem>>
    tpu.enqueue_dma source(%dma_start3A_72 : memref<128x128xf32, #tpu.memory_space<vmem>>) target(%dma_start3A_68 : memref<128x128xf32, #tpu.memory_space<vmem_shared>>) target_semaphore(%arg11 : memref<!tpu.dma_semaphore, #tpu.memory_space<semaphore_mem>>)
    %mul3A_73 = arith.constant 632 : i32
    %mul3A_74 = arith.muli %arg1, %mul3A_73 : i32
    %add3A_75 = arith.constant 512 : i32
    %add3A_76 = arith.addi %mul3A_74, %add3A_75 : i32
    %dma_start3A_77 = arith.constant 0 : i32
    %dma_start3A_78 = arith.constant 0 : i32
    %dma_start3A_79 = arith.constant 0 : i32
    %dma_start3A_80 = tpu.memref_slice %arg8[%dma_start3A_77, %dma_start3A_78, %dma_start3A_79] : memref<3x128x128xf32, #tpu.memory_space<vmem>> -> memref<1x120x128xf32, #tpu.memory_space<vmem>>
    %dma_start3A_81 = tpu.memref_squeeze %dma_start3A_80 : memref<1x120x128xf32, #tpu.memory_space<vmem>> -> memref<120x128xf32, #tpu.memory_space<vmem>>
    %dma_start3A_82 = arith.constant 0 : i32
    %dma_start3A_83 = tpu.memref_slice %arg9[%add3A_76, %dma_start3A_82] : memref<10112x128xf32, #tpu.memory_space<vmem_shared>> -> memref<120x128xf32, #tpu.memory_space<vmem_shared>>
    %dma_start3A_84 = arith.constant 0 : i32
    %dma_start3A_85 = tpu.memref_slice %arg9[%add3A_76, %dma_start3A_84] : memref<10112x128xf32, #tpu.memory_space<vmem_shared>> -> memref<120x128xf32, #tpu.memory_space<vmem_shared>>
    %dma_start3A_86 = arith.constant 0 : i32
    %dma_start3A_87 = arith.constant 0 : i32
    %dma_start3A_88 = tpu.memref_slice %arg8[%dma_start3A_77, %dma_start3A_86, %dma_start3A_87] : memref<3x128x128xf32, #tpu.memory_space<vmem>> -> memref<1x120x128xf32, #tpu.memory_space<vmem>>
    %dma_start3A_89 = tpu.memref_squeeze %dma_start3A_88 : memref<1x120x128xf32, #tpu.memory_space<vmem>> -> memref<120x128xf32, #tpu.memory_space<vmem>>
    tpu.enqueue_dma source(%dma_start3A_89 : memref<120x128xf32, #tpu.memory_space<vmem>>) target(%dma_start3A_85 : memref<120x128xf32, #tpu.memory_space<vmem_shared>>) target_semaphore(%arg11 : memref<!tpu.dma_semaphore, #tpu.memory_space<semaphore_mem>>)
    %mul3A_90 = arith.constant 632 : i32
    %mul3A_91 = arith.muli %arg1, %mul3A_90 : i32
    %add3A_92 = arith.constant 0 : i32
    %add3A_93 = arith.addi %mul3A_91, %add3A_92 : i32
    %dma_wait3A = arith.constant 0 : i32
    %dma_wait3A_94 = arith.constant 0 : i32
    %dma_wait3A_95 = arith.constant 0 : i32
    %dma_wait3A_96 = tpu.memref_slice %arg8[%dma_wait3A, %dma_wait3A_94, %dma_wait3A_95] : memref<3x128x128xf32, #tpu.memory_space<vmem>> -> memref<1x128x128xf32, #tpu.memory_space<vmem>>
    %dma_wait3A_97 = tpu.memref_squeeze %dma_wait3A_96 : memref<1x128x128xf32, #tpu.memory_space<vmem>> -> memref<128x128xf32, #tpu.memory_space<vmem>>
    %dma_wait3A_98 = arith.constant 0 : i32
    %dma_wait3A_99 = tpu.memref_slice %arg9[%add3A_93, %dma_wait3A_98] : memref<10112x128xf32, #tpu.memory_space<vmem_shared>> -> memref<128x128xf32, #tpu.memory_space<vmem_shared>>
    %dma_wait3A_100 = arith.constant 0 : i32
    %dma_wait3A_101 = tpu.memref_slice %arg9[%add3A_93, %dma_wait3A_100] : memref<10112x128xf32, #tpu.memory_space<vmem_shared>> -> memref<128x128xf32, #tpu.memory_space<vmem_shared>>
    %dma_wait3A_102 = arith.constant 0 : i32
    %dma_wait3A_103 = arith.constant 0 : i32
    %dma_wait3A_104 = tpu.memref_slice %arg8[%dma_wait3A, %dma_wait3A_102, %dma_wait3A_103] : memref<3x128x128xf32, #tpu.memory_space<vmem>> -> memref<1x128x128xf32, #tpu.memory_space<vmem>>
    %dma_wait3A_105 = tpu.memref_squeeze %dma_wait3A_104 : memref<1x128x128xf32, #tpu.memory_space<vmem>> -> memref<128x128xf32, #tpu.memory_space<vmem>>
    tpu.wait_dma2 semaphore(%arg11 : memref<!tpu.dma_semaphore, #tpu.memory_space<semaphore_mem>>) src(%dma_wait3A_105 : memref<128x128xf32, #tpu.memory_space<vmem>>) dst(%dma_wait3A_101 : memref<128x128xf32, #tpu.memory_space<vmem_shared>>)
    %mul3A_106 = arith.constant 632 : i32
    %mul3A_107 = arith.muli %arg1, %mul3A_106 : i32
    %add3A_108 = arith.constant 128 : i32
    %add3A_109 = arith.addi %mul3A_107, %add3A_108 : i32
    %dma_wait3A_110 = arith.constant 0 : i32
    %dma_wait3A_111 = arith.constant 0 : i32
    %dma_wait3A_112 = arith.constant 0 : i32
    %dma_wait3A_113 = tpu.memref_slice %arg8[%dma_wait3A_110, %dma_wait3A_111, %dma_wait3A_112] : memref<3x128x128xf32, #tpu.memory_space<vmem>> -> memref<1x128x128xf32, #tpu.memory_space<vmem>>
    %dma_wait3A_114 = tpu.memref_squeeze %dma_wait3A_113 : memref<1x128x128xf32, #tpu.memory_space<vmem>> -> memref<128x128xf32, #tpu.memory_space<vmem>>
    %dma_wait3A_115 = arith.constant 0 : i32
    %dma_wait3A_116 = tpu.memref_slice %arg9[%add3A_109, %dma_wait3A_115] : memref<10112x128xf32, #tpu.memory_space<vmem_shared>> -> memref<128x128xf32, #tpu.memory_space<vmem_shared>>
    %dma_wait3A_117 = arith.constant 0 : i32
    %dma_wait3A_118 = tpu.memref_slice %arg9[%add3A_109, %dma_wait3A_117] : memref<10112x128xf32, #tpu.memory_space<vmem_shared>> -> memref<128x128xf32, #tpu.memory_space<vmem_shared>>
    %dma_wait3A_119 = arith.constant 0 : i32
    %dma_wait3A_120 = arith.constant 0 : i32
    %dma_wait3A_121 = tpu.memref_slice %arg8[%dma_wait3A_110, %dma_wait3A_119, %dma_wait3A_120] : memref<3x128x128xf32, #tpu.memory_space<vmem>> -> memref<1x128x128xf32, #tpu.memory_space<vmem>>
    %dma_wait3A_122 = tpu.memref_squeeze %dma_wait3A_121 : memref<1x128x128xf32, #tpu.memory_space<vmem>> -> memref<128x128xf32, #tpu.memory_space<vmem>>
    tpu.wait_dma2 semaphore(%arg11 : memref<!tpu.dma_semaphore, #tpu.memory_space<semaphore_mem>>) src(%dma_wait3A_122 : memref<128x128xf32, #tpu.memory_space<vmem>>) dst(%dma_wait3A_118 : memref<128x128xf32, #tpu.memory_space<vmem_shared>>)
    %mul3A_123 = arith.constant 632 : i32
    %mul3A_124 = arith.muli %arg1, %mul3A_123 : i32
    %add3A_125 = arith.constant 256 : i32
    %add3A_126 = arith.addi %mul3A_124, %add3A_125 : i32
    %dma_wait3A_127 = arith.constant 0 : i32
    %dma_wait3A_128 = arith.constant 0 : i32
    %dma_wait3A_129 = arith.constant 0 : i32
    %dma_wait3A_130 = tpu.memref_slice %arg8[%dma_wait3A_127, %dma_wait3A_128, %dma_wait3A_129] : memref<3x128x128xf32, #tpu.memory_space<vmem>> -> memref<1x128x128xf32, #tpu.memory_space<vmem>>
    %dma_wait3A_131 = tpu.memref_squeeze %dma_wait3A_130 : memref<1x128x128xf32, #tpu.memory_space<vmem>> -> memref<128x128xf32, #tpu.memory_space<vmem>>
    %dma_wait3A_132 = arith.constant 0 : i32
    %dma_wait3A_133 = tpu.memref_slice %arg9[%add3A_126, %dma_wait3A_132] : memref<10112x128xf32, #tpu.memory_space<vmem_shared>> -> memref<128x128xf32, #tpu.memory_space<vmem_shared>>
    %dma_wait3A_134 = arith.constant 0 : i32
    %dma_wait3A_135 = tpu.memref_slice %arg9[%add3A_126, %dma_wait3A_134] : memref<10112x128xf32, #tpu.memory_space<vmem_shared>> -> memref<128x128xf32, #tpu.memory_space<vmem_shared>>
    %dma_wait3A_136 = arith.constant 0 : i32
    %dma_wait3A_137 = arith.constant 0 : i32
    %dma_wait3A_138 = tpu.memref_slice %arg8[%dma_wait3A_127, %dma_wait3A_136, %dma_wait3A_137] : memref<3x128x128xf32, #tpu.memory_space<vmem>> -> memref<1x128x128xf32, #tpu.memory_space<vmem>>
    %dma_wait3A_139 = tpu.memref_squeeze %dma_wait3A_138 : memref<1x128x128xf32, #tpu.memory_space<vmem>> -> memref<128x128xf32, #tpu.memory_space<vmem>>
    tpu.wait_dma2 semaphore(%arg11 : memref<!tpu.dma_semaphore, #tpu.memory_space<semaphore_mem>>) src(%dma_wait3A_139 : memref<128x128xf32, #tpu.memory_space<vmem>>) dst(%dma_wait3A_135 : memref<128x128xf32, #tpu.memory_space<vmem_shared>>)
    %mul3A_140 = arith.constant 632 : i32
    %mul3A_141 = arith.muli %arg1, %mul3A_140 : i32
    %add3A_142 = arith.constant 384 : i32
    %add3A_143 = arith.addi %mul3A_141, %add3A_142 : i32
    %dma_wait3A_144 = arith.constant 0 : i32
    %dma_wait3A_145 = arith.constant 0 : i32
    %dma_wait3A_146 = arith.constant 0 : i32
    %dma_wait3A_147 = tpu.memref_slice %arg8[%dma_wait3A_144, %dma_wait3A_145, %dma_wait3A_146] : memref<3x128x128xf32, #tpu.memory_space<vmem>> -> memref<1x128x128xf32, #tpu.memory_space<vmem>>
    %dma_wait3A_148 = tpu.memref_squeeze %dma_wait3A_147 : memref<1x128x128xf32, #tpu.memory_space<vmem>> -> memref<128x128xf32, #tpu.memory_space<vmem>>
    %dma_wait3A_149 = arith.constant 0 : i32
    %dma_wait3A_150 = tpu.memref_slice %arg9[%add3A_143, %dma_wait3A_149] : memref<10112x128xf32, #tpu.memory_space<vmem_shared>> -> memref<128x128xf32, #tpu.memory_space<vmem_shared>>
    %dma_wait3A_151 = arith.constant 0 : i32
    %dma_wait3A_152 = tpu.memref_slice %arg9[%add3A_143, %dma_wait3A_151] : memref<10112x128xf32, #tpu.memory_space<vmem_shared>> -> memref<128x128xf32, #tpu.memory_space<vmem_shared>>
    %dma_wait3A_153 = arith.constant 0 : i32
    %dma_wait3A_154 = arith.constant 0 : i32
    %dma_wait3A_155 = tpu.memref_slice %arg8[%dma_wait3A_144, %dma_wait3A_153, %dma_wait3A_154] : memref<3x128x128xf32, #tpu.memory_space<vmem>> -> memref<1x128x128xf32, #tpu.memory_space<vmem>>
    %dma_wait3A_156 = tpu.memref_squeeze %dma_wait3A_155 : memref<1x128x128xf32, #tpu.memory_space<vmem>> -> memref<128x128xf32, #tpu.memory_space<vmem>>
    tpu.wait_dma2 semaphore(%arg11 : memref<!tpu.dma_semaphore, #tpu.memory_space<semaphore_mem>>) src(%dma_wait3A_156 : memref<128x128xf32, #tpu.memory_space<vmem>>) dst(%dma_wait3A_152 : memref<128x128xf32, #tpu.memory_space<vmem_shared>>)
    %mul3A_157 = arith.constant 632 : i32
    %mul3A_158 = arith.muli %arg1, %mul3A_157 : i32
    %add3A_159 = arith.constant 512 : i32
    %add3A_160 = arith.addi %mul3A_158, %add3A_159 : i32
    %dma_wait3A_161 = arith.constant 0 : i32
    %dma_wait3A_162 = arith.constant 0 : i32
    %dma_wait3A_163 = arith.constant 0 : i32
    %dma_wait3A_164 = tpu.memref_slice %arg8[%dma_wait3A_161, %dma_wait3A_162, %dma_wait3A_163] : memref<3x128x128xf32, #tpu.memory_space<vmem>> -> memref<1x120x128xf32, #tpu.memory_space<vmem>>
    %dma_wait3A_165 = tpu.memref_squeeze %dma_wait3A_164 : memref<1x120x128xf32, #tpu.memory_space<vmem>> -> memref<120x128xf32, #tpu.memory_space<vmem>>
    %dma_wait3A_166 = arith.constant 0 : i32
    %dma_wait3A_167 = tpu.memref_slice %arg9[%add3A_160, %dma_wait3A_166] : memref<10112x128xf32, #tpu.memory_space<vmem_shared>> -> memref<120x128xf32, #tpu.memory_space<vmem_shared>>
    %dma_wait3A_168 = arith.constant 0 : i32
    %dma_wait3A_169 = tpu.memref_slice %arg9[%add3A_160, %dma_wait3A_168] : memref<10112x128xf32, #tpu.memory_space<vmem_shared>> -> memref<120x128xf32, #tpu.memory_space<vmem_shared>>
    %dma_wait3A_170 = arith.constant 0 : i32
    %dma_wait3A_171 = arith.constant 0 : i32
    %dma_wait3A_172 = tpu.memref_slice %arg8[%dma_wait3A_161, %dma_wait3A_170, %dma_wait3A_171] : memref<3x128x128xf32, #tpu.memory_space<vmem>> -> memref<1x120x128xf32, #tpu.memory_space<vmem>>
    %dma_wait3A_173 = tpu.memref_squeeze %dma_wait3A_172 : memref<1x120x128xf32, #tpu.memory_space<vmem>> -> memref<120x128xf32, #tpu.memory_space<vmem>>
    tpu.wait_dma2 semaphore(%arg11 : memref<!tpu.dma_semaphore, #tpu.memory_space<semaphore_mem>>) src(%dma_wait3A_173 : memref<120x128xf32, #tpu.memory_space<vmem>>) dst(%dma_wait3A_169 : memref<120x128xf32, #tpu.memory_space<vmem_shared>>)
    %run_scoped3A = arith.constant 0 : i32
    %run_scoped3A_174 = arith.constant 0 : i32
    "tpu.region"() ({
      %run_scoped3A_491 = tpu.sem_alloc : memref<!tpu.dma_semaphore, #tpu.memory_space<semaphore_mem>>
      %dma_start3A_492 = arith.constant 0 : i32
      %dma_start3A_493 = tpu.memref_slice %arg6[%run_scoped3A_174, %dma_start3A_492] : memref<3x128xi32, #tpu.memory_space<vmem>> -> memref<1x128xi32, #tpu.memory_space<vmem>>
      %dma_start3A_494 = tpu.memref_squeeze %dma_start3A_493 : memref<1x128xi32, #tpu.memory_space<vmem>> -> memref<128xi32, #tpu.memory_space<vmem>>
      %dma_start3A_495 = arith.constant 0 : i32
      %dma_start3A_496 = tpu.memref_slice %arg3[%add3A, %run_scoped3A, %dma_start3A_495] : memref<32x79x128xi32, #tpu.memory_space<hbm>> -> memref<1x1x128xi32, #tpu.memory_space<hbm>>
      %dma_start3A_497 = tpu.memref_squeeze %dma_start3A_496 : memref<1x1x128xi32, #tpu.memory_space<hbm>> -> memref<128xi32, #tpu.memory_space<hbm>>
      %dma_start3A_498 = arith.constant 0 : i32
      %dma_start3A_499 = tpu.memref_slice %arg6[%run_scoped3A_174, %dma_start3A_498] : memref<3x128xi32, #tpu.memory_space<vmem>> -> memref<1x128xi32, #tpu.memory_space<vmem>>
      %dma_start3A_500 = tpu.memref_squeeze %dma_start3A_499 : memref<1x128xi32, #tpu.memory_space<vmem>> -> memref<128xi32, #tpu.memory_space<vmem>>
      %dma_start3A_501 = arith.constant 0 : i32
      %dma_start3A_502 = tpu.memref_slice %arg3[%add3A, %run_scoped3A, %dma_start3A_501] : memref<32x79x128xi32, #tpu.memory_space<hbm>> -> memref<1x1x128xi32, #tpu.memory_space<hbm>>
      %dma_start3A_503 = tpu.memref_squeeze %dma_start3A_502 : memref<1x1x128xi32, #tpu.memory_space<hbm>> -> memref<128xi32, #tpu.memory_space<hbm>>
      tpu.enqueue_dma source(%dma_start3A_503 : memref<128xi32, #tpu.memory_space<hbm>>) target(%dma_start3A_500 : memref<128xi32, #tpu.memory_space<vmem>>) target_semaphore(%run_scoped3A_491 : memref<!tpu.dma_semaphore, #tpu.memory_space<semaphore_mem>>)
      %dma_wait3A_504 = arith.constant 0 : i32
      %dma_wait3A_505 = tpu.memref_slice %arg6[%run_scoped3A_174, %dma_wait3A_504] : memref<3x128xi32, #tpu.memory_space<vmem>> -> memref<1x128xi32, #tpu.memory_space<vmem>>
      %dma_wait3A_506 = tpu.memref_squeeze %dma_wait3A_505 : memref<1x128xi32, #tpu.memory_space<vmem>> -> memref<128xi32, #tpu.memory_space<vmem>>
      %dma_wait3A_507 = arith.constant 0 : i32
      %dma_wait3A_508 = tpu.memref_slice %arg3[%add3A, %run_scoped3A, %dma_wait3A_507] : memref<32x79x128xi32, #tpu.memory_space<hbm>> -> memref<1x1x128xi32, #tpu.memory_space<hbm>>
      %dma_wait3A_509 = tpu.memref_squeeze %dma_wait3A_508 : memref<1x1x128xi32, #tpu.memory_space<hbm>> -> memref<128xi32, #tpu.memory_space<hbm>>
      %dma_wait3A_510 = arith.constant 0 : i32
      %dma_wait3A_511 = tpu.memref_slice %arg6[%run_scoped3A_174, %dma_wait3A_510] : memref<3x128xi32, #tpu.memory_space<vmem>> -> memref<1x128xi32, #tpu.memory_space<vmem>>
      %dma_wait3A_512 = tpu.memref_squeeze %dma_wait3A_511 : memref<1x128xi32, #tpu.memory_space<vmem>> -> memref<128xi32, #tpu.memory_space<vmem>>
      %dma_wait3A_513 = arith.constant 0 : i32
      %dma_wait3A_514 = tpu.memref_slice %arg3[%add3A, %run_scoped3A, %dma_wait3A_513] : memref<32x79x128xi32, #tpu.memory_space<hbm>> -> memref<1x1x128xi32, #tpu.memory_space<hbm>>
      %dma_wait3A_515 = tpu.memref_squeeze %dma_wait3A_514 : memref<1x1x128xi32, #tpu.memory_space<hbm>> -> memref<128xi32, #tpu.memory_space<hbm>>
      tpu.wait_dma2 semaphore(%run_scoped3A_491 : memref<!tpu.dma_semaphore, #tpu.memory_space<semaphore_mem>>) src(%dma_wait3A_515 : memref<128xi32, #tpu.memory_space<hbm>>) dst(%dma_wait3A_512 : memref<128xi32, #tpu.memory_space<vmem>>)
      tpu.yield
    }) : () -> ()
    %run_scoped3A_175 = arith.constant 0 : i32
    %run_scoped3A_176 = arith.constant 0 : i32
    "tpu.region"() ({
      %run_scoped3A_491 = tpu.sem_alloc : memref<!tpu.dma_semaphore, #tpu.memory_space<semaphore_mem>>
      %dma_start3A_492 = arith.constant 0 : i32
      %dma_start3A_493 = tpu.memref_slice %arg7[%run_scoped3A_176, %dma_start3A_492] : memref<4x128xi32, #tpu.memory_space<vmem>> -> memref<1x128xi32, #tpu.memory_space<vmem>>
      %dma_start3A_494 = tpu.memref_squeeze %dma_start3A_493 : memref<1x128xi32, #tpu.memory_space<vmem>> -> memref<128xi32, #tpu.memory_space<vmem>>
      %dma_start3A_495 = arith.constant 0 : i32
      %dma_start3A_496 = tpu.memref_slice %arg4[%add3A, %run_scoped3A_175, %dma_start3A_495] : memref<32x79x128xi32, #tpu.memory_space<hbm>> -> memref<1x1x128xi32, #tpu.memory_space<hbm>>
      %dma_start3A_497 = tpu.memref_squeeze %dma_start3A_496 : memref<1x1x128xi32, #tpu.memory_space<hbm>> -> memref<128xi32, #tpu.memory_space<hbm>>
      %dma_start3A_498 = arith.constant 0 : i32
      %dma_start3A_499 = tpu.memref_slice %arg7[%run_scoped3A_176, %dma_start3A_498] : memref<4x128xi32, #tpu.memory_space<vmem>> -> memref<1x128xi32, #tpu.memory_space<vmem>>
      %dma_start3A_500 = tpu.memref_squeeze %dma_start3A_499 : memref<1x128xi32, #tpu.memory_space<vmem>> -> memref<128xi32, #tpu.memory_space<vmem>>
      %dma_start3A_501 = arith.constant 0 : i32
      %dma_start3A_502 = tpu.memref_slice %arg4[%add3A, %run_scoped3A_175, %dma_start3A_501] : memref<32x79x128xi32, #tpu.memory_space<hbm>> -> memref<1x1x128xi32, #tpu.memory_space<hbm>>
      %dma_start3A_503 = tpu.memref_squeeze %dma_start3A_502 : memref<1x1x128xi32, #tpu.memory_space<hbm>> -> memref<128xi32, #tpu.memory_space<hbm>>
      tpu.enqueue_dma source(%dma_start3A_503 : memref<128xi32, #tpu.memory_space<hbm>>) target(%dma_start3A_500 : memref<128xi32, #tpu.memory_space<vmem>>) target_semaphore(%run_scoped3A_491 : memref<!tpu.dma_semaphore, #tpu.memory_space<semaphore_mem>>)
      %dma_wait3A_504 = arith.constant 0 : i32
      %dma_wait3A_505 = tpu.memref_slice %arg7[%run_scoped3A_176, %dma_wait3A_504] : memref<4x128xi32, #tpu.memory_space<vmem>> -> memref<1x128xi32, #tpu.memory_space<vmem>>
      %dma_wait3A_506 = tpu.memref_squeeze %dma_wait3A_505 : memref<1x128xi32, #tpu.memory_space<vmem>> -> memref<128xi32, #tpu.memory_space<vmem>>
      %dma_wait3A_507 = arith.constant 0 : i32
      %dma_wait3A_508 = tpu.memref_slice %arg4[%add3A, %run_scoped3A_175, %dma_wait3A_507] : memref<32x79x128xi32, #tpu.memory_space<hbm>> -> memref<1x1x128xi32, #tpu.memory_space<hbm>>
      %dma_wait3A_509 = tpu.memref_squeeze %dma_wait3A_508 : memref<1x1x128xi32, #tpu.memory_space<hbm>> -> memref<128xi32, #tpu.memory_space<hbm>>
      %dma_wait3A_510 = arith.constant 0 : i32
      %dma_wait3A_511 = tpu.memref_slice %arg7[%run_scoped3A_176, %dma_wait3A_510] : memref<4x128xi32, #tpu.memory_space<vmem>> -> memref<1x128xi32, #tpu.memory_space<vmem>>
      %dma_wait3A_512 = tpu.memref_squeeze %dma_wait3A_511 : memref<1x128xi32, #tpu.memory_space<vmem>> -> memref<128xi32, #tpu.memory_space<vmem>>
      %dma_wait3A_513 = arith.constant 0 : i32
      %dma_wait3A_514 = tpu.memref_slice %arg4[%add3A, %run_scoped3A_175, %dma_wait3A_513] : memref<32x79x128xi32, #tpu.memory_space<hbm>> -> memref<1x1x128xi32, #tpu.memory_space<hbm>>
      %dma_wait3A_515 = tpu.memref_squeeze %dma_wait3A_514 : memref<1x1x128xi32, #tpu.memory_space<hbm>> -> memref<128xi32, #tpu.memory_space<hbm>>
      tpu.wait_dma2 semaphore(%run_scoped3A_491 : memref<!tpu.dma_semaphore, #tpu.memory_space<semaphore_mem>>) src(%dma_wait3A_515 : memref<128xi32, #tpu.memory_space<hbm>>) dst(%dma_wait3A_512 : memref<128xi32, #tpu.memory_space<vmem>>)
      tpu.yield
    }) : () -> ()
    %dma_start3A_177 = arith.constant 0 : i32
    %dma_start3A_178 = arith.constant 0 : i32
    %dma_start3A_179 = arith.constant 0 : i32
    %dma_start3A_180 = arith.constant 0 : i32
    %dma_start3A_181 = tpu.memref_slice %arg8[%dma_start3A_178, %dma_start3A_179, %dma_start3A_180] : memref<3x128x128xf32, #tpu.memory_space<vmem>> -> memref<1x128x128xf32, #tpu.memory_space<vmem>>
    %dma_start3A_182 = tpu.memref_squeeze %dma_start3A_181 : memref<1x128x128xf32, #tpu.memory_space<vmem>> -> memref<128x128xf32, #tpu.memory_space<vmem>>
    %dma_start3A_183 = arith.constant 0 : i32
    %dma_start3A_184 = tpu.memref_slice %arg6[%dma_start3A_177, %dma_start3A_183] : memref<3x128xi32, #tpu.memory_space<vmem>> -> memref<1x128xi32, #tpu.memory_space<vmem>>
    %dma_start3A_185 = tpu.memref_squeeze %dma_start3A_184 : memref<1x128xi32, #tpu.memory_space<vmem>> -> memref<128xi32, #tpu.memory_space<vmem>>
    %dma_start3A_186 = arith.constant 0 : i32
    %dma_start3A_187 = arith.constant 0 : i32
    %dma_start3A_188 = tpu.memref_slice %arg2[%dma_start3A_186, %dma_start3A_187] : memref<10112x128xf32, #tpu.memory_space<hbm>> -> memref<10112x128xf32, #tpu.memory_space<hbm>>
    tpu.enqueue_indirect_dma source(%dma_start3A_188 : memref<10112x128xf32, #tpu.memory_space<hbm>>) target(%dma_start3A_182 : memref<128x128xf32, #tpu.memory_space<vmem>>) offsets(%dma_start3A_185 : memref<128xi32, #tpu.memory_space<vmem>>) semaphore(%arg10 : memref<!tpu.dma_semaphore, #tpu.memory_space<semaphore_mem>>)
    %run_scoped3A_189 = arith.constant 1 : i32
    %run_scoped3A_190 = arith.constant 1 : i32
    "tpu.region"() ({
      %run_scoped3A_491 = tpu.sem_alloc : memref<!tpu.dma_semaphore, #tpu.memory_space<semaphore_mem>>
      %dma_start3A_492 = arith.constant 0 : i32
      %dma_start3A_493 = tpu.memref_slice %arg6[%run_scoped3A_190, %dma_start3A_492] : memref<3x128xi32, #tpu.memory_space<vmem>> -> memref<1x128xi32, #tpu.memory_space<vmem>>
      %dma_start3A_494 = tpu.memref_squeeze %dma_start3A_493 : memref<1x128xi32, #tpu.memory_space<vmem>> -> memref<128xi32, #tpu.memory_space<vmem>>
      %dma_start3A_495 = arith.constant 0 : i32
      %dma_start3A_496 = tpu.memref_slice %arg3[%add3A, %run_scoped3A_189, %dma_start3A_495] : memref<32x79x128xi32, #tpu.memory_space<hbm>> -> memref<1x1x128xi32, #tpu.memory_space<hbm>>
      %dma_start3A_497 = tpu.memref_squeeze %dma_start3A_496 : memref<1x1x128xi32, #tpu.memory_space<hbm>> -> memref<128xi32, #tpu.memory_space<hbm>>
      %dma_start3A_498 = arith.constant 0 : i32
      %dma_start3A_499 = tpu.memref_slice %arg6[%run_scoped3A_190, %dma_start3A_498] : memref<3x128xi32, #tpu.memory_space<vmem>> -> memref<1x128xi32, #tpu.memory_space<vmem>>
      %dma_start3A_500 = tpu.memref_squeeze %dma_start3A_499 : memref<1x128xi32, #tpu.memory_space<vmem>> -> memref<128xi32, #tpu.memory_space<vmem>>
      %dma_start3A_501 = arith.constant 0 : i32
      %dma_start3A_502 = tpu.memref_slice %arg3[%add3A, %run_scoped3A_189, %dma_start3A_501] : memref<32x79x128xi32, #tpu.memory_space<hbm>> -> memref<1x1x128xi32, #tpu.memory_space<hbm>>
      %dma_start3A_503 = tpu.memref_squeeze %dma_start3A_502 : memref<1x1x128xi32, #tpu.memory_space<hbm>> -> memref<128xi32, #tpu.memory_space<hbm>>
      tpu.enqueue_dma source(%dma_start3A_503 : memref<128xi32, #tpu.memory_space<hbm>>) target(%dma_start3A_500 : memref<128xi32, #tpu.memory_space<vmem>>) target_semaphore(%run_scoped3A_491 : memref<!tpu.dma_semaphore, #tpu.memory_space<semaphore_mem>>)
      %dma_wait3A_504 = arith.constant 0 : i32
      %dma_wait3A_505 = tpu.memref_slice %arg6[%run_scoped3A_190, %dma_wait3A_504] : memref<3x128xi32, #tpu.memory_space<vmem>> -> memref<1x128xi32, #tpu.memory_space<vmem>>
      %dma_wait3A_506 = tpu.memref_squeeze %dma_wait3A_505 : memref<1x128xi32, #tpu.memory_space<vmem>> -> memref<128xi32, #tpu.memory_space<vmem>>
      %dma_wait3A_507 = arith.constant 0 : i32
      %dma_wait3A_508 = tpu.memref_slice %arg3[%add3A, %run_scoped3A_189, %dma_wait3A_507] : memref<32x79x128xi32, #tpu.memory_space<hbm>> -> memref<1x1x128xi32, #tpu.memory_space<hbm>>
      %dma_wait3A_509 = tpu.memref_squeeze %dma_wait3A_508 : memref<1x1x128xi32, #tpu.memory_space<hbm>> -> memref<128xi32, #tpu.memory_space<hbm>>
      %dma_wait3A_510 = arith.constant 0 : i32
      %dma_wait3A_511 = tpu.memref_slice %arg6[%run_scoped3A_190, %dma_wait3A_510] : memref<3x128xi32, #tpu.memory_space<vmem>> -> memref<1x128xi32, #tpu.memory_space<vmem>>
      %dma_wait3A_512 = tpu.memref_squeeze %dma_wait3A_511 : memref<1x128xi32, #tpu.memory_space<vmem>> -> memref<128xi32, #tpu.memory_space<vmem>>
      %dma_wait3A_513 = arith.constant 0 : i32
      %dma_wait3A_514 = tpu.memref_slice %arg3[%add3A, %run_scoped3A_189, %dma_wait3A_513] : memref<32x79x128xi32, #tpu.memory_space<hbm>> -> memref<1x1x128xi32, #tpu.memory_space<hbm>>
      %dma_wait3A_515 = tpu.memref_squeeze %dma_wait3A_514 : memref<1x1x128xi32, #tpu.memory_space<hbm>> -> memref<128xi32, #tpu.memory_space<hbm>>
      tpu.wait_dma2 semaphore(%run_scoped3A_491 : memref<!tpu.dma_semaphore, #tpu.memory_space<semaphore_mem>>) src(%dma_wait3A_515 : memref<128xi32, #tpu.memory_space<hbm>>) dst(%dma_wait3A_512 : memref<128xi32, #tpu.memory_space<vmem>>)
      tpu.yield
    }) : () -> ()
    %run_scoped3A_191 = arith.constant 1 : i32
    %run_scoped3A_192 = arith.constant 1 : i32
    "tpu.region"() ({
      %run_scoped3A_491 = tpu.sem_alloc : memref<!tpu.dma_semaphore, #tpu.memory_space<semaphore_mem>>
      %dma_start3A_492 = arith.constant 0 : i32
      %dma_start3A_493 = tpu.memref_slice %arg7[%run_scoped3A_192, %dma_start3A_492] : memref<4x128xi32, #tpu.memory_space<vmem>> -> memref<1x128xi32, #tpu.memory_space<vmem>>
      %dma_start3A_494 = tpu.memref_squeeze %dma_start3A_493 : memref<1x128xi32, #tpu.memory_space<vmem>> -> memref<128xi32, #tpu.memory_space<vmem>>
      %dma_start3A_495 = arith.constant 0 : i32
      %dma_start3A_496 = tpu.memref_slice %arg4[%add3A, %run_scoped3A_191, %dma_start3A_495] : memref<32x79x128xi32, #tpu.memory_space<hbm>> -> memref<1x1x128xi32, #tpu.memory_space<hbm>>
      %dma_start3A_497 = tpu.memref_squeeze %dma_start3A_496 : memref<1x1x128xi32, #tpu.memory_space<hbm>> -> memref<128xi32, #tpu.memory_space<hbm>>
      %dma_start3A_498 = arith.constant 0 : i32
      %dma_start3A_499 = tpu.memref_slice %arg7[%run_scoped3A_192, %dma_start3A_498] : memref<4x128xi32, #tpu.memory_space<vmem>> -> memref<1x128xi32, #tpu.memory_space<vmem>>
      %dma_start3A_500 = tpu.memref_squeeze %dma_start3A_499 : memref<1x128xi32, #tpu.memory_space<vmem>> -> memref<128xi32, #tpu.memory_space<vmem>>
      %dma_start3A_501 = arith.constant 0 : i32
      %dma_start3A_502 = tpu.memref_slice %arg4[%add3A, %run_scoped3A_191, %dma_start3A_501] : memref<32x79x128xi32, #tpu.memory_space<hbm>> -> memref<1x1x128xi32, #tpu.memory_space<hbm>>
      %dma_start3A_503 = tpu.memref_squeeze %dma_start3A_502 : memref<1x1x128xi32, #tpu.memory_space<hbm>> -> memref<128xi32, #tpu.memory_space<hbm>>
      tpu.enqueue_dma source(%dma_start3A_503 : memref<128xi32, #tpu.memory_space<hbm>>) target(%dma_start3A_500 : memref<128xi32, #tpu.memory_space<vmem>>) target_semaphore(%run_scoped3A_491 : memref<!tpu.dma_semaphore, #tpu.memory_space<semaphore_mem>>)
      %dma_wait3A_504 = arith.constant 0 : i32
      %dma_wait3A_505 = tpu.memref_slice %arg7[%run_scoped3A_192, %dma_wait3A_504] : memref<4x128xi32, #tpu.memory_space<vmem>> -> memref<1x128xi32, #tpu.memory_space<vmem>>
      %dma_wait3A_506 = tpu.memref_squeeze %dma_wait3A_505 : memref<1x128xi32, #tpu.memory_space<vmem>> -> memref<128xi32, #tpu.memory_space<vmem>>
      %dma_wait3A_507 = arith.constant 0 : i32
      %dma_wait3A_508 = tpu.memref_slice %arg4[%add3A, %run_scoped3A_191, %dma_wait3A_507] : memref<32x79x128xi32, #tpu.memory_space<hbm>> -> memref<1x1x128xi32, #tpu.memory_space<hbm>>
      %dma_wait3A_509 = tpu.memref_squeeze %dma_wait3A_508 : memref<1x1x128xi32, #tpu.memory_space<hbm>> -> memref<128xi32, #tpu.memory_space<hbm>>
      %dma_wait3A_510 = arith.constant 0 : i32
      %dma_wait3A_511 = tpu.memref_slice %arg7[%run_scoped3A_192, %dma_wait3A_510] : memref<4x128xi32, #tpu.memory_space<vmem>> -> memref<1x128xi32, #tpu.memory_space<vmem>>
      %dma_wait3A_512 = tpu.memref_squeeze %dma_wait3A_511 : memref<1x128xi32, #tpu.memory_space<vmem>> -> memref<128xi32, #tpu.memory_space<vmem>>
      %dma_wait3A_513 = arith.constant 0 : i32
      %dma_wait3A_514 = tpu.memref_slice %arg4[%add3A, %run_scoped3A_191, %dma_wait3A_513] : memref<32x79x128xi32, #tpu.memory_space<hbm>> -> memref<1x1x128xi32, #tpu.memory_space<hbm>>
      %dma_wait3A_515 = tpu.memref_squeeze %dma_wait3A_514 : memref<1x1x128xi32, #tpu.memory_space<hbm>> -> memref<128xi32, #tpu.memory_space<hbm>>
      tpu.wait_dma2 semaphore(%run_scoped3A_491 : memref<!tpu.dma_semaphore, #tpu.memory_space<semaphore_mem>>) src(%dma_wait3A_515 : memref<128xi32, #tpu.memory_space<hbm>>) dst(%dma_wait3A_512 : memref<128xi32, #tpu.memory_space<vmem>>)
      tpu.yield
    }) : () -> ()
    %dma_start3A_193 = arith.constant 1 : i32
    %dma_start3A_194 = arith.constant 1 : i32
    %dma_start3A_195 = arith.constant 0 : i32
    %dma_start3A_196 = arith.constant 0 : i32
    %dma_start3A_197 = tpu.memref_slice %arg8[%dma_start3A_194, %dma_start3A_195, %dma_start3A_196] : memref<3x128x128xf32, #tpu.memory_space<vmem>> -> memref<1x128x128xf32, #tpu.memory_space<vmem>>
    %dma_start3A_198 = tpu.memref_squeeze %dma_start3A_197 : memref<1x128x128xf32, #tpu.memory_space<vmem>> -> memref<128x128xf32, #tpu.memory_space<vmem>>
    %dma_start3A_199 = arith.constant 0 : i32
    %dma_start3A_200 = tpu.memref_slice %arg6[%dma_start3A_193, %dma_start3A_199] : memref<3x128xi32, #tpu.memory_space<vmem>> -> memref<1x128xi32, #tpu.memory_space<vmem>>
    %dma_start3A_201 = tpu.memref_squeeze %dma_start3A_200 : memref<1x128xi32, #tpu.memory_space<vmem>> -> memref<128xi32, #tpu.memory_space<vmem>>
    %dma_start3A_202 = arith.constant 0 : i32
    %dma_start3A_203 = arith.constant 0 : i32
    %dma_start3A_204 = tpu.memref_slice %arg2[%dma_start3A_202, %dma_start3A_203] : memref<10112x128xf32, #tpu.memory_space<hbm>> -> memref<10112x128xf32, #tpu.memory_space<hbm>>
    tpu.enqueue_indirect_dma source(%dma_start3A_204 : memref<10112x128xf32, #tpu.memory_space<hbm>>) target(%dma_start3A_198 : memref<128x128xf32, #tpu.memory_space<vmem>>) offsets(%dma_start3A_201 : memref<128xi32, #tpu.memory_space<vmem>>) semaphore(%arg10 : memref<!tpu.dma_semaphore, #tpu.memory_space<semaphore_mem>>)
    %dma_start3A_205 = arith.constant 2 : i32
    %dma_start3A_206 = arith.constant 2 : i32
    %dma_start3A_207 = arith.constant 0 : i32
    %dma_start3A_208 = tpu.memref_slice %arg6[%dma_start3A_206, %dma_start3A_207] : memref<3x128xi32, #tpu.memory_space<vmem>> -> memref<1x128xi32, #tpu.memory_space<vmem>>
    %dma_start3A_209 = tpu.memref_squeeze %dma_start3A_208 : memref<1x128xi32, #tpu.memory_space<vmem>> -> memref<128xi32, #tpu.memory_space<vmem>>
    %dma_start3A_210 = arith.constant 0 : i32
    %dma_start3A_211 = tpu.memref_slice %arg3[%add3A, %dma_start3A_205, %dma_start3A_210] : memref<32x79x128xi32, #tpu.memory_space<hbm>> -> memref<1x1x128xi32, #tpu.memory_space<hbm>>
    %dma_start3A_212 = tpu.memref_squeeze %dma_start3A_211 : memref<1x1x128xi32, #tpu.memory_space<hbm>> -> memref<128xi32, #tpu.memory_space<hbm>>
    %dma_start3A_213 = arith.constant 0 : i32
    %dma_start3A_214 = tpu.memref_slice %arg6[%dma_start3A_206, %dma_start3A_213] : memref<3x128xi32, #tpu.memory_space<vmem>> -> memref<1x128xi32, #tpu.memory_space<vmem>>
    %dma_start3A_215 = tpu.memref_squeeze %dma_start3A_214 : memref<1x128xi32, #tpu.memory_space<vmem>> -> memref<128xi32, #tpu.memory_space<vmem>>
    %dma_start3A_216 = arith.constant 0 : i32
    %dma_start3A_217 = tpu.memref_slice %arg3[%add3A, %dma_start3A_205, %dma_start3A_216] : memref<32x79x128xi32, #tpu.memory_space<hbm>> -> memref<1x1x128xi32, #tpu.memory_space<hbm>>
    %dma_start3A_218 = tpu.memref_squeeze %dma_start3A_217 : memref<1x1x128xi32, #tpu.memory_space<hbm>> -> memref<128xi32, #tpu.memory_space<hbm>>
    tpu.enqueue_dma source(%dma_start3A_218 : memref<128xi32, #tpu.memory_space<hbm>>) target(%dma_start3A_215 : memref<128xi32, #tpu.memory_space<vmem>>) target_semaphore(%arg11 : memref<!tpu.dma_semaphore, #tpu.memory_space<semaphore_mem>>)
    %dma_start3A_219 = arith.constant 2 : i32
    %dma_start3A_220 = arith.constant 2 : i32
    %dma_start3A_221 = arith.constant 0 : i32
    %dma_start3A_222 = tpu.memref_slice %arg7[%dma_start3A_220, %dma_start3A_221] : memref<4x128xi32, #tpu.memory_space<vmem>> -> memref<1x128xi32, #tpu.memory_space<vmem>>
    %dma_start3A_223 = tpu.memref_squeeze %dma_start3A_222 : memref<1x128xi32, #tpu.memory_space<vmem>> -> memref<128xi32, #tpu.memory_space<vmem>>
    %dma_start3A_224 = arith.constant 0 : i32
    %dma_start3A_225 = tpu.memref_slice %arg4[%add3A, %dma_start3A_219, %dma_start3A_224] : memref<32x79x128xi32, #tpu.memory_space<hbm>> -> memref<1x1x128xi32, #tpu.memory_space<hbm>>
    %dma_start3A_226 = tpu.memref_squeeze %dma_start3A_225 : memref<1x1x128xi32, #tpu.memory_space<hbm>> -> memref<128xi32, #tpu.memory_space<hbm>>
    %dma_start3A_227 = arith.constant 0 : i32
    %dma_start3A_228 = tpu.memref_slice %arg7[%dma_start3A_220, %dma_start3A_227] : memref<4x128xi32, #tpu.memory_space<vmem>> -> memref<1x128xi32, #tpu.memory_space<vmem>>
    %dma_start3A_229 = tpu.memref_squeeze %dma_start3A_228 : memref<1x128xi32, #tpu.memory_space<vmem>> -> memref<128xi32, #tpu.memory_space<vmem>>
    %dma_start3A_230 = arith.constant 0 : i32
    %dma_start3A_231 = tpu.memref_slice %arg4[%add3A, %dma_start3A_219, %dma_start3A_230] : memref<32x79x128xi32, #tpu.memory_space<hbm>> -> memref<1x1x128xi32, #tpu.memory_space<hbm>>
    %dma_start3A_232 = tpu.memref_squeeze %dma_start3A_231 : memref<1x1x128xi32, #tpu.memory_space<hbm>> -> memref<128xi32, #tpu.memory_space<hbm>>
    tpu.enqueue_dma source(%dma_start3A_232 : memref<128xi32, #tpu.memory_space<hbm>>) target(%dma_start3A_229 : memref<128xi32, #tpu.memory_space<vmem>>) target_semaphore(%arg11 : memref<!tpu.dma_semaphore, #tpu.memory_space<semaphore_mem>>)
    %barrier3A = arith.constant 0 : index
    tpu.barrier barrier_id(%barrier3A)
    %scan3A_233 = arith.constant 0 : i32
    %scan3A_234 = arith.constant 0 : i32
    %scan3A_235 = arith.constant 79 : i32
    %scan3A_236 = arith.addi %scan3A_234, %scan3A_235 : i32
    %scan3A_237 = arith.constant 1 : i32
    scf.for %scan3A_491 = %scan3A_234 to %scan3A_236 step %scan3A_237  : i32 {
      %rem3A = arith.constant 3 : i32
      %rem3A_492 = arith.remsi %scan3A_491, %rem3A : i32
      %add3A_493 = arith.constant 2 : i32
      %add3A_494 = arith.addi %scan3A_491, %add3A_493 : i32
      %rem3A_495 = arith.constant 3 : i32
      %rem3A_496 = arith.remsi %add3A_494, %rem3A_495 : i32
      %dma_wait3A_497 = arith.constant 0 : i32
      %dma_wait3A_498 = arith.constant 0 : i32
      %dma_wait3A_499 = tpu.memref_slice %arg8[%rem3A_492, %dma_wait3A_497, %dma_wait3A_498] : memref<3x128x128xf32, #tpu.memory_space<vmem>> -> memref<1x128x128xf32, #tpu.memory_space<vmem>>
      %dma_wait3A_500 = tpu.memref_squeeze %dma_wait3A_499 : memref<1x128x128xf32, #tpu.memory_space<vmem>> -> memref<128x128xf32, #tpu.memory_space<vmem>>
      %dma_wait3A_501 = arith.constant 0 : i32
      %dma_wait3A_502 = tpu.memref_slice %arg6[%rem3A_492, %dma_wait3A_501] : memref<3x128xi32, #tpu.memory_space<vmem>> -> memref<1x128xi32, #tpu.memory_space<vmem>>
      %dma_wait3A_503 = tpu.memref_squeeze %dma_wait3A_502 : memref<1x128xi32, #tpu.memory_space<vmem>> -> memref<128xi32, #tpu.memory_space<vmem>>
      %dma_wait3A_504 = arith.constant 0 : i32
      %dma_wait3A_505 = arith.constant 0 : i32
      %dma_wait3A_506 = tpu.memref_slice %arg2[%dma_wait3A_504, %dma_wait3A_505] : memref<10112x128xf32, #tpu.memory_space<hbm>> -> memref<10112x128xf32, #tpu.memory_space<hbm>>
      tpu.wait_indirect_dma semaphore(%arg10 : memref<!tpu.dma_semaphore, #tpu.memory_space<semaphore_mem>>) src(%dma_wait3A_506 : memref<10112x128xf32, #tpu.memory_space<hbm>>) dst(%dma_wait3A_500 : memref<128x128xf32, #tpu.memory_space<vmem>>)
      %rem3A_507 = arith.constant 4 : i32
      %rem3A_508 = arith.remsi %scan3A_491, %rem3A_507 : i32
      %dma_start3A_509 = arith.constant 0 : i32
      %dma_start3A_510 = arith.constant 0 : i32
      %dma_start3A_511 = tpu.memref_slice %arg8[%rem3A_492, %dma_start3A_509, %dma_start3A_510] : memref<3x128x128xf32, #tpu.memory_space<vmem>> -> memref<1x128x128xf32, #tpu.memory_space<vmem>>
      %dma_start3A_512 = tpu.memref_squeeze %dma_start3A_511 : memref<1x128x128xf32, #tpu.memory_space<vmem>> -> memref<128x128xf32, #tpu.memory_space<vmem>>
      %dma_start3A_513 = arith.constant 0 : i32
      %dma_start3A_514 = tpu.memref_slice %arg7[%rem3A_508, %dma_start3A_513] : memref<4x128xi32, #tpu.memory_space<vmem>> -> memref<1x128xi32, #tpu.memory_space<vmem>>
      %dma_start3A_515 = tpu.memref_squeeze %dma_start3A_514 : memref<1x128xi32, #tpu.memory_space<vmem>> -> memref<128xi32, #tpu.memory_space<vmem>>
      %dma_start3A_516 = arith.constant 0 : i32
      %dma_start3A_517 = arith.constant 0 : i32
      %dma_start3A_518 = tpu.memref_slice %arg9[%dma_start3A_516, %dma_start3A_517] : memref<10112x128xf32, #tpu.memory_space<vmem_shared>> -> memref<10112x128xf32, #tpu.memory_space<vmem_shared>>
      tpu.enqueue_indirect_dma source(%dma_start3A_512 : memref<128x128xf32, #tpu.memory_space<vmem>>) target(%dma_start3A_518 : memref<10112x128xf32, #tpu.memory_space<vmem_shared>>) offsets(%dma_start3A_515 : memref<128xi32, #tpu.memory_space<vmem>>) semaphore(%arg12 : memref<!tpu.dma_semaphore, #tpu.memory_space<semaphore_mem>>) {add = true}
      %add3A_519 = arith.constant 2 : i32
      %add3A_520 = arith.addi %scan3A_491, %add3A_519 : i32
      %lt3A = arith.constant 79 : i32
      %lt3A_521 = arith.cmpi slt, %add3A_520, %lt3A : i32
      %convert_element_type3A = arith.extui %lt3A_521 : i1 to i32
      %cond3A = arith.constant 0 : i32
      %cond3A_522 = arith.cmpi ne, %convert_element_type3A, %cond3A : i32
      scf.if %cond3A_522 {
        %add3A_523 = arith.constant 2 : i32
        %add3A_524 = arith.addi %scan3A_491, %add3A_523 : i32
        %dma_wait3A_525 = arith.constant 0 : i32
        %dma_wait3A_526 = tpu.memref_slice %arg6[%rem3A_496, %dma_wait3A_525] : memref<3x128xi32, #tpu.memory_space<vmem>> -> memref<1x128xi32, #tpu.memory_space<vmem>>
        %dma_wait3A_527 = tpu.memref_squeeze %dma_wait3A_526 : memref<1x128xi32, #tpu.memory_space<vmem>> -> memref<128xi32, #tpu.memory_space<vmem>>
        %dma_wait3A_528 = arith.constant 0 : i32
        %dma_wait3A_529 = tpu.memref_slice %arg3[%add3A, %add3A_524, %dma_wait3A_528] : memref<32x79x128xi32, #tpu.memory_space<hbm>> -> memref<1x1x128xi32, #tpu.memory_space<hbm>>
        %dma_wait3A_530 = tpu.memref_squeeze %dma_wait3A_529 : memref<1x1x128xi32, #tpu.memory_space<hbm>> -> memref<128xi32, #tpu.memory_space<hbm>>
        %dma_wait3A_531 = arith.constant 0 : i32
        %dma_wait3A_532 = tpu.memref_slice %arg6[%rem3A_496, %dma_wait3A_531] : memref<3x128xi32, #tpu.memory_space<vmem>> -> memref<1x128xi32, #tpu.memory_space<vmem>>
        %dma_wait3A_533 = tpu.memref_squeeze %dma_wait3A_532 : memref<1x128xi32, #tpu.memory_space<vmem>> -> memref<128xi32, #tpu.memory_space<vmem>>
        %dma_wait3A_534 = arith.constant 0 : i32
        %dma_wait3A_535 = tpu.memref_slice %arg3[%add3A, %add3A_524, %dma_wait3A_534] : memref<32x79x128xi32, #tpu.memory_space<hbm>> -> memref<1x1x128xi32, #tpu.memory_space<hbm>>
        %dma_wait3A_536 = tpu.memref_squeeze %dma_wait3A_535 : memref<1x1x128xi32, #tpu.memory_space<hbm>> -> memref<128xi32, #tpu.memory_space<hbm>>
        tpu.wait_dma2 semaphore(%arg11 : memref<!tpu.dma_semaphore, #tpu.memory_space<semaphore_mem>>) src(%dma_wait3A_536 : memref<128xi32, #tpu.memory_space<hbm>>) dst(%dma_wait3A_533 : memref<128xi32, #tpu.memory_space<vmem>>)
        %add3A_537 = arith.constant 2 : i32
        %add3A_538 = arith.addi %scan3A_491, %add3A_537 : i32
        %add3A_539 = arith.constant 2 : i32
        %add3A_540 = arith.addi %scan3A_491, %add3A_539 : i32
        %rem3A_541 = arith.constant 4 : i32
        %rem3A_542 = arith.remsi %add3A_540, %rem3A_541 : i32
        %dma_wait3A_543 = arith.constant 0 : i32
        %dma_wait3A_544 = tpu.memref_slice %arg7[%rem3A_542, %dma_wait3A_543] : memref<4x128xi32, #tpu.memory_space<vmem>> -> memref<1x128xi32, #tpu.memory_space<vmem>>
        %dma_wait3A_545 = tpu.memref_squeeze %dma_wait3A_544 : memref<1x128xi32, #tpu.memory_space<vmem>> -> memref<128xi32, #tpu.memory_space<vmem>>
        %dma_wait3A_546 = arith.constant 0 : i32
        %dma_wait3A_547 = tpu.memref_slice %arg4[%add3A, %add3A_538, %dma_wait3A_546] : memref<32x79x128xi32, #tpu.memory_space<hbm>> -> memref<1x1x128xi32, #tpu.memory_space<hbm>>
        %dma_wait3A_548 = tpu.memref_squeeze %dma_wait3A_547 : memref<1x1x128xi32, #tpu.memory_space<hbm>> -> memref<128xi32, #tpu.memory_space<hbm>>
        %dma_wait3A_549 = arith.constant 0 : i32
        %dma_wait3A_550 = tpu.memref_slice %arg7[%rem3A_542, %dma_wait3A_549] : memref<4x128xi32, #tpu.memory_space<vmem>> -> memref<1x128xi32, #tpu.memory_space<vmem>>
        %dma_wait3A_551 = tpu.memref_squeeze %dma_wait3A_550 : memref<1x128xi32, #tpu.memory_space<vmem>> -> memref<128xi32, #tpu.memory_space<vmem>>
        %dma_wait3A_552 = arith.constant 0 : i32
        %dma_wait3A_553 = tpu.memref_slice %arg4[%add3A, %add3A_538, %dma_wait3A_552] : memref<32x79x128xi32, #tpu.memory_space<hbm>> -> memref<1x1x128xi32, #tpu.memory_space<hbm>>
        %dma_wait3A_554 = tpu.memref_squeeze %dma_wait3A_553 : memref<1x1x128xi32, #tpu.memory_space<hbm>> -> memref<128xi32, #tpu.memory_space<hbm>>
        tpu.wait_dma2 semaphore(%arg11 : memref<!tpu.dma_semaphore, #tpu.memory_space<semaphore_mem>>) src(%dma_wait3A_554 : memref<128xi32, #tpu.memory_space<hbm>>) dst(%dma_wait3A_551 : memref<128xi32, #tpu.memory_space<vmem>>)
        %ge3A = arith.constant 1 : i32
        %ge3A_555 = arith.cmpi sge, %scan3A_491, %ge3A : i32
        %convert_element_type3A_556 = arith.extui %ge3A_555 : i1 to i32
        %cond3A_557 = arith.constant 0 : i32
        %cond3A_558 = arith.cmpi ne, %convert_element_type3A_556, %cond3A_557 : i32
        scf.if %cond3A_558 {
          %add3A_576 = arith.constant 3 : i32
          %add3A_577 = arith.addi %scan3A_491, %add3A_576 : i32
          %rem3A_578 = arith.constant 4 : i32
          %rem3A_579 = arith.remsi %add3A_577, %rem3A_578 : i32
          %dma_wait3A_580 = arith.constant 0 : i32
          %dma_wait3A_581 = arith.constant 0 : i32
          %dma_wait3A_582 = tpu.memref_slice %arg8[%rem3A_496, %dma_wait3A_580, %dma_wait3A_581] : memref<3x128x128xf32, #tpu.memory_space<vmem>> -> memref<1x128x128xf32, #tpu.memory_space<vmem>>
          %dma_wait3A_583 = tpu.memref_squeeze %dma_wait3A_582 : memref<1x128x128xf32, #tpu.memory_space<vmem>> -> memref<128x128xf32, #tpu.memory_space<vmem>>
          %dma_wait3A_584 = arith.constant 0 : i32
          %dma_wait3A_585 = tpu.memref_slice %arg7[%rem3A_579, %dma_wait3A_584] : memref<4x128xi32, #tpu.memory_space<vmem>> -> memref<1x128xi32, #tpu.memory_space<vmem>>
          %dma_wait3A_586 = tpu.memref_squeeze %dma_wait3A_585 : memref<1x128xi32, #tpu.memory_space<vmem>> -> memref<128xi32, #tpu.memory_space<vmem>>
          %dma_wait3A_587 = arith.constant 0 : i32
          %dma_wait3A_588 = arith.constant 0 : i32
          %dma_wait3A_589 = tpu.memref_slice %arg9[%dma_wait3A_587, %dma_wait3A_588] : memref<10112x128xf32, #tpu.memory_space<vmem_shared>> -> memref<10112x128xf32, #tpu.memory_space<vmem_shared>>
          tpu.wait_indirect_dma semaphore(%arg12 : memref<!tpu.dma_semaphore, #tpu.memory_space<semaphore_mem>>) src(%dma_wait3A_583 : memref<128x128xf32, #tpu.memory_space<vmem>>) dst(%dma_wait3A_589 : memref<10112x128xf32, #tpu.memory_space<vmem_shared>>)
        } else {
        }
        %dma_start3A_559 = arith.constant 0 : i32
        %dma_start3A_560 = arith.constant 0 : i32
        %dma_start3A_561 = tpu.memref_slice %arg8[%rem3A_496, %dma_start3A_559, %dma_start3A_560] : memref<3x128x128xf32, #tpu.memory_space<vmem>> -> memref<1x128x128xf32, #tpu.memory_space<vmem>>
        %dma_start3A_562 = tpu.memref_squeeze %dma_start3A_561 : memref<1x128x128xf32, #tpu.memory_space<vmem>> -> memref<128x128xf32, #tpu.memory_space<vmem>>
        %dma_start3A_563 = arith.constant 0 : i32
        %dma_start3A_564 = tpu.memref_slice %arg6[%rem3A_496, %dma_start3A_563] : memref<3x128xi32, #tpu.memory_space<vmem>> -> memref<1x128xi32, #tpu.memory_space<vmem>>
        %dma_start3A_565 = tpu.memref_squeeze %dma_start3A_564 : memref<1x128xi32, #tpu.memory_space<vmem>> -> memref<128xi32, #tpu.memory_space<vmem>>
        %dma_start3A_566 = arith.constant 0 : i32
        %dma_start3A_567 = arith.constant 0 : i32
        %dma_start3A_568 = tpu.memref_slice %arg2[%dma_start3A_566, %dma_start3A_567] : memref<10112x128xf32, #tpu.memory_space<hbm>> -> memref<10112x128xf32, #tpu.memory_space<hbm>>
        tpu.enqueue_indirect_dma source(%dma_start3A_568 : memref<10112x128xf32, #tpu.memory_space<hbm>>) target(%dma_start3A_562 : memref<128x128xf32, #tpu.memory_space<vmem>>) offsets(%dma_start3A_565 : memref<128xi32, #tpu.memory_space<vmem>>) semaphore(%arg10 : memref<!tpu.dma_semaphore, #tpu.memory_space<semaphore_mem>>)
        %add3A_569 = arith.constant 3 : i32
        %add3A_570 = arith.addi %scan3A_491, %add3A_569 : i32
        %lt3A_571 = arith.constant 79 : i32
        %lt3A_572 = arith.cmpi slt, %add3A_570, %lt3A_571 : i32
        %convert_element_type3A_573 = arith.extui %lt3A_572 : i1 to i32
        %cond3A_574 = arith.constant 0 : i32
        %cond3A_575 = arith.cmpi ne, %convert_element_type3A_573, %cond3A_574 : i32
        scf.if %cond3A_575 {
          %add3A_576 = arith.constant 3 : i32
          %add3A_577 = arith.addi %scan3A_491, %add3A_576 : i32
          %dma_start3A_578 = arith.constant 0 : i32
          %dma_start3A_579 = tpu.memref_slice %arg6[%rem3A_492, %dma_start3A_578] : memref<3x128xi32, #tpu.memory_space<vmem>> -> memref<1x128xi32, #tpu.memory_space<vmem>>
          %dma_start3A_580 = tpu.memref_squeeze %dma_start3A_579 : memref<1x128xi32, #tpu.memory_space<vmem>> -> memref<128xi32, #tpu.memory_space<vmem>>
          %dma_start3A_581 = arith.constant 0 : i32
          %dma_start3A_582 = tpu.memref_slice %arg3[%add3A, %add3A_577, %dma_start3A_581] : memref<32x79x128xi32, #tpu.memory_space<hbm>> -> memref<1x1x128xi32, #tpu.memory_space<hbm>>
          %dma_start3A_583 = tpu.memref_squeeze %dma_start3A_582 : memref<1x1x128xi32, #tpu.memory_space<hbm>> -> memref<128xi32, #tpu.memory_space<hbm>>
          %dma_start3A_584 = arith.constant 0 : i32
          %dma_start3A_585 = tpu.memref_slice %arg6[%rem3A_492, %dma_start3A_584] : memref<3x128xi32, #tpu.memory_space<vmem>> -> memref<1x128xi32, #tpu.memory_space<vmem>>
          %dma_start3A_586 = tpu.memref_squeeze %dma_start3A_585 : memref<1x128xi32, #tpu.memory_space<vmem>> -> memref<128xi32, #tpu.memory_space<vmem>>
          %dma_start3A_587 = arith.constant 0 : i32
          %dma_start3A_588 = tpu.memref_slice %arg3[%add3A, %add3A_577, %dma_start3A_587] : memref<32x79x128xi32, #tpu.memory_space<hbm>> -> memref<1x1x128xi32, #tpu.memory_space<hbm>>
          %dma_start3A_589 = tpu.memref_squeeze %dma_start3A_588 : memref<1x1x128xi32, #tpu.memory_space<hbm>> -> memref<128xi32, #tpu.memory_space<hbm>>
          tpu.enqueue_dma source(%dma_start3A_589 : memref<128xi32, #tpu.memory_space<hbm>>) target(%dma_start3A_586 : memref<128xi32, #tpu.memory_space<vmem>>) target_semaphore(%arg11 : memref<!tpu.dma_semaphore, #tpu.memory_space<semaphore_mem>>)
          %add3A_590 = arith.constant 3 : i32
          %add3A_591 = arith.addi %scan3A_491, %add3A_590 : i32
          %add3A_592 = arith.constant 3 : i32
          %add3A_593 = arith.addi %scan3A_491, %add3A_592 : i32
          %rem3A_594 = arith.constant 4 : i32
          %rem3A_595 = arith.remsi %add3A_593, %rem3A_594 : i32
          %dma_start3A_596 = arith.constant 0 : i32
          %dma_start3A_597 = tpu.memref_slice %arg7[%rem3A_595, %dma_start3A_596] : memref<4x128xi32, #tpu.memory_space<vmem>> -> memref<1x128xi32, #tpu.memory_space<vmem>>
          %dma_start3A_598 = tpu.memref_squeeze %dma_start3A_597 : memref<1x128xi32, #tpu.memory_space<vmem>> -> memref<128xi32, #tpu.memory_space<vmem>>
          %dma_start3A_599 = arith.constant 0 : i32
          %dma_start3A_600 = tpu.memref_slice %arg4[%add3A, %add3A_591, %dma_start3A_599] : memref<32x79x128xi32, #tpu.memory_space<hbm>> -> memref<1x1x128xi32, #tpu.memory_space<hbm>>
          %dma_start3A_601 = tpu.memref_squeeze %dma_start3A_600 : memref<1x1x128xi32, #tpu.memory_space<hbm>> -> memref<128xi32, #tpu.memory_space<hbm>>
          %dma_start3A_602 = arith.constant 0 : i32
          %dma_start3A_603 = tpu.memref_slice %arg7[%rem3A_595, %dma_start3A_602] : memref<4x128xi32, #tpu.memory_space<vmem>> -> memref<1x128xi32, #tpu.memory_space<vmem>>
          %dma_start3A_604 = tpu.memref_squeeze %dma_start3A_603 : memref<1x128xi32, #tpu.memory_space<vmem>> -> memref<128xi32, #tpu.memory_space<vmem>>
          %dma_start3A_605 = arith.constant 0 : i32
          %dma_start3A_606 = tpu.memref_slice %arg4[%add3A, %add3A_591, %dma_start3A_605] : memref<32x79x128xi32, #tpu.memory_space<hbm>> -> memref<1x1x128xi32, #tpu.memory_space<hbm>>
          %dma_start3A_607 = tpu.memref_squeeze %dma_start3A_606 : memref<1x1x128xi32, #tpu.memory_space<hbm>> -> memref<128xi32, #tpu.memory_space<hbm>>
          tpu.enqueue_dma source(%dma_start3A_607 : memref<128xi32, #tpu.memory_space<hbm>>) target(%dma_start3A_604 : memref<128xi32, #tpu.memory_space<vmem>>) target_semaphore(%arg11 : memref<!tpu.dma_semaphore, #tpu.memory_space<semaphore_mem>>)
        } else {
        }
      } else {
      }
    }
    %scan3A_238 = arith.constant 79 : i32
    %dma_wait3A_239 = arith.constant 0 : i32
    %dma_wait3A_240 = arith.constant 0 : i32
    %dma_wait3A_241 = arith.constant 0 : i32
    %dma_wait3A_242 = arith.constant 0 : i32
    %dma_wait3A_243 = tpu.memref_slice %arg8[%dma_wait3A_239, %dma_wait3A_241, %dma_wait3A_242] : memref<3x128x128xf32, #tpu.memory_space<vmem>> -> memref<1x128x128xf32, #tpu.memory_space<vmem>>
    %dma_wait3A_244 = tpu.memref_squeeze %dma_wait3A_243 : memref<1x128x128xf32, #tpu.memory_space<vmem>> -> memref<128x128xf32, #tpu.memory_space<vmem>>
    %dma_wait3A_245 = arith.constant 0 : i32
    %dma_wait3A_246 = tpu.memref_slice %arg7[%dma_wait3A_240, %dma_wait3A_245] : memref<4x128xi32, #tpu.memory_space<vmem>> -> memref<1x128xi32, #tpu.memory_space<vmem>>
    %dma_wait3A_247 = tpu.memref_squeeze %dma_wait3A_246 : memref<1x128xi32, #tpu.memory_space<vmem>> -> memref<128xi32, #tpu.memory_space<vmem>>
    %dma_wait3A_248 = arith.constant 0 : i32
    %dma_wait3A_249 = arith.constant 0 : i32
    %dma_wait3A_250 = tpu.memref_slice %arg9[%dma_wait3A_248, %dma_wait3A_249] : memref<10112x128xf32, #tpu.memory_space<vmem_shared>> -> memref<10112x128xf32, #tpu.memory_space<vmem_shared>>
    tpu.wait_indirect_dma semaphore(%arg12 : memref<!tpu.dma_semaphore, #tpu.memory_space<semaphore_mem>>) src(%dma_wait3A_244 : memref<128x128xf32, #tpu.memory_space<vmem>>) dst(%dma_wait3A_250 : memref<10112x128xf32, #tpu.memory_space<vmem_shared>>)
    %dma_wait3A_251 = arith.constant 0 : i32
    %dma_wait3A_252 = arith.constant 0 : i32
    %dma_wait3A_253 = arith.constant 0 : i32
    %dma_wait3A_254 = arith.constant 0 : i32
    %dma_wait3A_255 = tpu.memref_slice %arg8[%dma_wait3A_251, %dma_wait3A_253, %dma_wait3A_254] : memref<3x128x128xf32, #tpu.memory_space<vmem>> -> memref<1x128x128xf32, #tpu.memory_space<vmem>>
    %dma_wait3A_256 = tpu.memref_squeeze %dma_wait3A_255 : memref<1x128x128xf32, #tpu.memory_space<vmem>> -> memref<128x128xf32, #tpu.memory_space<vmem>>
    %dma_wait3A_257 = arith.constant 0 : i32
    %dma_wait3A_258 = tpu.memref_slice %arg7[%dma_wait3A_252, %dma_wait3A_257] : memref<4x128xi32, #tpu.memory_space<vmem>> -> memref<1x128xi32, #tpu.memory_space<vmem>>
    %dma_wait3A_259 = tpu.memref_squeeze %dma_wait3A_258 : memref<1x128xi32, #tpu.memory_space<vmem>> -> memref<128xi32, #tpu.memory_space<vmem>>
    %dma_wait3A_260 = arith.constant 0 : i32
    %dma_wait3A_261 = arith.constant 0 : i32
    %dma_wait3A_262 = tpu.memref_slice %arg9[%dma_wait3A_260, %dma_wait3A_261] : memref<10112x128xf32, #tpu.memory_space<vmem_shared>> -> memref<10112x128xf32, #tpu.memory_space<vmem_shared>>
    tpu.wait_indirect_dma semaphore(%arg12 : memref<!tpu.dma_semaphore, #tpu.memory_space<semaphore_mem>>) src(%dma_wait3A_256 : memref<128x128xf32, #tpu.memory_space<vmem>>) dst(%dma_wait3A_262 : memref<10112x128xf32, #tpu.memory_space<vmem_shared>>)
    %dma_wait3A_263 = arith.constant 0 : i32
    %dma_wait3A_264 = arith.constant 0 : i32
    %dma_wait3A_265 = arith.constant 0 : i32
    %dma_wait3A_266 = arith.constant 0 : i32
    %dma_wait3A_267 = tpu.memref_slice %arg8[%dma_wait3A_263, %dma_wait3A_265, %dma_wait3A_266] : memref<3x128x128xf32, #tpu.memory_space<vmem>> -> memref<1x128x128xf32, #tpu.memory_space<vmem>>
    %dma_wait3A_268 = tpu.memref_squeeze %dma_wait3A_267 : memref<1x128x128xf32, #tpu.memory_space<vmem>> -> memref<128x128xf32, #tpu.memory_space<vmem>>
    %dma_wait3A_269 = arith.constant 0 : i32
    %dma_wait3A_270 = tpu.memref_slice %arg7[%dma_wait3A_264, %dma_wait3A_269] : memref<4x128xi32, #tpu.memory_space<vmem>> -> memref<1x128xi32, #tpu.memory_space<vmem>>
    %dma_wait3A_271 = tpu.memref_squeeze %dma_wait3A_270 : memref<1x128xi32, #tpu.memory_space<vmem>> -> memref<128xi32, #tpu.memory_space<vmem>>
    %dma_wait3A_272 = arith.constant 0 : i32
    %dma_wait3A_273 = arith.constant 0 : i32
    %dma_wait3A_274 = tpu.memref_slice %arg9[%dma_wait3A_272, %dma_wait3A_273] : memref<10112x128xf32, #tpu.memory_space<vmem_shared>> -> memref<10112x128xf32, #tpu.memory_space<vmem_shared>>
    tpu.wait_indirect_dma semaphore(%arg12 : memref<!tpu.dma_semaphore, #tpu.memory_space<semaphore_mem>>) src(%dma_wait3A_268 : memref<128x128xf32, #tpu.memory_space<vmem>>) dst(%dma_wait3A_274 : memref<10112x128xf32, #tpu.memory_space<vmem_shared>>)
    %barrier3A_275 = arith.constant 0 : index
    tpu.barrier barrier_id(%barrier3A_275)
    %mul3A_276 = arith.constant 632 : i32
    %mul3A_277 = arith.muli %arg1, %mul3A_276 : i32
    %add3A_278 = arith.constant 0 : i32
    %add3A_279 = arith.addi %mul3A_277, %add3A_278 : i32
    %run_scoped3A_280 = arith.constant 0 : i32
    "tpu.region"() ({
      %run_scoped3A_491 = tpu.sem_alloc : memref<!tpu.dma_semaphore, #tpu.memory_space<semaphore_mem>>
      %dma_start3A_492 = arith.constant 0 : i32
      %dma_start3A_493 = arith.constant 0 : i32
      %dma_start3A_494 = tpu.memref_slice %arg8[%run_scoped3A_280, %dma_start3A_492, %dma_start3A_493] : memref<3x128x128xf32, #tpu.memory_space<vmem>> -> memref<1x128x128xf32, #tpu.memory_space<vmem>>
      %dma_start3A_495 = tpu.memref_squeeze %dma_start3A_494 : memref<1x128x128xf32, #tpu.memory_space<vmem>> -> memref<128x128xf32, #tpu.memory_space<vmem>>
      %dma_start3A_496 = arith.constant 0 : i32
      %dma_start3A_497 = tpu.memref_slice %arg9[%add3A_279, %dma_start3A_496] : memref<10112x128xf32, #tpu.memory_space<vmem_shared>> -> memref<128x128xf32, #tpu.memory_space<vmem_shared>>
      %dma_start3A_498 = arith.constant 0 : i32
      %dma_start3A_499 = arith.constant 0 : i32
      %dma_start3A_500 = tpu.memref_slice %arg8[%run_scoped3A_280, %dma_start3A_498, %dma_start3A_499] : memref<3x128x128xf32, #tpu.memory_space<vmem>> -> memref<1x128x128xf32, #tpu.memory_space<vmem>>
      %dma_start3A_501 = tpu.memref_squeeze %dma_start3A_500 : memref<1x128x128xf32, #tpu.memory_space<vmem>> -> memref<128x128xf32, #tpu.memory_space<vmem>>
      %dma_start3A_502 = arith.constant 0 : i32
      %dma_start3A_503 = tpu.memref_slice %arg9[%add3A_279, %dma_start3A_502] : memref<10112x128xf32, #tpu.memory_space<vmem_shared>> -> memref<128x128xf32, #tpu.memory_space<vmem_shared>>
      tpu.enqueue_dma source(%dma_start3A_503 : memref<128x128xf32, #tpu.memory_space<vmem_shared>>) target(%dma_start3A_501 : memref<128x128xf32, #tpu.memory_space<vmem>>) target_semaphore(%run_scoped3A_491 : memref<!tpu.dma_semaphore, #tpu.memory_space<semaphore_mem>>)
      %dma_wait3A_504 = arith.constant 0 : i32
      %dma_wait3A_505 = arith.constant 0 : i32
      %dma_wait3A_506 = tpu.memref_slice %arg8[%run_scoped3A_280, %dma_wait3A_504, %dma_wait3A_505] : memref<3x128x128xf32, #tpu.memory_space<vmem>> -> memref<1x128x128xf32, #tpu.memory_space<vmem>>
      %dma_wait3A_507 = tpu.memref_squeeze %dma_wait3A_506 : memref<1x128x128xf32, #tpu.memory_space<vmem>> -> memref<128x128xf32, #tpu.memory_space<vmem>>
      %dma_wait3A_508 = arith.constant 0 : i32
      %dma_wait3A_509 = tpu.memref_slice %arg9[%add3A_279, %dma_wait3A_508] : memref<10112x128xf32, #tpu.memory_space<vmem_shared>> -> memref<128x128xf32, #tpu.memory_space<vmem_shared>>
      %dma_wait3A_510 = arith.constant 0 : i32
      %dma_wait3A_511 = arith.constant 0 : i32
      %dma_wait3A_512 = tpu.memref_slice %arg8[%run_scoped3A_280, %dma_wait3A_510, %dma_wait3A_511] : memref<3x128x128xf32, #tpu.memory_space<vmem>> -> memref<1x128x128xf32, #tpu.memory_space<vmem>>
      %dma_wait3A_513 = tpu.memref_squeeze %dma_wait3A_512 : memref<1x128x128xf32, #tpu.memory_space<vmem>> -> memref<128x128xf32, #tpu.memory_space<vmem>>
      %dma_wait3A_514 = arith.constant 0 : i32
      %dma_wait3A_515 = tpu.memref_slice %arg9[%add3A_279, %dma_wait3A_514] : memref<10112x128xf32, #tpu.memory_space<vmem_shared>> -> memref<128x128xf32, #tpu.memory_space<vmem_shared>>
      tpu.wait_dma2 semaphore(%run_scoped3A_491 : memref<!tpu.dma_semaphore, #tpu.memory_space<semaphore_mem>>) src(%dma_wait3A_515 : memref<128x128xf32, #tpu.memory_space<vmem_shared>>) dst(%dma_wait3A_513 : memref<128x128xf32, #tpu.memory_space<vmem>>)
      tpu.yield
    }) : () -> ()
    %mul3A_281 = arith.constant 632 : i32
    %mul3A_282 = arith.muli %arg1, %mul3A_281 : i32
    %add3A_283 = arith.constant 0 : i32
    %add3A_284 = arith.addi %mul3A_282, %add3A_283 : i32
    %dma_start3A_285 = arith.constant 0 : i32
    %dma_start3A_286 = arith.constant 0 : i32
    %dma_start3A_287 = arith.constant 0 : i32
    %dma_start3A_288 = tpu.memref_slice %arg8[%dma_start3A_285, %dma_start3A_286, %dma_start3A_287] : memref<3x128x128xf32, #tpu.memory_space<vmem>> -> memref<1x128x128xf32, #tpu.memory_space<vmem>>
    %dma_start3A_289 = tpu.memref_squeeze %dma_start3A_288 : memref<1x128x128xf32, #tpu.memory_space<vmem>> -> memref<128x128xf32, #tpu.memory_space<vmem>>
    %dma_start3A_290 = arith.constant 0 : i32
    %dma_start3A_291 = tpu.memref_slice %arg5[%arg0, %add3A_284, %dma_start3A_290] : memref<2x10112x128xf32, #tpu.memory_space<hbm>> -> memref<1x128x128xf32, #tpu.memory_space<hbm>>
    %dma_start3A_292 = tpu.memref_squeeze %dma_start3A_291 : memref<1x128x128xf32, #tpu.memory_space<hbm>> -> memref<128x128xf32, #tpu.memory_space<hbm>>
    %dma_start3A_293 = arith.constant 0 : i32
    %dma_start3A_294 = tpu.memref_slice %arg5[%arg0, %add3A_284, %dma_start3A_293] : memref<2x10112x128xf32, #tpu.memory_space<hbm>> -> memref<1x128x128xf32, #tpu.memory_space<hbm>>
    %dma_start3A_295 = tpu.memref_squeeze %dma_start3A_294 : memref<1x128x128xf32, #tpu.memory_space<hbm>> -> memref<128x128xf32, #tpu.memory_space<hbm>>
    %dma_start3A_296 = arith.constant 0 : i32
    %dma_start3A_297 = arith.constant 0 : i32
    %dma_start3A_298 = tpu.memref_slice %arg8[%dma_start3A_285, %dma_start3A_296, %dma_start3A_297] : memref<3x128x128xf32, #tpu.memory_space<vmem>> -> memref<1x128x128xf32, #tpu.memory_space<vmem>>
    %dma_start3A_299 = tpu.memref_squeeze %dma_start3A_298 : memref<1x128x128xf32, #tpu.memory_space<vmem>> -> memref<128x128xf32, #tpu.memory_space<vmem>>
    tpu.enqueue_dma source(%dma_start3A_299 : memref<128x128xf32, #tpu.memory_space<vmem>>) target(%dma_start3A_295 : memref<128x128xf32, #tpu.memory_space<hbm>>) target_semaphore(%arg11 : memref<!tpu.dma_semaphore, #tpu.memory_space<semaphore_mem>>)
    %mul3A_300 = arith.constant 632 : i32
    %mul3A_301 = arith.muli %arg1, %mul3A_300 : i32
    %add3A_302 = arith.constant 128 : i32
    %add3A_303 = arith.addi %mul3A_301, %add3A_302 : i32
    %run_scoped3A_304 = arith.constant 1 : i32
    "tpu.region"() ({
      %run_scoped3A_491 = tpu.sem_alloc : memref<!tpu.dma_semaphore, #tpu.memory_space<semaphore_mem>>
      %dma_start3A_492 = arith.constant 0 : i32
      %dma_start3A_493 = arith.constant 0 : i32
      %dma_start3A_494 = tpu.memref_slice %arg8[%run_scoped3A_304, %dma_start3A_492, %dma_start3A_493] : memref<3x128x128xf32, #tpu.memory_space<vmem>> -> memref<1x128x128xf32, #tpu.memory_space<vmem>>
      %dma_start3A_495 = tpu.memref_squeeze %dma_start3A_494 : memref<1x128x128xf32, #tpu.memory_space<vmem>> -> memref<128x128xf32, #tpu.memory_space<vmem>>
      %dma_start3A_496 = arith.constant 0 : i32
      %dma_start3A_497 = tpu.memref_slice %arg9[%add3A_303, %dma_start3A_496] : memref<10112x128xf32, #tpu.memory_space<vmem_shared>> -> memref<128x128xf32, #tpu.memory_space<vmem_shared>>
      %dma_start3A_498 = arith.constant 0 : i32
      %dma_start3A_499 = arith.constant 0 : i32
      %dma_start3A_500 = tpu.memref_slice %arg8[%run_scoped3A_304, %dma_start3A_498, %dma_start3A_499] : memref<3x128x128xf32, #tpu.memory_space<vmem>> -> memref<1x128x128xf32, #tpu.memory_space<vmem>>
      %dma_start3A_501 = tpu.memref_squeeze %dma_start3A_500 : memref<1x128x128xf32, #tpu.memory_space<vmem>> -> memref<128x128xf32, #tpu.memory_space<vmem>>
      %dma_start3A_502 = arith.constant 0 : i32
      %dma_start3A_503 = tpu.memref_slice %arg9[%add3A_303, %dma_start3A_502] : memref<10112x128xf32, #tpu.memory_space<vmem_shared>> -> memref<128x128xf32, #tpu.memory_space<vmem_shared>>
      tpu.enqueue_dma source(%dma_start3A_503 : memref<128x128xf32, #tpu.memory_space<vmem_shared>>) target(%dma_start3A_501 : memref<128x128xf32, #tpu.memory_space<vmem>>) target_semaphore(%run_scoped3A_491 : memref<!tpu.dma_semaphore, #tpu.memory_space<semaphore_mem>>)
      %dma_wait3A_504 = arith.constant 0 : i32
      %dma_wait3A_505 = arith.constant 0 : i32
      %dma_wait3A_506 = tpu.memref_slice %arg8[%run_scoped3A_304, %dma_wait3A_504, %dma_wait3A_505] : memref<3x128x128xf32, #tpu.memory_space<vmem>> -> memref<1x128x128xf32, #tpu.memory_space<vmem>>
      %dma_wait3A_507 = tpu.memref_squeeze %dma_wait3A_506 : memref<1x128x128xf32, #tpu.memory_space<vmem>> -> memref<128x128xf32, #tpu.memory_space<vmem>>
      %dma_wait3A_508 = arith.constant 0 : i32
      %dma_wait3A_509 = tpu.memref_slice %arg9[%add3A_303, %dma_wait3A_508] : memref<10112x128xf32, #tpu.memory_space<vmem_shared>> -> memref<128x128xf32, #tpu.memory_space<vmem_shared>>
      %dma_wait3A_510 = arith.constant 0 : i32
      %dma_wait3A_511 = arith.constant 0 : i32
      %dma_wait3A_512 = tpu.memref_slice %arg8[%run_scoped3A_304, %dma_wait3A_510, %dma_wait3A_511] : memref<3x128x128xf32, #tpu.memory_space<vmem>> -> memref<1x128x128xf32, #tpu.memory_space<vmem>>
      %dma_wait3A_513 = tpu.memref_squeeze %dma_wait3A_512 : memref<1x128x128xf32, #tpu.memory_space<vmem>> -> memref<128x128xf32, #tpu.memory_space<vmem>>
      %dma_wait3A_514 = arith.constant 0 : i32
      %dma_wait3A_515 = tpu.memref_slice %arg9[%add3A_303, %dma_wait3A_514] : memref<10112x128xf32, #tpu.memory_space<vmem_shared>> -> memref<128x128xf32, #tpu.memory_space<vmem_shared>>
      tpu.wait_dma2 semaphore(%run_scoped3A_491 : memref<!tpu.dma_semaphore, #tpu.memory_space<semaphore_mem>>) src(%dma_wait3A_515 : memref<128x128xf32, #tpu.memory_space<vmem_shared>>) dst(%dma_wait3A_513 : memref<128x128xf32, #tpu.memory_space<vmem>>)
      tpu.yield
    }) : () -> ()
    %mul3A_305 = arith.constant 632 : i32
    %mul3A_306 = arith.muli %arg1, %mul3A_305 : i32
    %add3A_307 = arith.constant 128 : i32
    %add3A_308 = arith.addi %mul3A_306, %add3A_307 : i32
    %dma_start3A_309 = arith.constant 1 : i32
    %dma_start3A_310 = arith.constant 0 : i32
    %dma_start3A_311 = arith.constant 0 : i32
    %dma_start3A_312 = tpu.memref_slice %arg8[%dma_start3A_309, %dma_start3A_310, %dma_start3A_311] : memref<3x128x128xf32, #tpu.memory_space<vmem>> -> memref<1x128x128xf32, #tpu.memory_space<vmem>>
    %dma_start3A_313 = tpu.memref_squeeze %dma_start3A_312 : memref<1x128x128xf32, #tpu.memory_space<vmem>> -> memref<128x128xf32, #tpu.memory_space<vmem>>
    %dma_start3A_314 = arith.constant 0 : i32
    %dma_start3A_315 = tpu.memref_slice %arg5[%arg0, %add3A_308, %dma_start3A_314] : memref<2x10112x128xf32, #tpu.memory_space<hbm>> -> memref<1x128x128xf32, #tpu.memory_space<hbm>>
    %dma_start3A_316 = tpu.memref_squeeze %dma_start3A_315 : memref<1x128x128xf32, #tpu.memory_space<hbm>> -> memref<128x128xf32, #tpu.memory_space<hbm>>
    %dma_start3A_317 = arith.constant 0 : i32
    %dma_start3A_318 = tpu.memref_slice %arg5[%arg0, %add3A_308, %dma_start3A_317] : memref<2x10112x128xf32, #tpu.memory_space<hbm>> -> memref<1x128x128xf32, #tpu.memory_space<hbm>>
    %dma_start3A_319 = tpu.memref_squeeze %dma_start3A_318 : memref<1x128x128xf32, #tpu.memory_space<hbm>> -> memref<128x128xf32, #tpu.memory_space<hbm>>
    %dma_start3A_320 = arith.constant 0 : i32
    %dma_start3A_321 = arith.constant 0 : i32
    %dma_start3A_322 = tpu.memref_slice %arg8[%dma_start3A_309, %dma_start3A_320, %dma_start3A_321] : memref<3x128x128xf32, #tpu.memory_space<vmem>> -> memref<1x128x128xf32, #tpu.memory_space<vmem>>
    %dma_start3A_323 = tpu.memref_squeeze %dma_start3A_322 : memref<1x128x128xf32, #tpu.memory_space<vmem>> -> memref<128x128xf32, #tpu.memory_space<vmem>>
    tpu.enqueue_dma source(%dma_start3A_323 : memref<128x128xf32, #tpu.memory_space<vmem>>) target(%dma_start3A_319 : memref<128x128xf32, #tpu.memory_space<hbm>>) target_semaphore(%arg11 : memref<!tpu.dma_semaphore, #tpu.memory_space<semaphore_mem>>)
    %mul3A_324 = arith.constant 632 : i32
    %mul3A_325 = arith.muli %arg1, %mul3A_324 : i32
    %add3A_326 = arith.constant 0 : i32
    %add3A_327 = arith.addi %mul3A_325, %add3A_326 : i32
    %dma_wait3A_328 = arith.constant 0 : i32
    %dma_wait3A_329 = arith.constant 0 : i32
    %dma_wait3A_330 = arith.constant 0 : i32
    %dma_wait3A_331 = tpu.memref_slice %arg8[%dma_wait3A_328, %dma_wait3A_329, %dma_wait3A_330] : memref<3x128x128xf32, #tpu.memory_space<vmem>> -> memref<1x128x128xf32, #tpu.memory_space<vmem>>
    %dma_wait3A_332 = tpu.memref_squeeze %dma_wait3A_331 : memref<1x128x128xf32, #tpu.memory_space<vmem>> -> memref<128x128xf32, #tpu.memory_space<vmem>>
    %dma_wait3A_333 = arith.constant 0 : i32
    %dma_wait3A_334 = tpu.memref_slice %arg5[%arg0, %add3A_327, %dma_wait3A_333] : memref<2x10112x128xf32, #tpu.memory_space<hbm>> -> memref<1x128x128xf32, #tpu.memory_space<hbm>>
    %dma_wait3A_335 = tpu.memref_squeeze %dma_wait3A_334 : memref<1x128x128xf32, #tpu.memory_space<hbm>> -> memref<128x128xf32, #tpu.memory_space<hbm>>
    %dma_wait3A_336 = arith.constant 0 : i32
    %dma_wait3A_337 = tpu.memref_slice %arg5[%arg0, %add3A_327, %dma_wait3A_336] : memref<2x10112x128xf32, #tpu.memory_space<hbm>> -> memref<1x128x128xf32, #tpu.memory_space<hbm>>
    %dma_wait3A_338 = tpu.memref_squeeze %dma_wait3A_337 : memref<1x128x128xf32, #tpu.memory_space<hbm>> -> memref<128x128xf32, #tpu.memory_space<hbm>>
    %dma_wait3A_339 = arith.constant 0 : i32
    %dma_wait3A_340 = arith.constant 0 : i32
    %dma_wait3A_341 = tpu.memref_slice %arg8[%dma_wait3A_328, %dma_wait3A_339, %dma_wait3A_340] : memref<3x128x128xf32, #tpu.memory_space<vmem>> -> memref<1x128x128xf32, #tpu.memory_space<vmem>>
    %dma_wait3A_342 = tpu.memref_squeeze %dma_wait3A_341 : memref<1x128x128xf32, #tpu.memory_space<vmem>> -> memref<128x128xf32, #tpu.memory_space<vmem>>
    tpu.wait_dma2 semaphore(%arg11 : memref<!tpu.dma_semaphore, #tpu.memory_space<semaphore_mem>>) src(%dma_wait3A_342 : memref<128x128xf32, #tpu.memory_space<vmem>>) dst(%dma_wait3A_338 : memref<128x128xf32, #tpu.memory_space<hbm>>)
    %mul3A_343 = arith.constant 632 : i32
    %mul3A_344 = arith.muli %arg1, %mul3A_343 : i32
    %add3A_345 = arith.constant 256 : i32
    %add3A_346 = arith.addi %mul3A_344, %add3A_345 : i32
    %run_scoped3A_347 = arith.constant 0 : i32
    "tpu.region"() ({
      %run_scoped3A_491 = tpu.sem_alloc : memref<!tpu.dma_semaphore, #tpu.memory_space<semaphore_mem>>
      %dma_start3A_492 = arith.constant 0 : i32
      %dma_start3A_493 = arith.constant 0 : i32
      %dma_start3A_494 = tpu.memref_slice %arg8[%run_scoped3A_347, %dma_start3A_492, %dma_start3A_493] : memref<3x128x128xf32, #tpu.memory_space<vmem>> -> memref<1x128x128xf32, #tpu.memory_space<vmem>>
      %dma_start3A_495 = tpu.memref_squeeze %dma_start3A_494 : memref<1x128x128xf32, #tpu.memory_space<vmem>> -> memref<128x128xf32, #tpu.memory_space<vmem>>
      %dma_start3A_496 = arith.constant 0 : i32
      %dma_start3A_497 = tpu.memref_slice %arg9[%add3A_346, %dma_start3A_496] : memref<10112x128xf32, #tpu.memory_space<vmem_shared>> -> memref<128x128xf32, #tpu.memory_space<vmem_shared>>
      %dma_start3A_498 = arith.constant 0 : i32
      %dma_start3A_499 = arith.constant 0 : i32
      %dma_start3A_500 = tpu.memref_slice %arg8[%run_scoped3A_347, %dma_start3A_498, %dma_start3A_499] : memref<3x128x128xf32, #tpu.memory_space<vmem>> -> memref<1x128x128xf32, #tpu.memory_space<vmem>>
      %dma_start3A_501 = tpu.memref_squeeze %dma_start3A_500 : memref<1x128x128xf32, #tpu.memory_space<vmem>> -> memref<128x128xf32, #tpu.memory_space<vmem>>
      %dma_start3A_502 = arith.constant 0 : i32
      %dma_start3A_503 = tpu.memref_slice %arg9[%add3A_346, %dma_start3A_502] : memref<10112x128xf32, #tpu.memory_space<vmem_shared>> -> memref<128x128xf32, #tpu.memory_space<vmem_shared>>
      tpu.enqueue_dma source(%dma_start3A_503 : memref<128x128xf32, #tpu.memory_space<vmem_shared>>) target(%dma_start3A_501 : memref<128x128xf32, #tpu.memory_space<vmem>>) target_semaphore(%run_scoped3A_491 : memref<!tpu.dma_semaphore, #tpu.memory_space<semaphore_mem>>)
      %dma_wait3A_504 = arith.constant 0 : i32
      %dma_wait3A_505 = arith.constant 0 : i32
      %dma_wait3A_506 = tpu.memref_slice %arg8[%run_scoped3A_347, %dma_wait3A_504, %dma_wait3A_505] : memref<3x128x128xf32, #tpu.memory_space<vmem>> -> memref<1x128x128xf32, #tpu.memory_space<vmem>>
      %dma_wait3A_507 = tpu.memref_squeeze %dma_wait3A_506 : memref<1x128x128xf32, #tpu.memory_space<vmem>> -> memref<128x128xf32, #tpu.memory_space<vmem>>
      %dma_wait3A_508 = arith.constant 0 : i32
      %dma_wait3A_509 = tpu.memref_slice %arg9[%add3A_346, %dma_wait3A_508] : memref<10112x128xf32, #tpu.memory_space<vmem_shared>> -> memref<128x128xf32, #tpu.memory_space<vmem_shared>>
      %dma_wait3A_510 = arith.constant 0 : i32
      %dma_wait3A_511 = arith.constant 0 : i32
      %dma_wait3A_512 = tpu.memref_slice %arg8[%run_scoped3A_347, %dma_wait3A_510, %dma_wait3A_511] : memref<3x128x128xf32, #tpu.memory_space<vmem>> -> memref<1x128x128xf32, #tpu.memory_space<vmem>>
      %dma_wait3A_513 = tpu.memref_squeeze %dma_wait3A_512 : memref<1x128x128xf32, #tpu.memory_space<vmem>> -> memref<128x128xf32, #tpu.memory_space<vmem>>
      %dma_wait3A_514 = arith.constant 0 : i32
      %dma_wait3A_515 = tpu.memref_slice %arg9[%add3A_346, %dma_wait3A_514] : memref<10112x128xf32, #tpu.memory_space<vmem_shared>> -> memref<128x128xf32, #tpu.memory_space<vmem_shared>>
      tpu.wait_dma2 semaphore(%run_scoped3A_491 : memref<!tpu.dma_semaphore, #tpu.memory_space<semaphore_mem>>) src(%dma_wait3A_515 : memref<128x128xf32, #tpu.memory_space<vmem_shared>>) dst(%dma_wait3A_513 : memref<128x128xf32, #tpu.memory_space<vmem>>)
      tpu.yield
    }) : () -> ()
    %mul3A_348 = arith.constant 632 : i32
    %mul3A_349 = arith.muli %arg1, %mul3A_348 : i32
    %add3A_350 = arith.constant 256 : i32
    %add3A_351 = arith.addi %mul3A_349, %add3A_350 : i32
    %dma_start3A_352 = arith.constant 0 : i32
    %dma_start3A_353 = arith.constant 0 : i32
    %dma_start3A_354 = arith.constant 0 : i32
    %dma_start3A_355 = tpu.memref_slice %arg8[%dma_start3A_352, %dma_start3A_353, %dma_start3A_354] : memref<3x128x128xf32, #tpu.memory_space<vmem>> -> memref<1x128x128xf32, #tpu.memory_space<vmem>>
    %dma_start3A_356 = tpu.memref_squeeze %dma_start3A_355 : memref<1x128x128xf32, #tpu.memory_space<vmem>> -> memref<128x128xf32, #tpu.memory_space<vmem>>
    %dma_start3A_357 = arith.constant 0 : i32
    %dma_start3A_358 = tpu.memref_slice %arg5[%arg0, %add3A_351, %dma_start3A_357] : memref<2x10112x128xf32, #tpu.memory_space<hbm>> -> memref<1x128x128xf32, #tpu.memory_space<hbm>>
    %dma_start3A_359 = tpu.memref_squeeze %dma_start3A_358 : memref<1x128x128xf32, #tpu.memory_space<hbm>> -> memref<128x128xf32, #tpu.memory_space<hbm>>
    %dma_start3A_360 = arith.constant 0 : i32
    %dma_start3A_361 = tpu.memref_slice %arg5[%arg0, %add3A_351, %dma_start3A_360] : memref<2x10112x128xf32, #tpu.memory_space<hbm>> -> memref<1x128x128xf32, #tpu.memory_space<hbm>>
    %dma_start3A_362 = tpu.memref_squeeze %dma_start3A_361 : memref<1x128x128xf32, #tpu.memory_space<hbm>> -> memref<128x128xf32, #tpu.memory_space<hbm>>
    %dma_start3A_363 = arith.constant 0 : i32
    %dma_start3A_364 = arith.constant 0 : i32
    %dma_start3A_365 = tpu.memref_slice %arg8[%dma_start3A_352, %dma_start3A_363, %dma_start3A_364] : memref<3x128x128xf32, #tpu.memory_space<vmem>> -> memref<1x128x128xf32, #tpu.memory_space<vmem>>
    %dma_start3A_366 = tpu.memref_squeeze %dma_start3A_365 : memref<1x128x128xf32, #tpu.memory_space<vmem>> -> memref<128x128xf32, #tpu.memory_space<vmem>>
    tpu.enqueue_dma source(%dma_start3A_366 : memref<128x128xf32, #tpu.memory_space<vmem>>) target(%dma_start3A_362 : memref<128x128xf32, #tpu.memory_space<hbm>>) target_semaphore(%arg11 : memref<!tpu.dma_semaphore, #tpu.memory_space<semaphore_mem>>)
    %mul3A_367 = arith.constant 632 : i32
    %mul3A_368 = arith.muli %arg1, %mul3A_367 : i32
    %add3A_369 = arith.constant 128 : i32
    %add3A_370 = arith.addi %mul3A_368, %add3A_369 : i32
    %dma_wait3A_371 = arith.constant 1 : i32
    %dma_wait3A_372 = arith.constant 0 : i32
    %dma_wait3A_373 = arith.constant 0 : i32
    %dma_wait3A_374 = tpu.memref_slice %arg8[%dma_wait3A_371, %dma_wait3A_372, %dma_wait3A_373] : memref<3x128x128xf32, #tpu.memory_space<vmem>> -> memref<1x128x128xf32, #tpu.memory_space<vmem>>
    %dma_wait3A_375 = tpu.memref_squeeze %dma_wait3A_374 : memref<1x128x128xf32, #tpu.memory_space<vmem>> -> memref<128x128xf32, #tpu.memory_space<vmem>>
    %dma_wait3A_376 = arith.constant 0 : i32
    %dma_wait3A_377 = tpu.memref_slice %arg5[%arg0, %add3A_370, %dma_wait3A_376] : memref<2x10112x128xf32, #tpu.memory_space<hbm>> -> memref<1x128x128xf32, #tpu.memory_space<hbm>>
    %dma_wait3A_378 = tpu.memref_squeeze %dma_wait3A_377 : memref<1x128x128xf32, #tpu.memory_space<hbm>> -> memref<128x128xf32, #tpu.memory_space<hbm>>
    %dma_wait3A_379 = arith.constant 0 : i32
    %dma_wait3A_380 = tpu.memref_slice %arg5[%arg0, %add3A_370, %dma_wait3A_379] : memref<2x10112x128xf32, #tpu.memory_space<hbm>> -> memref<1x128x128xf32, #tpu.memory_space<hbm>>
    %dma_wait3A_381 = tpu.memref_squeeze %dma_wait3A_380 : memref<1x128x128xf32, #tpu.memory_space<hbm>> -> memref<128x128xf32, #tpu.memory_space<hbm>>
    %dma_wait3A_382 = arith.constant 0 : i32
    %dma_wait3A_383 = arith.constant 0 : i32
    %dma_wait3A_384 = tpu.memref_slice %arg8[%dma_wait3A_371, %dma_wait3A_382, %dma_wait3A_383] : memref<3x128x128xf32, #tpu.memory_space<vmem>> -> memref<1x128x128xf32, #tpu.memory_space<vmem>>
    %dma_wait3A_385 = tpu.memref_squeeze %dma_wait3A_384 : memref<1x128x128xf32, #tpu.memory_space<vmem>> -> memref<128x128xf32, #tpu.memory_space<vmem>>
    tpu.wait_dma2 semaphore(%arg11 : memref<!tpu.dma_semaphore, #tpu.memory_space<semaphore_mem>>) src(%dma_wait3A_385 : memref<128x128xf32, #tpu.memory_space<vmem>>) dst(%dma_wait3A_381 : memref<128x128xf32, #tpu.memory_space<hbm>>)
    %mul3A_386 = arith.constant 632 : i32
    %mul3A_387 = arith.muli %arg1, %mul3A_386 : i32
    %add3A_388 = arith.constant 384 : i32
    %add3A_389 = arith.addi %mul3A_387, %add3A_388 : i32
    %run_scoped3A_390 = arith.constant 1 : i32
    "tpu.region"() ({
      %run_scoped3A_491 = tpu.sem_alloc : memref<!tpu.dma_semaphore, #tpu.memory_space<semaphore_mem>>
      %dma_start3A_492 = arith.constant 0 : i32
      %dma_start3A_493 = arith.constant 0 : i32
      %dma_start3A_494 = tpu.memref_slice %arg8[%run_scoped3A_390, %dma_start3A_492, %dma_start3A_493] : memref<3x128x128xf32, #tpu.memory_space<vmem>> -> memref<1x128x128xf32, #tpu.memory_space<vmem>>
      %dma_start3A_495 = tpu.memref_squeeze %dma_start3A_494 : memref<1x128x128xf32, #tpu.memory_space<vmem>> -> memref<128x128xf32, #tpu.memory_space<vmem>>
      %dma_start3A_496 = arith.constant 0 : i32
      %dma_start3A_497 = tpu.memref_slice %arg9[%add3A_389, %dma_start3A_496] : memref<10112x128xf32, #tpu.memory_space<vmem_shared>> -> memref<128x128xf32, #tpu.memory_space<vmem_shared>>
      %dma_start3A_498 = arith.constant 0 : i32
      %dma_start3A_499 = arith.constant 0 : i32
      %dma_start3A_500 = tpu.memref_slice %arg8[%run_scoped3A_390, %dma_start3A_498, %dma_start3A_499] : memref<3x128x128xf32, #tpu.memory_space<vmem>> -> memref<1x128x128xf32, #tpu.memory_space<vmem>>
      %dma_start3A_501 = tpu.memref_squeeze %dma_start3A_500 : memref<1x128x128xf32, #tpu.memory_space<vmem>> -> memref<128x128xf32, #tpu.memory_space<vmem>>
      %dma_start3A_502 = arith.constant 0 : i32
      %dma_start3A_503 = tpu.memref_slice %arg9[%add3A_389, %dma_start3A_502] : memref<10112x128xf32, #tpu.memory_space<vmem_shared>> -> memref<128x128xf32, #tpu.memory_space<vmem_shared>>
      tpu.enqueue_dma source(%dma_start3A_503 : memref<128x128xf32, #tpu.memory_space<vmem_shared>>) target(%dma_start3A_501 : memref<128x128xf32, #tpu.memory_space<vmem>>) target_semaphore(%run_scoped3A_491 : memref<!tpu.dma_semaphore, #tpu.memory_space<semaphore_mem>>)
      %dma_wait3A_504 = arith.constant 0 : i32
      %dma_wait3A_505 = arith.constant 0 : i32
      %dma_wait3A_506 = tpu.memref_slice %arg8[%run_scoped3A_390, %dma_wait3A_504, %dma_wait3A_505] : memref<3x128x128xf32, #tpu.memory_space<vmem>> -> memref<1x128x128xf32, #tpu.memory_space<vmem>>
      %dma_wait3A_507 = tpu.memref_squeeze %dma_wait3A_506 : memref<1x128x128xf32, #tpu.memory_space<vmem>> -> memref<128x128xf32, #tpu.memory_space<vmem>>
      %dma_wait3A_508 = arith.constant 0 : i32
      %dma_wait3A_509 = tpu.memref_slice %arg9[%add3A_389, %dma_wait3A_508] : memref<10112x128xf32, #tpu.memory_space<vmem_shared>> -> memref<128x128xf32, #tpu.memory_space<vmem_shared>>
      %dma_wait3A_510 = arith.constant 0 : i32
      %dma_wait3A_511 = arith.constant 0 : i32
      %dma_wait3A_512 = tpu.memref_slice %arg8[%run_scoped3A_390, %dma_wait3A_510, %dma_wait3A_511] : memref<3x128x128xf32, #tpu.memory_space<vmem>> -> memref<1x128x128xf32, #tpu.memory_space<vmem>>
      %dma_wait3A_513 = tpu.memref_squeeze %dma_wait3A_512 : memref<1x128x128xf32, #tpu.memory_space<vmem>> -> memref<128x128xf32, #tpu.memory_space<vmem>>
      %dma_wait3A_514 = arith.constant 0 : i32
      %dma_wait3A_515 = tpu.memref_slice %arg9[%add3A_389, %dma_wait3A_514] : memref<10112x128xf32, #tpu.memory_space<vmem_shared>> -> memref<128x128xf32, #tpu.memory_space<vmem_shared>>
      tpu.wait_dma2 semaphore(%run_scoped3A_491 : memref<!tpu.dma_semaphore, #tpu.memory_space<semaphore_mem>>) src(%dma_wait3A_515 : memref<128x128xf32, #tpu.memory_space<vmem_shared>>) dst(%dma_wait3A_513 : memref<128x128xf32, #tpu.memory_space<vmem>>)
      tpu.yield
    }) : () -> ()
    %mul3A_391 = arith.constant 632 : i32
    %mul3A_392 = arith.muli %arg1, %mul3A_391 : i32
    %add3A_393 = arith.constant 384 : i32
    %add3A_394 = arith.addi %mul3A_392, %add3A_393 : i32
    %dma_start3A_395 = arith.constant 1 : i32
    %dma_start3A_396 = arith.constant 0 : i32
    %dma_start3A_397 = arith.constant 0 : i32
    %dma_start3A_398 = tpu.memref_slice %arg8[%dma_start3A_395, %dma_start3A_396, %dma_start3A_397] : memref<3x128x128xf32, #tpu.memory_space<vmem>> -> memref<1x128x128xf32, #tpu.memory_space<vmem>>
    %dma_start3A_399 = tpu.memref_squeeze %dma_start3A_398 : memref<1x128x128xf32, #tpu.memory_space<vmem>> -> memref<128x128xf32, #tpu.memory_space<vmem>>
    %dma_start3A_400 = arith.constant 0 : i32
    %dma_start3A_401 = tpu.memref_slice %arg5[%arg0, %add3A_394, %dma_start3A_400] : memref<2x10112x128xf32, #tpu.memory_space<hbm>> -> memref<1x128x128xf32, #tpu.memory_space<hbm>>
    %dma_start3A_402 = tpu.memref_squeeze %dma_start3A_401 : memref<1x128x128xf32, #tpu.memory_space<hbm>> -> memref<128x128xf32, #tpu.memory_space<hbm>>
    %dma_start3A_403 = arith.constant 0 : i32
    %dma_start3A_404 = tpu.memref_slice %arg5[%arg0, %add3A_394, %dma_start3A_403] : memref<2x10112x128xf32, #tpu.memory_space<hbm>> -> memref<1x128x128xf32, #tpu.memory_space<hbm>>
    %dma_start3A_405 = tpu.memref_squeeze %dma_start3A_404 : memref<1x128x128xf32, #tpu.memory_space<hbm>> -> memref<128x128xf32, #tpu.memory_space<hbm>>
    %dma_start3A_406 = arith.constant 0 : i32
    %dma_start3A_407 = arith.constant 0 : i32
    %dma_start3A_408 = tpu.memref_slice %arg8[%dma_start3A_395, %dma_start3A_406, %dma_start3A_407] : memref<3x128x128xf32, #tpu.memory_space<vmem>> -> memref<1x128x128xf32, #tpu.memory_space<vmem>>
    %dma_start3A_409 = tpu.memref_squeeze %dma_start3A_408 : memref<1x128x128xf32, #tpu.memory_space<vmem>> -> memref<128x128xf32, #tpu.memory_space<vmem>>
    tpu.enqueue_dma source(%dma_start3A_409 : memref<128x128xf32, #tpu.memory_space<vmem>>) target(%dma_start3A_405 : memref<128x128xf32, #tpu.memory_space<hbm>>) target_semaphore(%arg11 : memref<!tpu.dma_semaphore, #tpu.memory_space<semaphore_mem>>)
    %mul3A_410 = arith.constant 632 : i32
    %mul3A_411 = arith.muli %arg1, %mul3A_410 : i32
    %add3A_412 = arith.constant 256 : i32
    %add3A_413 = arith.addi %mul3A_411, %add3A_412 : i32
    %dma_wait3A_414 = arith.constant 0 : i32
    %dma_wait3A_415 = arith.constant 0 : i32
    %dma_wait3A_416 = arith.constant 0 : i32
    %dma_wait3A_417 = tpu.memref_slice %arg8[%dma_wait3A_414, %dma_wait3A_415, %dma_wait3A_416] : memref<3x128x128xf32, #tpu.memory_space<vmem>> -> memref<1x128x128xf32, #tpu.memory_space<vmem>>
    %dma_wait3A_418 = tpu.memref_squeeze %dma_wait3A_417 : memref<1x128x128xf32, #tpu.memory_space<vmem>> -> memref<128x128xf32, #tpu.memory_space<vmem>>
    %dma_wait3A_419 = arith.constant 0 : i32
    %dma_wait3A_420 = tpu.memref_slice %arg5[%arg0, %add3A_413, %dma_wait3A_419] : memref<2x10112x128xf32, #tpu.memory_space<hbm>> -> memref<1x128x128xf32, #tpu.memory_space<hbm>>
    %dma_wait3A_421 = tpu.memref_squeeze %dma_wait3A_420 : memref<1x128x128xf32, #tpu.memory_space<hbm>> -> memref<128x128xf32, #tpu.memory_space<hbm>>
    %dma_wait3A_422 = arith.constant 0 : i32
    %dma_wait3A_423 = tpu.memref_slice %arg5[%arg0, %add3A_413, %dma_wait3A_422] : memref<2x10112x128xf32, #tpu.memory_space<hbm>> -> memref<1x128x128xf32, #tpu.memory_space<hbm>>
    %dma_wait3A_424 = tpu.memref_squeeze %dma_wait3A_423 : memref<1x128x128xf32, #tpu.memory_space<hbm>> -> memref<128x128xf32, #tpu.memory_space<hbm>>
    %dma_wait3A_425 = arith.constant 0 : i32
    %dma_wait3A_426 = arith.constant 0 : i32
    %dma_wait3A_427 = tpu.memref_slice %arg8[%dma_wait3A_414, %dma_wait3A_425, %dma_wait3A_426] : memref<3x128x128xf32, #tpu.memory_space<vmem>> -> memref<1x128x128xf32, #tpu.memory_space<vmem>>
    %dma_wait3A_428 = tpu.memref_squeeze %dma_wait3A_427 : memref<1x128x128xf32, #tpu.memory_space<vmem>> -> memref<128x128xf32, #tpu.memory_space<vmem>>
    tpu.wait_dma2 semaphore(%arg11 : memref<!tpu.dma_semaphore, #tpu.memory_space<semaphore_mem>>) src(%dma_wait3A_428 : memref<128x128xf32, #tpu.memory_space<vmem>>) dst(%dma_wait3A_424 : memref<128x128xf32, #tpu.memory_space<hbm>>)
    %mul3A_429 = arith.constant 632 : i32
    %mul3A_430 = arith.muli %arg1, %mul3A_429 : i32
    %add3A_431 = arith.constant 512 : i32
    %add3A_432 = arith.addi %mul3A_430, %add3A_431 : i32
    %run_scoped3A_433 = arith.constant 0 : i32
    "tpu.region"() ({
      %run_scoped3A_491 = tpu.sem_alloc : memref<!tpu.dma_semaphore, #tpu.memory_space<semaphore_mem>>
      %dma_start3A_492 = arith.constant 0 : i32
      %dma_start3A_493 = arith.constant 0 : i32
      %dma_start3A_494 = tpu.memref_slice %arg8[%run_scoped3A_433, %dma_start3A_492, %dma_start3A_493] : memref<3x128x128xf32, #tpu.memory_space<vmem>> -> memref<1x120x128xf32, #tpu.memory_space<vmem>>
      %dma_start3A_495 = tpu.memref_squeeze %dma_start3A_494 : memref<1x120x128xf32, #tpu.memory_space<vmem>> -> memref<120x128xf32, #tpu.memory_space<vmem>>
      %dma_start3A_496 = arith.constant 0 : i32
      %dma_start3A_497 = tpu.memref_slice %arg9[%add3A_432, %dma_start3A_496] : memref<10112x128xf32, #tpu.memory_space<vmem_shared>> -> memref<120x128xf32, #tpu.memory_space<vmem_shared>>
      %dma_start3A_498 = arith.constant 0 : i32
      %dma_start3A_499 = arith.constant 0 : i32
      %dma_start3A_500 = tpu.memref_slice %arg8[%run_scoped3A_433, %dma_start3A_498, %dma_start3A_499] : memref<3x128x128xf32, #tpu.memory_space<vmem>> -> memref<1x120x128xf32, #tpu.memory_space<vmem>>
      %dma_start3A_501 = tpu.memref_squeeze %dma_start3A_500 : memref<1x120x128xf32, #tpu.memory_space<vmem>> -> memref<120x128xf32, #tpu.memory_space<vmem>>
      %dma_start3A_502 = arith.constant 0 : i32
      %dma_start3A_503 = tpu.memref_slice %arg9[%add3A_432, %dma_start3A_502] : memref<10112x128xf32, #tpu.memory_space<vmem_shared>> -> memref<120x128xf32, #tpu.memory_space<vmem_shared>>
      tpu.enqueue_dma source(%dma_start3A_503 : memref<120x128xf32, #tpu.memory_space<vmem_shared>>) target(%dma_start3A_501 : memref<120x128xf32, #tpu.memory_space<vmem>>) target_semaphore(%run_scoped3A_491 : memref<!tpu.dma_semaphore, #tpu.memory_space<semaphore_mem>>)
      %dma_wait3A_504 = arith.constant 0 : i32
      %dma_wait3A_505 = arith.constant 0 : i32
      %dma_wait3A_506 = tpu.memref_slice %arg8[%run_scoped3A_433, %dma_wait3A_504, %dma_wait3A_505] : memref<3x128x128xf32, #tpu.memory_space<vmem>> -> memref<1x120x128xf32, #tpu.memory_space<vmem>>
      %dma_wait3A_507 = tpu.memref_squeeze %dma_wait3A_506 : memref<1x120x128xf32, #tpu.memory_space<vmem>> -> memref<120x128xf32, #tpu.memory_space<vmem>>
      %dma_wait3A_508 = arith.constant 0 : i32
      %dma_wait3A_509 = tpu.memref_slice %arg9[%add3A_432, %dma_wait3A_508] : memref<10112x128xf32, #tpu.memory_space<vmem_shared>> -> memref<120x128xf32, #tpu.memory_space<vmem_shared>>
      %dma_wait3A_510 = arith.constant 0 : i32
      %dma_wait3A_511 = arith.constant 0 : i32
      %dma_wait3A_512 = tpu.memref_slice %arg8[%run_scoped3A_433, %dma_wait3A_510, %dma_wait3A_511] : memref<3x128x128xf32, #tpu.memory_space<vmem>> -> memref<1x120x128xf32, #tpu.memory_space<vmem>>
      %dma_wait3A_513 = tpu.memref_squeeze %dma_wait3A_512 : memref<1x120x128xf32, #tpu.memory_space<vmem>> -> memref<120x128xf32, #tpu.memory_space<vmem>>
      %dma_wait3A_514 = arith.constant 0 : i32
      %dma_wait3A_515 = tpu.memref_slice %arg9[%add3A_432, %dma_wait3A_514] : memref<10112x128xf32, #tpu.memory_space<vmem_shared>> -> memref<120x128xf32, #tpu.memory_space<vmem_shared>>
      tpu.wait_dma2 semaphore(%run_scoped3A_491 : memref<!tpu.dma_semaphore, #tpu.memory_space<semaphore_mem>>) src(%dma_wait3A_515 : memref<120x128xf32, #tpu.memory_space<vmem_shared>>) dst(%dma_wait3A_513 : memref<120x128xf32, #tpu.memory_space<vmem>>)
      tpu.yield
    }) : () -> ()
    %mul3A_434 = arith.constant 632 : i32
    %mul3A_435 = arith.muli %arg1, %mul3A_434 : i32
    %add3A_436 = arith.constant 512 : i32
    %add3A_437 = arith.addi %mul3A_435, %add3A_436 : i32
    %dma_start3A_438 = arith.constant 0 : i32
    %dma_start3A_439 = arith.constant 0 : i32
    %dma_start3A_440 = arith.constant 0 : i32
    %dma_start3A_441 = tpu.memref_slice %arg8[%dma_start3A_438, %dma_start3A_439, %dma_start3A_440] : memref<3x128x128xf32, #tpu.memory_space<vmem>> -> memref<1x120x128xf32, #tpu.memory_space<vmem>>
    %dma_start3A_442 = tpu.memref_squeeze %dma_start3A_441 : memref<1x120x128xf32, #tpu.memory_space<vmem>> -> memref<120x128xf32, #tpu.memory_space<vmem>>
    %dma_start3A_443 = arith.constant 0 : i32
    %dma_start3A_444 = tpu.memref_slice %arg5[%arg0, %add3A_437, %dma_start3A_443] : memref<2x10112x128xf32, #tpu.memory_space<hbm>> -> memref<1x120x128xf32, #tpu.memory_space<hbm>>
    %dma_start3A_445 = tpu.memref_squeeze %dma_start3A_444 : memref<1x120x128xf32, #tpu.memory_space<hbm>> -> memref<120x128xf32, #tpu.memory_space<hbm>>
    %dma_start3A_446 = arith.constant 0 : i32
    %dma_start3A_447 = tpu.memref_slice %arg5[%arg0, %add3A_437, %dma_start3A_446] : memref<2x10112x128xf32, #tpu.memory_space<hbm>> -> memref<1x120x128xf32, #tpu.memory_space<hbm>>
    %dma_start3A_448 = tpu.memref_squeeze %dma_start3A_447 : memref<1x120x128xf32, #tpu.memory_space<hbm>> -> memref<120x128xf32, #tpu.memory_space<hbm>>
    %dma_start3A_449 = arith.constant 0 : i32
    %dma_start3A_450 = arith.constant 0 : i32
    %dma_start3A_451 = tpu.memref_slice %arg8[%dma_start3A_438, %dma_start3A_449, %dma_start3A_450] : memref<3x128x128xf32, #tpu.memory_space<vmem>> -> memref<1x120x128xf32, #tpu.memory_space<vmem>>
    %dma_start3A_452 = tpu.memref_squeeze %dma_start3A_451 : memref<1x120x128xf32, #tpu.memory_space<vmem>> -> memref<120x128xf32, #tpu.memory_space<vmem>>
    tpu.enqueue_dma source(%dma_start3A_452 : memref<120x128xf32, #tpu.memory_space<vmem>>) target(%dma_start3A_448 : memref<120x128xf32, #tpu.memory_space<hbm>>) target_semaphore(%arg11 : memref<!tpu.dma_semaphore, #tpu.memory_space<semaphore_mem>>)
    %mul3A_453 = arith.constant 632 : i32
    %mul3A_454 = arith.muli %arg1, %mul3A_453 : i32
    %add3A_455 = arith.constant 384 : i32
    %add3A_456 = arith.addi %mul3A_454, %add3A_455 : i32
    %dma_wait3A_457 = arith.constant 1 : i32
    %dma_wait3A_458 = arith.constant 0 : i32
    %dma_wait3A_459 = arith.constant 0 : i32
    %dma_wait3A_460 = tpu.memref_slice %arg8[%dma_wait3A_457, %dma_wait3A_458, %dma_wait3A_459] : memref<3x128x128xf32, #tpu.memory_space<vmem>> -> memref<1x128x128xf32, #tpu.memory_space<vmem>>
    %dma_wait3A_461 = tpu.memref_squeeze %dma_wait3A_460 : memref<1x128x128xf32, #tpu.memory_space<vmem>> -> memref<128x128xf32, #tpu.memory_space<vmem>>
    %dma_wait3A_462 = arith.constant 0 : i32
    %dma_wait3A_463 = tpu.memref_slice %arg5[%arg0, %add3A_456, %dma_wait3A_462] : memref<2x10112x128xf32, #tpu.memory_space<hbm>> -> memref<1x128x128xf32, #tpu.memory_space<hbm>>
    %dma_wait3A_464 = tpu.memref_squeeze %dma_wait3A_463 : memref<1x128x128xf32, #tpu.memory_space<hbm>> -> memref<128x128xf32, #tpu.memory_space<hbm>>
    %dma_wait3A_465 = arith.constant 0 : i32
    %dma_wait3A_466 = tpu.memref_slice %arg5[%arg0, %add3A_456, %dma_wait3A_465] : memref<2x10112x128xf32, #tpu.memory_space<hbm>> -> memref<1x128x128xf32, #tpu.memory_space<hbm>>
    %dma_wait3A_467 = tpu.memref_squeeze %dma_wait3A_466 : memref<1x128x128xf32, #tpu.memory_space<hbm>> -> memref<128x128xf32, #tpu.memory_space<hbm>>
    %dma_wait3A_468 = arith.constant 0 : i32
    %dma_wait3A_469 = arith.constant 0 : i32
    %dma_wait3A_470 = tpu.memref_slice %arg8[%dma_wait3A_457, %dma_wait3A_468, %dma_wait3A_469] : memref<3x128x128xf32, #tpu.memory_space<vmem>> -> memref<1x128x128xf32, #tpu.memory_space<vmem>>
    %dma_wait3A_471 = tpu.memref_squeeze %dma_wait3A_470 : memref<1x128x128xf32, #tpu.memory_space<vmem>> -> memref<128x128xf32, #tpu.memory_space<vmem>>
    tpu.wait_dma2 semaphore(%arg11 : memref<!tpu.dma_semaphore, #tpu.memory_space<semaphore_mem>>) src(%dma_wait3A_471 : memref<128x128xf32, #tpu.memory_space<vmem>>) dst(%dma_wait3A_467 : memref<128x128xf32, #tpu.memory_space<hbm>>)
    %mul3A_472 = arith.constant 632 : i32
    %mul3A_473 = arith.muli %arg1, %mul3A_472 : i32
    %add3A_474 = arith.constant 512 : i32
    %add3A_475 = arith.addi %mul3A_473, %add3A_474 : i32
    %dma_wait3A_476 = arith.constant 0 : i32
    %dma_wait3A_477 = arith.constant 0 : i32
    %dma_wait3A_478 = arith.constant 0 : i32
    %dma_wait3A_479 = tpu.memref_slice %arg8[%dma_wait3A_476, %dma_wait3A_477, %dma_wait3A_478] : memref<3x128x128xf32, #tpu.memory_space<vmem>> -> memref<1x120x128xf32, #tpu.memory_space<vmem>>
    %dma_wait3A_480 = tpu.memref_squeeze %dma_wait3A_479 : memref<1x120x128xf32, #tpu.memory_space<vmem>> -> memref<120x128xf32, #tpu.memory_space<vmem>>
    %dma_wait3A_481 = arith.constant 0 : i32
    %dma_wait3A_482 = tpu.memref_slice %arg5[%arg0, %add3A_475, %dma_wait3A_481] : memref<2x10112x128xf32, #tpu.memory_space<hbm>> -> memref<1x120x128xf32, #tpu.memory_space<hbm>>
    %dma_wait3A_483 = tpu.memref_squeeze %dma_wait3A_482 : memref<1x120x128xf32, #tpu.memory_space<hbm>> -> memref<120x128xf32, #tpu.memory_space<hbm>>
    %dma_wait3A_484 = arith.constant 0 : i32
    %dma_wait3A_485 = tpu.memref_slice %arg5[%arg0, %add3A_475, %dma_wait3A_484] : memref<2x10112x128xf32, #tpu.memory_space<hbm>> -> memref<1x120x128xf32, #tpu.memory_space<hbm>>
    %dma_wait3A_486 = tpu.memref_squeeze %dma_wait3A_485 : memref<1x120x128xf32, #tpu.memory_space<hbm>> -> memref<120x128xf32, #tpu.memory_space<hbm>>
    %dma_wait3A_487 = arith.constant 0 : i32
    %dma_wait3A_488 = arith.constant 0 : i32
    %dma_wait3A_489 = tpu.memref_slice %arg8[%dma_wait3A_476, %dma_wait3A_487, %dma_wait3A_488] : memref<3x128x128xf32, #tpu.memory_space<vmem>> -> memref<1x120x128xf32, #tpu.memory_space<vmem>>
    %dma_wait3A_490 = tpu.memref_squeeze %dma_wait3A_489 : memref<1x120x128xf32, #tpu.memory_space<vmem>> -> memref<120x128xf32, #tpu.memory_space<vmem>>
    tpu.wait_dma2 semaphore(%arg11 : memref<!tpu.dma_semaphore, #tpu.memory_space<semaphore_mem>>) src(%dma_wait3A_490 : memref<120x128xf32, #tpu.memory_space<vmem>>) dst(%dma_wait3A_486 : memref<120x128xf32, #tpu.memory_space<hbm>>)
    return
  }
}

#map = affine_map<(d0, d1) -> (0, 0, 0)>
#map1 = affine_map<(d0, d1) -> (0)>
module attributes {stable_mosaic.version = 14 : i64} {
  func.func @_deg_kernel(%arg0: i32, %arg1: i32, %arg2: memref<32x79x128xi32, #tpu.memory_space<hbm>>, %arg3: memref<20224xf32, #tpu.memory_space<hbm>>, %arg4: memref<79x128xi32, #tpu.memory_space<vmem>>, %arg5: memref<128xf32, #tpu.memory_space<vmem>>, %arg6: memref<632xf32, #tpu.memory_space<vmem>>, %arg7: memref<10112xf32, #tpu.memory_space<vmem_shared>>, %arg8: memref<!tpu.dma_semaphore, #tpu.memory_space<semaphore_mem>>) attributes {dimension_semantics = [#tpu.dimension_semantics<core_parallel>, #tpu.dimension_semantics<subcore_parallel>], iteration_bounds = array<i64: 2, 16>, scalar_prefetch = 0 : i64, scratch_operands = 5 : i64, tpu.core_type = #tpu.core_type<sc_vector_subcore>, window_params = [{transform_indices = #map}, {transform_indices = #map1}]} {
    %mul3A = arith.constant 16 : i32
    %mul3A_0 = arith.muli %arg0, %mul3A : i32
    %add3A = arith.addi %mul3A_0, %arg1 : i32
    %broadcast_in_dim3A = arith.constant 1.000000e+00 : f32
    %broadcast_in_dim3A_1 = vector.broadcast %broadcast_in_dim3A : f32 to vector<16xf32>
    %swap3A = arith.constant 0 : index
    %swap3A_2 = tpu.vector_load %arg5[%swap3A] {strides = array<i32>} : memref<128xf32, #tpu.memory_space<vmem>>, vector<16xf32>,
    %swap3A_3 = vector.shape_cast %swap3A_2 : vector<16xf32> to vector<16xf32>
    %swap3A_4 = vector.shape_cast %broadcast_in_dim3A_1 : vector<16xf32> to vector<16xf32>
    tpu.vector_store %arg5[%swap3A], %swap3A_4 {strides = array<i32>} : memref<128xf32, #tpu.memory_space<vmem>>, vector<16xf32>,
    %broadcast_in_dim3A_5 = arith.constant 1.000000e+00 : f32
    %broadcast_in_dim3A_6 = vector.broadcast %broadcast_in_dim3A_5 : f32 to vector<16xf32>
    %swap3A_7 = arith.constant 16 : index
    %swap3A_8 = tpu.vector_load %arg5[%swap3A_7] {strides = array<i32>} : memref<128xf32, #tpu.memory_space<vmem>>, vector<16xf32>,
    %swap3A_9 = vector.shape_cast %swap3A_8 : vector<16xf32> to vector<16xf32>
    %swap3A_10 = vector.shape_cast %broadcast_in_dim3A_6 : vector<16xf32> to vector<16xf32>
    tpu.vector_store %arg5[%swap3A_7], %swap3A_10 {strides = array<i32>} : memref<128xf32, #tpu.memory_space<vmem>>, vector<16xf32>,
    %broadcast_in_dim3A_11 = arith.constant 1.000000e+00 : f32
    %broadcast_in_dim3A_12 = vector.broadcast %broadcast_in_dim3A_11 : f32 to vector<16xf32>
    %swap3A_13 = arith.constant 32 : index
    %swap3A_14 = tpu.vector_load %arg5[%swap3A_13] {strides = array<i32>} : memref<128xf32, #tpu.memory_space<vmem>>, vector<16xf32>,
    %swap3A_15 = vector.shape_cast %swap3A_14 : vector<16xf32> to vector<16xf32>
    %swap3A_16 = vector.shape_cast %broadcast_in_dim3A_12 : vector<16xf32> to vector<16xf32>
    tpu.vector_store %arg5[%swap3A_13], %swap3A_16 {strides = array<i32>} : memref<128xf32, #tpu.memory_space<vmem>>, vector<16xf32>,
    %broadcast_in_dim3A_17 = arith.constant 1.000000e+00 : f32
    %broadcast_in_dim3A_18 = vector.broadcast %broadcast_in_dim3A_17 : f32 to vector<16xf32>
    %swap3A_19 = arith.constant 48 : index
    %swap3A_20 = tpu.vector_load %arg5[%swap3A_19] {strides = array<i32>} : memref<128xf32, #tpu.memory_space<vmem>>, vector<16xf32>,
    %swap3A_21 = vector.shape_cast %swap3A_20 : vector<16xf32> to vector<16xf32>
    %swap3A_22 = vector.shape_cast %broadcast_in_dim3A_18 : vector<16xf32> to vector<16xf32>
    tpu.vector_store %arg5[%swap3A_19], %swap3A_22 {strides = array<i32>} : memref<128xf32, #tpu.memory_space<vmem>>, vector<16xf32>,
    %broadcast_in_dim3A_23 = arith.constant 1.000000e+00 : f32
    %broadcast_in_dim3A_24 = vector.broadcast %broadcast_in_dim3A_23 : f32 to vector<16xf32>
    %swap3A_25 = arith.constant 64 : index
    %swap3A_26 = tpu.vector_load %arg5[%swap3A_25] {strides = array<i32>} : memref<128xf32, #tpu.memory_space<vmem>>, vector<16xf32>,
    %swap3A_27 = vector.shape_cast %swap3A_26 : vector<16xf32> to vector<16xf32>
    %swap3A_28 = vector.shape_cast %broadcast_in_dim3A_24 : vector<16xf32> to vector<16xf32>
    tpu.vector_store %arg5[%swap3A_25], %swap3A_28 {strides = array<i32>} : memref<128xf32, #tpu.memory_space<vmem>>, vector<16xf32>,
    %broadcast_in_dim3A_29 = arith.constant 1.000000e+00 : f32
    %broadcast_in_dim3A_30 = vector.broadcast %broadcast_in_dim3A_29 : f32 to vector<16xf32>
    %swap3A_31 = arith.constant 80 : index
    %swap3A_32 = tpu.vector_load %arg5[%swap3A_31] {strides = array<i32>} : memref<128xf32, #tpu.memory_space<vmem>>, vector<16xf32>,
    %swap3A_33 = vector.shape_cast %swap3A_32 : vector<16xf32> to vector<16xf32>
    %swap3A_34 = vector.shape_cast %broadcast_in_dim3A_30 : vector<16xf32> to vector<16xf32>
    tpu.vector_store %arg5[%swap3A_31], %swap3A_34 {strides = array<i32>} : memref<128xf32, #tpu.memory_space<vmem>>, vector<16xf32>,
    %broadcast_in_dim3A_35 = arith.constant 1.000000e+00 : f32
    %broadcast_in_dim3A_36 = vector.broadcast %broadcast_in_dim3A_35 : f32 to vector<16xf32>
    %swap3A_37 = arith.constant 96 : index
    %swap3A_38 = tpu.vector_load %arg5[%swap3A_37] {strides = array<i32>} : memref<128xf32, #tpu.memory_space<vmem>>, vector<16xf32>,
    %swap3A_39 = vector.shape_cast %swap3A_38 : vector<16xf32> to vector<16xf32>
    %swap3A_40 = vector.shape_cast %broadcast_in_dim3A_36 : vector<16xf32> to vector<16xf32>
    tpu.vector_store %arg5[%swap3A_37], %swap3A_40 {strides = array<i32>} : memref<128xf32, #tpu.memory_space<vmem>>, vector<16xf32>,
    %broadcast_in_dim3A_41 = arith.constant 1.000000e+00 : f32
    %broadcast_in_dim3A_42 = vector.broadcast %broadcast_in_dim3A_41 : f32 to vector<16xf32>
    %swap3A_43 = arith.constant 112 : index
    %swap3A_44 = tpu.vector_load %arg5[%swap3A_43] {strides = array<i32>} : memref<128xf32, #tpu.memory_space<vmem>>, vector<16xf32>,
    %swap3A_45 = vector.shape_cast %swap3A_44 : vector<16xf32> to vector<16xf32>
    %swap3A_46 = vector.shape_cast %broadcast_in_dim3A_42 : vector<16xf32> to vector<16xf32>
    tpu.vector_store %arg5[%swap3A_43], %swap3A_46 {strides = array<i32>} : memref<128xf32, #tpu.memory_space<vmem>>, vector<16xf32>,
    %scan3A = arith.constant 0 : i32
    %scan3A_47 = arith.constant 0 : i32
    %scan3A_48 = arith.constant 39 : i32
    %scan3A_49 = arith.addi %scan3A_47, %scan3A_48 : i32
    %scan3A_50 = arith.constant 1 : i32
    scf.for %scan3A_81 = %scan3A_47 to %scan3A_49 step %scan3A_50  : i32 {
      %broadcast_in_dim3A_82 = arith.constant 0.000000e+00 : f32
      %broadcast_in_dim3A_83 = vector.broadcast %broadcast_in_dim3A_82 : f32 to vector<16xf32>
      %mul3A_84 = arith.constant 16 : i32
      %mul3A_85 = arith.muli %scan3A_81, %mul3A_84 : i32
      %swap3A_86 = arith.index_cast %mul3A_85 : i32 to index
      %swap3A_87 = tpu.vector_load %arg6[%swap3A_86] {strides = array<i32>} : memref<632xf32, #tpu.memory_space<vmem>>, vector<16xf32>,
      %swap3A_88 = vector.shape_cast %swap3A_87 : vector<16xf32> to vector<16xf32>
      %swap3A_89 = vector.shape_cast %broadcast_in_dim3A_83 : vector<16xf32> to vector<16xf32>
      tpu.vector_store %arg6[%swap3A_86], %swap3A_89 {strides = array<i32>} : memref<632xf32, #tpu.memory_space<vmem>>, vector<16xf32>,
    }
    %scan3A_51 = arith.constant 39 : i32
    %broadcast_in_dim3A_52 = arith.constant 0.000000e+00 : f32
    %broadcast_in_dim3A_53 = vector.broadcast %broadcast_in_dim3A_52 : f32 to vector<16xf32>
    %swap3A_54 = arith.constant 616 : index
    %swap3A_55 = tpu.vector_load %arg6[%swap3A_54] {strides = array<i32>} : memref<632xf32, #tpu.memory_space<vmem>>, vector<16xf32>,
    %swap3A_56 = vector.shape_cast %swap3A_55 : vector<16xf32> to vector<16xf32>
    %swap3A_57 = vector.shape_cast %broadcast_in_dim3A_53 : vector<16xf32> to vector<16xf32>
    tpu.vector_store %arg6[%swap3A_54], %swap3A_57 {strides = array<i32>} : memref<632xf32, #tpu.memory_space<vmem>>, vector<16xf32>,
    %mul3A_58 = arith.constant 632 : i32
    %mul3A_59 = arith.muli %arg1, %mul3A_58 : i32
    "tpu.region"() ({
      %run_scoped3A = tpu.sem_alloc : memref<!tpu.dma_semaphore, #tpu.memory_space<semaphore_mem>>
      %dma_start3A = tpu.memref_slice %arg7[%mul3A_59] : memref<10112xf32, #tpu.memory_space<vmem_shared>> -> memref<632xf32, #tpu.memory_space<vmem_shared>>
      %dma_start3A_81 = tpu.memref_slice %arg7[%mul3A_59] : memref<10112xf32, #tpu.memory_space<vmem_shared>> -> memref<632xf32, #tpu.memory_space<vmem_shared>>
      tpu.enqueue_dma source(%arg6 : memref<632xf32, #tpu.memory_space<vmem>>) target(%dma_start3A_81 : memref<632xf32, #tpu.memory_space<vmem_shared>>) target_semaphore(%run_scoped3A : memref<!tpu.dma_semaphore, #tpu.memory_space<semaphore_mem>>)
      %dma_wait3A_82 = tpu.memref_slice %arg7[%mul3A_59] : memref<10112xf32, #tpu.memory_space<vmem_shared>> -> memref<632xf32, #tpu.memory_space<vmem_shared>>
      %dma_wait3A_83 = tpu.memref_slice %arg7[%mul3A_59] : memref<10112xf32, #tpu.memory_space<vmem_shared>> -> memref<632xf32, #tpu.memory_space<vmem_shared>>
      tpu.wait_dma2 semaphore(%run_scoped3A : memref<!tpu.dma_semaphore, #tpu.memory_space<semaphore_mem>>) src(%arg6 : memref<632xf32, #tpu.memory_space<vmem>>) dst(%dma_wait3A_83 : memref<632xf32, #tpu.memory_space<vmem_shared>>)
      tpu.yield
    }) : () -> ()
    "tpu.region"() ({
      %run_scoped3A = tpu.sem_alloc : memref<!tpu.dma_semaphore, #tpu.memory_space<semaphore_mem>>
      %dma_start3A = arith.constant 0 : i32
      %dma_start3A_81 = arith.constant 0 : i32
      %dma_start3A_82 = tpu.memref_slice %arg2[%add3A, %dma_start3A, %dma_start3A_81] : memref<32x79x128xi32, #tpu.memory_space<hbm>> -> memref<1x79x128xi32, #tpu.memory_space<hbm>>
      %dma_start3A_83 = tpu.memref_squeeze %dma_start3A_82 : memref<1x79x128xi32, #tpu.memory_space<hbm>> -> memref<79x128xi32, #tpu.memory_space<hbm>>
      %dma_start3A_84 = arith.constant 0 : i32
      %dma_start3A_85 = arith.constant 0 : i32
      %dma_start3A_86 = tpu.memref_slice %arg2[%add3A, %dma_start3A_84, %dma_start3A_85] : memref<32x79x128xi32, #tpu.memory_space<hbm>> -> memref<1x79x128xi32, #tpu.memory_space<hbm>>
      %dma_start3A_87 = tpu.memref_squeeze %dma_start3A_86 : memref<1x79x128xi32, #tpu.memory_space<hbm>> -> memref<79x128xi32, #tpu.memory_space<hbm>>
      tpu.enqueue_dma source(%dma_start3A_87 : memref<79x128xi32, #tpu.memory_space<hbm>>) target(%arg4 : memref<79x128xi32, #tpu.memory_space<vmem>>) target_semaphore(%run_scoped3A : memref<!tpu.dma_semaphore, #tpu.memory_space<semaphore_mem>>)
      %dma_wait3A_88 = arith.constant 0 : i32
      %dma_wait3A_89 = arith.constant 0 : i32
      %dma_wait3A_90 = tpu.memref_slice %arg2[%add3A, %dma_wait3A_88, %dma_wait3A_89] : memref<32x79x128xi32, #tpu.memory_space<hbm>> -> memref<1x79x128xi32, #tpu.memory_space<hbm>>
      %dma_wait3A_91 = tpu.memref_squeeze %dma_wait3A_90 : memref<1x79x128xi32, #tpu.memory_space<hbm>> -> memref<79x128xi32, #tpu.memory_space<hbm>>
      %dma_wait3A_92 = arith.constant 0 : i32
      %dma_wait3A_93 = arith.constant 0 : i32
      %dma_wait3A_94 = tpu.memref_slice %arg2[%add3A, %dma_wait3A_92, %dma_wait3A_93] : memref<32x79x128xi32, #tpu.memory_space<hbm>> -> memref<1x79x128xi32, #tpu.memory_space<hbm>>
      %dma_wait3A_95 = tpu.memref_squeeze %dma_wait3A_94 : memref<1x79x128xi32, #tpu.memory_space<hbm>> -> memref<79x128xi32, #tpu.memory_space<hbm>>
      tpu.wait_dma2 semaphore(%run_scoped3A : memref<!tpu.dma_semaphore, #tpu.memory_space<semaphore_mem>>) src(%dma_wait3A_95 : memref<79x128xi32, #tpu.memory_space<hbm>>) dst(%arg4 : memref<79x128xi32, #tpu.memory_space<vmem>>)
      tpu.yield
    }) : () -> ()
    %barrier3A = arith.constant 0 : index
    tpu.barrier barrier_id(%barrier3A)
    %scan3A_60 = arith.constant 0 : i32
    %scan3A_61 = arith.constant 0 : i32
    %scan3A_62 = arith.constant 79 : i32
    %scan3A_63 = arith.addi %scan3A_61, %scan3A_62 : i32
    %scan3A_64 = arith.constant 1 : i32
    scf.for %scan3A_81 = %scan3A_61 to %scan3A_63 step %scan3A_64  : i32 {
      %dma_start3A = arith.constant 0 : i32
      %dma_start3A_82 = tpu.memref_slice %arg4[%scan3A_81, %dma_start3A] : memref<79x128xi32, #tpu.memory_space<vmem>> -> memref<1x128xi32, #tpu.memory_space<vmem>>
      %dma_start3A_83 = tpu.memref_squeeze %dma_start3A_82 : memref<1x128xi32, #tpu.memory_space<vmem>> -> memref<128xi32, #tpu.memory_space<vmem>>
      %dma_start3A_84 = arith.constant 0 : i32
      %dma_start3A_85 = tpu.memref_slice %arg7[%dma_start3A_84] : memref<10112xf32, #tpu.memory_space<vmem_shared>> -> memref<10112xf32, #tpu.memory_space<vmem_shared>>
      tpu.enqueue_indirect_dma source(%arg5 : memref<128xf32, #tpu.memory_space<vmem>>) target(%dma_start3A_85 : memref<10112xf32, #tpu.memory_space<vmem_shared>>) offsets(%dma_start3A_83 : memref<128xi32, #tpu.memory_space<vmem>>) semaphore(%arg8 : memref<!tpu.dma_semaphore, #tpu.memory_space<semaphore_mem>>) {add = true}
    }
    %scan3A_65 = arith.constant 79 : i32
    %dma_wait3A = arith.constant 0 : i32
    %dma_wait3A_66 = arith.constant 0 : i32
    %dma_wait3A_67 = tpu.memref_slice %arg2[%add3A, %dma_wait3A, %dma_wait3A_66] : memref<32x79x128xi32, #tpu.memory_space<hbm>> -> memref<1x79x128xi32, #tpu.memory_space<hbm>>
    %dma_wait3A_68 = tpu.memref_squeeze %dma_wait3A_67 : memref<1x79x128xi32, #tpu.memory_space<hbm>> -> memref<79x128xi32, #tpu.memory_space<hbm>>
    %dma_wait3A_69 = arith.constant 0 : i32
    %dma_wait3A_70 = arith.constant 0 : i32
    %dma_wait3A_71 = tpu.memref_slice %arg2[%add3A, %dma_wait3A_69, %dma_wait3A_70] : memref<32x79x128xi32, #tpu.memory_space<hbm>> -> memref<1x79x128xi32, #tpu.memory_space<hbm>>
    %dma_wait3A_72 = tpu.memref_squeeze %dma_wait3A_71 : memref<1x79x128xi32, #tpu.memory_space<hbm>> -> memref<79x128xi32, #tpu.memory_space<hbm>>
    tpu.wait_dma2 semaphore(%arg8 : memref<!tpu.dma_semaphore, #tpu.memory_space<semaphore_mem>>) src(%dma_wait3A_72 : memref<79x128xi32, #tpu.memory_space<hbm>>) dst(%arg4 : memref<79x128xi32, #tpu.memory_space<vmem>>)
    %barrier3A_73 = arith.constant 0 : index
    tpu.barrier barrier_id(%barrier3A_73)
    %mul3A_74 = arith.constant 632 : i32
    %mul3A_75 = arith.muli %arg1, %mul3A_74 : i32
    "tpu.region"() ({
      %run_scoped3A = tpu.sem_alloc : memref<!tpu.dma_semaphore, #tpu.memory_space<semaphore_mem>>
      %dma_start3A = tpu.memref_slice %arg7[%mul3A_75] : memref<10112xf32, #tpu.memory_space<vmem_shared>> -> memref<632xf32, #tpu.memory_space<vmem_shared>>
      %dma_start3A_81 = tpu.memref_slice %arg7[%mul3A_75] : memref<10112xf32, #tpu.memory_space<vmem_shared>> -> memref<632xf32, #tpu.memory_space<vmem_shared>>
      tpu.enqueue_dma source(%dma_start3A_81 : memref<632xf32, #tpu.memory_space<vmem_shared>>) target(%arg6 : memref<632xf32, #tpu.memory_space<vmem>>) target_semaphore(%run_scoped3A : memref<!tpu.dma_semaphore, #tpu.memory_space<semaphore_mem>>)
      %dma_wait3A_82 = tpu.memref_slice %arg7[%mul3A_75] : memref<10112xf32, #tpu.memory_space<vmem_shared>> -> memref<632xf32, #tpu.memory_space<vmem_shared>>
      %dma_wait3A_83 = tpu.memref_slice %arg7[%mul3A_75] : memref<10112xf32, #tpu.memory_space<vmem_shared>> -> memref<632xf32, #tpu.memory_space<vmem_shared>>
      tpu.wait_dma2 semaphore(%run_scoped3A : memref<!tpu.dma_semaphore, #tpu.memory_space<semaphore_mem>>) src(%dma_wait3A_83 : memref<632xf32, #tpu.memory_space<vmem_shared>>) dst(%arg6 : memref<632xf32, #tpu.memory_space<vmem>>)
      tpu.yield
    }) : () -> ()
    %mul3A_76 = arith.constant 10112 : i32
    %mul3A_77 = arith.muli %arg0, %mul3A_76 : i32
    %mul3A_78 = arith.constant 632 : i32
    %mul3A_79 = arith.muli %arg1, %mul3A_78 : i32
    %add3A_80 = arith.addi %mul3A_77, %mul3A_79 : i32
    "tpu.region"() ({
      %run_scoped3A = tpu.sem_alloc : memref<!tpu.dma_semaphore, #tpu.memory_space<semaphore_mem>>
      %dma_start3A = tpu.memref_slice %arg3[%add3A_80] : memref<20224xf32, #tpu.memory_space<hbm>> -> memref<632xf32, #tpu.memory_space<hbm>>
      %dma_start3A_81 = tpu.memref_slice %arg3[%add3A_80] : memref<20224xf32, #tpu.memory_space<hbm>> -> memref<632xf32, #tpu.memory_space<hbm>>
      tpu.enqueue_dma source(%arg6 : memref<632xf32, #tpu.memory_space<vmem>>) target(%dma_start3A_81 : memref<632xf32, #tpu.memory_space<hbm>>) target_semaphore(%run_scoped3A : memref<!tpu.dma_semaphore, #tpu.memory_space<semaphore_mem>>)
      %dma_wait3A_82 = tpu.memref_slice %arg3[%add3A_80] : memref<20224xf32, #tpu.memory_space<hbm>> -> memref<632xf32, #tpu.memory_space<hbm>>
      %dma_wait3A_83 = tpu.memref_slice %arg3[%add3A_80] : memref<20224xf32, #tpu.memory_space<hbm>> -> memref<632xf32, #tpu.memory_space<hbm>>
      tpu.wait_dma2 semaphore(%run_scoped3A : memref<!tpu.dma_semaphore, #tpu.memory_space<semaphore_mem>>) src(%arg6 : memref<632xf32, #tpu.memory_space<vmem>>) dst(%dma_wait3A_83 : memref<632xf32, #tpu.memory_space<hbm>>)
      tpu.yield
    }) : () -> ()
    return
  }
}

#map = affine_map<(d0, d1) -> (0, 0)>
#map1 = affine_map<(d0, d1) -> (0, 0, 0)>
module attributes {stable_mosaic.version = 14 : i64} {
  func.func @k(%arg0: i32, %arg1: i32, %arg2: memref<10112x128xf32, #tpu.memory_space<hbm>>, %arg3: memref<32x79x128xi32, #tpu.memory_space<hbm>>, %arg4: memref<32x79x128xi32, #tpu.memory_space<hbm>>, %arg5: memref<2x10112x128xf32, #tpu.memory_space<hbm>>, %arg6: memref<3x128xi32, #tpu.memory_space<vmem>>, %arg7: memref<4x128xi32, #tpu.memory_space<vmem>>, %arg8: memref<3x128x128xf32, #tpu.memory_space<vmem>>, %arg9: memref<10112x128xf32, #tpu.memory_space<vmem_shared>>, %arg10: memref<!tpu.dma_semaphore, #tpu.memory_space<semaphore_mem>>, %arg11: memref<!tpu.dma_semaphore, #tpu.memory_space<semaphore_mem>>, %arg12: memref<!tpu.dma_semaphore, #tpu.memory_space<semaphore_mem>>) attributes {dimension_semantics = [#tpu.dimension_semantics<core_parallel>, #tpu.dimension_semantics<subcore_parallel>], iteration_bounds = array<i64: 2, 16>, scalar_prefetch = 0 : i64, scratch_operands = 7 : i64, tpu.core_type = #tpu.core_type<sc_vector_subcore>, window_params = [{transform_indices = #map}, {transform_indices = #map1}, {transform_indices = #map1}, {transform_indices = #map1}]} {
    %mul3A = arith.constant 16 : i32
    %mul3A_0 = arith.muli %arg0, %mul3A : i32
    %add3A = arith.addi %mul3A_0, %arg1 : i32
    %scan3A = arith.constant 0 : i32
    %scan3A_1 = arith.constant 0 : i32
    %scan3A_2 = arith.constant 128 : i32
    %scan3A_3 = arith.addi %scan3A_1, %scan3A_2 : i32
    %scan3A_4 = arith.constant 1 : i32
    scf.for %scan3A_491 = %scan3A_1 to %scan3A_3 step %scan3A_4  : i32 {
      %broadcast_in_dim3A = arith.constant 0.000000e+00 : f32
      %broadcast_in_dim3A_492 = vector.broadcast %broadcast_in_dim3A : f32 to vector<16xf32>
      %swap3A = arith.constant 0 : i32
      %swap3A_493 = arith.index_cast %swap3A : i32 to index
      %swap3A_494 = arith.index_cast %scan3A_491 : i32 to index
      %swap3A_495 = arith.constant 0 : index
      %swap3A_496 = tpu.vector_load %arg8[%swap3A_493, %swap3A_494, %swap3A_495] {strides = array<i32>} : memref<3x128x128xf32, #tpu.memory_space<vmem>>, vector<1x1x16xf32>,
      %swap3A_497 = vector.shape_cast %swap3A_496 : vector<1x1x16xf32> to vector<16xf32>
      %swap3A_498 = vector.shape_cast %broadcast_in_dim3A_492 : vector<16xf32> to vector<1x1x16xf32>
      tpu.vector_store %arg8[%swap3A_493, %swap3A_494, %swap3A_495], %swap3A_498 {strides = array<i32>} : memref<3x128x128xf32, #tpu.memory_space<vmem>>, vector<1x1x16xf32>,
      %broadcast_in_dim3A_499 = arith.constant 0.000000e+00 : f32
      %broadcast_in_dim3A_500 = vector.broadcast %broadcast_in_dim3A_499 : f32 to vector<16xf32>
      %swap3A_501 = arith.constant 0 : i32
      %swap3A_502 = arith.index_cast %swap3A_501 : i32 to index
      %swap3A_503 = arith.index_cast %scan3A_491 : i32 to index
      %swap3A_504 = arith.constant 16 : index
      %swap3A_505 = tpu.vector_load %arg8[%swap3A_502, %swap3A_503, %swap3A_504] {strides = array<i32>} : memref<3x128x128xf32, #tpu.memory_space<vmem>>, vector<1x1x16xf32>,
      %swap3A_506 = vector.shape_cast %swap3A_505 : vector<1x1x16xf32> to vector<16xf32>
      %swap3A_507 = vector.shape_cast %broadcast_in_dim3A_500 : vector<16xf32> to vector<1x1x16xf32>
      tpu.vector_store %arg8[%swap3A_502, %swap3A_503, %swap3A_504], %swap3A_507 {strides = array<i32>} : memref<3x128x128xf32, #tpu.memory_space<vmem>>, vector<1x1x16xf32>,
      %broadcast_in_dim3A_508 = arith.constant 0.000000e+00 : f32
      %broadcast_in_dim3A_509 = vector.broadcast %broadcast_in_dim3A_508 : f32 to vector<16xf32>
      %swap3A_510 = arith.constant 0 : i32
      %swap3A_511 = arith.index_cast %swap3A_510 : i32 to index
      %swap3A_512 = arith.index_cast %scan3A_491 : i32 to index
      %swap3A_513 = arith.constant 32 : index
      %swap3A_514 = tpu.vector_load %arg8[%swap3A_511, %swap3A_512, %swap3A_513] {strides = array<i32>} : memref<3x128x128xf32, #tpu.memory_space<vmem>>, vector<1x1x16xf32>,
      %swap3A_515 = vector.shape_cast %swap3A_514 : vector<1x1x16xf32> to vector<16xf32>
      %swap3A_516 = vector.shape_cast %broadcast_in_dim3A_509 : vector<16xf32> to vector<1x1x16xf32>
      tpu.vector_store %arg8[%swap3A_511, %swap3A_512, %swap3A_513], %swap3A_516 {strides = array<i32>} : memref<3x128x128xf32, #tpu.memory_space<vmem>>, vector<1x1x16xf32>,
      %broadcast_in_dim3A_517 = arith.constant 0.000000e+00 : f32
      %broadcast_in_dim3A_518 = vector.broadcast %broadcast_in_dim3A_517 : f32 to vector<16xf32>
      %swap3A_519 = arith.constant 0 : i32
      %swap3A_520 = arith.index_cast %swap3A_519 : i32 to index
      %swap3A_521 = arith.index_cast %scan3A_491 : i32 to index
      %swap3A_522 = arith.constant 48 : index
      %swap3A_523 = tpu.vector_load %arg8[%swap3A_520, %swap3A_521, %swap3A_522] {strides = array<i32>} : memref<3x128x128xf32, #tpu.memory_space<vmem>>, vector<1x1x16xf32>,
      %swap3A_524 = vector.shape_cast %swap3A_523 : vector<1x1x16xf32> to vector<16xf32>
      %swap3A_525 = vector.shape_cast %broadcast_in_dim3A_518 : vector<16xf32> to vector<1x1x16xf32>
      tpu.vector_store %arg8[%swap3A_520, %swap3A_521, %swap3A_522], %swap3A_525 {strides = array<i32>} : memref<3x128x128xf32, #tpu.memory_space<vmem>>, vector<1x1x16xf32>,
      %broadcast_in_dim3A_526 = arith.constant 0.000000e+00 : f32
      %broadcast_in_dim3A_527 = vector.broadcast %broadcast_in_dim3A_526 : f32 to vector<16xf32>
      %swap3A_528 = arith.constant 0 : i32
      %swap3A_529 = arith.index_cast %swap3A_528 : i32 to index
      %swap3A_530 = arith.index_cast %scan3A_491 : i32 to index
      %swap3A_531 = arith.constant 64 : index
      %swap3A_532 = tpu.vector_load %arg8[%swap3A_529, %swap3A_530, %swap3A_531] {strides = array<i32>} : memref<3x128x128xf32, #tpu.memory_space<vmem>>, vector<1x1x16xf32>,
      %swap3A_533 = vector.shape_cast %swap3A_532 : vector<1x1x16xf32> to vector<16xf32>
      %swap3A_534 = vector.shape_cast %broadcast_in_dim3A_527 : vector<16xf32> to vector<1x1x16xf32>
      tpu.vector_store %arg8[%swap3A_529, %swap3A_530, %swap3A_531], %swap3A_534 {strides = array<i32>} : memref<3x128x128xf32, #tpu.memory_space<vmem>>, vector<1x1x16xf32>,
      %broadcast_in_dim3A_535 = arith.constant 0.000000e+00 : f32
      %broadcast_in_dim3A_536 = vector.broadcast %broadcast_in_dim3A_535 : f32 to vector<16xf32>
      %swap3A_537 = arith.constant 0 : i32
      %swap3A_538 = arith.index_cast %swap3A_537 : i32 to index
      %swap3A_539 = arith.index_cast %scan3A_491 : i32 to index
      %swap3A_540 = arith.constant 80 : index
      %swap3A_541 = tpu.vector_load %arg8[%swap3A_538, %swap3A_539, %swap3A_540] {strides = array<i32>} : memref<3x128x128xf32, #tpu.memory_space<vmem>>, vector<1x1x16xf32>,
      %swap3A_542 = vector.shape_cast %swap3A_541 : vector<1x1x16xf32> to vector<16xf32>
      %swap3A_543 = vector.shape_cast %broadcast_in_dim3A_536 : vector<16xf32> to vector<1x1x16xf32>
      tpu.vector_store %arg8[%swap3A_538, %swap3A_539, %swap3A_540], %swap3A_543 {strides = array<i32>} : memref<3x128x128xf32, #tpu.memory_space<vmem>>, vector<1x1x16xf32>,
      %broadcast_in_dim3A_544 = arith.constant 0.000000e+00 : f32
      %broadcast_in_dim3A_545 = vector.broadcast %broadcast_in_dim3A_544 : f32 to vector<16xf32>
      %swap3A_546 = arith.constant 0 : i32
      %swap3A_547 = arith.index_cast %swap3A_546 : i32 to index
      %swap3A_548 = arith.index_cast %scan3A_491 : i32 to index
      %swap3A_549 = arith.constant 96 : index
      %swap3A_550 = tpu.vector_load %arg8[%swap3A_547, %swap3A_548, %swap3A_549] {strides = array<i32>} : memref<3x128x128xf32, #tpu.memory_space<vmem>>, vector<1x1x16xf32>,
      %swap3A_551 = vector.shape_cast %swap3A_550 : vector<1x1x16xf32> to vector<16xf32>
      %swap3A_552 = vector.shape_cast %broadcast_in_dim3A_545 : vector<16xf32> to vector<1x1x16xf32>
      tpu.vector_store %arg8[%swap3A_547, %swap3A_548, %swap3A_549], %swap3A_552 {strides = array<i32>} : memref<3x128x128xf32, #tpu.memory_space<vmem>>, vector<1x1x16xf32>,
      %broadcast_in_dim3A_553 = arith.constant 0.000000e+00 : f32
      %broadcast_in_dim3A_554 = vector.broadcast %broadcast_in_dim3A_553 : f32 to vector<16xf32>
      %swap3A_555 = arith.constant 0 : i32
      %swap3A_556 = arith.index_cast %swap3A_555 : i32 to index
      %swap3A_557 = arith.index_cast %scan3A_491 : i32 to index
      %swap3A_558 = arith.constant 112 : index
      %swap3A_559 = tpu.vector_load %arg8[%swap3A_556, %swap3A_557, %swap3A_558] {strides = array<i32>} : memref<3x128x128xf32, #tpu.memory_space<vmem>>, vector<1x1x16xf32>,
      %swap3A_560 = vector.shape_cast %swap3A_559 : vector<1x1x16xf32> to vector<16xf32>
      %swap3A_561 = vector.shape_cast %broadcast_in_dim3A_554 : vector<16xf32> to vector<1x1x16xf32>
      tpu.vector_store %arg8[%swap3A_556, %swap3A_557, %swap3A_558], %swap3A_561 {strides = array<i32>} : memref<3x128x128xf32, #tpu.memory_space<vmem>>, vector<1x1x16xf32>,
    }
    %scan3A_5 = arith.constant 128 : i32
    %mul3A_6 = arith.constant 632 : i32
    %mul3A_7 = arith.muli %arg1, %mul3A_6 : i32
    %add3A_8 = arith.constant 0 : i32
    %add3A_9 = arith.addi %mul3A_7, %add3A_8 : i32
    %dma_start3A = arith.constant 0 : i32
    %dma_start3A_10 = arith.constant 0 : i32
    %dma_start3A_11 = arith.constant 0 : i32
    %dma_start3A_12 = tpu.memref_slice %arg8[%dma_start3A, %dma_start3A_10, %dma_start3A_11] : memref<3x128x128xf32, #tpu.memory_space<vmem>> -> memref<1x128x128xf32, #tpu.memory_space<vmem>>
    %dma_start3A_13 = tpu.memref_squeeze %dma_start3A_12 : memref<1x128x128xf32, #tpu.memory_space<vmem>> -> memref<128x128xf32, #tpu.memory_space<vmem>>
    %dma_start3A_14 = arith.constant 0 : i32
    %dma_start3A_15 = tpu.memref_slice %arg9[%add3A_9, %dma_start3A_14] : memref<10112x128xf32, #tpu.memory_space<vmem_shared>> -> memref<128x128xf32, #tpu.memory_space<vmem_shared>>
    %dma_start3A_16 = arith.constant 0 : i32
    %dma_start3A_17 = tpu.memref_slice %arg9[%add3A_9, %dma_start3A_16] : memref<10112x128xf32, #tpu.memory_space<vmem_shared>> -> memref<128x128xf32, #tpu.memory_space<vmem_shared>>
    %dma_start3A_18 = arith.constant 0 : i32
    %dma_start3A_19 = arith.constant 0 : i32
    %dma_start3A_20 = tpu.memref_slice %arg8[%dma_start3A, %dma_start3A_18, %dma_start3A_19] : memref<3x128x128xf32, #tpu.memory_space<vmem>> -> memref<1x128x128xf32, #tpu.memory_space<vmem>>
    %dma_start3A_21 = tpu.memref_squeeze %dma_start3A_20 : memref<1x128x128xf32, #tpu.memory_space<vmem>> -> memref<128x128xf32, #tpu.memory_space<vmem>>
    tpu.enqueue_dma source(%dma_start3A_21 : memref<128x128xf32, #tpu.memory_space<vmem>>) target(%dma_start3A_17 : memref<128x128xf32, #tpu.memory_space<vmem_shared>>) target_semaphore(%arg11 : memref<!tpu.dma_semaphore, #tpu.memory_space<semaphore_mem>>)
    %mul3A_22 = arith.constant 632 : i32
    %mul3A_23 = arith.muli %arg1, %mul3A_22 : i32
    %add3A_24 = arith.constant 128 : i32
    %add3A_25 = arith.addi %mul3A_23, %add3A_24 : i32
    %dma_start3A_26 = arith.constant 0 : i32
    %dma_start3A_27 = arith.constant 0 : i32
    %dma_start3A_28 = arith.constant 0 : i32
    %dma_start3A_29 = tpu.memref_slice %arg8[%dma_start3A_26, %dma_start3A_27, %dma_start3A_28] : memref<3x128x128xf32, #tpu.memory_space<vmem>> -> memref<1x128x128xf32, #tpu.memory_space<vmem>>
    %dma_start3A_30 = tpu.memref_squeeze %dma_start3A_29 : memref<1x128x128xf32, #tpu.memory_space<vmem>> -> memref<128x128xf32, #tpu.memory_space<vmem>>
    %dma_start3A_31 = arith.constant 0 : i32
    %dma_start3A_32 = tpu.memref_slice %arg9[%add3A_25, %dma_start3A_31] : memref<10112x128xf32, #tpu.memory_space<vmem_shared>> -> memref<128x128xf32, #tpu.memory_space<vmem_shared>>
    %dma_start3A_33 = arith.constant 0 : i32
    %dma_start3A_34 = tpu.memref_slice %arg9[%add3A_25, %dma_start3A_33] : memref<10112x128xf32, #tpu.memory_space<vmem_shared>> -> memref<128x128xf32, #tpu.memory_space<vmem_shared>>
    %dma_start3A_35 = arith.constant 0 : i32
    %dma_start3A_36 = arith.constant 0 : i32
    %dma_start3A_37 = tpu.memref_slice %arg8[%dma_start3A_26, %dma_start3A_35, %dma_start3A_36] : memref<3x128x128xf32, #tpu.memory_space<vmem>> -> memref<1x128x128xf32, #tpu.memory_space<vmem>>
    %dma_start3A_38 = tpu.memref_squeeze %dma_start3A_37 : memref<1x128x128xf32, #tpu.memory_space<vmem>> -> memref<128x128xf32, #tpu.memory_space<vmem>>
    tpu.enqueue_dma source(%dma_start3A_38 : memref<128x128xf32, #tpu.memory_space<vmem>>) target(%dma_start3A_34 : memref<128x128xf32, #tpu.memory_space<vmem_shared>>) target_semaphore(%arg11 : memref<!tpu.dma_semaphore, #tpu.memory_space<semaphore_mem>>)
    %mul3A_39 = arith.constant 632 : i32
    %mul3A_40 = arith.muli %arg1, %mul3A_39 : i32
    %add3A_41 = arith.constant 256 : i32
    %add3A_42 = arith.addi %mul3A_40, %add3A_41 : i32
    %dma_start3A_43 = arith.constant 0 : i32
    %dma_start3A_44 = arith.constant 0 : i32
    %dma_start3A_45 = arith.constant 0 : i32
    %dma_start3A_46 = tpu.memref_slice %arg8[%dma_start3A_43, %dma_start3A_44, %dma_start3A_45] : memref<3x128x128xf32, #tpu.memory_space<vmem>> -> memref<1x128x128xf32, #tpu.memory_space<vmem>>
    %dma_start3A_47 = tpu.memref_squeeze %dma_start3A_46 : memref<1x128x128xf32, #tpu.memory_space<vmem>> -> memref<128x128xf32, #tpu.memory_space<vmem>>
    %dma_start3A_48 = arith.constant 0 : i32
    %dma_start3A_49 = tpu.memref_slice %arg9[%add3A_42, %dma_start3A_48] : memref<10112x128xf32, #tpu.memory_space<vmem_shared>> -> memref<128x128xf32, #tpu.memory_space<vmem_shared>>
    %dma_start3A_50 = arith.constant 0 : i32
    %dma_start3A_51 = tpu.memref_slice %arg9[%add3A_42, %dma_start3A_50] : memref<10112x128xf32, #tpu.memory_space<vmem_shared>> -> memref<128x128xf32, #tpu.memory_space<vmem_shared>>
    %dma_start3A_52 = arith.constant 0 : i32
    %dma_start3A_53 = arith.constant 0 : i32
    %dma_start3A_54 = tpu.memref_slice %arg8[%dma_start3A_43, %dma_start3A_52, %dma_start3A_53] : memref<3x128x128xf32, #tpu.memory_space<vmem>> -> memref<1x128x128xf32, #tpu.memory_space<vmem>>
    %dma_start3A_55 = tpu.memref_squeeze %dma_start3A_54 : memref<1x128x128xf32, #tpu.memory_space<vmem>> -> memref<128x128xf32, #tpu.memory_space<vmem>>
    tpu.enqueue_dma source(%dma_start3A_55 : memref<128x128xf32, #tpu.memory_space<vmem>>) target(%dma_start3A_51 : memref<128x128xf32, #tpu.memory_space<vmem_shared>>) target_semaphore(%arg11 : memref<!tpu.dma_semaphore, #tpu.memory_space<semaphore_mem>>)
    %mul3A_56 = arith.constant 632 : i32
    %mul3A_57 = arith.muli %arg1, %mul3A_56 : i32
    %add3A_58 = arith.constant 384 : i32
    %add3A_59 = arith.addi %mul3A_57, %add3A_58 : i32
    %dma_start3A_60 = arith.constant 0 : i32
    %dma_start3A_61 = arith.constant 0 : i32
    %dma_start3A_62 = arith.constant 0 : i32
    %dma_start3A_63 = tpu.memref_slice %arg8[%dma_start3A_60, %dma_start3A_61, %dma_start3A_62] : memref<3x128x128xf32, #tpu.memory_space<vmem>> -> memref<1x128x128xf32, #tpu.memory_space<vmem>>
    %dma_start3A_64 = tpu.memref_squeeze %dma_start3A_63 : memref<1x128x128xf32, #tpu.memory_space<vmem>> -> memref<128x128xf32, #tpu.memory_space<vmem>>
    %dma_start3A_65 = arith.constant 0 : i32
    %dma_start3A_66 = tpu.memref_slice %arg9[%add3A_59, %dma_start3A_65] : memref<10112x128xf32, #tpu.memory_space<vmem_shared>> -> memref<128x128xf32, #tpu.memory_space<vmem_shared>>
    %dma_start3A_67 = arith.constant 0 : i32
    %dma_start3A_68 = tpu.memref_slice %arg9[%add3A_59, %dma_start3A_67] : memref<10112x128xf32, #tpu.memory_space<vmem_shared>> -> memref<128x128xf32, #tpu.memory_space<vmem_shared>>
    %dma_start3A_69 = arith.constant 0 : i32
    %dma_start3A_70 = arith.constant 0 : i32
    %dma_start3A_71 = tpu.memref_slice %arg8[%dma_start3A_60, %dma_start3A_69, %dma_start3A_70] : memref<3x128x128xf32, #tpu.memory_space<vmem>> -> memref<1x128x128xf32, #tpu.memory_space<vmem>>
    %dma_start3A_72 = tpu.memref_squeeze %dma_start3A_71 : memref<1x128x128xf32, #tpu.memory_space<vmem>> -> memref<128x128xf32, #tpu.memory_space<vmem>>
    tpu.enqueue_dma source(%dma_start3A_72 : memref<128x128xf32, #tpu.memory_space<vmem>>) target(%dma_start3A_68 : memref<128x128xf32, #tpu.memory_space<vmem_shared>>) target_semaphore(%arg11 : memref<!tpu.dma_semaphore, #tpu.memory_space<semaphore_mem>>)
    %mul3A_73 = arith.constant 632 : i32
    %mul3A_74 = arith.muli %arg1, %mul3A_73 : i32
    %add3A_75 = arith.constant 512 : i32
    %add3A_76 = arith.addi %mul3A_74, %add3A_75 : i32
    %dma_start3A_77 = arith.constant 0 : i32
    %dma_start3A_78 = arith.constant 0 : i32
    %dma_start3A_79 = arith.constant 0 : i32
    %dma_start3A_80 = tpu.memref_slice %arg8[%dma_start3A_77, %dma_start3A_78, %dma_start3A_79] : memref<3x128x128xf32, #tpu.memory_space<vmem>> -> memref<1x120x128xf32, #tpu.memory_space<vmem>>
    %dma_start3A_81 = tpu.memref_squeeze %dma_start3A_80 : memref<1x120x128xf32, #tpu.memory_space<vmem>> -> memref<120x128xf32, #tpu.memory_space<vmem>>
    %dma_start3A_82 = arith.constant 0 : i32
    %dma_start3A_83 = tpu.memref_slice %arg9[%add3A_76, %dma_start3A_82] : memref<10112x128xf32, #tpu.memory_space<vmem_shared>> -> memref<120x128xf32, #tpu.memory_space<vmem_shared>>
    %dma_start3A_84 = arith.constant 0 : i32
    %dma_start3A_85 = tpu.memref_slice %arg9[%add3A_76, %dma_start3A_84] : memref<10112x128xf32, #tpu.memory_space<vmem_shared>> -> memref<120x128xf32, #tpu.memory_space<vmem_shared>>
    %dma_start3A_86 = arith.constant 0 : i32
    %dma_start3A_87 = arith.constant 0 : i32
    %dma_start3A_88 = tpu.memref_slice %arg8[%dma_start3A_77, %dma_start3A_86, %dma_start3A_87] : memref<3x128x128xf32, #tpu.memory_space<vmem>> -> memref<1x120x128xf32, #tpu.memory_space<vmem>>
    %dma_start3A_89 = tpu.memref_squeeze %dma_start3A_88 : memref<1x120x128xf32, #tpu.memory_space<vmem>> -> memref<120x128xf32, #tpu.memory_space<vmem>>
    tpu.enqueue_dma source(%dma_start3A_89 : memref<120x128xf32, #tpu.memory_space<vmem>>) target(%dma_start3A_85 : memref<120x128xf32, #tpu.memory_space<vmem_shared>>) target_semaphore(%arg11 : memref<!tpu.dma_semaphore, #tpu.memory_space<semaphore_mem>>)
    %mul3A_90 = arith.constant 632 : i32
    %mul3A_91 = arith.muli %arg1, %mul3A_90 : i32
    %add3A_92 = arith.constant 0 : i32
    %add3A_93 = arith.addi %mul3A_91, %add3A_92 : i32
    %dma_wait3A = arith.constant 0 : i32
    %dma_wait3A_94 = arith.constant 0 : i32
    %dma_wait3A_95 = arith.constant 0 : i32
    %dma_wait3A_96 = tpu.memref_slice %arg8[%dma_wait3A, %dma_wait3A_94, %dma_wait3A_95] : memref<3x128x128xf32, #tpu.memory_space<vmem>> -> memref<1x128x128xf32, #tpu.memory_space<vmem>>
    %dma_wait3A_97 = tpu.memref_squeeze %dma_wait3A_96 : memref<1x128x128xf32, #tpu.memory_space<vmem>> -> memref<128x128xf32, #tpu.memory_space<vmem>>
    %dma_wait3A_98 = arith.constant 0 : i32
    %dma_wait3A_99 = tpu.memref_slice %arg9[%add3A_93, %dma_wait3A_98] : memref<10112x128xf32, #tpu.memory_space<vmem_shared>> -> memref<128x128xf32, #tpu.memory_space<vmem_shared>>
    %dma_wait3A_100 = arith.constant 0 : i32
    %dma_wait3A_101 = tpu.memref_slice %arg9[%add3A_93, %dma_wait3A_100] : memref<10112x128xf32, #tpu.memory_space<vmem_shared>> -> memref<128x128xf32, #tpu.memory_space<vmem_shared>>
    %dma_wait3A_102 = arith.constant 0 : i32
    %dma_wait3A_103 = arith.constant 0 : i32
    %dma_wait3A_104 = tpu.memref_slice %arg8[%dma_wait3A, %dma_wait3A_102, %dma_wait3A_103] : memref<3x128x128xf32, #tpu.memory_space<vmem>> -> memref<1x128x128xf32, #tpu.memory_space<vmem>>
    %dma_wait3A_105 = tpu.memref_squeeze %dma_wait3A_104 : memref<1x128x128xf32, #tpu.memory_space<vmem>> -> memref<128x128xf32, #tpu.memory_space<vmem>>
    tpu.wait_dma2 semaphore(%arg11 : memref<!tpu.dma_semaphore, #tpu.memory_space<semaphore_mem>>) src(%dma_wait3A_105 : memref<128x128xf32, #tpu.memory_space<vmem>>) dst(%dma_wait3A_101 : memref<128x128xf32, #tpu.memory_space<vmem_shared>>)
    %mul3A_106 = arith.constant 632 : i32
    %mul3A_107 = arith.muli %arg1, %mul3A_106 : i32
    %add3A_108 = arith.constant 128 : i32
    %add3A_109 = arith.addi %mul3A_107, %add3A_108 : i32
    %dma_wait3A_110 = arith.constant 0 : i32
    %dma_wait3A_111 = arith.constant 0 : i32
    %dma_wait3A_112 = arith.constant 0 : i32
    %dma_wait3A_113 = tpu.memref_slice %arg8[%dma_wait3A_110, %dma_wait3A_111, %dma_wait3A_112] : memref<3x128x128xf32, #tpu.memory_space<vmem>> -> memref<1x128x128xf32, #tpu.memory_space<vmem>>
    %dma_wait3A_114 = tpu.memref_squeeze %dma_wait3A_113 : memref<1x128x128xf32, #tpu.memory_space<vmem>> -> memref<128x128xf32, #tpu.memory_space<vmem>>
    %dma_wait3A_115 = arith.constant 0 : i32
    %dma_wait3A_116 = tpu.memref_slice %arg9[%add3A_109, %dma_wait3A_115] : memref<10112x128xf32, #tpu.memory_space<vmem_shared>> -> memref<128x128xf32, #tpu.memory_space<vmem_shared>>
    %dma_wait3A_117 = arith.constant 0 : i32
    %dma_wait3A_118 = tpu.memref_slice %arg9[%add3A_109, %dma_wait3A_117] : memref<10112x128xf32, #tpu.memory_space<vmem_shared>> -> memref<128x128xf32, #tpu.memory_space<vmem_shared>>
    %dma_wait3A_119 = arith.constant 0 : i32
    %dma_wait3A_120 = arith.constant 0 : i32
    %dma_wait3A_121 = tpu.memref_slice %arg8[%dma_wait3A_110, %dma_wait3A_119, %dma_wait3A_120] : memref<3x128x128xf32, #tpu.memory_space<vmem>> -> memref<1x128x128xf32, #tpu.memory_space<vmem>>
    %dma_wait3A_122 = tpu.memref_squeeze %dma_wait3A_121 : memref<1x128x128xf32, #tpu.memory_space<vmem>> -> memref<128x128xf32, #tpu.memory_space<vmem>>
    tpu.wait_dma2 semaphore(%arg11 : memref<!tpu.dma_semaphore, #tpu.memory_space<semaphore_mem>>) src(%dma_wait3A_122 : memref<128x128xf32, #tpu.memory_space<vmem>>) dst(%dma_wait3A_118 : memref<128x128xf32, #tpu.memory_space<vmem_shared>>)
    %mul3A_123 = arith.constant 632 : i32
    %mul3A_124 = arith.muli %arg1, %mul3A_123 : i32
    %add3A_125 = arith.constant 256 : i32
    %add3A_126 = arith.addi %mul3A_124, %add3A_125 : i32
    %dma_wait3A_127 = arith.constant 0 : i32
    %dma_wait3A_128 = arith.constant 0 : i32
    %dma_wait3A_129 = arith.constant 0 : i32
    %dma_wait3A_130 = tpu.memref_slice %arg8[%dma_wait3A_127, %dma_wait3A_128, %dma_wait3A_129] : memref<3x128x128xf32, #tpu.memory_space<vmem>> -> memref<1x128x128xf32, #tpu.memory_space<vmem>>
    %dma_wait3A_131 = tpu.memref_squeeze %dma_wait3A_130 : memref<1x128x128xf32, #tpu.memory_space<vmem>> -> memref<128x128xf32, #tpu.memory_space<vmem>>
    %dma_wait3A_132 = arith.constant 0 : i32
    %dma_wait3A_133 = tpu.memref_slice %arg9[%add3A_126, %dma_wait3A_132] : memref<10112x128xf32, #tpu.memory_space<vmem_shared>> -> memref<128x128xf32, #tpu.memory_space<vmem_shared>>
    %dma_wait3A_134 = arith.constant 0 : i32
    %dma_wait3A_135 = tpu.memref_slice %arg9[%add3A_126, %dma_wait3A_134] : memref<10112x128xf32, #tpu.memory_space<vmem_shared>> -> memref<128x128xf32, #tpu.memory_space<vmem_shared>>
    %dma_wait3A_136 = arith.constant 0 : i32
    %dma_wait3A_137 = arith.constant 0 : i32
    %dma_wait3A_138 = tpu.memref_slice %arg8[%dma_wait3A_127, %dma_wait3A_136, %dma_wait3A_137] : memref<3x128x128xf32, #tpu.memory_space<vmem>> -> memref<1x128x128xf32, #tpu.memory_space<vmem>>
    %dma_wait3A_139 = tpu.memref_squeeze %dma_wait3A_138 : memref<1x128x128xf32, #tpu.memory_space<vmem>> -> memref<128x128xf32, #tpu.memory_space<vmem>>
    tpu.wait_dma2 semaphore(%arg11 : memref<!tpu.dma_semaphore, #tpu.memory_space<semaphore_mem>>) src(%dma_wait3A_139 : memref<128x128xf32, #tpu.memory_space<vmem>>) dst(%dma_wait3A_135 : memref<128x128xf32, #tpu.memory_space<vmem_shared>>)
    %mul3A_140 = arith.constant 632 : i32
    %mul3A_141 = arith.muli %arg1, %mul3A_140 : i32
    %add3A_142 = arith.constant 384 : i32
    %add3A_143 = arith.addi %mul3A_141, %add3A_142 : i32
    %dma_wait3A_144 = arith.constant 0 : i32
    %dma_wait3A_145 = arith.constant 0 : i32
    %dma_wait3A_146 = arith.constant 0 : i32
    %dma_wait3A_147 = tpu.memref_slice %arg8[%dma_wait3A_144, %dma_wait3A_145, %dma_wait3A_146] : memref<3x128x128xf32, #tpu.memory_space<vmem>> -> memref<1x128x128xf32, #tpu.memory_space<vmem>>
    %dma_wait3A_148 = tpu.memref_squeeze %dma_wait3A_147 : memref<1x128x128xf32, #tpu.memory_space<vmem>> -> memref<128x128xf32, #tpu.memory_space<vmem>>
    %dma_wait3A_149 = arith.constant 0 : i32
    %dma_wait3A_150 = tpu.memref_slice %arg9[%add3A_143, %dma_wait3A_149] : memref<10112x128xf32, #tpu.memory_space<vmem_shared>> -> memref<128x128xf32, #tpu.memory_space<vmem_shared>>
    %dma_wait3A_151 = arith.constant 0 : i32
    %dma_wait3A_152 = tpu.memref_slice %arg9[%add3A_143, %dma_wait3A_151] : memref<10112x128xf32, #tpu.memory_space<vmem_shared>> -> memref<128x128xf32, #tpu.memory_space<vmem_shared>>
    %dma_wait3A_153 = arith.constant 0 : i32
    %dma_wait3A_154 = arith.constant 0 : i32
    %dma_wait3A_155 = tpu.memref_slice %arg8[%dma_wait3A_144, %dma_wait3A_153, %dma_wait3A_154] : memref<3x128x128xf32, #tpu.memory_space<vmem>> -> memref<1x128x128xf32, #tpu.memory_space<vmem>>
    %dma_wait3A_156 = tpu.memref_squeeze %dma_wait3A_155 : memref<1x128x128xf32, #tpu.memory_space<vmem>> -> memref<128x128xf32, #tpu.memory_space<vmem>>
    tpu.wait_dma2 semaphore(%arg11 : memref<!tpu.dma_semaphore, #tpu.memory_space<semaphore_mem>>) src(%dma_wait3A_156 : memref<128x128xf32, #tpu.memory_space<vmem>>) dst(%dma_wait3A_152 : memref<128x128xf32, #tpu.memory_space<vmem_shared>>)
    %mul3A_157 = arith.constant 632 : i32
    %mul3A_158 = arith.muli %arg1, %mul3A_157 : i32
    %add3A_159 = arith.constant 512 : i32
    %add3A_160 = arith.addi %mul3A_158, %add3A_159 : i32
    %dma_wait3A_161 = arith.constant 0 : i32
    %dma_wait3A_162 = arith.constant 0 : i32
    %dma_wait3A_163 = arith.constant 0 : i32
    %dma_wait3A_164 = tpu.memref_slice %arg8[%dma_wait3A_161, %dma_wait3A_162, %dma_wait3A_163] : memref<3x128x128xf32, #tpu.memory_space<vmem>> -> memref<1x120x128xf32, #tpu.memory_space<vmem>>
    %dma_wait3A_165 = tpu.memref_squeeze %dma_wait3A_164 : memref<1x120x128xf32, #tpu.memory_space<vmem>> -> memref<120x128xf32, #tpu.memory_space<vmem>>
    %dma_wait3A_166 = arith.constant 0 : i32
    %dma_wait3A_167 = tpu.memref_slice %arg9[%add3A_160, %dma_wait3A_166] : memref<10112x128xf32, #tpu.memory_space<vmem_shared>> -> memref<120x128xf32, #tpu.memory_space<vmem_shared>>
    %dma_wait3A_168 = arith.constant 0 : i32
    %dma_wait3A_169 = tpu.memref_slice %arg9[%add3A_160, %dma_wait3A_168] : memref<10112x128xf32, #tpu.memory_space<vmem_shared>> -> memref<120x128xf32, #tpu.memory_space<vmem_shared>>
    %dma_wait3A_170 = arith.constant 0 : i32
    %dma_wait3A_171 = arith.constant 0 : i32
    %dma_wait3A_172 = tpu.memref_slice %arg8[%dma_wait3A_161, %dma_wait3A_170, %dma_wait3A_171] : memref<3x128x128xf32, #tpu.memory_space<vmem>> -> memref<1x120x128xf32, #tpu.memory_space<vmem>>
    %dma_wait3A_173 = tpu.memref_squeeze %dma_wait3A_172 : memref<1x120x128xf32, #tpu.memory_space<vmem>> -> memref<120x128xf32, #tpu.memory_space<vmem>>
    tpu.wait_dma2 semaphore(%arg11 : memref<!tpu.dma_semaphore, #tpu.memory_space<semaphore_mem>>) src(%dma_wait3A_173 : memref<120x128xf32, #tpu.memory_space<vmem>>) dst(%dma_wait3A_169 : memref<120x128xf32, #tpu.memory_space<vmem_shared>>)
    %run_scoped3A = arith.constant 0 : i32
    %run_scoped3A_174 = arith.constant 0 : i32
    "tpu.region"() ({
      %run_scoped3A_491 = tpu.sem_alloc : memref<!tpu.dma_semaphore, #tpu.memory_space<semaphore_mem>>
      %dma_start3A_492 = arith.constant 0 : i32
      %dma_start3A_493 = tpu.memref_slice %arg6[%run_scoped3A_174, %dma_start3A_492] : memref<3x128xi32, #tpu.memory_space<vmem>> -> memref<1x128xi32, #tpu.memory_space<vmem>>
      %dma_start3A_494 = tpu.memref_squeeze %dma_start3A_493 : memref<1x128xi32, #tpu.memory_space<vmem>> -> memref<128xi32, #tpu.memory_space<vmem>>
      %dma_start3A_495 = arith.constant 0 : i32
      %dma_start3A_496 = tpu.memref_slice %arg3[%add3A, %run_scoped3A, %dma_start3A_495] : memref<32x79x128xi32, #tpu.memory_space<hbm>> -> memref<1x1x128xi32, #tpu.memory_space<hbm>>
      %dma_start3A_497 = tpu.memref_squeeze %dma_start3A_496 : memref<1x1x128xi32, #tpu.memory_space<hbm>> -> memref<128xi32, #tpu.memory_space<hbm>>
      %dma_start3A_498 = arith.constant 0 : i32
      %dma_start3A_499 = tpu.memref_slice %arg6[%run_scoped3A_174, %dma_start3A_498] : memref<3x128xi32, #tpu.memory_space<vmem>> -> memref<1x128xi32, #tpu.memory_space<vmem>>
      %dma_start3A_500 = tpu.memref_squeeze %dma_start3A_499 : memref<1x128xi32, #tpu.memory_space<vmem>> -> memref<128xi32, #tpu.memory_space<vmem>>
      %dma_start3A_501 = arith.constant 0 : i32
      %dma_start3A_502 = tpu.memref_slice %arg3[%add3A, %run_scoped3A, %dma_start3A_501] : memref<32x79x128xi32, #tpu.memory_space<hbm>> -> memref<1x1x128xi32, #tpu.memory_space<hbm>>
      %dma_start3A_503 = tpu.memref_squeeze %dma_start3A_502 : memref<1x1x128xi32, #tpu.memory_space<hbm>> -> memref<128xi32, #tpu.memory_space<hbm>>
      tpu.enqueue_dma source(%dma_start3A_503 : memref<128xi32, #tpu.memory_space<hbm>>) target(%dma_start3A_500 : memref<128xi32, #tpu.memory_space<vmem>>) target_semaphore(%run_scoped3A_491 : memref<!tpu.dma_semaphore, #tpu.memory_space<semaphore_mem>>)
      %dma_wait3A_504 = arith.constant 0 : i32
      %dma_wait3A_505 = tpu.memref_slice %arg6[%run_scoped3A_174, %dma_wait3A_504] : memref<3x128xi32, #tpu.memory_space<vmem>> -> memref<1x128xi32, #tpu.memory_space<vmem>>
      %dma_wait3A_506 = tpu.memref_squeeze %dma_wait3A_505 : memref<1x128xi32, #tpu.memory_space<vmem>> -> memref<128xi32, #tpu.memory_space<vmem>>
      %dma_wait3A_507 = arith.constant 0 : i32
      %dma_wait3A_508 = tpu.memref_slice %arg3[%add3A, %run_scoped3A, %dma_wait3A_507] : memref<32x79x128xi32, #tpu.memory_space<hbm>> -> memref<1x1x128xi32, #tpu.memory_space<hbm>>
      %dma_wait3A_509 = tpu.memref_squeeze %dma_wait3A_508 : memref<1x1x128xi32, #tpu.memory_space<hbm>> -> memref<128xi32, #tpu.memory_space<hbm>>
      %dma_wait3A_510 = arith.constant 0 : i32
      %dma_wait3A_511 = tpu.memref_slice %arg6[%run_scoped3A_174, %dma_wait3A_510] : memref<3x128xi32, #tpu.memory_space<vmem>> -> memref<1x128xi32, #tpu.memory_space<vmem>>
      %dma_wait3A_512 = tpu.memref_squeeze %dma_wait3A_511 : memref<1x128xi32, #tpu.memory_space<vmem>> -> memref<128xi32, #tpu.memory_space<vmem>>
      %dma_wait3A_513 = arith.constant 0 : i32
      %dma_wait3A_514 = tpu.memref_slice %arg3[%add3A, %run_scoped3A, %dma_wait3A_513] : memref<32x79x128xi32, #tpu.memory_space<hbm>> -> memref<1x1x128xi32, #tpu.memory_space<hbm>>
      %dma_wait3A_515 = tpu.memref_squeeze %dma_wait3A_514 : memref<1x1x128xi32, #tpu.memory_space<hbm>> -> memref<128xi32, #tpu.memory_space<hbm>>
      tpu.wait_dma2 semaphore(%run_scoped3A_491 : memref<!tpu.dma_semaphore, #tpu.memory_space<semaphore_mem>>) src(%dma_wait3A_515 : memref<128xi32, #tpu.memory_space<hbm>>) dst(%dma_wait3A_512 : memref<128xi32, #tpu.memory_space<vmem>>)
      tpu.yield
    }) : () -> ()
    %run_scoped3A_175 = arith.constant 0 : i32
    %run_scoped3A_176 = arith.constant 0 : i32
    "tpu.region"() ({
      %run_scoped3A_491 = tpu.sem_alloc : memref<!tpu.dma_semaphore, #tpu.memory_space<semaphore_mem>>
      %dma_start3A_492 = arith.constant 0 : i32
      %dma_start3A_493 = tpu.memref_slice %arg7[%run_scoped3A_176, %dma_start3A_492] : memref<4x128xi32, #tpu.memory_space<vmem>> -> memref<1x128xi32, #tpu.memory_space<vmem>>
      %dma_start3A_494 = tpu.memref_squeeze %dma_start3A_493 : memref<1x128xi32, #tpu.memory_space<vmem>> -> memref<128xi32, #tpu.memory_space<vmem>>
      %dma_start3A_495 = arith.constant 0 : i32
      %dma_start3A_496 = tpu.memref_slice %arg4[%add3A, %run_scoped3A_175, %dma_start3A_495] : memref<32x79x128xi32, #tpu.memory_space<hbm>> -> memref<1x1x128xi32, #tpu.memory_space<hbm>>
      %dma_start3A_497 = tpu.memref_squeeze %dma_start3A_496 : memref<1x1x128xi32, #tpu.memory_space<hbm>> -> memref<128xi32, #tpu.memory_space<hbm>>
      %dma_start3A_498 = arith.constant 0 : i32
      %dma_start3A_499 = tpu.memref_slice %arg7[%run_scoped3A_176, %dma_start3A_498] : memref<4x128xi32, #tpu.memory_space<vmem>> -> memref<1x128xi32, #tpu.memory_space<vmem>>
      %dma_start3A_500 = tpu.memref_squeeze %dma_start3A_499 : memref<1x128xi32, #tpu.memory_space<vmem>> -> memref<128xi32, #tpu.memory_space<vmem>>
      %dma_start3A_501 = arith.constant 0 : i32
      %dma_start3A_502 = tpu.memref_slice %arg4[%add3A, %run_scoped3A_175, %dma_start3A_501] : memref<32x79x128xi32, #tpu.memory_space<hbm>> -> memref<1x1x128xi32, #tpu.memory_space<hbm>>
      %dma_start3A_503 = tpu.memref_squeeze %dma_start3A_502 : memref<1x1x128xi32, #tpu.memory_space<hbm>> -> memref<128xi32, #tpu.memory_space<hbm>>
      tpu.enqueue_dma source(%dma_start3A_503 : memref<128xi32, #tpu.memory_space<hbm>>) target(%dma_start3A_500 : memref<128xi32, #tpu.memory_space<vmem>>) target_semaphore(%run_scoped3A_491 : memref<!tpu.dma_semaphore, #tpu.memory_space<semaphore_mem>>)
      %dma_wait3A_504 = arith.constant 0 : i32
      %dma_wait3A_505 = tpu.memref_slice %arg7[%run_scoped3A_176, %dma_wait3A_504] : memref<4x128xi32, #tpu.memory_space<vmem>> -> memref<1x128xi32, #tpu.memory_space<vmem>>
      %dma_wait3A_506 = tpu.memref_squeeze %dma_wait3A_505 : memref<1x128xi32, #tpu.memory_space<vmem>> -> memref<128xi32, #tpu.memory_space<vmem>>
      %dma_wait3A_507 = arith.constant 0 : i32
      %dma_wait3A_508 = tpu.memref_slice %arg4[%add3A, %run_scoped3A_175, %dma_wait3A_507] : memref<32x79x128xi32, #tpu.memory_space<hbm>> -> memref<1x1x128xi32, #tpu.memory_space<hbm>>
      %dma_wait3A_509 = tpu.memref_squeeze %dma_wait3A_508 : memref<1x1x128xi32, #tpu.memory_space<hbm>> -> memref<128xi32, #tpu.memory_space<hbm>>
      %dma_wait3A_510 = arith.constant 0 : i32
      %dma_wait3A_511 = tpu.memref_slice %arg7[%run_scoped3A_176, %dma_wait3A_510] : memref<4x128xi32, #tpu.memory_space<vmem>> -> memref<1x128xi32, #tpu.memory_space<vmem>>
      %dma_wait3A_512 = tpu.memref_squeeze %dma_wait3A_511 : memref<1x128xi32, #tpu.memory_space<vmem>> -> memref<128xi32, #tpu.memory_space<vmem>>
      %dma_wait3A_513 = arith.constant 0 : i32
      %dma_wait3A_514 = tpu.memref_slice %arg4[%add3A, %run_scoped3A_175, %dma_wait3A_513] : memref<32x79x128xi32, #tpu.memory_space<hbm>> -> memref<1x1x128xi32, #tpu.memory_space<hbm>>
      %dma_wait3A_515 = tpu.memref_squeeze %dma_wait3A_514 : memref<1x1x128xi32, #tpu.memory_space<hbm>> -> memref<128xi32, #tpu.memory_space<hbm>>
      tpu.wait_dma2 semaphore(%run_scoped3A_491 : memref<!tpu.dma_semaphore, #tpu.memory_space<semaphore_mem>>) src(%dma_wait3A_515 : memref<128xi32, #tpu.memory_space<hbm>>) dst(%dma_wait3A_512 : memref<128xi32, #tpu.memory_space<vmem>>)
      tpu.yield
    }) : () -> ()
    %dma_start3A_177 = arith.constant 0 : i32
    %dma_start3A_178 = arith.constant 0 : i32
    %dma_start3A_179 = arith.constant 0 : i32
    %dma_start3A_180 = arith.constant 0 : i32
    %dma_start3A_181 = tpu.memref_slice %arg8[%dma_start3A_178, %dma_start3A_179, %dma_start3A_180] : memref<3x128x128xf32, #tpu.memory_space<vmem>> -> memref<1x128x128xf32, #tpu.memory_space<vmem>>
    %dma_start3A_182 = tpu.memref_squeeze %dma_start3A_181 : memref<1x128x128xf32, #tpu.memory_space<vmem>> -> memref<128x128xf32, #tpu.memory_space<vmem>>
    %dma_start3A_183 = arith.constant 0 : i32
    %dma_start3A_184 = tpu.memref_slice %arg6[%dma_start3A_177, %dma_start3A_183] : memref<3x128xi32, #tpu.memory_space<vmem>> -> memref<1x128xi32, #tpu.memory_space<vmem>>
    %dma_start3A_185 = tpu.memref_squeeze %dma_start3A_184 : memref<1x128xi32, #tpu.memory_space<vmem>> -> memref<128xi32, #tpu.memory_space<vmem>>
    %dma_start3A_186 = arith.constant 0 : i32
    %dma_start3A_187 = arith.constant 0 : i32
    %dma_start3A_188 = tpu.memref_slice %arg2[%dma_start3A_186, %dma_start3A_187] : memref<10112x128xf32, #tpu.memory_space<hbm>> -> memref<10112x128xf32, #tpu.memory_space<hbm>>
    tpu.enqueue_indirect_dma source(%dma_start3A_188 : memref<10112x128xf32, #tpu.memory_space<hbm>>) target(%dma_start3A_182 : memref<128x128xf32, #tpu.memory_space<vmem>>) offsets(%dma_start3A_185 : memref<128xi32, #tpu.memory_space<vmem>>) semaphore(%arg10 : memref<!tpu.dma_semaphore, #tpu.memory_space<semaphore_mem>>)
    %run_scoped3A_189 = arith.constant 1 : i32
    %run_scoped3A_190 = arith.constant 1 : i32
    "tpu.region"() ({
      %run_scoped3A_491 = tpu.sem_alloc : memref<!tpu.dma_semaphore, #tpu.memory_space<semaphore_mem>>
      %dma_start3A_492 = arith.constant 0 : i32
      %dma_start3A_493 = tpu.memref_slice %arg6[%run_scoped3A_190, %dma_start3A_492] : memref<3x128xi32, #tpu.memory_space<vmem>> -> memref<1x128xi32, #tpu.memory_space<vmem>>
      %dma_start3A_494 = tpu.memref_squeeze %dma_start3A_493 : memref<1x128xi32, #tpu.memory_space<vmem>> -> memref<128xi32, #tpu.memory_space<vmem>>
      %dma_start3A_495 = arith.constant 0 : i32
      %dma_start3A_496 = tpu.memref_slice %arg3[%add3A, %run_scoped3A_189, %dma_start3A_495] : memref<32x79x128xi32, #tpu.memory_space<hbm>> -> memref<1x1x128xi32, #tpu.memory_space<hbm>>
      %dma_start3A_497 = tpu.memref_squeeze %dma_start3A_496 : memref<1x1x128xi32, #tpu.memory_space<hbm>> -> memref<128xi32, #tpu.memory_space<hbm>>
      %dma_start3A_498 = arith.constant 0 : i32
      %dma_start3A_499 = tpu.memref_slice %arg6[%run_scoped3A_190, %dma_start3A_498] : memref<3x128xi32, #tpu.memory_space<vmem>> -> memref<1x128xi32, #tpu.memory_space<vmem>>
      %dma_start3A_500 = tpu.memref_squeeze %dma_start3A_499 : memref<1x128xi32, #tpu.memory_space<vmem>> -> memref<128xi32, #tpu.memory_space<vmem>>
      %dma_start3A_501 = arith.constant 0 : i32
      %dma_start3A_502 = tpu.memref_slice %arg3[%add3A, %run_scoped3A_189, %dma_start3A_501] : memref<32x79x128xi32, #tpu.memory_space<hbm>> -> memref<1x1x128xi32, #tpu.memory_space<hbm>>
      %dma_start3A_503 = tpu.memref_squeeze %dma_start3A_502 : memref<1x1x128xi32, #tpu.memory_space<hbm>> -> memref<128xi32, #tpu.memory_space<hbm>>
      tpu.enqueue_dma source(%dma_start3A_503 : memref<128xi32, #tpu.memory_space<hbm>>) target(%dma_start3A_500 : memref<128xi32, #tpu.memory_space<vmem>>) target_semaphore(%run_scoped3A_491 : memref<!tpu.dma_semaphore, #tpu.memory_space<semaphore_mem>>)
      %dma_wait3A_504 = arith.constant 0 : i32
      %dma_wait3A_505 = tpu.memref_slice %arg6[%run_scoped3A_190, %dma_wait3A_504] : memref<3x128xi32, #tpu.memory_space<vmem>> -> memref<1x128xi32, #tpu.memory_space<vmem>>
      %dma_wait3A_506 = tpu.memref_squeeze %dma_wait3A_505 : memref<1x128xi32, #tpu.memory_space<vmem>> -> memref<128xi32, #tpu.memory_space<vmem>>
      %dma_wait3A_507 = arith.constant 0 : i32
      %dma_wait3A_508 = tpu.memref_slice %arg3[%add3A, %run_scoped3A_189, %dma_wait3A_507] : memref<32x79x128xi32, #tpu.memory_space<hbm>> -> memref<1x1x128xi32, #tpu.memory_space<hbm>>
      %dma_wait3A_509 = tpu.memref_squeeze %dma_wait3A_508 : memref<1x1x128xi32, #tpu.memory_space<hbm>> -> memref<128xi32, #tpu.memory_space<hbm>>
      %dma_wait3A_510 = arith.constant 0 : i32
      %dma_wait3A_511 = tpu.memref_slice %arg6[%run_scoped3A_190, %dma_wait3A_510] : memref<3x128xi32, #tpu.memory_space<vmem>> -> memref<1x128xi32, #tpu.memory_space<vmem>>
      %dma_wait3A_512 = tpu.memref_squeeze %dma_wait3A_511 : memref<1x128xi32, #tpu.memory_space<vmem>> -> memref<128xi32, #tpu.memory_space<vmem>>
      %dma_wait3A_513 = arith.constant 0 : i32
      %dma_wait3A_514 = tpu.memref_slice %arg3[%add3A, %run_scoped3A_189, %dma_wait3A_513] : memref<32x79x128xi32, #tpu.memory_space<hbm>> -> memref<1x1x128xi32, #tpu.memory_space<hbm>>
      %dma_wait3A_515 = tpu.memref_squeeze %dma_wait3A_514 : memref<1x1x128xi32, #tpu.memory_space<hbm>> -> memref<128xi32, #tpu.memory_space<hbm>>
      tpu.wait_dma2 semaphore(%run_scoped3A_491 : memref<!tpu.dma_semaphore, #tpu.memory_space<semaphore_mem>>) src(%dma_wait3A_515 : memref<128xi32, #tpu.memory_space<hbm>>) dst(%dma_wait3A_512 : memref<128xi32, #tpu.memory_space<vmem>>)
      tpu.yield
    }) : () -> ()
    %run_scoped3A_191 = arith.constant 1 : i32
    %run_scoped3A_192 = arith.constant 1 : i32
    "tpu.region"() ({
      %run_scoped3A_491 = tpu.sem_alloc : memref<!tpu.dma_semaphore, #tpu.memory_space<semaphore_mem>>
      %dma_start3A_492 = arith.constant 0 : i32
      %dma_start3A_493 = tpu.memref_slice %arg7[%run_scoped3A_192, %dma_start3A_492] : memref<4x128xi32, #tpu.memory_space<vmem>> -> memref<1x128xi32, #tpu.memory_space<vmem>>
      %dma_start3A_494 = tpu.memref_squeeze %dma_start3A_493 : memref<1x128xi32, #tpu.memory_space<vmem>> -> memref<128xi32, #tpu.memory_space<vmem>>
      %dma_start3A_495 = arith.constant 0 : i32
      %dma_start3A_496 = tpu.memref_slice %arg4[%add3A, %run_scoped3A_191, %dma_start3A_495] : memref<32x79x128xi32, #tpu.memory_space<hbm>> -> memref<1x1x128xi32, #tpu.memory_space<hbm>>
      %dma_start3A_497 = tpu.memref_squeeze %dma_start3A_496 : memref<1x1x128xi32, #tpu.memory_space<hbm>> -> memref<128xi32, #tpu.memory_space<hbm>>
      %dma_start3A_498 = arith.constant 0 : i32
      %dma_start3A_499 = tpu.memref_slice %arg7[%run_scoped3A_192, %dma_start3A_498] : memref<4x128xi32, #tpu.memory_space<vmem>> -> memref<1x128xi32, #tpu.memory_space<vmem>>
      %dma_start3A_500 = tpu.memref_squeeze %dma_start3A_499 : memref<1x128xi32, #tpu.memory_space<vmem>> -> memref<128xi32, #tpu.memory_space<vmem>>
      %dma_start3A_501 = arith.constant 0 : i32
      %dma_start3A_502 = tpu.memref_slice %arg4[%add3A, %run_scoped3A_191, %dma_start3A_501] : memref<32x79x128xi32, #tpu.memory_space<hbm>> -> memref<1x1x128xi32, #tpu.memory_space<hbm>>
      %dma_start3A_503 = tpu.memref_squeeze %dma_start3A_502 : memref<1x1x128xi32, #tpu.memory_space<hbm>> -> memref<128xi32, #tpu.memory_space<hbm>>
      tpu.enqueue_dma source(%dma_start3A_503 : memref<128xi32, #tpu.memory_space<hbm>>) target(%dma_start3A_500 : memref<128xi32, #tpu.memory_space<vmem>>) target_semaphore(%run_scoped3A_491 : memref<!tpu.dma_semaphore, #tpu.memory_space<semaphore_mem>>)
      %dma_wait3A_504 = arith.constant 0 : i32
      %dma_wait3A_505 = tpu.memref_slice %arg7[%run_scoped3A_192, %dma_wait3A_504] : memref<4x128xi32, #tpu.memory_space<vmem>> -> memref<1x128xi32, #tpu.memory_space<vmem>>
      %dma_wait3A_506 = tpu.memref_squeeze %dma_wait3A_505 : memref<1x128xi32, #tpu.memory_space<vmem>> -> memref<128xi32, #tpu.memory_space<vmem>>
      %dma_wait3A_507 = arith.constant 0 : i32
      %dma_wait3A_508 = tpu.memref_slice %arg4[%add3A, %run_scoped3A_191, %dma_wait3A_507] : memref<32x79x128xi32, #tpu.memory_space<hbm>> -> memref<1x1x128xi32, #tpu.memory_space<hbm>>
      %dma_wait3A_509 = tpu.memref_squeeze %dma_wait3A_508 : memref<1x1x128xi32, #tpu.memory_space<hbm>> -> memref<128xi32, #tpu.memory_space<hbm>>
      %dma_wait3A_510 = arith.constant 0 : i32
      %dma_wait3A_511 = tpu.memref_slice %arg7[%run_scoped3A_192, %dma_wait3A_510] : memref<4x128xi32, #tpu.memory_space<vmem>> -> memref<1x128xi32, #tpu.memory_space<vmem>>
      %dma_wait3A_512 = tpu.memref_squeeze %dma_wait3A_511 : memref<1x128xi32, #tpu.memory_space<vmem>> -> memref<128xi32, #tpu.memory_space<vmem>>
      %dma_wait3A_513 = arith.constant 0 : i32
      %dma_wait3A_514 = tpu.memref_slice %arg4[%add3A, %run_scoped3A_191, %dma_wait3A_513] : memref<32x79x128xi32, #tpu.memory_space<hbm>> -> memref<1x1x128xi32, #tpu.memory_space<hbm>>
      %dma_wait3A_515 = tpu.memref_squeeze %dma_wait3A_514 : memref<1x1x128xi32, #tpu.memory_space<hbm>> -> memref<128xi32, #tpu.memory_space<hbm>>
      tpu.wait_dma2 semaphore(%run_scoped3A_491 : memref<!tpu.dma_semaphore, #tpu.memory_space<semaphore_mem>>) src(%dma_wait3A_515 : memref<128xi32, #tpu.memory_space<hbm>>) dst(%dma_wait3A_512 : memref<128xi32, #tpu.memory_space<vmem>>)
      tpu.yield
    }) : () -> ()
    %dma_start3A_193 = arith.constant 1 : i32
    %dma_start3A_194 = arith.constant 1 : i32
    %dma_start3A_195 = arith.constant 0 : i32
    %dma_start3A_196 = arith.constant 0 : i32
    %dma_start3A_197 = tpu.memref_slice %arg8[%dma_start3A_194, %dma_start3A_195, %dma_start3A_196] : memref<3x128x128xf32, #tpu.memory_space<vmem>> -> memref<1x128x128xf32, #tpu.memory_space<vmem>>
    %dma_start3A_198 = tpu.memref_squeeze %dma_start3A_197 : memref<1x128x128xf32, #tpu.memory_space<vmem>> -> memref<128x128xf32, #tpu.memory_space<vmem>>
    %dma_start3A_199 = arith.constant 0 : i32
    %dma_start3A_200 = tpu.memref_slice %arg6[%dma_start3A_193, %dma_start3A_199] : memref<3x128xi32, #tpu.memory_space<vmem>> -> memref<1x128xi32, #tpu.memory_space<vmem>>
    %dma_start3A_201 = tpu.memref_squeeze %dma_start3A_200 : memref<1x128xi32, #tpu.memory_space<vmem>> -> memref<128xi32, #tpu.memory_space<vmem>>
    %dma_start3A_202 = arith.constant 0 : i32
    %dma_start3A_203 = arith.constant 0 : i32
    %dma_start3A_204 = tpu.memref_slice %arg2[%dma_start3A_202, %dma_start3A_203] : memref<10112x128xf32, #tpu.memory_space<hbm>> -> memref<10112x128xf32, #tpu.memory_space<hbm>>
    tpu.enqueue_indirect_dma source(%dma_start3A_204 : memref<10112x128xf32, #tpu.memory_space<hbm>>) target(%dma_start3A_198 : memref<128x128xf32, #tpu.memory_space<vmem>>) offsets(%dma_start3A_201 : memref<128xi32, #tpu.memory_space<vmem>>) semaphore(%arg10 : memref<!tpu.dma_semaphore, #tpu.memory_space<semaphore_mem>>)
    %dma_start3A_205 = arith.constant 2 : i32
    %dma_start3A_206 = arith.constant 2 : i32
    %dma_start3A_207 = arith.constant 0 : i32
    %dma_start3A_208 = tpu.memref_slice %arg6[%dma_start3A_206, %dma_start3A_207] : memref<3x128xi32, #tpu.memory_space<vmem>> -> memref<1x128xi32, #tpu.memory_space<vmem>>
    %dma_start3A_209 = tpu.memref_squeeze %dma_start3A_208 : memref<1x128xi32, #tpu.memory_space<vmem>> -> memref<128xi32, #tpu.memory_space<vmem>>
    %dma_start3A_210 = arith.constant 0 : i32
    %dma_start3A_211 = tpu.memref_slice %arg3[%add3A, %dma_start3A_205, %dma_start3A_210] : memref<32x79x128xi32, #tpu.memory_space<hbm>> -> memref<1x1x128xi32, #tpu.memory_space<hbm>>
    %dma_start3A_212 = tpu.memref_squeeze %dma_start3A_211 : memref<1x1x128xi32, #tpu.memory_space<hbm>> -> memref<128xi32, #tpu.memory_space<hbm>>
    %dma_start3A_213 = arith.constant 0 : i32
    %dma_start3A_214 = tpu.memref_slice %arg6[%dma_start3A_206, %dma_start3A_213] : memref<3x128xi32, #tpu.memory_space<vmem>> -> memref<1x128xi32, #tpu.memory_space<vmem>>
    %dma_start3A_215 = tpu.memref_squeeze %dma_start3A_214 : memref<1x128xi32, #tpu.memory_space<vmem>> -> memref<128xi32, #tpu.memory_space<vmem>>
    %dma_start3A_216 = arith.constant 0 : i32
    %dma_start3A_217 = tpu.memref_slice %arg3[%add3A, %dma_start3A_205, %dma_start3A_216] : memref<32x79x128xi32, #tpu.memory_space<hbm>> -> memref<1x1x128xi32, #tpu.memory_space<hbm>>
    %dma_start3A_218 = tpu.memref_squeeze %dma_start3A_217 : memref<1x1x128xi32, #tpu.memory_space<hbm>> -> memref<128xi32, #tpu.memory_space<hbm>>
    tpu.enqueue_dma source(%dma_start3A_218 : memref<128xi32, #tpu.memory_space<hbm>>) target(%dma_start3A_215 : memref<128xi32, #tpu.memory_space<vmem>>) target_semaphore(%arg11 : memref<!tpu.dma_semaphore, #tpu.memory_space<semaphore_mem>>)
    %dma_start3A_219 = arith.constant 2 : i32
    %dma_start3A_220 = arith.constant 2 : i32
    %dma_start3A_221 = arith.constant 0 : i32
    %dma_start3A_222 = tpu.memref_slice %arg7[%dma_start3A_220, %dma_start3A_221] : memref<4x128xi32, #tpu.memory_space<vmem>> -> memref<1x128xi32, #tpu.memory_space<vmem>>
    %dma_start3A_223 = tpu.memref_squeeze %dma_start3A_222 : memref<1x128xi32, #tpu.memory_space<vmem>> -> memref<128xi32, #tpu.memory_space<vmem>>
    %dma_start3A_224 = arith.constant 0 : i32
    %dma_start3A_225 = tpu.memref_slice %arg4[%add3A, %dma_start3A_219, %dma_start3A_224] : memref<32x79x128xi32, #tpu.memory_space<hbm>> -> memref<1x1x128xi32, #tpu.memory_space<hbm>>
    %dma_start3A_226 = tpu.memref_squeeze %dma_start3A_225 : memref<1x1x128xi32, #tpu.memory_space<hbm>> -> memref<128xi32, #tpu.memory_space<hbm>>
    %dma_start3A_227 = arith.constant 0 : i32
    %dma_start3A_228 = tpu.memref_slice %arg7[%dma_start3A_220, %dma_start3A_227] : memref<4x128xi32, #tpu.memory_space<vmem>> -> memref<1x128xi32, #tpu.memory_space<vmem>>
    %dma_start3A_229 = tpu.memref_squeeze %dma_start3A_228 : memref<1x128xi32, #tpu.memory_space<vmem>> -> memref<128xi32, #tpu.memory_space<vmem>>
    %dma_start3A_230 = arith.constant 0 : i32
    %dma_start3A_231 = tpu.memref_slice %arg4[%add3A, %dma_start3A_219, %dma_start3A_230] : memref<32x79x128xi32, #tpu.memory_space<hbm>> -> memref<1x1x128xi32, #tpu.memory_space<hbm>>
    %dma_start3A_232 = tpu.memref_squeeze %dma_start3A_231 : memref<1x1x128xi32, #tpu.memory_space<hbm>> -> memref<128xi32, #tpu.memory_space<hbm>>
    tpu.enqueue_dma source(%dma_start3A_232 : memref<128xi32, #tpu.memory_space<hbm>>) target(%dma_start3A_229 : memref<128xi32, #tpu.memory_space<vmem>>) target_semaphore(%arg11 : memref<!tpu.dma_semaphore, #tpu.memory_space<semaphore_mem>>)
    %barrier3A = arith.constant 0 : index
    tpu.barrier barrier_id(%barrier3A)
    %scan3A_233 = arith.constant 0 : i32
    %scan3A_234 = arith.constant 0 : i32
    %scan3A_235 = arith.constant 79 : i32
    %scan3A_236 = arith.addi %scan3A_234, %scan3A_235 : i32
    %scan3A_237 = arith.constant 1 : i32
    scf.for %scan3A_491 = %scan3A_234 to %scan3A_236 step %scan3A_237  : i32 {
      %rem3A = arith.constant 3 : i32
      %rem3A_492 = arith.remsi %scan3A_491, %rem3A : i32
      %add3A_493 = arith.constant 2 : i32
      %add3A_494 = arith.addi %scan3A_491, %add3A_493 : i32
      %rem3A_495 = arith.constant 3 : i32
      %rem3A_496 = arith.remsi %add3A_494, %rem3A_495 : i32
      %dma_wait3A_497 = arith.constant 0 : i32
      %dma_wait3A_498 = arith.constant 0 : i32
      %dma_wait3A_499 = tpu.memref_slice %arg8[%rem3A_492, %dma_wait3A_497, %dma_wait3A_498] : memref<3x128x128xf32, #tpu.memory_space<vmem>> -> memref<1x128x128xf32, #tpu.memory_space<vmem>>
      %dma_wait3A_500 = tpu.memref_squeeze %dma_wait3A_499 : memref<1x128x128xf32, #tpu.memory_space<vmem>> -> memref<128x128xf32, #tpu.memory_space<vmem>>
      %dma_wait3A_501 = arith.constant 0 : i32
      %dma_wait3A_502 = tpu.memref_slice %arg6[%rem3A_492, %dma_wait3A_501] : memref<3x128xi32, #tpu.memory_space<vmem>> -> memref<1x128xi32, #tpu.memory_space<vmem>>
      %dma_wait3A_503 = tpu.memref_squeeze %dma_wait3A_502 : memref<1x128xi32, #tpu.memory_space<vmem>> -> memref<128xi32, #tpu.memory_space<vmem>>
      %dma_wait3A_504 = arith.constant 0 : i32
      %dma_wait3A_505 = arith.constant 0 : i32
      %dma_wait3A_506 = tpu.memref_slice %arg2[%dma_wait3A_504, %dma_wait3A_505] : memref<10112x128xf32, #tpu.memory_space<hbm>> -> memref<10112x128xf32, #tpu.memory_space<hbm>>
      tpu.wait_indirect_dma semaphore(%arg10 : memref<!tpu.dma_semaphore, #tpu.memory_space<semaphore_mem>>) src(%dma_wait3A_506 : memref<10112x128xf32, #tpu.memory_space<hbm>>) dst(%dma_wait3A_500 : memref<128x128xf32, #tpu.memory_space<vmem>>)
      %rem3A_507 = arith.constant 4 : i32
      %rem3A_508 = arith.remsi %scan3A_491, %rem3A_507 : i32
      %dma_start3A_509 = arith.constant 0 : i32
      %dma_start3A_510 = arith.constant 0 : i32
      %dma_start3A_511 = tpu.memref_slice %arg8[%rem3A_492, %dma_start3A_509, %dma_start3A_510] : memref<3x128x128xf32, #tpu.memory_space<vmem>> -> memref<1x128x128xf32, #tpu.memory_space<vmem>>
      %dma_start3A_512 = tpu.memref_squeeze %dma_start3A_511 : memref<1x128x128xf32, #tpu.memory_space<vmem>> -> memref<128x128xf32, #tpu.memory_space<vmem>>
      %dma_start3A_513 = arith.constant 0 : i32
      %dma_start3A_514 = tpu.memref_slice %arg7[%rem3A_508, %dma_start3A_513] : memref<4x128xi32, #tpu.memory_space<vmem>> -> memref<1x128xi32, #tpu.memory_space<vmem>>
      %dma_start3A_515 = tpu.memref_squeeze %dma_start3A_514 : memref<1x128xi32, #tpu.memory_space<vmem>> -> memref<128xi32, #tpu.memory_space<vmem>>
      %dma_start3A_516 = arith.constant 0 : i32
      %dma_start3A_517 = arith.constant 0 : i32
      %dma_start3A_518 = tpu.memref_slice %arg9[%dma_start3A_516, %dma_start3A_517] : memref<10112x128xf32, #tpu.memory_space<vmem_shared>> -> memref<10112x128xf32, #tpu.memory_space<vmem_shared>>
      tpu.enqueue_indirect_dma source(%dma_start3A_512 : memref<128x128xf32, #tpu.memory_space<vmem>>) target(%dma_start3A_518 : memref<10112x128xf32, #tpu.memory_space<vmem_shared>>) offsets(%dma_start3A_515 : memref<128xi32, #tpu.memory_space<vmem>>) semaphore(%arg12 : memref<!tpu.dma_semaphore, #tpu.memory_space<semaphore_mem>>) {add = true}
      %add3A_519 = arith.constant 2 : i32
      %add3A_520 = arith.addi %scan3A_491, %add3A_519 : i32
      %lt3A = arith.constant 79 : i32
      %lt3A_521 = arith.cmpi slt, %add3A_520, %lt3A : i32
      %convert_element_type3A = arith.extui %lt3A_521 : i1 to i32
      %cond3A = arith.constant 0 : i32
      %cond3A_522 = arith.cmpi ne, %convert_element_type3A, %cond3A : i32
      scf.if %cond3A_522 {
        %add3A_523 = arith.constant 2 : i32
        %add3A_524 = arith.addi %scan3A_491, %add3A_523 : i32
        %dma_wait3A_525 = arith.constant 0 : i32
        %dma_wait3A_526 = tpu.memref_slice %arg6[%rem3A_496, %dma_wait3A_525] : memref<3x128xi32, #tpu.memory_space<vmem>> -> memref<1x128xi32, #tpu.memory_space<vmem>>
        %dma_wait3A_527 = tpu.memref_squeeze %dma_wait3A_526 : memref<1x128xi32, #tpu.memory_space<vmem>> -> memref<128xi32, #tpu.memory_space<vmem>>
        %dma_wait3A_528 = arith.constant 0 : i32
        %dma_wait3A_529 = tpu.memref_slice %arg3[%add3A, %add3A_524, %dma_wait3A_528] : memref<32x79x128xi32, #tpu.memory_space<hbm>> -> memref<1x1x128xi32, #tpu.memory_space<hbm>>
        %dma_wait3A_530 = tpu.memref_squeeze %dma_wait3A_529 : memref<1x1x128xi32, #tpu.memory_space<hbm>> -> memref<128xi32, #tpu.memory_space<hbm>>
        %dma_wait3A_531 = arith.constant 0 : i32
        %dma_wait3A_532 = tpu.memref_slice %arg6[%rem3A_496, %dma_wait3A_531] : memref<3x128xi32, #tpu.memory_space<vmem>> -> memref<1x128xi32, #tpu.memory_space<vmem>>
        %dma_wait3A_533 = tpu.memref_squeeze %dma_wait3A_532 : memref<1x128xi32, #tpu.memory_space<vmem>> -> memref<128xi32, #tpu.memory_space<vmem>>
        %dma_wait3A_534 = arith.constant 0 : i32
        %dma_wait3A_535 = tpu.memref_slice %arg3[%add3A, %add3A_524, %dma_wait3A_534] : memref<32x79x128xi32, #tpu.memory_space<hbm>> -> memref<1x1x128xi32, #tpu.memory_space<hbm>>
        %dma_wait3A_536 = tpu.memref_squeeze %dma_wait3A_535 : memref<1x1x128xi32, #tpu.memory_space<hbm>> -> memref<128xi32, #tpu.memory_space<hbm>>
        tpu.wait_dma2 semaphore(%arg11 : memref<!tpu.dma_semaphore, #tpu.memory_space<semaphore_mem>>) src(%dma_wait3A_536 : memref<128xi32, #tpu.memory_space<hbm>>) dst(%dma_wait3A_533 : memref<128xi32, #tpu.memory_space<vmem>>)
        %add3A_537 = arith.constant 2 : i32
        %add3A_538 = arith.addi %scan3A_491, %add3A_537 : i32
        %add3A_539 = arith.constant 2 : i32
        %add3A_540 = arith.addi %scan3A_491, %add3A_539 : i32
        %rem3A_541 = arith.constant 4 : i32
        %rem3A_542 = arith.remsi %add3A_540, %rem3A_541 : i32
        %dma_wait3A_543 = arith.constant 0 : i32
        %dma_wait3A_544 = tpu.memref_slice %arg7[%rem3A_542, %dma_wait3A_543] : memref<4x128xi32, #tpu.memory_space<vmem>> -> memref<1x128xi32, #tpu.memory_space<vmem>>
        %dma_wait3A_545 = tpu.memref_squeeze %dma_wait3A_544 : memref<1x128xi32, #tpu.memory_space<vmem>> -> memref<128xi32, #tpu.memory_space<vmem>>
        %dma_wait3A_546 = arith.constant 0 : i32
        %dma_wait3A_547 = tpu.memref_slice %arg4[%add3A, %add3A_538, %dma_wait3A_546] : memref<32x79x128xi32, #tpu.memory_space<hbm>> -> memref<1x1x128xi32, #tpu.memory_space<hbm>>
        %dma_wait3A_548 = tpu.memref_squeeze %dma_wait3A_547 : memref<1x1x128xi32, #tpu.memory_space<hbm>> -> memref<128xi32, #tpu.memory_space<hbm>>
        %dma_wait3A_549 = arith.constant 0 : i32
        %dma_wait3A_550 = tpu.memref_slice %arg7[%rem3A_542, %dma_wait3A_549] : memref<4x128xi32, #tpu.memory_space<vmem>> -> memref<1x128xi32, #tpu.memory_space<vmem>>
        %dma_wait3A_551 = tpu.memref_squeeze %dma_wait3A_550 : memref<1x128xi32, #tpu.memory_space<vmem>> -> memref<128xi32, #tpu.memory_space<vmem>>
        %dma_wait3A_552 = arith.constant 0 : i32
        %dma_wait3A_553 = tpu.memref_slice %arg4[%add3A, %add3A_538, %dma_wait3A_552] : memref<32x79x128xi32, #tpu.memory_space<hbm>> -> memref<1x1x128xi32, #tpu.memory_space<hbm>>
        %dma_wait3A_554 = tpu.memref_squeeze %dma_wait3A_553 : memref<1x1x128xi32, #tpu.memory_space<hbm>> -> memref<128xi32, #tpu.memory_space<hbm>>
        tpu.wait_dma2 semaphore(%arg11 : memref<!tpu.dma_semaphore, #tpu.memory_space<semaphore_mem>>) src(%dma_wait3A_554 : memref<128xi32, #tpu.memory_space<hbm>>) dst(%dma_wait3A_551 : memref<128xi32, #tpu.memory_space<vmem>>)
        %ge3A = arith.constant 1 : i32
        %ge3A_555 = arith.cmpi sge, %scan3A_491, %ge3A : i32
        %convert_element_type3A_556 = arith.extui %ge3A_555 : i1 to i32
        %cond3A_557 = arith.constant 0 : i32
        %cond3A_558 = arith.cmpi ne, %convert_element_type3A_556, %cond3A_557 : i32
        scf.if %cond3A_558 {
          %add3A_576 = arith.constant 3 : i32
          %add3A_577 = arith.addi %scan3A_491, %add3A_576 : i32
          %rem3A_578 = arith.constant 4 : i32
          %rem3A_579 = arith.remsi %add3A_577, %rem3A_578 : i32
          %dma_wait3A_580 = arith.constant 0 : i32
          %dma_wait3A_581 = arith.constant 0 : i32
          %dma_wait3A_582 = tpu.memref_slice %arg8[%rem3A_496, %dma_wait3A_580, %dma_wait3A_581] : memref<3x128x128xf32, #tpu.memory_space<vmem>> -> memref<1x128x128xf32, #tpu.memory_space<vmem>>
          %dma_wait3A_583 = tpu.memref_squeeze %dma_wait3A_582 : memref<1x128x128xf32, #tpu.memory_space<vmem>> -> memref<128x128xf32, #tpu.memory_space<vmem>>
          %dma_wait3A_584 = arith.constant 0 : i32
          %dma_wait3A_585 = tpu.memref_slice %arg7[%rem3A_579, %dma_wait3A_584] : memref<4x128xi32, #tpu.memory_space<vmem>> -> memref<1x128xi32, #tpu.memory_space<vmem>>
          %dma_wait3A_586 = tpu.memref_squeeze %dma_wait3A_585 : memref<1x128xi32, #tpu.memory_space<vmem>> -> memref<128xi32, #tpu.memory_space<vmem>>
          %dma_wait3A_587 = arith.constant 0 : i32
          %dma_wait3A_588 = arith.constant 0 : i32
          %dma_wait3A_589 = tpu.memref_slice %arg9[%dma_wait3A_587, %dma_wait3A_588] : memref<10112x128xf32, #tpu.memory_space<vmem_shared>> -> memref<10112x128xf32, #tpu.memory_space<vmem_shared>>
          tpu.wait_indirect_dma semaphore(%arg12 : memref<!tpu.dma_semaphore, #tpu.memory_space<semaphore_mem>>) src(%dma_wait3A_583 : memref<128x128xf32, #tpu.memory_space<vmem>>) dst(%dma_wait3A_589 : memref<10112x128xf32, #tpu.memory_space<vmem_shared>>)
        } else {
        }
        %dma_start3A_559 = arith.constant 0 : i32
        %dma_start3A_560 = arith.constant 0 : i32
        %dma_start3A_561 = tpu.memref_slice %arg8[%rem3A_496, %dma_start3A_559, %dma_start3A_560] : memref<3x128x128xf32, #tpu.memory_space<vmem>> -> memref<1x128x128xf32, #tpu.memory_space<vmem>>
        %dma_start3A_562 = tpu.memref_squeeze %dma_start3A_561 : memref<1x128x128xf32, #tpu.memory_space<vmem>> -> memref<128x128xf32, #tpu.memory_space<vmem>>
        %dma_start3A_563 = arith.constant 0 : i32
        %dma_start3A_564 = tpu.memref_slice %arg6[%rem3A_496, %dma_start3A_563] : memref<3x128xi32, #tpu.memory_space<vmem>> -> memref<1x128xi32, #tpu.memory_space<vmem>>
        %dma_start3A_565 = tpu.memref_squeeze %dma_start3A_564 : memref<1x128xi32, #tpu.memory_space<vmem>> -> memref<128xi32, #tpu.memory_space<vmem>>
        %dma_start3A_566 = arith.constant 0 : i32
        %dma_start3A_567 = arith.constant 0 : i32
        %dma_start3A_568 = tpu.memref_slice %arg2[%dma_start3A_566, %dma_start3A_567] : memref<10112x128xf32, #tpu.memory_space<hbm>> -> memref<10112x128xf32, #tpu.memory_space<hbm>>
        tpu.enqueue_indirect_dma source(%dma_start3A_568 : memref<10112x128xf32, #tpu.memory_space<hbm>>) target(%dma_start3A_562 : memref<128x128xf32, #tpu.memory_space<vmem>>) offsets(%dma_start3A_565 : memref<128xi32, #tpu.memory_space<vmem>>) semaphore(%arg10 : memref<!tpu.dma_semaphore, #tpu.memory_space<semaphore_mem>>)
        %add3A_569 = arith.constant 3 : i32
        %add3A_570 = arith.addi %scan3A_491, %add3A_569 : i32
        %lt3A_571 = arith.constant 79 : i32
        %lt3A_572 = arith.cmpi slt, %add3A_570, %lt3A_571 : i32
        %convert_element_type3A_573 = arith.extui %lt3A_572 : i1 to i32
        %cond3A_574 = arith.constant 0 : i32
        %cond3A_575 = arith.cmpi ne, %convert_element_type3A_573, %cond3A_574 : i32
        scf.if %cond3A_575 {
          %add3A_576 = arith.constant 3 : i32
          %add3A_577 = arith.addi %scan3A_491, %add3A_576 : i32
          %dma_start3A_578 = arith.constant 0 : i32
          %dma_start3A_579 = tpu.memref_slice %arg6[%rem3A_492, %dma_start3A_578] : memref<3x128xi32, #tpu.memory_space<vmem>> -> memref<1x128xi32, #tpu.memory_space<vmem>>
          %dma_start3A_580 = tpu.memref_squeeze %dma_start3A_579 : memref<1x128xi32, #tpu.memory_space<vmem>> -> memref<128xi32, #tpu.memory_space<vmem>>
          %dma_start3A_581 = arith.constant 0 : i32
          %dma_start3A_582 = tpu.memref_slice %arg3[%add3A, %add3A_577, %dma_start3A_581] : memref<32x79x128xi32, #tpu.memory_space<hbm>> -> memref<1x1x128xi32, #tpu.memory_space<hbm>>
          %dma_start3A_583 = tpu.memref_squeeze %dma_start3A_582 : memref<1x1x128xi32, #tpu.memory_space<hbm>> -> memref<128xi32, #tpu.memory_space<hbm>>
          %dma_start3A_584 = arith.constant 0 : i32
          %dma_start3A_585 = tpu.memref_slice %arg6[%rem3A_492, %dma_start3A_584] : memref<3x128xi32, #tpu.memory_space<vmem>> -> memref<1x128xi32, #tpu.memory_space<vmem>>
          %dma_start3A_586 = tpu.memref_squeeze %dma_start3A_585 : memref<1x128xi32, #tpu.memory_space<vmem>> -> memref<128xi32, #tpu.memory_space<vmem>>
          %dma_start3A_587 = arith.constant 0 : i32
          %dma_start3A_588 = tpu.memref_slice %arg3[%add3A, %add3A_577, %dma_start3A_587] : memref<32x79x128xi32, #tpu.memory_space<hbm>> -> memref<1x1x128xi32, #tpu.memory_space<hbm>>
          %dma_start3A_589 = tpu.memref_squeeze %dma_start3A_588 : memref<1x1x128xi32, #tpu.memory_space<hbm>> -> memref<128xi32, #tpu.memory_space<hbm>>
          tpu.enqueue_dma source(%dma_start3A_589 : memref<128xi32, #tpu.memory_space<hbm>>) target(%dma_start3A_586 : memref<128xi32, #tpu.memory_space<vmem>>) target_semaphore(%arg11 : memref<!tpu.dma_semaphore, #tpu.memory_space<semaphore_mem>>)
          %add3A_590 = arith.constant 3 : i32
          %add3A_591 = arith.addi %scan3A_491, %add3A_590 : i32
          %add3A_592 = arith.constant 3 : i32
          %add3A_593 = arith.addi %scan3A_491, %add3A_592 : i32
          %rem3A_594 = arith.constant 4 : i32
          %rem3A_595 = arith.remsi %add3A_593, %rem3A_594 : i32
          %dma_start3A_596 = arith.constant 0 : i32
          %dma_start3A_597 = tpu.memref_slice %arg7[%rem3A_595, %dma_start3A_596] : memref<4x128xi32, #tpu.memory_space<vmem>> -> memref<1x128xi32, #tpu.memory_space<vmem>>
          %dma_start3A_598 = tpu.memref_squeeze %dma_start3A_597 : memref<1x128xi32, #tpu.memory_space<vmem>> -> memref<128xi32, #tpu.memory_space<vmem>>
          %dma_start3A_599 = arith.constant 0 : i32
          %dma_start3A_600 = tpu.memref_slice %arg4[%add3A, %add3A_591, %dma_start3A_599] : memref<32x79x128xi32, #tpu.memory_space<hbm>> -> memref<1x1x128xi32, #tpu.memory_space<hbm>>
          %dma_start3A_601 = tpu.memref_squeeze %dma_start3A_600 : memref<1x1x128xi32, #tpu.memory_space<hbm>> -> memref<128xi32, #tpu.memory_space<hbm>>
          %dma_start3A_602 = arith.constant 0 : i32
          %dma_start3A_603 = tpu.memref_slice %arg7[%rem3A_595, %dma_start3A_602] : memref<4x128xi32, #tpu.memory_space<vmem>> -> memref<1x128xi32, #tpu.memory_space<vmem>>
          %dma_start3A_604 = tpu.memref_squeeze %dma_start3A_603 : memref<1x128xi32, #tpu.memory_space<vmem>> -> memref<128xi32, #tpu.memory_space<vmem>>
          %dma_start3A_605 = arith.constant 0 : i32
          %dma_start3A_606 = tpu.memref_slice %arg4[%add3A, %add3A_591, %dma_start3A_605] : memref<32x79x128xi32, #tpu.memory_space<hbm>> -> memref<1x1x128xi32, #tpu.memory_space<hbm>>
          %dma_start3A_607 = tpu.memref_squeeze %dma_start3A_606 : memref<1x1x128xi32, #tpu.memory_space<hbm>> -> memref<128xi32, #tpu.memory_space<hbm>>
          tpu.enqueue_dma source(%dma_start3A_607 : memref<128xi32, #tpu.memory_space<hbm>>) target(%dma_start3A_604 : memref<128xi32, #tpu.memory_space<vmem>>) target_semaphore(%arg11 : memref<!tpu.dma_semaphore, #tpu.memory_space<semaphore_mem>>)
        } else {
        }
      } else {
      }
    }
    %scan3A_238 = arith.constant 79 : i32
    %dma_wait3A_239 = arith.constant 0 : i32
    %dma_wait3A_240 = arith.constant 0 : i32
    %dma_wait3A_241 = arith.constant 0 : i32
    %dma_wait3A_242 = arith.constant 0 : i32
    %dma_wait3A_243 = tpu.memref_slice %arg8[%dma_wait3A_239, %dma_wait3A_241, %dma_wait3A_242] : memref<3x128x128xf32, #tpu.memory_space<vmem>> -> memref<1x128x128xf32, #tpu.memory_space<vmem>>
    %dma_wait3A_244 = tpu.memref_squeeze %dma_wait3A_243 : memref<1x128x128xf32, #tpu.memory_space<vmem>> -> memref<128x128xf32, #tpu.memory_space<vmem>>
    %dma_wait3A_245 = arith.constant 0 : i32
    %dma_wait3A_246 = tpu.memref_slice %arg7[%dma_wait3A_240, %dma_wait3A_245] : memref<4x128xi32, #tpu.memory_space<vmem>> -> memref<1x128xi32, #tpu.memory_space<vmem>>
    %dma_wait3A_247 = tpu.memref_squeeze %dma_wait3A_246 : memref<1x128xi32, #tpu.memory_space<vmem>> -> memref<128xi32, #tpu.memory_space<vmem>>
    %dma_wait3A_248 = arith.constant 0 : i32
    %dma_wait3A_249 = arith.constant 0 : i32
    %dma_wait3A_250 = tpu.memref_slice %arg9[%dma_wait3A_248, %dma_wait3A_249] : memref<10112x128xf32, #tpu.memory_space<vmem_shared>> -> memref<10112x128xf32, #tpu.memory_space<vmem_shared>>
    tpu.wait_indirect_dma semaphore(%arg12 : memref<!tpu.dma_semaphore, #tpu.memory_space<semaphore_mem>>) src(%dma_wait3A_244 : memref<128x128xf32, #tpu.memory_space<vmem>>) dst(%dma_wait3A_250 : memref<10112x128xf32, #tpu.memory_space<vmem_shared>>)
    %dma_wait3A_251 = arith.constant 0 : i32
    %dma_wait3A_252 = arith.constant 0 : i32
    %dma_wait3A_253 = arith.constant 0 : i32
    %dma_wait3A_254 = arith.constant 0 : i32
    %dma_wait3A_255 = tpu.memref_slice %arg8[%dma_wait3A_251, %dma_wait3A_253, %dma_wait3A_254] : memref<3x128x128xf32, #tpu.memory_space<vmem>> -> memref<1x128x128xf32, #tpu.memory_space<vmem>>
    %dma_wait3A_256 = tpu.memref_squeeze %dma_wait3A_255 : memref<1x128x128xf32, #tpu.memory_space<vmem>> -> memref<128x128xf32, #tpu.memory_space<vmem>>
    %dma_wait3A_257 = arith.constant 0 : i32
    %dma_wait3A_258 = tpu.memref_slice %arg7[%dma_wait3A_252, %dma_wait3A_257] : memref<4x128xi32, #tpu.memory_space<vmem>> -> memref<1x128xi32, #tpu.memory_space<vmem>>
    %dma_wait3A_259 = tpu.memref_squeeze %dma_wait3A_258 : memref<1x128xi32, #tpu.memory_space<vmem>> -> memref<128xi32, #tpu.memory_space<vmem>>
    %dma_wait3A_260 = arith.constant 0 : i32
    %dma_wait3A_261 = arith.constant 0 : i32
    %dma_wait3A_262 = tpu.memref_slice %arg9[%dma_wait3A_260, %dma_wait3A_261] : memref<10112x128xf32, #tpu.memory_space<vmem_shared>> -> memref<10112x128xf32, #tpu.memory_space<vmem_shared>>
    tpu.wait_indirect_dma semaphore(%arg12 : memref<!tpu.dma_semaphore, #tpu.memory_space<semaphore_mem>>) src(%dma_wait3A_256 : memref<128x128xf32, #tpu.memory_space<vmem>>) dst(%dma_wait3A_262 : memref<10112x128xf32, #tpu.memory_space<vmem_shared>>)
    %dma_wait3A_263 = arith.constant 0 : i32
    %dma_wait3A_264 = arith.constant 0 : i32
    %dma_wait3A_265 = arith.constant 0 : i32
    %dma_wait3A_266 = arith.constant 0 : i32
    %dma_wait3A_267 = tpu.memref_slice %arg8[%dma_wait3A_263, %dma_wait3A_265, %dma_wait3A_266] : memref<3x128x128xf32, #tpu.memory_space<vmem>> -> memref<1x128x128xf32, #tpu.memory_space<vmem>>
    %dma_wait3A_268 = tpu.memref_squeeze %dma_wait3A_267 : memref<1x128x128xf32, #tpu.memory_space<vmem>> -> memref<128x128xf32, #tpu.memory_space<vmem>>
    %dma_wait3A_269 = arith.constant 0 : i32
    %dma_wait3A_270 = tpu.memref_slice %arg7[%dma_wait3A_264, %dma_wait3A_269] : memref<4x128xi32, #tpu.memory_space<vmem>> -> memref<1x128xi32, #tpu.memory_space<vmem>>
    %dma_wait3A_271 = tpu.memref_squeeze %dma_wait3A_270 : memref<1x128xi32, #tpu.memory_space<vmem>> -> memref<128xi32, #tpu.memory_space<vmem>>
    %dma_wait3A_272 = arith.constant 0 : i32
    %dma_wait3A_273 = arith.constant 0 : i32
    %dma_wait3A_274 = tpu.memref_slice %arg9[%dma_wait3A_272, %dma_wait3A_273] : memref<10112x128xf32, #tpu.memory_space<vmem_shared>> -> memref<10112x128xf32, #tpu.memory_space<vmem_shared>>
    tpu.wait_indirect_dma semaphore(%arg12 : memref<!tpu.dma_semaphore, #tpu.memory_space<semaphore_mem>>) src(%dma_wait3A_268 : memref<128x128xf32, #tpu.memory_space<vmem>>) dst(%dma_wait3A_274 : memref<10112x128xf32, #tpu.memory_space<vmem_shared>>)
    %barrier3A_275 = arith.constant 0 : index
    tpu.barrier barrier_id(%barrier3A_275)
    %mul3A_276 = arith.constant 632 : i32
    %mul3A_277 = arith.muli %arg1, %mul3A_276 : i32
    %add3A_278 = arith.constant 0 : i32
    %add3A_279 = arith.addi %mul3A_277, %add3A_278 : i32
    %run_scoped3A_280 = arith.constant 0 : i32
    "tpu.region"() ({
      %run_scoped3A_491 = tpu.sem_alloc : memref<!tpu.dma_semaphore, #tpu.memory_space<semaphore_mem>>
      %dma_start3A_492 = arith.constant 0 : i32
      %dma_start3A_493 = arith.constant 0 : i32
      %dma_start3A_494 = tpu.memref_slice %arg8[%run_scoped3A_280, %dma_start3A_492, %dma_start3A_493] : memref<3x128x128xf32, #tpu.memory_space<vmem>> -> memref<1x128x128xf32, #tpu.memory_space<vmem>>
      %dma_start3A_495 = tpu.memref_squeeze %dma_start3A_494 : memref<1x128x128xf32, #tpu.memory_space<vmem>> -> memref<128x128xf32, #tpu.memory_space<vmem>>
      %dma_start3A_496 = arith.constant 0 : i32
      %dma_start3A_497 = tpu.memref_slice %arg9[%add3A_279, %dma_start3A_496] : memref<10112x128xf32, #tpu.memory_space<vmem_shared>> -> memref<128x128xf32, #tpu.memory_space<vmem_shared>>
      %dma_start3A_498 = arith.constant 0 : i32
      %dma_start3A_499 = arith.constant 0 : i32
      %dma_start3A_500 = tpu.memref_slice %arg8[%run_scoped3A_280, %dma_start3A_498, %dma_start3A_499] : memref<3x128x128xf32, #tpu.memory_space<vmem>> -> memref<1x128x128xf32, #tpu.memory_space<vmem>>
      %dma_start3A_501 = tpu.memref_squeeze %dma_start3A_500 : memref<1x128x128xf32, #tpu.memory_space<vmem>> -> memref<128x128xf32, #tpu.memory_space<vmem>>
      %dma_start3A_502 = arith.constant 0 : i32
      %dma_start3A_503 = tpu.memref_slice %arg9[%add3A_279, %dma_start3A_502] : memref<10112x128xf32, #tpu.memory_space<vmem_shared>> -> memref<128x128xf32, #tpu.memory_space<vmem_shared>>
      tpu.enqueue_dma source(%dma_start3A_503 : memref<128x128xf32, #tpu.memory_space<vmem_shared>>) target(%dma_start3A_501 : memref<128x128xf32, #tpu.memory_space<vmem>>) target_semaphore(%run_scoped3A_491 : memref<!tpu.dma_semaphore, #tpu.memory_space<semaphore_mem>>)
      %dma_wait3A_504 = arith.constant 0 : i32
      %dma_wait3A_505 = arith.constant 0 : i32
      %dma_wait3A_506 = tpu.memref_slice %arg8[%run_scoped3A_280, %dma_wait3A_504, %dma_wait3A_505] : memref<3x128x128xf32, #tpu.memory_space<vmem>> -> memref<1x128x128xf32, #tpu.memory_space<vmem>>
      %dma_wait3A_507 = tpu.memref_squeeze %dma_wait3A_506 : memref<1x128x128xf32, #tpu.memory_space<vmem>> -> memref<128x128xf32, #tpu.memory_space<vmem>>
      %dma_wait3A_508 = arith.constant 0 : i32
      %dma_wait3A_509 = tpu.memref_slice %arg9[%add3A_279, %dma_wait3A_508] : memref<10112x128xf32, #tpu.memory_space<vmem_shared>> -> memref<128x128xf32, #tpu.memory_space<vmem_shared>>
      %dma_wait3A_510 = arith.constant 0 : i32
      %dma_wait3A_511 = arith.constant 0 : i32
      %dma_wait3A_512 = tpu.memref_slice %arg8[%run_scoped3A_280, %dma_wait3A_510, %dma_wait3A_511] : memref<3x128x128xf32, #tpu.memory_space<vmem>> -> memref<1x128x128xf32, #tpu.memory_space<vmem>>
      %dma_wait3A_513 = tpu.memref_squeeze %dma_wait3A_512 : memref<1x128x128xf32, #tpu.memory_space<vmem>> -> memref<128x128xf32, #tpu.memory_space<vmem>>
      %dma_wait3A_514 = arith.constant 0 : i32
      %dma_wait3A_515 = tpu.memref_slice %arg9[%add3A_279, %dma_wait3A_514] : memref<10112x128xf32, #tpu.memory_space<vmem_shared>> -> memref<128x128xf32, #tpu.memory_space<vmem_shared>>
      tpu.wait_dma2 semaphore(%run_scoped3A_491 : memref<!tpu.dma_semaphore, #tpu.memory_space<semaphore_mem>>) src(%dma_wait3A_515 : memref<128x128xf32, #tpu.memory_space<vmem_shared>>) dst(%dma_wait3A_513 : memref<128x128xf32, #tpu.memory_space<vmem>>)
      tpu.yield
    }) : () -> ()
    %mul3A_281 = arith.constant 632 : i32
    %mul3A_282 = arith.muli %arg1, %mul3A_281 : i32
    %add3A_283 = arith.constant 0 : i32
    %add3A_284 = arith.addi %mul3A_282, %add3A_283 : i32
    %dma_start3A_285 = arith.constant 0 : i32
    %dma_start3A_286 = arith.constant 0 : i32
    %dma_start3A_287 = arith.constant 0 : i32
    %dma_start3A_288 = tpu.memref_slice %arg8[%dma_start3A_285, %dma_start3A_286, %dma_start3A_287] : memref<3x128x128xf32, #tpu.memory_space<vmem>> -> memref<1x128x128xf32, #tpu.memory_space<vmem>>
    %dma_start3A_289 = tpu.memref_squeeze %dma_start3A_288 : memref<1x128x128xf32, #tpu.memory_space<vmem>> -> memref<128x128xf32, #tpu.memory_space<vmem>>
    %dma_start3A_290 = arith.constant 0 : i32
    %dma_start3A_291 = tpu.memref_slice %arg5[%arg0, %add3A_284, %dma_start3A_290] : memref<2x10112x128xf32, #tpu.memory_space<hbm>> -> memref<1x128x128xf32, #tpu.memory_space<hbm>>
    %dma_start3A_292 = tpu.memref_squeeze %dma_start3A_291 : memref<1x128x128xf32, #tpu.memory_space<hbm>> -> memref<128x128xf32, #tpu.memory_space<hbm>>
    %dma_start3A_293 = arith.constant 0 : i32
    %dma_start3A_294 = tpu.memref_slice %arg5[%arg0, %add3A_284, %dma_start3A_293] : memref<2x10112x128xf32, #tpu.memory_space<hbm>> -> memref<1x128x128xf32, #tpu.memory_space<hbm>>
    %dma_start3A_295 = tpu.memref_squeeze %dma_start3A_294 : memref<1x128x128xf32, #tpu.memory_space<hbm>> -> memref<128x128xf32, #tpu.memory_space<hbm>>
    %dma_start3A_296 = arith.constant 0 : i32
    %dma_start3A_297 = arith.constant 0 : i32
    %dma_start3A_298 = tpu.memref_slice %arg8[%dma_start3A_285, %dma_start3A_296, %dma_start3A_297] : memref<3x128x128xf32, #tpu.memory_space<vmem>> -> memref<1x128x128xf32, #tpu.memory_space<vmem>>
    %dma_start3A_299 = tpu.memref_squeeze %dma_start3A_298 : memref<1x128x128xf32, #tpu.memory_space<vmem>> -> memref<128x128xf32, #tpu.memory_space<vmem>>
    tpu.enqueue_dma source(%dma_start3A_299 : memref<128x128xf32, #tpu.memory_space<vmem>>) target(%dma_start3A_295 : memref<128x128xf32, #tpu.memory_space<hbm>>) target_semaphore(%arg11 : memref<!tpu.dma_semaphore, #tpu.memory_space<semaphore_mem>>)
    %mul3A_300 = arith.constant 632 : i32
    %mul3A_301 = arith.muli %arg1, %mul3A_300 : i32
    %add3A_302 = arith.constant 128 : i32
    %add3A_303 = arith.addi %mul3A_301, %add3A_302 : i32
    %run_scoped3A_304 = arith.constant 1 : i32
    "tpu.region"() ({
      %run_scoped3A_491 = tpu.sem_alloc : memref<!tpu.dma_semaphore, #tpu.memory_space<semaphore_mem>>
      %dma_start3A_492 = arith.constant 0 : i32
      %dma_start3A_493 = arith.constant 0 : i32
      %dma_start3A_494 = tpu.memref_slice %arg8[%run_scoped3A_304, %dma_start3A_492, %dma_start3A_493] : memref<3x128x128xf32, #tpu.memory_space<vmem>> -> memref<1x128x128xf32, #tpu.memory_space<vmem>>
      %dma_start3A_495 = tpu.memref_squeeze %dma_start3A_494 : memref<1x128x128xf32, #tpu.memory_space<vmem>> -> memref<128x128xf32, #tpu.memory_space<vmem>>
      %dma_start3A_496 = arith.constant 0 : i32
      %dma_start3A_497 = tpu.memref_slice %arg9[%add3A_303, %dma_start3A_496] : memref<10112x128xf32, #tpu.memory_space<vmem_shared>> -> memref<128x128xf32, #tpu.memory_space<vmem_shared>>
      %dma_start3A_498 = arith.constant 0 : i32
      %dma_start3A_499 = arith.constant 0 : i32
      %dma_start3A_500 = tpu.memref_slice %arg8[%run_scoped3A_304, %dma_start3A_498, %dma_start3A_499] : memref<3x128x128xf32, #tpu.memory_space<vmem>> -> memref<1x128x128xf32, #tpu.memory_space<vmem>>
      %dma_start3A_501 = tpu.memref_squeeze %dma_start3A_500 : memref<1x128x128xf32, #tpu.memory_space<vmem>> -> memref<128x128xf32, #tpu.memory_space<vmem>>
      %dma_start3A_502 = arith.constant 0 : i32
      %dma_start3A_503 = tpu.memref_slice %arg9[%add3A_303, %dma_start3A_502] : memref<10112x128xf32, #tpu.memory_space<vmem_shared>> -> memref<128x128xf32, #tpu.memory_space<vmem_shared>>
      tpu.enqueue_dma source(%dma_start3A_503 : memref<128x128xf32, #tpu.memory_space<vmem_shared>>) target(%dma_start3A_501 : memref<128x128xf32, #tpu.memory_space<vmem>>) target_semaphore(%run_scoped3A_491 : memref<!tpu.dma_semaphore, #tpu.memory_space<semaphore_mem>>)
      %dma_wait3A_504 = arith.constant 0 : i32
      %dma_wait3A_505 = arith.constant 0 : i32
      %dma_wait3A_506 = tpu.memref_slice %arg8[%run_scoped3A_304, %dma_wait3A_504, %dma_wait3A_505] : memref<3x128x128xf32, #tpu.memory_space<vmem>> -> memref<1x128x128xf32, #tpu.memory_space<vmem>>
      %dma_wait3A_507 = tpu.memref_squeeze %dma_wait3A_506 : memref<1x128x128xf32, #tpu.memory_space<vmem>> -> memref<128x128xf32, #tpu.memory_space<vmem>>
      %dma_wait3A_508 = arith.constant 0 : i32
      %dma_wait3A_509 = tpu.memref_slice %arg9[%add3A_303, %dma_wait3A_508] : memref<10112x128xf32, #tpu.memory_space<vmem_shared>> -> memref<128x128xf32, #tpu.memory_space<vmem_shared>>
      %dma_wait3A_510 = arith.constant 0 : i32
      %dma_wait3A_511 = arith.constant 0 : i32
      %dma_wait3A_512 = tpu.memref_slice %arg8[%run_scoped3A_304, %dma_wait3A_510, %dma_wait3A_511] : memref<3x128x128xf32, #tpu.memory_space<vmem>> -> memref<1x128x128xf32, #tpu.memory_space<vmem>>
      %dma_wait3A_513 = tpu.memref_squeeze %dma_wait3A_512 : memref<1x128x128xf32, #tpu.memory_space<vmem>> -> memref<128x128xf32, #tpu.memory_space<vmem>>
      %dma_wait3A_514 = arith.constant 0 : i32
      %dma_wait3A_515 = tpu.memref_slice %arg9[%add3A_303, %dma_wait3A_514] : memref<10112x128xf32, #tpu.memory_space<vmem_shared>> -> memref<128x128xf32, #tpu.memory_space<vmem_shared>>
      tpu.wait_dma2 semaphore(%run_scoped3A_491 : memref<!tpu.dma_semaphore, #tpu.memory_space<semaphore_mem>>) src(%dma_wait3A_515 : memref<128x128xf32, #tpu.memory_space<vmem_shared>>) dst(%dma_wait3A_513 : memref<128x128xf32, #tpu.memory_space<vmem>>)
      tpu.yield
    }) : () -> ()
    %mul3A_305 = arith.constant 632 : i32
    %mul3A_306 = arith.muli %arg1, %mul3A_305 : i32
    %add3A_307 = arith.constant 128 : i32
    %add3A_308 = arith.addi %mul3A_306, %add3A_307 : i32
    %dma_start3A_309 = arith.constant 1 : i32
    %dma_start3A_310 = arith.constant 0 : i32
    %dma_start3A_311 = arith.constant 0 : i32
    %dma_start3A_312 = tpu.memref_slice %arg8[%dma_start3A_309, %dma_start3A_310, %dma_start3A_311] : memref<3x128x128xf32, #tpu.memory_space<vmem>> -> memref<1x128x128xf32, #tpu.memory_space<vmem>>
    %dma_start3A_313 = tpu.memref_squeeze %dma_start3A_312 : memref<1x128x128xf32, #tpu.memory_space<vmem>> -> memref<128x128xf32, #tpu.memory_space<vmem>>
    %dma_start3A_314 = arith.constant 0 : i32
    %dma_start3A_315 = tpu.memref_slice %arg5[%arg0, %add3A_308, %dma_start3A_314] : memref<2x10112x128xf32, #tpu.memory_space<hbm>> -> memref<1x128x128xf32, #tpu.memory_space<hbm>>
    %dma_start3A_316 = tpu.memref_squeeze %dma_start3A_315 : memref<1x128x128xf32, #tpu.memory_space<hbm>> -> memref<128x128xf32, #tpu.memory_space<hbm>>
    %dma_start3A_317 = arith.constant 0 : i32
    %dma_start3A_318 = tpu.memref_slice %arg5[%arg0, %add3A_308, %dma_start3A_317] : memref<2x10112x128xf32, #tpu.memory_space<hbm>> -> memref<1x128x128xf32, #tpu.memory_space<hbm>>
    %dma_start3A_319 = tpu.memref_squeeze %dma_start3A_318 : memref<1x128x128xf32, #tpu.memory_space<hbm>> -> memref<128x128xf32, #tpu.memory_space<hbm>>
    %dma_start3A_320 = arith.constant 0 : i32
    %dma_start3A_321 = arith.constant 0 : i32
    %dma_start3A_322 = tpu.memref_slice %arg8[%dma_start3A_309, %dma_start3A_320, %dma_start3A_321] : memref<3x128x128xf32, #tpu.memory_space<vmem>> -> memref<1x128x128xf32, #tpu.memory_space<vmem>>
    %dma_start3A_323 = tpu.memref_squeeze %dma_start3A_322 : memref<1x128x128xf32, #tpu.memory_space<vmem>> -> memref<128x128xf32, #tpu.memory_space<vmem>>
    tpu.enqueue_dma source(%dma_start3A_323 : memref<128x128xf32, #tpu.memory_space<vmem>>) target(%dma_start3A_319 : memref<128x128xf32, #tpu.memory_space<hbm>>) target_semaphore(%arg11 : memref<!tpu.dma_semaphore, #tpu.memory_space<semaphore_mem>>)
    %mul3A_324 = arith.constant 632 : i32
    %mul3A_325 = arith.muli %arg1, %mul3A_324 : i32
    %add3A_326 = arith.constant 0 : i32
    %add3A_327 = arith.addi %mul3A_325, %add3A_326 : i32
    %dma_wait3A_328 = arith.constant 0 : i32
    %dma_wait3A_329 = arith.constant 0 : i32
    %dma_wait3A_330 = arith.constant 0 : i32
    %dma_wait3A_331 = tpu.memref_slice %arg8[%dma_wait3A_328, %dma_wait3A_329, %dma_wait3A_330] : memref<3x128x128xf32, #tpu.memory_space<vmem>> -> memref<1x128x128xf32, #tpu.memory_space<vmem>>
    %dma_wait3A_332 = tpu.memref_squeeze %dma_wait3A_331 : memref<1x128x128xf32, #tpu.memory_space<vmem>> -> memref<128x128xf32, #tpu.memory_space<vmem>>
    %dma_wait3A_333 = arith.constant 0 : i32
    %dma_wait3A_334 = tpu.memref_slice %arg5[%arg0, %add3A_327, %dma_wait3A_333] : memref<2x10112x128xf32, #tpu.memory_space<hbm>> -> memref<1x128x128xf32, #tpu.memory_space<hbm>>
    %dma_wait3A_335 = tpu.memref_squeeze %dma_wait3A_334 : memref<1x128x128xf32, #tpu.memory_space<hbm>> -> memref<128x128xf32, #tpu.memory_space<hbm>>
    %dma_wait3A_336 = arith.constant 0 : i32
    %dma_wait3A_337 = tpu.memref_slice %arg5[%arg0, %add3A_327, %dma_wait3A_336] : memref<2x10112x128xf32, #tpu.memory_space<hbm>> -> memref<1x128x128xf32, #tpu.memory_space<hbm>>
    %dma_wait3A_338 = tpu.memref_squeeze %dma_wait3A_337 : memref<1x128x128xf32, #tpu.memory_space<hbm>> -> memref<128x128xf32, #tpu.memory_space<hbm>>
    %dma_wait3A_339 = arith.constant 0 : i32
    %dma_wait3A_340 = arith.constant 0 : i32
    %dma_wait3A_341 = tpu.memref_slice %arg8[%dma_wait3A_328, %dma_wait3A_339, %dma_wait3A_340] : memref<3x128x128xf32, #tpu.memory_space<vmem>> -> memref<1x128x128xf32, #tpu.memory_space<vmem>>
    %dma_wait3A_342 = tpu.memref_squeeze %dma_wait3A_341 : memref<1x128x128xf32, #tpu.memory_space<vmem>> -> memref<128x128xf32, #tpu.memory_space<vmem>>
    tpu.wait_dma2 semaphore(%arg11 : memref<!tpu.dma_semaphore, #tpu.memory_space<semaphore_mem>>) src(%dma_wait3A_342 : memref<128x128xf32, #tpu.memory_space<vmem>>) dst(%dma_wait3A_338 : memref<128x128xf32, #tpu.memory_space<hbm>>)
    %mul3A_343 = arith.constant 632 : i32
    %mul3A_344 = arith.muli %arg1, %mul3A_343 : i32
    %add3A_345 = arith.constant 256 : i32
    %add3A_346 = arith.addi %mul3A_344, %add3A_345 : i32
    %run_scoped3A_347 = arith.constant 0 : i32
    "tpu.region"() ({
      %run_scoped3A_491 = tpu.sem_alloc : memref<!tpu.dma_semaphore, #tpu.memory_space<semaphore_mem>>
      %dma_start3A_492 = arith.constant 0 : i32
      %dma_start3A_493 = arith.constant 0 : i32
      %dma_start3A_494 = tpu.memref_slice %arg8[%run_scoped3A_347, %dma_start3A_492, %dma_start3A_493] : memref<3x128x128xf32, #tpu.memory_space<vmem>> -> memref<1x128x128xf32, #tpu.memory_space<vmem>>
      %dma_start3A_495 = tpu.memref_squeeze %dma_start3A_494 : memref<1x128x128xf32, #tpu.memory_space<vmem>> -> memref<128x128xf32, #tpu.memory_space<vmem>>
      %dma_start3A_496 = arith.constant 0 : i32
      %dma_start3A_497 = tpu.memref_slice %arg9[%add3A_346, %dma_start3A_496] : memref<10112x128xf32, #tpu.memory_space<vmem_shared>> -> memref<128x128xf32, #tpu.memory_space<vmem_shared>>
      %dma_start3A_498 = arith.constant 0 : i32
      %dma_start3A_499 = arith.constant 0 : i32
      %dma_start3A_500 = tpu.memref_slice %arg8[%run_scoped3A_347, %dma_start3A_498, %dma_start3A_499] : memref<3x128x128xf32, #tpu.memory_space<vmem>> -> memref<1x128x128xf32, #tpu.memory_space<vmem>>
      %dma_start3A_501 = tpu.memref_squeeze %dma_start3A_500 : memref<1x128x128xf32, #tpu.memory_space<vmem>> -> memref<128x128xf32, #tpu.memory_space<vmem>>
      %dma_start3A_502 = arith.constant 0 : i32
      %dma_start3A_503 = tpu.memref_slice %arg9[%add3A_346, %dma_start3A_502] : memref<10112x128xf32, #tpu.memory_space<vmem_shared>> -> memref<128x128xf32, #tpu.memory_space<vmem_shared>>
      tpu.enqueue_dma source(%dma_start3A_503 : memref<128x128xf32, #tpu.memory_space<vmem_shared>>) target(%dma_start3A_501 : memref<128x128xf32, #tpu.memory_space<vmem>>) target_semaphore(%run_scoped3A_491 : memref<!tpu.dma_semaphore, #tpu.memory_space<semaphore_mem>>)
      %dma_wait3A_504 = arith.constant 0 : i32
      %dma_wait3A_505 = arith.constant 0 : i32
      %dma_wait3A_506 = tpu.memref_slice %arg8[%run_scoped3A_347, %dma_wait3A_504, %dma_wait3A_505] : memref<3x128x128xf32, #tpu.memory_space<vmem>> -> memref<1x128x128xf32, #tpu.memory_space<vmem>>
      %dma_wait3A_507 = tpu.memref_squeeze %dma_wait3A_506 : memref<1x128x128xf32, #tpu.memory_space<vmem>> -> memref<128x128xf32, #tpu.memory_space<vmem>>
      %dma_wait3A_508 = arith.constant 0 : i32
      %dma_wait3A_509 = tpu.memref_slice %arg9[%add3A_346, %dma_wait3A_508] : memref<10112x128xf32, #tpu.memory_space<vmem_shared>> -> memref<128x128xf32, #tpu.memory_space<vmem_shared>>
      %dma_wait3A_510 = arith.constant 0 : i32
      %dma_wait3A_511 = arith.constant 0 : i32
      %dma_wait3A_512 = tpu.memref_slice %arg8[%run_scoped3A_347, %dma_wait3A_510, %dma_wait3A_511] : memref<3x128x128xf32, #tpu.memory_space<vmem>> -> memref<1x128x128xf32, #tpu.memory_space<vmem>>
      %dma_wait3A_513 = tpu.memref_squeeze %dma_wait3A_512 : memref<1x128x128xf32, #tpu.memory_space<vmem>> -> memref<128x128xf32, #tpu.memory_space<vmem>>
      %dma_wait3A_514 = arith.constant 0 : i32
      %dma_wait3A_515 = tpu.memref_slice %arg9[%add3A_346, %dma_wait3A_514] : memref<10112x128xf32, #tpu.memory_space<vmem_shared>> -> memref<128x128xf32, #tpu.memory_space<vmem_shared>>
      tpu.wait_dma2 semaphore(%run_scoped3A_491 : memref<!tpu.dma_semaphore, #tpu.memory_space<semaphore_mem>>) src(%dma_wait3A_515 : memref<128x128xf32, #tpu.memory_space<vmem_shared>>) dst(%dma_wait3A_513 : memref<128x128xf32, #tpu.memory_space<vmem>>)
      tpu.yield
    }) : () -> ()
    %mul3A_348 = arith.constant 632 : i32
    %mul3A_349 = arith.muli %arg1, %mul3A_348 : i32
    %add3A_350 = arith.constant 256 : i32
    %add3A_351 = arith.addi %mul3A_349, %add3A_350 : i32
    %dma_start3A_352 = arith.constant 0 : i32
    %dma_start3A_353 = arith.constant 0 : i32
    %dma_start3A_354 = arith.constant 0 : i32
    %dma_start3A_355 = tpu.memref_slice %arg8[%dma_start3A_352, %dma_start3A_353, %dma_start3A_354] : memref<3x128x128xf32, #tpu.memory_space<vmem>> -> memref<1x128x128xf32, #tpu.memory_space<vmem>>
    %dma_start3A_356 = tpu.memref_squeeze %dma_start3A_355 : memref<1x128x128xf32, #tpu.memory_space<vmem>> -> memref<128x128xf32, #tpu.memory_space<vmem>>
    %dma_start3A_357 = arith.constant 0 : i32
    %dma_start3A_358 = tpu.memref_slice %arg5[%arg0, %add3A_351, %dma_start3A_357] : memref<2x10112x128xf32, #tpu.memory_space<hbm>> -> memref<1x128x128xf32, #tpu.memory_space<hbm>>
    %dma_start3A_359 = tpu.memref_squeeze %dma_start3A_358 : memref<1x128x128xf32, #tpu.memory_space<hbm>> -> memref<128x128xf32, #tpu.memory_space<hbm>>
    %dma_start3A_360 = arith.constant 0 : i32
    %dma_start3A_361 = tpu.memref_slice %arg5[%arg0, %add3A_351, %dma_start3A_360] : memref<2x10112x128xf32, #tpu.memory_space<hbm>> -> memref<1x128x128xf32, #tpu.memory_space<hbm>>
    %dma_start3A_362 = tpu.memref_squeeze %dma_start3A_361 : memref<1x128x128xf32, #tpu.memory_space<hbm>> -> memref<128x128xf32, #tpu.memory_space<hbm>>
    %dma_start3A_363 = arith.constant 0 : i32
    %dma_start3A_364 = arith.constant 0 : i32
    %dma_start3A_365 = tpu.memref_slice %arg8[%dma_start3A_352, %dma_start3A_363, %dma_start3A_364] : memref<3x128x128xf32, #tpu.memory_space<vmem>> -> memref<1x128x128xf32, #tpu.memory_space<vmem>>
    %dma_start3A_366 = tpu.memref_squeeze %dma_start3A_365 : memref<1x128x128xf32, #tpu.memory_space<vmem>> -> memref<128x128xf32, #tpu.memory_space<vmem>>
    tpu.enqueue_dma source(%dma_start3A_366 : memref<128x128xf32, #tpu.memory_space<vmem>>) target(%dma_start3A_362 : memref<128x128xf32, #tpu.memory_space<hbm>>) target_semaphore(%arg11 : memref<!tpu.dma_semaphore, #tpu.memory_space<semaphore_mem>>)
    %mul3A_367 = arith.constant 632 : i32
    %mul3A_368 = arith.muli %arg1, %mul3A_367 : i32
    %add3A_369 = arith.constant 128 : i32
    %add3A_370 = arith.addi %mul3A_368, %add3A_369 : i32
    %dma_wait3A_371 = arith.constant 1 : i32
    %dma_wait3A_372 = arith.constant 0 : i32
    %dma_wait3A_373 = arith.constant 0 : i32
    %dma_wait3A_374 = tpu.memref_slice %arg8[%dma_wait3A_371, %dma_wait3A_372, %dma_wait3A_373] : memref<3x128x128xf32, #tpu.memory_space<vmem>> -> memref<1x128x128xf32, #tpu.memory_space<vmem>>
    %dma_wait3A_375 = tpu.memref_squeeze %dma_wait3A_374 : memref<1x128x128xf32, #tpu.memory_space<vmem>> -> memref<128x128xf32, #tpu.memory_space<vmem>>
    %dma_wait3A_376 = arith.constant 0 : i32
    %dma_wait3A_377 = tpu.memref_slice %arg5[%arg0, %add3A_370, %dma_wait3A_376] : memref<2x10112x128xf32, #tpu.memory_space<hbm>> -> memref<1x128x128xf32, #tpu.memory_space<hbm>>
    %dma_wait3A_378 = tpu.memref_squeeze %dma_wait3A_377 : memref<1x128x128xf32, #tpu.memory_space<hbm>> -> memref<128x128xf32, #tpu.memory_space<hbm>>
    %dma_wait3A_379 = arith.constant 0 : i32
    %dma_wait3A_380 = tpu.memref_slice %arg5[%arg0, %add3A_370, %dma_wait3A_379] : memref<2x10112x128xf32, #tpu.memory_space<hbm>> -> memref<1x128x128xf32, #tpu.memory_space<hbm>>
    %dma_wait3A_381 = tpu.memref_squeeze %dma_wait3A_380 : memref<1x128x128xf32, #tpu.memory_space<hbm>> -> memref<128x128xf32, #tpu.memory_space<hbm>>
    %dma_wait3A_382 = arith.constant 0 : i32
    %dma_wait3A_383 = arith.constant 0 : i32
    %dma_wait3A_384 = tpu.memref_slice %arg8[%dma_wait3A_371, %dma_wait3A_382, %dma_wait3A_383] : memref<3x128x128xf32, #tpu.memory_space<vmem>> -> memref<1x128x128xf32, #tpu.memory_space<vmem>>
    %dma_wait3A_385 = tpu.memref_squeeze %dma_wait3A_384 : memref<1x128x128xf32, #tpu.memory_space<vmem>> -> memref<128x128xf32, #tpu.memory_space<vmem>>
    tpu.wait_dma2 semaphore(%arg11 : memref<!tpu.dma_semaphore, #tpu.memory_space<semaphore_mem>>) src(%dma_wait3A_385 : memref<128x128xf32, #tpu.memory_space<vmem>>) dst(%dma_wait3A_381 : memref<128x128xf32, #tpu.memory_space<hbm>>)
    %mul3A_386 = arith.constant 632 : i32
    %mul3A_387 = arith.muli %arg1, %mul3A_386 : i32
    %add3A_388 = arith.constant 384 : i32
    %add3A_389 = arith.addi %mul3A_387, %add3A_388 : i32
    %run_scoped3A_390 = arith.constant 1 : i32
    "tpu.region"() ({
      %run_scoped3A_491 = tpu.sem_alloc : memref<!tpu.dma_semaphore, #tpu.memory_space<semaphore_mem>>
      %dma_start3A_492 = arith.constant 0 : i32
      %dma_start3A_493 = arith.constant 0 : i32
      %dma_start3A_494 = tpu.memref_slice %arg8[%run_scoped3A_390, %dma_start3A_492, %dma_start3A_493] : memref<3x128x128xf32, #tpu.memory_space<vmem>> -> memref<1x128x128xf32, #tpu.memory_space<vmem>>
      %dma_start3A_495 = tpu.memref_squeeze %dma_start3A_494 : memref<1x128x128xf32, #tpu.memory_space<vmem>> -> memref<128x128xf32, #tpu.memory_space<vmem>>
      %dma_start3A_496 = arith.constant 0 : i32
      %dma_start3A_497 = tpu.memref_slice %arg9[%add3A_389, %dma_start3A_496] : memref<10112x128xf32, #tpu.memory_space<vmem_shared>> -> memref<128x128xf32, #tpu.memory_space<vmem_shared>>
      %dma_start3A_498 = arith.constant 0 : i32
      %dma_start3A_499 = arith.constant 0 : i32
      %dma_start3A_500 = tpu.memref_slice %arg8[%run_scoped3A_390, %dma_start3A_498, %dma_start3A_499] : memref<3x128x128xf32, #tpu.memory_space<vmem>> -> memref<1x128x128xf32, #tpu.memory_space<vmem>>
      %dma_start3A_501 = tpu.memref_squeeze %dma_start3A_500 : memref<1x128x128xf32, #tpu.memory_space<vmem>> -> memref<128x128xf32, #tpu.memory_space<vmem>>
      %dma_start3A_502 = arith.constant 0 : i32
      %dma_start3A_503 = tpu.memref_slice %arg9[%add3A_389, %dma_start3A_502] : memref<10112x128xf32, #tpu.memory_space<vmem_shared>> -> memref<128x128xf32, #tpu.memory_space<vmem_shared>>
      tpu.enqueue_dma source(%dma_start3A_503 : memref<128x128xf32, #tpu.memory_space<vmem_shared>>) target(%dma_start3A_501 : memref<128x128xf32, #tpu.memory_space<vmem>>) target_semaphore(%run_scoped3A_491 : memref<!tpu.dma_semaphore, #tpu.memory_space<semaphore_mem>>)
      %dma_wait3A_504 = arith.constant 0 : i32
      %dma_wait3A_505 = arith.constant 0 : i32
      %dma_wait3A_506 = tpu.memref_slice %arg8[%run_scoped3A_390, %dma_wait3A_504, %dma_wait3A_505] : memref<3x128x128xf32, #tpu.memory_space<vmem>> -> memref<1x128x128xf32, #tpu.memory_space<vmem>>
      %dma_wait3A_507 = tpu.memref_squeeze %dma_wait3A_506 : memref<1x128x128xf32, #tpu.memory_space<vmem>> -> memref<128x128xf32, #tpu.memory_space<vmem>>
      %dma_wait3A_508 = arith.constant 0 : i32
      %dma_wait3A_509 = tpu.memref_slice %arg9[%add3A_389, %dma_wait3A_508] : memref<10112x128xf32, #tpu.memory_space<vmem_shared>> -> memref<128x128xf32, #tpu.memory_space<vmem_shared>>
      %dma_wait3A_510 = arith.constant 0 : i32
      %dma_wait3A_511 = arith.constant 0 : i32
      %dma_wait3A_512 = tpu.memref_slice %arg8[%run_scoped3A_390, %dma_wait3A_510, %dma_wait3A_511] : memref<3x128x128xf32, #tpu.memory_space<vmem>> -> memref<1x128x128xf32, #tpu.memory_space<vmem>>
      %dma_wait3A_513 = tpu.memref_squeeze %dma_wait3A_512 : memref<1x128x128xf32, #tpu.memory_space<vmem>> -> memref<128x128xf32, #tpu.memory_space<vmem>>
      %dma_wait3A_514 = arith.constant 0 : i32
      %dma_wait3A_515 = tpu.memref_slice %arg9[%add3A_389, %dma_wait3A_514] : memref<10112x128xf32, #tpu.memory_space<vmem_shared>> -> memref<128x128xf32, #tpu.memory_space<vmem_shared>>
      tpu.wait_dma2 semaphore(%run_scoped3A_491 : memref<!tpu.dma_semaphore, #tpu.memory_space<semaphore_mem>>) src(%dma_wait3A_515 : memref<128x128xf32, #tpu.memory_space<vmem_shared>>) dst(%dma_wait3A_513 : memref<128x128xf32, #tpu.memory_space<vmem>>)
      tpu.yield
    }) : () -> ()
    %mul3A_391 = arith.constant 632 : i32
    %mul3A_392 = arith.muli %arg1, %mul3A_391 : i32
    %add3A_393 = arith.constant 384 : i32
    %add3A_394 = arith.addi %mul3A_392, %add3A_393 : i32
    %dma_start3A_395 = arith.constant 1 : i32
    %dma_start3A_396 = arith.constant 0 : i32
    %dma_start3A_397 = arith.constant 0 : i32
    %dma_start3A_398 = tpu.memref_slice %arg8[%dma_start3A_395, %dma_start3A_396, %dma_start3A_397] : memref<3x128x128xf32, #tpu.memory_space<vmem>> -> memref<1x128x128xf32, #tpu.memory_space<vmem>>
    %dma_start3A_399 = tpu.memref_squeeze %dma_start3A_398 : memref<1x128x128xf32, #tpu.memory_space<vmem>> -> memref<128x128xf32, #tpu.memory_space<vmem>>
    %dma_start3A_400 = arith.constant 0 : i32
    %dma_start3A_401 = tpu.memref_slice %arg5[%arg0, %add3A_394, %dma_start3A_400] : memref<2x10112x128xf32, #tpu.memory_space<hbm>> -> memref<1x128x128xf32, #tpu.memory_space<hbm>>
    %dma_start3A_402 = tpu.memref_squeeze %dma_start3A_401 : memref<1x128x128xf32, #tpu.memory_space<hbm>> -> memref<128x128xf32, #tpu.memory_space<hbm>>
    %dma_start3A_403 = arith.constant 0 : i32
    %dma_start3A_404 = tpu.memref_slice %arg5[%arg0, %add3A_394, %dma_start3A_403] : memref<2x10112x128xf32, #tpu.memory_space<hbm>> -> memref<1x128x128xf32, #tpu.memory_space<hbm>>
    %dma_start3A_405 = tpu.memref_squeeze %dma_start3A_404 : memref<1x128x128xf32, #tpu.memory_space<hbm>> -> memref<128x128xf32, #tpu.memory_space<hbm>>
    %dma_start3A_406 = arith.constant 0 : i32
    %dma_start3A_407 = arith.constant 0 : i32
    %dma_start3A_408 = tpu.memref_slice %arg8[%dma_start3A_395, %dma_start3A_406, %dma_start3A_407] : memref<3x128x128xf32, #tpu.memory_space<vmem>> -> memref<1x128x128xf32, #tpu.memory_space<vmem>>
    %dma_start3A_409 = tpu.memref_squeeze %dma_start3A_408 : memref<1x128x128xf32, #tpu.memory_space<vmem>> -> memref<128x128xf32, #tpu.memory_space<vmem>>
    tpu.enqueue_dma source(%dma_start3A_409 : memref<128x128xf32, #tpu.memory_space<vmem>>) target(%dma_start3A_405 : memref<128x128xf32, #tpu.memory_space<hbm>>) target_semaphore(%arg11 : memref<!tpu.dma_semaphore, #tpu.memory_space<semaphore_mem>>)
    %mul3A_410 = arith.constant 632 : i32
    %mul3A_411 = arith.muli %arg1, %mul3A_410 : i32
    %add3A_412 = arith.constant 256 : i32
    %add3A_413 = arith.addi %mul3A_411, %add3A_412 : i32
    %dma_wait3A_414 = arith.constant 0 : i32
    %dma_wait3A_415 = arith.constant 0 : i32
    %dma_wait3A_416 = arith.constant 0 : i32
    %dma_wait3A_417 = tpu.memref_slice %arg8[%dma_wait3A_414, %dma_wait3A_415, %dma_wait3A_416] : memref<3x128x128xf32, #tpu.memory_space<vmem>> -> memref<1x128x128xf32, #tpu.memory_space<vmem>>
    %dma_wait3A_418 = tpu.memref_squeeze %dma_wait3A_417 : memref<1x128x128xf32, #tpu.memory_space<vmem>> -> memref<128x128xf32, #tpu.memory_space<vmem>>
    %dma_wait3A_419 = arith.constant 0 : i32
    %dma_wait3A_420 = tpu.memref_slice %arg5[%arg0, %add3A_413, %dma_wait3A_419] : memref<2x10112x128xf32, #tpu.memory_space<hbm>> -> memref<1x128x128xf32, #tpu.memory_space<hbm>>
    %dma_wait3A_421 = tpu.memref_squeeze %dma_wait3A_420 : memref<1x128x128xf32, #tpu.memory_space<hbm>> -> memref<128x128xf32, #tpu.memory_space<hbm>>
    %dma_wait3A_422 = arith.constant 0 : i32
    %dma_wait3A_423 = tpu.memref_slice %arg5[%arg0, %add3A_413, %dma_wait3A_422] : memref<2x10112x128xf32, #tpu.memory_space<hbm>> -> memref<1x128x128xf32, #tpu.memory_space<hbm>>
    %dma_wait3A_424 = tpu.memref_squeeze %dma_wait3A_423 : memref<1x128x128xf32, #tpu.memory_space<hbm>> -> memref<128x128xf32, #tpu.memory_space<hbm>>
    %dma_wait3A_425 = arith.constant 0 : i32
    %dma_wait3A_426 = arith.constant 0 : i32
    %dma_wait3A_427 = tpu.memref_slice %arg8[%dma_wait3A_414, %dma_wait3A_425, %dma_wait3A_426] : memref<3x128x128xf32, #tpu.memory_space<vmem>> -> memref<1x128x128xf32, #tpu.memory_space<vmem>>
    %dma_wait3A_428 = tpu.memref_squeeze %dma_wait3A_427 : memref<1x128x128xf32, #tpu.memory_space<vmem>> -> memref<128x128xf32, #tpu.memory_space<vmem>>
    tpu.wait_dma2 semaphore(%arg11 : memref<!tpu.dma_semaphore, #tpu.memory_space<semaphore_mem>>) src(%dma_wait3A_428 : memref<128x128xf32, #tpu.memory_space<vmem>>) dst(%dma_wait3A_424 : memref<128x128xf32, #tpu.memory_space<hbm>>)
    %mul3A_429 = arith.constant 632 : i32
    %mul3A_430 = arith.muli %arg1, %mul3A_429 : i32
    %add3A_431 = arith.constant 512 : i32
    %add3A_432 = arith.addi %mul3A_430, %add3A_431 : i32
    %run_scoped3A_433 = arith.constant 0 : i32
    "tpu.region"() ({
      %run_scoped3A_491 = tpu.sem_alloc : memref<!tpu.dma_semaphore, #tpu.memory_space<semaphore_mem>>
      %dma_start3A_492 = arith.constant 0 : i32
      %dma_start3A_493 = arith.constant 0 : i32
      %dma_start3A_494 = tpu.memref_slice %arg8[%run_scoped3A_433, %dma_start3A_492, %dma_start3A_493] : memref<3x128x128xf32, #tpu.memory_space<vmem>> -> memref<1x120x128xf32, #tpu.memory_space<vmem>>
      %dma_start3A_495 = tpu.memref_squeeze %dma_start3A_494 : memref<1x120x128xf32, #tpu.memory_space<vmem>> -> memref<120x128xf32, #tpu.memory_space<vmem>>
      %dma_start3A_496 = arith.constant 0 : i32
      %dma_start3A_497 = tpu.memref_slice %arg9[%add3A_432, %dma_start3A_496] : memref<10112x128xf32, #tpu.memory_space<vmem_shared>> -> memref<120x128xf32, #tpu.memory_space<vmem_shared>>
      %dma_start3A_498 = arith.constant 0 : i32
      %dma_start3A_499 = arith.constant 0 : i32
      %dma_start3A_500 = tpu.memref_slice %arg8[%run_scoped3A_433, %dma_start3A_498, %dma_start3A_499] : memref<3x128x128xf32, #tpu.memory_space<vmem>> -> memref<1x120x128xf32, #tpu.memory_space<vmem>>
      %dma_start3A_501 = tpu.memref_squeeze %dma_start3A_500 : memref<1x120x128xf32, #tpu.memory_space<vmem>> -> memref<120x128xf32, #tpu.memory_space<vmem>>
      %dma_start3A_502 = arith.constant 0 : i32
      %dma_start3A_503 = tpu.memref_slice %arg9[%add3A_432, %dma_start3A_502] : memref<10112x128xf32, #tpu.memory_space<vmem_shared>> -> memref<120x128xf32, #tpu.memory_space<vmem_shared>>
      tpu.enqueue_dma source(%dma_start3A_503 : memref<120x128xf32, #tpu.memory_space<vmem_shared>>) target(%dma_start3A_501 : memref<120x128xf32, #tpu.memory_space<vmem>>) target_semaphore(%run_scoped3A_491 : memref<!tpu.dma_semaphore, #tpu.memory_space<semaphore_mem>>)
      %dma_wait3A_504 = arith.constant 0 : i32
      %dma_wait3A_505 = arith.constant 0 : i32
      %dma_wait3A_506 = tpu.memref_slice %arg8[%run_scoped3A_433, %dma_wait3A_504, %dma_wait3A_505] : memref<3x128x128xf32, #tpu.memory_space<vmem>> -> memref<1x120x128xf32, #tpu.memory_space<vmem>>
      %dma_wait3A_507 = tpu.memref_squeeze %dma_wait3A_506 : memref<1x120x128xf32, #tpu.memory_space<vmem>> -> memref<120x128xf32, #tpu.memory_space<vmem>>
      %dma_wait3A_508 = arith.constant 0 : i32
      %dma_wait3A_509 = tpu.memref_slice %arg9[%add3A_432, %dma_wait3A_508] : memref<10112x128xf32, #tpu.memory_space<vmem_shared>> -> memref<120x128xf32, #tpu.memory_space<vmem_shared>>
      %dma_wait3A_510 = arith.constant 0 : i32
      %dma_wait3A_511 = arith.constant 0 : i32
      %dma_wait3A_512 = tpu.memref_slice %arg8[%run_scoped3A_433, %dma_wait3A_510, %dma_wait3A_511] : memref<3x128x128xf32, #tpu.memory_space<vmem>> -> memref<1x120x128xf32, #tpu.memory_space<vmem>>
      %dma_wait3A_513 = tpu.memref_squeeze %dma_wait3A_512 : memref<1x120x128xf32, #tpu.memory_space<vmem>> -> memref<120x128xf32, #tpu.memory_space<vmem>>
      %dma_wait3A_514 = arith.constant 0 : i32
      %dma_wait3A_515 = tpu.memref_slice %arg9[%add3A_432, %dma_wait3A_514] : memref<10112x128xf32, #tpu.memory_space<vmem_shared>> -> memref<120x128xf32, #tpu.memory_space<vmem_shared>>
      tpu.wait_dma2 semaphore(%run_scoped3A_491 : memref<!tpu.dma_semaphore, #tpu.memory_space<semaphore_mem>>) src(%dma_wait3A_515 : memref<120x128xf32, #tpu.memory_space<vmem_shared>>) dst(%dma_wait3A_513 : memref<120x128xf32, #tpu.memory_space<vmem>>)
      tpu.yield
    }) : () -> ()
    %mul3A_434 = arith.constant 632 : i32
    %mul3A_435 = arith.muli %arg1, %mul3A_434 : i32
    %add3A_436 = arith.constant 512 : i32
    %add3A_437 = arith.addi %mul3A_435, %add3A_436 : i32
    %dma_start3A_438 = arith.constant 0 : i32
    %dma_start3A_439 = arith.constant 0 : i32
    %dma_start3A_440 = arith.constant 0 : i32
    %dma_start3A_441 = tpu.memref_slice %arg8[%dma_start3A_438, %dma_start3A_439, %dma_start3A_440] : memref<3x128x128xf32, #tpu.memory_space<vmem>> -> memref<1x120x128xf32, #tpu.memory_space<vmem>>
    %dma_start3A_442 = tpu.memref_squeeze %dma_start3A_441 : memref<1x120x128xf32, #tpu.memory_space<vmem>> -> memref<120x128xf32, #tpu.memory_space<vmem>>
    %dma_start3A_443 = arith.constant 0 : i32
    %dma_start3A_444 = tpu.memref_slice %arg5[%arg0, %add3A_437, %dma_start3A_443] : memref<2x10112x128xf32, #tpu.memory_space<hbm>> -> memref<1x120x128xf32, #tpu.memory_space<hbm>>
    %dma_start3A_445 = tpu.memref_squeeze %dma_start3A_444 : memref<1x120x128xf32, #tpu.memory_space<hbm>> -> memref<120x128xf32, #tpu.memory_space<hbm>>
    %dma_start3A_446 = arith.constant 0 : i32
    %dma_start3A_447 = tpu.memref_slice %arg5[%arg0, %add3A_437, %dma_start3A_446] : memref<2x10112x128xf32, #tpu.memory_space<hbm>> -> memref<1x120x128xf32, #tpu.memory_space<hbm>>
    %dma_start3A_448 = tpu.memref_squeeze %dma_start3A_447 : memref<1x120x128xf32, #tpu.memory_space<hbm>> -> memref<120x128xf32, #tpu.memory_space<hbm>>
    %dma_start3A_449 = arith.constant 0 : i32
    %dma_start3A_450 = arith.constant 0 : i32
    %dma_start3A_451 = tpu.memref_slice %arg8[%dma_start3A_438, %dma_start3A_449, %dma_start3A_450] : memref<3x128x128xf32, #tpu.memory_space<vmem>> -> memref<1x120x128xf32, #tpu.memory_space<vmem>>
    %dma_start3A_452 = tpu.memref_squeeze %dma_start3A_451 : memref<1x120x128xf32, #tpu.memory_space<vmem>> -> memref<120x128xf32, #tpu.memory_space<vmem>>
    tpu.enqueue_dma source(%dma_start3A_452 : memref<120x128xf32, #tpu.memory_space<vmem>>) target(%dma_start3A_448 : memref<120x128xf32, #tpu.memory_space<hbm>>) target_semaphore(%arg11 : memref<!tpu.dma_semaphore, #tpu.memory_space<semaphore_mem>>)
    %mul3A_453 = arith.constant 632 : i32
    %mul3A_454 = arith.muli %arg1, %mul3A_453 : i32
    %add3A_455 = arith.constant 384 : i32
    %add3A_456 = arith.addi %mul3A_454, %add3A_455 : i32
    %dma_wait3A_457 = arith.constant 1 : i32
    %dma_wait3A_458 = arith.constant 0 : i32
    %dma_wait3A_459 = arith.constant 0 : i32
    %dma_wait3A_460 = tpu.memref_slice %arg8[%dma_wait3A_457, %dma_wait3A_458, %dma_wait3A_459] : memref<3x128x128xf32, #tpu.memory_space<vmem>> -> memref<1x128x128xf32, #tpu.memory_space<vmem>>
    %dma_wait3A_461 = tpu.memref_squeeze %dma_wait3A_460 : memref<1x128x128xf32, #tpu.memory_space<vmem>> -> memref<128x128xf32, #tpu.memory_space<vmem>>
    %dma_wait3A_462 = arith.constant 0 : i32
    %dma_wait3A_463 = tpu.memref_slice %arg5[%arg0, %add3A_456, %dma_wait3A_462] : memref<2x10112x128xf32, #tpu.memory_space<hbm>> -> memref<1x128x128xf32, #tpu.memory_space<hbm>>
    %dma_wait3A_464 = tpu.memref_squeeze %dma_wait3A_463 : memref<1x128x128xf32, #tpu.memory_space<hbm>> -> memref<128x128xf32, #tpu.memory_space<hbm>>
    %dma_wait3A_465 = arith.constant 0 : i32
    %dma_wait3A_466 = tpu.memref_slice %arg5[%arg0, %add3A_456, %dma_wait3A_465] : memref<2x10112x128xf32, #tpu.memory_space<hbm>> -> memref<1x128x128xf32, #tpu.memory_space<hbm>>
    %dma_wait3A_467 = tpu.memref_squeeze %dma_wait3A_466 : memref<1x128x128xf32, #tpu.memory_space<hbm>> -> memref<128x128xf32, #tpu.memory_space<hbm>>
    %dma_wait3A_468 = arith.constant 0 : i32
    %dma_wait3A_469 = arith.constant 0 : i32
    %dma_wait3A_470 = tpu.memref_slice %arg8[%dma_wait3A_457, %dma_wait3A_468, %dma_wait3A_469] : memref<3x128x128xf32, #tpu.memory_space<vmem>> -> memref<1x128x128xf32, #tpu.memory_space<vmem>>
    %dma_wait3A_471 = tpu.memref_squeeze %dma_wait3A_470 : memref<1x128x128xf32, #tpu.memory_space<vmem>> -> memref<128x128xf32, #tpu.memory_space<vmem>>
    tpu.wait_dma2 semaphore(%arg11 : memref<!tpu.dma_semaphore, #tpu.memory_space<semaphore_mem>>) src(%dma_wait3A_471 : memref<128x128xf32, #tpu.memory_space<vmem>>) dst(%dma_wait3A_467 : memref<128x128xf32, #tpu.memory_space<hbm>>)
    %mul3A_472 = arith.constant 632 : i32
    %mul3A_473 = arith.muli %arg1, %mul3A_472 : i32
    %add3A_474 = arith.constant 512 : i32
    %add3A_475 = arith.addi %mul3A_473, %add3A_474 : i32
    %dma_wait3A_476 = arith.constant 0 : i32
    %dma_wait3A_477 = arith.constant 0 : i32
    %dma_wait3A_478 = arith.constant 0 : i32
    %dma_wait3A_479 = tpu.memref_slice %arg8[%dma_wait3A_476, %dma_wait3A_477, %dma_wait3A_478] : memref<3x128x128xf32, #tpu.memory_space<vmem>> -> memref<1x120x128xf32, #tpu.memory_space<vmem>>
    %dma_wait3A_480 = tpu.memref_squeeze %dma_wait3A_479 : memref<1x120x128xf32, #tpu.memory_space<vmem>> -> memref<120x128xf32, #tpu.memory_space<vmem>>
    %dma_wait3A_481 = arith.constant 0 : i32
    %dma_wait3A_482 = tpu.memref_slice %arg5[%arg0, %add3A_475, %dma_wait3A_481] : memref<2x10112x128xf32, #tpu.memory_space<hbm>> -> memref<1x120x128xf32, #tpu.memory_space<hbm>>
    %dma_wait3A_483 = tpu.memref_squeeze %dma_wait3A_482 : memref<1x120x128xf32, #tpu.memory_space<hbm>> -> memref<120x128xf32, #tpu.memory_space<hbm>>
    %dma_wait3A_484 = arith.constant 0 : i32
    %dma_wait3A_485 = tpu.memref_slice %arg5[%arg0, %add3A_475, %dma_wait3A_484] : memref<2x10112x128xf32, #tpu.memory_space<hbm>> -> memref<1x120x128xf32, #tpu.memory_space<hbm>>
    %dma_wait3A_486 = tpu.memref_squeeze %dma_wait3A_485 : memref<1x120x128xf32, #tpu.memory_space<hbm>> -> memref<120x128xf32, #tpu.memory_space<hbm>>
    %dma_wait3A_487 = arith.constant 0 : i32
    %dma_wait3A_488 = arith.constant 0 : i32
    %dma_wait3A_489 = tpu.memref_slice %arg8[%dma_wait3A_476, %dma_wait3A_487, %dma_wait3A_488] : memref<3x128x128xf32, #tpu.memory_space<vmem>> -> memref<1x120x128xf32, #tpu.memory_space<vmem>>
    %dma_wait3A_490 = tpu.memref_squeeze %dma_wait3A_489 : memref<1x120x128xf32, #tpu.memory_space<vmem>> -> memref<120x128xf32, #tpu.memory_space<vmem>>
    tpu.wait_dma2 semaphore(%arg11 : memref<!tpu.dma_semaphore, #tpu.memory_space<semaphore_mem>>) src(%dma_wait3A_490 : memref<120x128xf32, #tpu.memory_space<vmem>>) dst(%dma_wait3A_486 : memref<120x128xf32, #tpu.memory_space<hbm>>)
    return
  }
}

module attributes {stable_mosaic.version = 14 : i64} {
  func.func @_tc1_body(%arg0: memref<20224xf32, #tpu.memory_space<vmem>>, %arg1: memref<10000x128xf32, #tpu.memory_space<vmem>>, %arg2: memref<10112x128xf32, #tpu.memory_space<vmem>>, %arg3: memref<10112x1xf32, #tpu.memory_space<vmem>>) attributes {dimension_semantics = [], scalar_prefetch = 0 : i64, scratch_operands = 0 : i64, tpu.core_type = #tpu.core_type<tc>} {
    %get3A = arith.constant 0 : index
    %get3A_0 = vector.load %arg0[%get3A] : memref<20224xf32, #tpu.memory_space<vmem>>, vector<10112xf32>
    %get3A_1 = arith.constant 10112 : index
    %get3A_2 = vector.load %arg0[%get3A_1] : memref<20224xf32, #tpu.memory_space<vmem>>, vector<10112xf32>
    %add3A = arith.addf %get3A_0, %get3A_2 : vector<10112xf32>
    %add3A_3 = arith.constant 1.000000e+00 : f32
    %add3A_4 = vector.broadcast %add3A_3 : f32 to vector<10112xf32>
    %add3A_5 = arith.addf %add3A, %add3A_4 : vector<10112xf32>
    %gt3A = arith.constant 0.000000e+00 : f32
    %gt3A_6 = vector.broadcast %gt3A : f32 to vector<10112xf32>
    %gt3A_7 = arith.cmpf ogt, %add3A_5, %gt3A_6 : vector<10112xf32>
    %rsqrt3A = math.rsqrt %add3A_5 : vector<10112xf32>
    %jit3A = arith.constant 0.000000e+00 : f32
    %broadcast_in_dim3A = vector.broadcast %jit3A : f32 to vector<10112xf32>
    %select_n3A = arith.select %gt3A_7, %rsqrt3A, %broadcast_in_dim3A : vector<10112xi1>, vector<10112xf32>
    %reshape3A = vector.shape_cast %select_n3A : vector<10112xf32> to vector<10112x1xf32>
    %get3A_8 = arith.constant 0 : index
    %get3A_9 = arith.constant 0 : index
    %get3A_10 = vector.load %arg1[%get3A_8, %get3A_9] : memref<10000x128xf32, #tpu.memory_space<vmem>>, vector<10000x128xf32>
    %slice3A = vector.extract_strided_slice %reshape3A {offsets = [0, 0], sizes = [10000, 1], strides = [1, 1]} : vector<10112x1xf32> to vector<10000x1xf32>
    %mul3A = vector.broadcast %slice3A : vector<10000x1xf32> to vector<10000x128xf32>
    %mul3A_11 = arith.mulf %get3A_10, %mul3A : vector<10000x128xf32>
    %swap3A = arith.constant 0 : index
    %swap3A_12 = arith.constant 0 : index
    %swap3A_13 = vector.load %arg2[%swap3A, %swap3A_12] : memref<10112x128xf32, #tpu.memory_space<vmem>>, vector<10000x128xf32>
    tpu.vector_store %arg2[%swap3A, %swap3A_12], %mul3A_11 {strides = array<i32>} : memref<10112x128xf32, #tpu.memory_space<vmem>>, vector<10000x128xf32>,
    %broadcast_in_dim3A_14 = arith.constant 0.000000e+00 : f32
    %broadcast_in_dim3A_15 = vector.broadcast %broadcast_in_dim3A_14 : f32 to vector<112x128xf32>
    %swap3A_16 = arith.constant 10000 : index
    %swap3A_17 = arith.constant 0 : index
    %swap3A_18 = vector.load %arg2[%swap3A_16, %swap3A_17] : memref<10112x128xf32, #tpu.memory_space<vmem>>, vector<112x128xf32>
    tpu.vector_store %arg2[%swap3A_16, %swap3A_17], %broadcast_in_dim3A_15 {strides = array<i32>} : memref<10112x128xf32, #tpu.memory_space<vmem>>, vector<112x128xf32>,
    %swap3A_19 = arith.constant 0 : index
    %swap3A_20 = arith.constant 0 : index
    %swap3A_21 = vector.load %arg3[%swap3A_19, %swap3A_20] : memref<10112x1xf32, #tpu.memory_space<vmem>>, vector<10112x1xf32>
    tpu.vector_store %arg3[%swap3A_19, %swap3A_20], %reshape3A {strides = array<i32>} : memref<10112x1xf32, #tpu.memory_space<vmem>>, vector<10112x1xf32>,
    return
  }
}

module attributes {stable_mosaic.version = 14 : i64} {
  func.func @_tc_mm_body(%arg0: memref<10000x128xf32, #tpu.memory_space<vmem>>, %arg1: memref<128x128xf32, #tpu.memory_space<vmem>>, %arg2: memref<10000x128xf32, #tpu.memory_space<vmem>>) attributes {dimension_semantics = [], scalar_prefetch = 0 : i64, scratch_operands = 0 : i64, tpu.core_type = #tpu.core_type<tc>} {
    %get3A = arith.constant 0 : index
    %get3A_0 = arith.constant 0 : index
    %get3A_1 = vector.load %arg0[%get3A, %get3A_0] : memref<10000x128xf32, #tpu.memory_space<vmem>>, vector<10000x128xf32>
    %get3A_2 = arith.constant 0 : index
    %get3A_3 = arith.constant 0 : index
    %get3A_4 = vector.load %arg1[%get3A_2, %get3A_3] : memref<128x128xf32, #tpu.memory_space<vmem>>, vector<128x128xf32>
    %dot_general3A = arith.constant dense<0.000000e+00> : vector<10000x128xf32>
    %dot_general3A_5 = tpu.matmul %get3A_1, %get3A_4, %dot_general3A {dimension_numbers = #tpu.dot_dimension_numbers<[1], [0], [0], [1], [0, 0, 1, 1], [], []>, transpose_lhs_hint = false} : vector<10000x128xf32>, vector<128x128xf32>, vector<10000x128xf32> -> vector<10000x128xf32>
    %swap3A = arith.constant 0 : index
    %swap3A_6 = arith.constant 0 : index
    %swap3A_7 = vector.load %arg2[%swap3A, %swap3A_6] : memref<10000x128xf32, #tpu.memory_space<vmem>>, vector<10000x128xf32>
    tpu.vector_store %arg2[%swap3A, %swap3A_6], %dot_general3A_5 {strides = array<i32>} : memref<10000x128xf32, #tpu.memory_space<vmem>>, vector<10000x128xf32>,
    return
  }
}

module attributes {stable_mosaic.version = 14 : i64} {
  func.func @_tc2_body(%arg0: memref<2x10112x128xf32, #tpu.memory_space<vmem>>, %arg1: memref<10112x128xf32, #tpu.memory_space<vmem>>, %arg2: memref<10112x1xf32, #tpu.memory_space<vmem>>, %arg3: memref<1x128xf32, #tpu.memory_space<vmem>>, %arg4: memref<1x128xf32, #tpu.memory_space<vmem>>, %arg5: memref<128x128xf32, #tpu.memory_space<vmem>>, %arg6: memref<10112x128xf32, #tpu.memory_space<vmem>>) attributes {dimension_semantics = [], scalar_prefetch = 0 : i64, scratch_operands = 0 : i64, tpu.core_type = #tpu.core_type<tc>} {
    %get3A = arith.constant 0 : index
    %get3A_0 = arith.constant 0 : index
    %get3A_1 = arith.constant 0 : index
    %get3A_2 = vector.load %arg0[%get3A, %get3A_0, %get3A_1] : memref<2x10112x128xf32, #tpu.memory_space<vmem>>, vector<1x10112x128xf32>
    %get3A_3 = vector.shape_cast %get3A_2 : vector<1x10112x128xf32> to vector<10112x128xf32>
    %get3A_4 = arith.constant 1 : index
    %get3A_5 = arith.constant 0 : index
    %get3A_6 = arith.constant 0 : index
    %get3A_7 = vector.load %arg0[%get3A_4, %get3A_5, %get3A_6] : memref<2x10112x128xf32, #tpu.memory_space<vmem>>, vector<1x10112x128xf32>
    %get3A_8 = vector.shape_cast %get3A_7 : vector<1x10112x128xf32> to vector<10112x128xf32>
    %add3A = arith.addf %get3A_3, %get3A_8 : vector<10112x128xf32>
    %get3A_9 = arith.constant 0 : index
    %get3A_10 = arith.constant 0 : index
    %get3A_11 = vector.load %arg1[%get3A_9, %get3A_10] : memref<10112x128xf32, #tpu.memory_space<vmem>>, vector<10112x128xf32>
    %add3A_12 = arith.addf %add3A, %get3A_11 : vector<10112x128xf32>
    %get3A_13 = arith.constant 0 : index
    %get3A_14 = arith.constant 0 : index
    %get3A_15 = vector.load %arg2[%get3A_13, %get3A_14] : memref<10112x1xf32, #tpu.memory_space<vmem>>, vector<10112x1xf32>
    %mul3A = vector.broadcast %get3A_15 : vector<10112x1xf32> to vector<10112x128xf32>
    %mul3A_16 = arith.mulf %add3A_12, %mul3A : vector<10112x128xf32>
    %get3A_17 = arith.constant 0 : index
    %get3A_18 = arith.constant 0 : index
    %get3A_19 = vector.load %arg3[%get3A_17, %get3A_18] : memref<1x128xf32, #tpu.memory_space<vmem>>, vector<1x128xf32>
    %add3A_20 = vector.broadcast %get3A_19 : vector<1x128xf32> to vector<10112x128xf32>
    %add3A_21 = arith.addf %mul3A_16, %add3A_20 : vector<10112x128xf32>
    %max3A = arith.constant 0.000000e+00 : f32
    %max3A_22 = vector.broadcast %max3A : f32 to vector<10112x128xf32>
    %max3A_23 = arith.maximumf %add3A_21, %max3A_22 : vector<10112x128xf32>
    %get3A_24 = arith.constant 0 : index
    %get3A_25 = arith.constant 0 : index
    %get3A_26 = vector.load %arg4[%get3A_24, %get3A_25] : memref<1x128xf32, #tpu.memory_space<vmem>>, vector<1x128xf32>
    %jit3A = arith.constant 0.000000e+00 : f32
    %jit3A_27 = arith.constant 1.000000e+00 : f32
    %max3A_28 = vector.broadcast %jit3A : f32 to vector<1x128xf32>
    %max3A_29 = arith.maximumf %max3A_28, %get3A_26 : vector<1x128xf32>
    %min3A = vector.broadcast %jit3A_27 : f32 to vector<1x128xf32>
    %min3A_30 = arith.minimumf %min3A, %max3A_29 : vector<1x128xf32>
    %mul3A_31 = vector.broadcast %min3A_30 : vector<1x128xf32> to vector<10112x128xf32>
    %mul3A_32 = arith.mulf %max3A_23, %mul3A_31 : vector<10112x128xf32>
    %iota3A = tpu.iota {dimensions = array<i32: 0>} : vector<10112x1xi32>
    %lt3A = arith.constant 10000 : i32
    %lt3A_33 = vector.broadcast %lt3A : i32 to vector<10112x1xi32>
    %lt3A_34 = arith.cmpi slt, %iota3A, %lt3A_33 : vector<10112x1xi32>
    %jit3A_35 = arith.constant 0.000000e+00 : f32
    %broadcast_in_dim3A = vector.shape_cast %lt3A_34 : vector<10112x1xi1> to vector<10112x1xi1>
    %broadcast_in_dim3A_36 = vector.broadcast %broadcast_in_dim3A : vector<10112x1xi1> to vector<10112x128xi1>
    %broadcast_in_dim3A_37 = vector.broadcast %jit3A_35 : f32 to vector<10112x128xf32>
    %select_n3A = arith.select %broadcast_in_dim3A_36, %mul3A_32, %broadcast_in_dim3A_37 : vector<10112x128xi1>, vector<10112x128xf32>
    %get3A_38 = arith.constant 0 : index
    %get3A_39 = arith.constant 0 : index
    %get3A_40 = vector.load %arg5[%get3A_38, %get3A_39] : memref<128x128xf32, #tpu.memory_space<vmem>>, vector<128x128xf32>
    %dot_general3A = arith.constant dense<0.000000e+00> : vector<10112x128xf32>
    %dot_general3A_41 = tpu.matmul %select_n3A, %get3A_40, %dot_general3A {dimension_numbers = #tpu.dot_dimension_numbers<[1], [0], [0], [1], [0, 0, 1, 1], [], []>, transpose_lhs_hint = false} : vector<10112x128xf32>, vector<128x128xf32>, vector<10112x128xf32> -> vector<10112x128xf32>
    %mul3A_42 = vector.broadcast %get3A_15 : vector<10112x1xf32> to vector<10112x128xf32>
    %mul3A_43 = arith.mulf %dot_general3A_41, %mul3A_42 : vector<10112x128xf32>
    %swap3A = arith.constant 0 : index
    %swap3A_44 = arith.constant 0 : index
    %swap3A_45 = vector.load %arg6[%swap3A, %swap3A_44] : memref<10112x128xf32, #tpu.memory_space<vmem>>, vector<10112x128xf32>
    tpu.vector_store %arg6[%swap3A, %swap3A_44], %mul3A_43 {strides = array<i32>} : memref<10112x128xf32, #tpu.memory_space<vmem>>, vector<10112x128xf32>,
    return
  }
}

module attributes {stable_mosaic.version = 14 : i64} {
  func.func @_tc3_body(%arg0: memref<2x10112x128xf32, #tpu.memory_space<vmem>>, %arg1: memref<10112x128xf32, #tpu.memory_space<vmem>>, %arg2: memref<10112x1xf32, #tpu.memory_space<vmem>>, %arg3: memref<1x128xf32, #tpu.memory_space<vmem>>, %arg4: memref<10000x64xf32, #tpu.memory_space<vmem>>) attributes {dimension_semantics = [], scalar_prefetch = 0 : i64, scratch_operands = 0 : i64, tpu.core_type = #tpu.core_type<tc>} {
    %get3A = arith.constant 0 : index
    %get3A_0 = arith.constant 0 : index
    %get3A_1 = arith.constant 0 : index
    %get3A_2 = vector.load %arg0[%get3A, %get3A_0, %get3A_1] : memref<2x10112x128xf32, #tpu.memory_space<vmem>>, vector<1x10112x128xf32>
    %get3A_3 = vector.shape_cast %get3A_2 : vector<1x10112x128xf32> to vector<10112x128xf32>
    %get3A_4 = arith.constant 1 : index
    %get3A_5 = arith.constant 0 : index
    %get3A_6 = arith.constant 0 : index
    %get3A_7 = vector.load %arg0[%get3A_4, %get3A_5, %get3A_6] : memref<2x10112x128xf32, #tpu.memory_space<vmem>>, vector<1x10112x128xf32>
    %get3A_8 = vector.shape_cast %get3A_7 : vector<1x10112x128xf32> to vector<10112x128xf32>
    %add3A = arith.addf %get3A_3, %get3A_8 : vector<10112x128xf32>
    %get3A_9 = arith.constant 0 : index
    %get3A_10 = arith.constant 0 : index
    %get3A_11 = vector.load %arg1[%get3A_9, %get3A_10] : memref<10112x128xf32, #tpu.memory_space<vmem>>, vector<10112x128xf32>
    %add3A_12 = arith.addf %add3A, %get3A_11 : vector<10112x128xf32>
    %get3A_13 = arith.constant 0 : index
    %get3A_14 = arith.constant 0 : index
    %get3A_15 = vector.load %arg2[%get3A_13, %get3A_14] : memref<10112x1xf32, #tpu.memory_space<vmem>>, vector<10112x1xf32>
    %mul3A = vector.broadcast %get3A_15 : vector<10112x1xf32> to vector<10112x128xf32>
    %mul3A_16 = arith.mulf %add3A_12, %mul3A : vector<10112x128xf32>
    %get3A_17 = arith.constant 0 : index
    %get3A_18 = arith.constant 0 : index
    %get3A_19 = vector.load %arg3[%get3A_17, %get3A_18] : memref<1x128xf32, #tpu.memory_space<vmem>>, vector<1x128xf32>
    %add3A_20 = vector.broadcast %get3A_19 : vector<1x128xf32> to vector<10112x128xf32>
    %add3A_21 = arith.addf %mul3A_16, %add3A_20 : vector<10112x128xf32>
    %slice3A = vector.extract_strided_slice %add3A_21 {offsets = [0, 0], sizes = [10000, 64], strides = [1, 1]} : vector<10112x128xf32> to vector<10000x64xf32>
    %swap3A = arith.constant 0 : index
    %swap3A_22 = arith.constant 0 : index
    %swap3A_23 = vector.load %arg4[%swap3A, %swap3A_22] : memref<10000x64xf32, #tpu.memory_space<vmem>>, vector<10000x64xf32>
    tpu.vector_store %arg4[%swap3A, %swap3A_22], %slice3A {strides = array<i32>} : memref<10000x64xf32, #tpu.memory_space<vmem>>, vector<10000x64xf32>,
    return
  }
}

</mosaic_0001>

<sc_bundles>
// kernel: kernel.12.cloned.1.call-start
scs
__scs_entry_jumppad:
0x0: {  	(pc) =	sbr.rel $0x88, $3  }
0x1: {  	(tag) =	ssettag $0x0;
	lr =	simm.s32 $0x1  }
0x2: {  	[smem:$0x3F9A] =	sst lr;
	_ =	strace $0xD0000000  }
0x3: {  	_ = 	snop  }
0x4: {  	_ = 	snop  }
0x5: {  	_ = 	snop  }
0x6: {  	_ = 	snop  }
0x7: {  	_ = 	snop  }
__scs_overlays_trampoline_lowered:
0x8: {  	[smem:$0x3FA9] =	sst s0  }
0x9: {  	[smem:$0x3FAA] =	sst s1  }
0xa: {  	[smem:$0x3FAB] =	sst s2  }
0xb: {  	[smem:$0x3FAC] =	sst s3  }
0xc: {  	[smem:$0x3FAD] =	sst s4  }
0xd: {  	[smem:$0x3FAE] =	sst s5  }
0xe: {  	[smem:$0x3FAF] =	sst s6  }
0xf: {  	[smem:$0x3FB0] =	sst s7  }
0x10: {  	[smem:$0x3FB1] =	sst s8  }
0x11: {  	[smem:$0x3FB2] =	sst s9;
	s0 =	simm.s32 @!p0 $0x0  }
0x12: {  	s1 =	sld [smem:$0x3F98];
	s0 =	simm.s32 @p0 $0x1  }
0x13: {  	[smem:$0x3FB3] =	sst s0;
	s0 =	simm.s32 @!p1 $0x0  }
0x14: {  	s2 =	sld [smem:$0x3F97];
	s0 =	simm.s32 @p1 $0x1  }
0x15: {  	[smem:$0x3FB4] =	sst s0;
	s0 =	simm.s32 @!p2 $0x0  }
0x16: {  	s3 =	sld [smem:$0x3FDB];
	s0 =	simm.s32 @p2 $0x1  }
0x17: {  	s4 =	simm.s32 $0x1BF5;
	[smem:$0x3FB6] =	sst s0  }
0x18: {  	s0 =	sld [smem:$0x3F99];
	_ =	swait.ge [sflag:s4], $0x0  }
0x19: {  	s7 =	sld [smem:$0x3F9A]  }
0x1a: {  	s8 =	sadd.s32 $0xFFFFE003, lr  }
0x1b: {  	s9 =	sadd.s32 $0xFFFFFEF7, lr;
	s5 =	simm.s32 $0xFFFFFFFF;
	p2 =	slt.u32 s8, $0xFFFFF086  }
0x1c: {  	p1 =	slt.u32 s9, $0xF7A;
	s5 =	simm.s32 @!p2 $0x0  }
0x1d: {  	s5 =	simm.s32 @p1 $0x1;
	p0 =	seq.s32 s7, s2  }
0x1e: {  	s7 =	smul.u32 @!p0 $0xF7A, s2;
	p2 =	seq.s32 @!p0 s5, $0x0  }
0x1f: {  	s9 =	smul.u32 $0xF7A, s1;
	s8 =	simm.s32 @!p0 $0x1BF5;
	p2 =	por !p2, p0  }
0x20: {  	[sflag:s8] =	ssyncset.s32 @!p0 $0xFFFFF086;
	s6 =	sadd.s32 @!p0 s3, s7;
	s7 =	simm.s32 @!p0 $0x108  }
0x21: {  	s3 =	sadd.s32 s3, s9;
	s6 =	sadd.s32 @!p0 $0x88, s6;
	s7 =	simm.s32 @p2 $0x1082  }
0x22: {  	[simem:s7], [sflag:s8] =	dma.local @!p0 [hbm:s6], $0xF7A  }
0x23: {  	s9 =	sor.u32 $0xD0000000, s2;
	s6 =	simm.s32 $0x108;
	_ =	swait.ge @!p0 [sflag:s8], $0x0  }
0x24: {  	s3 =	sadd.s32 $0x88, s3;
	s6 =	simm.s32 @!p1 $0x1082;
	[sflag:s4] =	ssyncset.s32 $0xFFFFF086  }
0x25: {  	[simem:s6], [sflag:s4] =	dma.local [hbm:s3], $0xF7A  }
0x26: {  	[smem:$0x3F9A] =	sst s1;
	(tag) =	ssettag s2;
	_ =	strace s9  }
0x27: {  	s1 =	sld [smem:$0x3FAA]  }
0x28: {  	s2 =	sld [smem:$0x3FAB]  }
0x29: {  	s4 =	sld [smem:$0x3FAD]  }
0x2a: {  	p0 =	seq.s32 s5, $0x0;
	s5 =	sld [smem:$0x3FAE]  }
0x2b: {  	s6 =	sld [smem:$0x3FAF]  }
0x2c: {  	s7 =	sld [smem:$0x3FB0]  }
0x2d: {  	s3 =	simm.s32 $0x108;
	s8 =	sld [smem:$0x3FB1]  }
0x2e: {  	s3 =	simm.s32 @!p0 $0x1082;
	s9 =	sld [smem:$0x3FB2]  }
0x2f: {  	lr =	sadd.s32 s0, s3;
	s0 =	sld [smem:$0x3FA9]  }
0x30: {  	s3 =	sld [smem:$0x3FAC]  }
0x31: {  	[smem:$0x3FB5] =	sst s10  }
0x32: {  	s10 =	sld [smem:$0x3FB3];
	_ =	sdelay $0x3  }
0x33: {  	p0 =	seq.s32 s10, $0x1;
	s10 =	sld [smem:$0x3FB5];
	_ =	sdelay $0x3  }
0x34: {  	[smem:$0x3FB5] =	sst s10  }
0x35: {  	s10 =	sld [smem:$0x3FB4];
	_ =	sdelay $0x3  }
0x36: {  	p1 =	seq.s32 s10, $0x1;
	s10 =	sld [smem:$0x3FB5];
	_ =	sdelay $0x3  }
0x37: {  	[smem:$0x3FB5] =	sst s10  }
0x38: {  	s10 =	sld [smem:$0x3FB6]  }
0x39: {  	_ = 	snop;
	(pc) =	sbr.ind lr, $3  }
0x3a: {  	_ = 	snop  }
0x3b: {  	_ = 	snop  }
0x3c: {  	p2 =	seq.s32 s10, $0x1;
	s10 =	sld [smem:$0x3FB5]  }
0x3d: {  	_ =	shalt  }
0x3e: {  	_ =	shalt  }
0x3f: {  	_ =	shalt  }
0x40: {  	_ =	shalt  }
0x41: {  	_ =	shalt  }
0x42: {  	_ =	shalt  }
0x43: {  	_ =	shalt  }
0x44: {  	_ =	shalt  }
0x45: {  	_ =	shalt  }
0x46: {  	_ =	shalt  }
0x47: {  	_ =	shalt  }
0x48: {  	_ =	shalt  }
0x49: {  	_ =	shalt  }
0x4a: {  	_ =	shalt  }
0x4b: {  	_ =	shalt  }
0x4c: {  	_ =	shalt  }
0x4d: {  	_ =	shalt  }
0x4e: {  	_ =	shalt  }
0x4f: {  	_ =	shalt  }
0x50: {  	_ =	shalt  }
0x51: {  	_ =	shalt  }
0x52: {  	_ =	shalt  }
0x53: {  	_ =	shalt  }
0x54: {  	_ =	shalt  }
0x55: {  	_ =	shalt  }
0x56: {  	_ =	shalt  }
0x57: {  	_ =	shalt  }
0x58: {  	_ =	shalt  }
0x59: {  	_ =	shalt  }
0x5a: {  	_ =	shalt  }
0x5b: {  	_ =	shalt  }
0x5c: {  	_ =	shalt  }
0x5d: {  	_ =	shalt  }
0x5e: {  	_ =	shalt  }
0x5f: {  	_ =	shalt  }
0x60: {  	_ =	shalt  }
0x61: {  	_ =	shalt  }
0x62: {  	_ =	shalt  }
0x63: {  	_ =	shalt  }
0x64: {  	_ =	shalt  }
0x65: {  	_ =	shalt  }
0x66: {  	_ =	shalt  }
0x67: {  	_ =	shalt  }
0x68: {  	_ =	shalt  }
0x69: {  	_ =	shalt  }
0x6a: {  	_ =	shalt  }
0x6b: {  	_ =	shalt  }
0x6c: {  	_ =	shalt  }
0x6d: {  	_ =	shalt  }
0x6e: {  	_ =	shalt  }
0x6f: {  	_ =	shalt  }
0x70: {  	_ =	shalt  }
0x71: {  	_ =	shalt  }
0x72: {  	_ =	shalt  }
0x73: {  	_ =	shalt  }
0x74: {  	_ =	shalt  }
0x75: {  	_ =	shalt  }
0x76: {  	_ =	shalt  }
0x77: {  	_ =	shalt  }
0x78: {  	_ =	shalt  }
0x79: {  	_ =	shalt  }
0x7a: {  	_ =	shalt  }
0x7b: {  	_ =	shalt  }
0x7c: {  	_ =	shalt  }
0x7d: {  	_ =	shalt  }
0x7e: {  	_ =	shalt  }
0x7f: {  	_ =	shalt  }
0x80: {  	_ =	shalt  }
0x81: {  	_ =	shalt  }
0x82: {  	_ =	shalt  }
0x83: {  	_ =	shalt  }
0x84: {  	_ =	shalt  }
0x85: {  	_ =	shalt  }
0x86: {  	_ =	shalt  }
0x87: {  	_ =	shalt  }
.Lfunc_end0:
.L_simem_size_0:
called_computation.1_lowered:
.L_overlay_start_0:
0x88: {  	s2 =	sld [smem:$0x3FD9]  }
0x89: {  	s3 =	sld [smem:$0x3FFE];
	_ =	sdelay $0x1  }
0x8a: {  	s1 =	srdreg.scid  }
0x8b: {  	s0 =	sand.u32 $0x1, s1  }
0x8c: {  	s17 =	sshll.u32 s0, $0xA;
	s2 =	sadd.s32 s3, s2  }
0x8d: {  	s2 =	sadd.s32 s2, s17  }
0x8e: {  	[smem:$0x3FC1] =	sst s2  }
0x8f: {  	_ = 	snop  }
0x90: {  	s2 =	sld [smem:$0x3FD0];
	(tm) =	ssettm $0x1  }
0x91: {  	s18 =	sld [smem:$0x3FFB];
	_ =	sdelay $0x3  }
0x92: {  	_ =	strace s18  }
0x93: {  	s3 =	sld [smem:$0x3FFC];
	_ =	sdelay $0x3  }
0x94: {  	_ =	strace s3  }
0x95: {  	s3 =	sld [smem:$0x3FFD];
	_ =	sdelay $0x3  }
0x96: {  	_ =	strace s3  }
0x97: {  	_ =	strace $0x8FFFFFFF  }
0x98: {  	s19 =	sld [smem:$0x3FDB];
	_ =	sdelay $0x1  }
0x99: {  	s4 =	simm.s32 $_scs_section_size  }
0x9a: {  	s5 =	simm.s32 $_size__tile_overlayer_lowered;
	s6 =	simm.s32 $_tile_overlayer_lowered  }
0x9b: {  	s22 =	simm.s32 $0x1BFF;
	s21 =	sshll.u32 s6, $0x1;
	s3 =	sadd.s32 s4, s19  }
0x9c: {  	s7 =	simm.s32 $0x0;
	s20 =	sshll.u32 s5, $0x1;
	s5 =	sadd.s32 s21, s3  }
0x9d: {  	[timem:s7], [sflag:s22] =	dma.local [hbm:s5], s20  }
0x9e: {  	_ =	swait.ge [sflag:s22], s20  }
0x9f: {  	s4 =	ssub.s32 $0x0, s20;
	[sflag:s22] =	ssyncset.done $0x0  }
0xa0: {  	[sflag:s22] =	ssyncadd.s32 s4;
	_ =	sdelay $0x1  }
0xa1: {  	s23 =	simm.s32 $0x1B8B  }
0xa2: {  	_ =	swait.ge [sflag:s23], $0x1  }
0xa3: {  	[sflag:s23] =	ssyncset.done $0x0  }
0xa4: {  	s25 =	simm.s32 $0x1B8E;
	s24 =	sld [smem:$0x3FFE];
	[sflag:s23] =	ssyncadd.s32 $0xFFFFFFFF  }
0xa5: {  	s26 =	simm.s32 $execute0_lowered;
	[smem:$0x3FD2] =	sst s25  }
0xa6: {  	s5 =	sshll.u32 s26, $0x1;
	_ =	strace $0x80000049;
	[dreg:$0x1] =	wrdreg $0xFFFFFFFF  }
0xa7: {  	s28 =	simm.s32 $_size_execute0_lowered;
	s3 =	sadd.s32 s3, s5;
	[dreg:$0x0] =	wrdreg $0x0  }
0xa8: {  	s5 =	sshll.u32 s28, $0x1;
	[dreg:$0x2] =	wrdreg s3  }
0xa9: {  	[dreg:$0x3] =	wrdreg s5  }
0xaa: {  	[dreg:$0x4] =	wrdreg $0xC0  }
0xab: {  	_ =	task [dreg:s7], $0x5FFFF  }
0xac: {  	[dreg:$0x1] =	wrdreg $0xFFFFFFFF  }
0xad: {  	[dreg:$0x0] =	wrdreg $0x60  }
0xae: {  	[dreg:$0x2] =	wrdreg s24  }
0xaf: {  	[dreg:$0x3] =	wrdreg s2  }
0xb0: {  	[dreg:$0x4] =	wrdreg $0xC4000  }
0xb1: {  	[dreg:$0x5] =	wrdreg $0x9  }
0xb2: {  	_ =	task.clear_ibuf [dreg:s7], $0x6FFFF;
	_ =	strace $0x90000049  }
0xb3: {  	s29 =	simm.s32 $0x9;
	_ =	strace $0x8000004B  }
0xb4: {  	_ =	swait.ge [sflag:s29], $0x1  }
0xb5: {  	[sflag:s29] =	ssyncadd.s32 $0xFFFFFFFF  }
0xb6: {  	_ =	strace $0x9000004B  }
0xb7: {  	_ =	sfence  }
0xb8: {  	s30 =	sld [smem:$0x0];
	_ =	sdelay $0x2  }
0xb9: {  	s31 =	sshll.u32 s1, $0xD;
	s1 =	sshrl.u32 s1, $0x2  }
0xba: {  	s3 =	sand.u32 $0x4000, s31;
	s1 =	sadd.s32 s1, s30  }
0xbb: {  	s0 =	sor.u32 s3, s0;
	s1 =	sshll.u32 s1, $0x11  }
0xbc: {  	s0 =	sor.u32 s1, s0  }
0xbd: {  	s0 =	sadd.s32 $0x8F2B, s0  }
0xbe: {  	[sflag:s0] =	ssyncadd.remote.s32 $0x1  }
0xbf: {  	_ =	sfence.sel $0xFFFF  }
0xc0: {  	[dreg:$0x0] =	wrdreg $0xFFFFFFFF;
	(pc) =	sbr.abs _section_cstart, $3  }
0xc1: {  	[dreg:$0x1] =	wrdreg $0xFFFFFFFF  }
0xc2: {  	_ =	task.clear_ibuf [dreg:s7], $0x2FFFF;
	_ =	strace $0x9FFFFFFF  }
0xc3: {  	(tm) =	ssettm $0x7FFFFFFF  }
tec
execute0_lowered:
.L_overlay_start_1:
0x0: {  	(tag) =	ssettag $0x1  }
0x1: {  	s0 =	rddreg [dreg:$0x0]  }
0x2: {  	s1 =	rddreg [dreg:$0x1]  }
0x3: {  	s2 =	rddreg [dreg:$0x2];
	s3 =	simm.s32 $0x0;
	s4 =	srdreg.scid  }
0x4: {  	s11 =	stileid.u32;
	s28 =	simm.s32 $0x4;
	s30 =	simm.s32 $0x80  }
0x5: {  	s31 =	simm.s32 $0x1;
	s29 =	simm.s32 $0x0;
	[smem:$0x7FF] =	sst s3  }
0x6: {  	s5 =	sadd.s32 $0xD400, s0;
	s6 =	sadd.s32 $0x3400, s0;
	s8 =	smul.u32 $0x4F000, s11  }
0x7: {  	s4 =	sand.u32 $0x1, s4;
	s0 =	sadd.s32 $0x34C00, s0;
	s13 =	smul.u32 $0x13C00, s11  }
0x8: {  	_ =	strace $0x8000004A;
	s7 =	ssub.s32 $0x2, s4;
	s10 =	sshll.u32 s4, $0x4  }
0x9: {  	s4 =	smul.u32 $0x13C000, s4;
	s9 =	sshrl.u32 s7, $0x1;
	s20 =	sor.u32 s11, s10  }
0xa: {  	s8 =	sshrl.u32 s8, $0x2;
	s15 =	sadd.s32 $0x4000, s13;
	s16 =	sadd.s32 $0x8000, s13  }
0xb: {  	s17 =	sadd.s32 $0xC000, s13;
	s18 =	sadd.s32 $0x10000, s13;
	s14 =	ssub.s32 s7, s9  }
0xc: {  	s7 =	smul.u32 $0x2800, s20;
	s8 =	sadd.s32 s8, s2;
	s9 =	sadd.s32 s15, s2  }
0xd: {  	s10 =	sadd.s32 s16, s2;
	s11 =	sadd.s32 s17, s2;
	s12 =	sadd.s32 s18, s2  }
0xe: {  	s13 =	sadd.s32 s13, s4;
	s15 =	sadd.s32 s4, s15;
	s16 =	sadd.s32 s4, s16  }
0xf: {  	s17 =	sadd.s32 s4, s17;
	s4 =	sadd.s32 s4, s18;
	s13 =	sshrl.u32 s13, $0x3  }
0x10: {  	s15 =	sshrl.u32 s15, $0x3;
	s25 =	sshrl.u32 s16, $0x3;
	s19 =	sshrl.u32 s7, $0x3  }
0x11: {  	s26 =	sshrl.u32 s17, $0x3;
	s4 =	sshrl.u32 s4, $0x3;
	s20 =	sadd.s32 s6, s19  }
0x12: {  	s21 =	sadd.s32 s1, s19;
	s22 =	sor.u32 $0x10, s19;
	[dreg:$0x4] =	wrdreg s20  }
0x13: {  	s19 =	sor.u32 $0x20, s19;
	[dreg:$0x5] =	wrdreg s21;
	s21 =	sadd.s32 s6, s22  }
0x14: {  	s20 =	sadd.s32 s1, s22;
	s23 =	sadd.s32 s6, s19;
	[dreg:$0x6] =	wrdreg s21  }
.Ltmp0:
0x15: {  	s24 =	sadd.s32 s1, s19;
	[dreg:$0x7] =	wrdreg s20;
	(pc) =	sbr.rel .LBB2_1-.Ltmp0, $4  }
0x16: {  	s19 =	sadd.s32 s0, s13;
	s22 =	sadd.s32 s0, s26;
	[dreg:$0x8] =	wrdreg s23  }
0x17: {  	s26 =	simm.s32 $0x2;
	[dreg:$0x9] =	wrdreg s24;
	s20 =	sadd.s32 s0, s15  }
0x18: {  	s21 =	sadd.s32 s0, s25;
	s23 =	sadd.s32 s0, s4;
	s24 =	smax.u32 s14, $0x1  }
0x19: {  	v0 =	vimm.f32 $0.0e+00;
	s25 =	simm.s32 $0x400;
	s0 =	simm.s32 $0x4400;
	s4 =	simm.s32 $0x3  }
.LBB2_10:
0x1a: {  	_ =	swait.ge [sflag:s4], $0x4000  }
0x1b: {  	[sflag:s4] =	ssyncset.done $0x0  }
0x1c: {  	[sflag:s4] =	ssyncadd.s32 $0xFFFFC000  }
0x1d: {  	_ =	swait.ge [sflag:s4], $0x4000  }
0x1e: {  	[sflag:s4] =	ssyncset.done $0x0  }
0x1f: {  	[sflag:s4] =	ssyncadd.s32 $0xFFFFC000  }
0x20: {  	_ =	swait.ge [sflag:s4], $0x4000  }
0x21: {  	[sflag:s4] =	ssyncset.done $0x0  }
0x22: {  	[sflag:s4] =	ssyncadd.s32 $0xFFFFC000  }
0x23: {  	[bflag:$0x0] =	sbarrier.arrive $0xFFFF  }
0x24: {  	[tilespmem:s25], [sflag:$0x4] =	stream.linear.gather [spmem:s8], $0x4000, $0x38;
	v63 =	vld [tilespmem:$0x0]  }
0x25: {  	_ =	swait.ge [sflag:s28], $0x4000  }
0x26: {  	[sflag:s28] =	ssyncset.done $0x0  }
0x27: {  	[sflag:s28] =	ssyncadd.s32 $0xFFFFC000  }
0x28: {  	[hbm4b:s19+s3] =	stream.linear.scatter [tilespmem:s25], [sflag:$0x2], $0x4000, $0x38;
	v63 =	vld [tilespmem:$0x0]  }
0x29: {  	_ = 	snop  }
0x2a: {  	[tilespmem:s0], [sflag:$0x4] =	stream.linear.gather [spmem:s9], $0x4000, $0x38;
	v63 =	vld [tilespmem:$0x0]  }
0x2b: {  	_ =	swait.ge [sflag:s28], $0x4000  }
0x2c: {  	[sflag:s28] =	ssyncset.done $0x0  }
0x2d: {  	[sflag:s28] =	ssyncadd.s32 $0xFFFFC000  }
0x2e: {  	[hbm4b:s20+s3] =	stream.linear.scatter [tilespmem:s0], [sflag:$0x2], $0x4000, $0x38;
	v63 =	vld [tilespmem:$0x0]  }
0x2f: {  	_ =	swait.ge [sflag:s26], $0x4000  }
0x30: {  	[sflag:s26] =	ssyncset.done $0x0  }
0x31: {  	[sflag:s26] =	ssyncadd.s32 $0xFFFFC000  }
0x32: {  	[tilespmem:s25], [sflag:$0x4] =	stream.linear.gather [spmem:s10], $0x4000, $0x38;
	v63 =	vld [tilespmem:$0x0]  }
0x33: {  	_ =	swait.ge [sflag:s28], $0x4000  }
0x34: {  	[sflag:s28] =	ssyncset.done $0x0  }
0x35: {  	[sflag:s28] =	ssyncadd.s32 $0xFFFFC000  }
0x36: {  	[hbm4b:s21+s3] =	stream.linear.scatter [tilespmem:s25], [sflag:$0x2], $0x4000, $0x38;
	v63 =	vld [tilespmem:$0x0]  }
0x37: {  	_ =	swait.ge [sflag:s26], $0x4000  }
0x38: {  	[sflag:s26] =	ssyncset.done $0x0  }
0x39: {  	[sflag:s26] =	ssyncadd.s32 $0xFFFFC000  }
0x3a: {  	[tilespmem:s0], [sflag:$0x4] =	stream.linear.gather [spmem:s11], $0x4000, $0x38;
	v63 =	vld [tilespmem:$0x0]  }
0x3b: {  	_ =	swait.ge [sflag:s28], $0x4000  }
0x3c: {  	[sflag:s28] =	ssyncset.done $0x0  }
0x3d: {  	[sflag:s28] =	ssyncadd.s32 $0xFFFFC000  }
0x3e: {  	[hbm4b:s22+s3] =	stream.linear.scatter [tilespmem:s0], [sflag:$0x2], $0x4000, $0x38;
	v63 =	vld [tilespmem:$0x0]  }
0x3f: {  	_ =	swait.ge [sflag:s26], $0x4000  }
0x40: {  	[sflag:s26] =	ssyncset.done $0x0  }
0x41: {  	[sflag:s26] =	ssyncadd.s32 $0xFFFFC000  }
0x42: {  	[tilespmem:s25], [sflag:$0x4] =	stream.linear.gather [spmem:s12], $0x3C00, $0x38;
	v63 =	vld [tilespmem:$0x0]  }
0x43: {  	_ =	swait.ge [sflag:s28], $0x3C00  }
0x44: {  	[sflag:s28] =	ssyncset.done $0x0  }
0x45: {  	s29 =	sadd.s32 $0x1, s29;
	[sflag:s28] =	ssyncadd.s32 $0xFFFFC400  }
0x46: {  	[hbm4b:s23+s3] =	stream.linear.scatter [tilespmem:s25], [sflag:$0x2], $0x3C00, $0x38;
	v63 =	vld [tilespmem:$0x0]  }
0x47: {  	p0 =	sne.s32 s29, s24;
	_ =	swait.ge [sflag:s26], $0x4000  }
.Ltmp1:
0x48: {  	[sflag:s26] =	ssyncset.done $0x0;
	(pc) =	sbr.rel @!p0 .LBB2_11-.Ltmp1, $4  }
0x49: {  	[sflag:s26] =	ssyncadd.s32 $0xFFFFC000  }
0x4a: {  	_ =	swait.ge [sflag:s26], $0x3C00  }
0x4b: {  	[sflag:s26] =	ssyncset.done $0x0  }
0x4c: {  	[sflag:s26] =	ssyncadd.s32 $0xFFFFC400  }
.LBB2_1:
0x4d: {  	s13 =	simm.s32 $0x0;
	s14 =	simm.s32 $0x200  }
.LBB2_2:
0x4e: {  	p0 =	sne.s32 s14, $0xFE00;
	[tilespmem:s13+$0x470] =	vst v0  }
0x4f: {  	[tilespmem:s13+$0x400] =	vst v0  }
0x50: {  	[tilespmem:s13+$0x410] =	vst v0  }
.Ltmp2:
0x51: {  	[tilespmem:s13+$0x420] =	vst v0;
	(pc) =	sbr.rel @p0 .LBB2_2-.Ltmp2, $4  }
0x52: {  	[tilespmem:s13+$0x430] =	vst v0  }
0x53: {  	[tilespmem:s13+$0x440] =	vst v0  }
0x54: {  	[tilespmem:s13+$0x450] =	vst v0  }
0x55: {  	[tilespmem:s13+$0x460] =	vst v0;
	s13 =	sshra.s32 s14, $0x2;
	s14 =	sadd.s32 $0x200, s14  }
0x56: {  	[tilespmem:s13+$0x470] =	vst v0  }
0x57: {  	[tilespmem:s13+$0x400] =	vst v0  }
0x58: {  	[tilespmem:s13+$0x410] =	vst v0  }
0x59: {  	[tilespmem:s13+$0x420] =	vst v0  }
0x5a: {  	[tilespmem:s13+$0x430] =	vst v0  }
0x5b: {  	[tilespmem:s13+$0x440] =	vst v0  }
0x5c: {  	[tilespmem:s13+$0x450] =	vst v0  }
0x5d: {  	[tilespmem:s13+$0x460] =	vst v0  }
0x5e: {  	[spmem:s8] =	stream.linear.scatter [tilespmem:s25], [sflag:$0x2], $0x4000, $0x38;
	v63 =	vld [tilespmem:$0x0]  }
0x5f: {  	_ = 	snop  }
0x60: {  	[spmem:s9] =	stream.linear.scatter [tilespmem:s25], [sflag:$0x2], $0x4000, $0x38;
	v63 =	vld [tilespmem:$0x0]  }
0x61: {  	_ = 	snop  }
0x62: {  	[spmem:s10] =	stream.linear.scatter [tilespmem:s25], [sflag:$0x2], $0x4000, $0x38;
	v63 =	vld [tilespmem:$0x0]  }
0x63: {  	_ = 	snop  }
0x64: {  	[spmem:s11] =	stream.linear.scatter [tilespmem:s25], [sflag:$0x2], $0x4000, $0x38;
	v63 =	vld [tilespmem:$0x0]  }
0x65: {  	_ = 	snop  }
0x66: {  	[spmem:s12] =	stream.linear.scatter [tilespmem:s25], [sflag:$0x2], $0x3C00, $0x38;
	v63 =	vld [tilespmem:$0x0]  }
0x67: {  	_ =	swait.ge [sflag:s26], $0x4000  }
0x68: {  	[sflag:s26] =	ssyncset.done $0x0  }
0x69: {  	[sflag:s26] =	ssyncadd.s32 $0xFFFFC000  }
0x6a: {  	_ =	swait.ge [sflag:s26], $0x4000  }
0x6b: {  	[sflag:s26] =	ssyncset.done $0x0  }
0x6c: {  	[sflag:s26] =	ssyncadd.s32 $0xFFFFC000  }
0x6d: {  	_ =	swait.ge [sflag:s26], $0x4000  }
0x6e: {  	[sflag:s26] =	ssyncset.done $0x0  }
0x6f: {  	[sflag:s26] =	ssyncadd.s32 $0xFFFFC000  }
0x70: {  	_ =	swait.ge [sflag:s26], $0x4000  }
0x71: {  	[sflag:s26] =	ssyncset.done $0x0  }
0x72: {  	[sflag:s26] =	ssyncadd.s32 $0xFFFFC000  }
0x73: {  	_ =	swait.ge [sflag:s26], $0x3C00  }
0x74: {  	[sflag:s26] =	ssyncset.done $0x0  }
0x75: {  	s13 =	simm.s32 $0x0;
	s14 =	rddreg [dreg:$0x4];
	[sflag:s26] =	ssyncadd.s32 $0xFFFFC400  }
0x76: {  	[tilespmem:s13], [sflag:$0x4] =	stream.linear.gather [hbm4b:s14+s13], $0x80, $0x38;
	v63 =	vld [tilespmem:$0x0]  }
0x77: {  	_ =	swait.ge [sflag:s28], $0x80  }
0x78: {  	[sflag:s28] =	ssyncset.done $0x0  }
0x79: {  	s15 =	simm.s32 $0x200;
	s18 =	rddreg [dreg:$0x5];
	[sflag:s28] =	ssyncadd.s32 $0xFFFFFF80  }
0x7a: {  	[tilespmem:s15], [sflag:$0x4] =	stream.linear.gather [hbm4b:s18+s13], $0x80, $0x38;
	v63 =	vld [tilespmem:$0x0]  }
0x7b: {  	_ =	swait.ge [sflag:s28], $0x80  }
0x7c: {  	[sflag:s28] =	ssyncset.done $0x0  }
0x7d: {  	[sflag:s28] =	ssyncadd.s32 $0xFFFFFF80  }
0x7e: {  	[tilespmem:s25], [sflag:$0x1] =	stream.indirect.gather [hbm4b:s5+s30], $0x80, s13, s30, $0xb8;
	v63 =	vld [tilespmem:$0x0]  }
0x7f: {  	s16 =	rddreg [dreg:$0x6]  }
0x80: {  	[tilespmem:s30], [sflag:$0x4] =	stream.linear.gather [hbm4b:s16+s13], $0x80, $0x38;
	v63 =	vld [tilespmem:$0x0]  }
0x81: {  	_ =	swait.ge [sflag:s28], $0x80  }
0x82: {  	[sflag:s28] =	ssyncset.done $0x0  }
0x83: {  	s18 =	simm.s32 $0x280;
	s17 =	rddreg [dreg:$0x7];
	[sflag:s28] =	ssyncadd.s32 $0xFFFFFF80  }
0x84: {  	[tilespmem:s18], [sflag:$0x4] =	stream.linear.gather [hbm4b:s17+s13], $0x80, $0x38;
	v63 =	vld [tilespmem:$0x0]  }
0x85: {  	_ =	swait.ge [sflag:s28], $0x80  }
0x86: {  	[sflag:s28] =	ssyncset.done $0x0  }
0x87: {  	[sflag:s28] =	ssyncadd.s32 $0xFFFFFF80  }
0x88: {  	[tilespmem:s0], [sflag:$0x1] =	stream.indirect.gather [hbm4b:s5+s30], $0x80, s30, s30, $0xb8;
	v63 =	vld [tilespmem:$0x0]  }
0x89: {  	s16 =	simm.s32 $0x100;
	s15 =	rddreg [dreg:$0x8]  }
0x8a: {  	[tilespmem:s16], [sflag:$0x2] =	stream.linear.gather [hbm4b:s15+s13], $0x80, $0x38;
	v63 =	vld [tilespmem:$0x0]  }
.Ltmp3:
0x8b: {  	_ = 	snop;
	(pc) =	sbr.rel .LBB2_4-.Ltmp3, $4  }
0x8c: {  	s18 =	simm.s32 $0x300;
	s17 =	rddreg [dreg:$0x9]  }
0x8d: {  	[tilespmem:s18], [sflag:$0x2] =	stream.linear.gather [hbm4b:s17+s13], $0x80, $0x38;
	v63 =	vld [tilespmem:$0x0]  }
0x8e: {  	[bflag:$0x0] =	sbarrier.arrive $0xFFFF  }
0x8f: {  	s14 =	simm.s32 $0x600;
	s15 =	simm.s32 $0x180  }
.LBB2_6:
0x90: {  	[tilespmem:s18], [sflag:$0x1] =	stream.indirect.gather [hbm4b:s5+s30], $0x80, s17, s30, $0xb8;
	v63 =	vld [tilespmem:$0x0]  }
.LBB2_8:
0x91: {  	s17 =	sand.u32 $0x7C00, s15  }
0x92: {  	s18 =	sand.u32 $0x380, s15;
	s17 =	sadd.s32 s7, s17  }
0x93: {  	s17 =	sor.u32 s18, s17  }
0x94: {  	s17 =	sshrl.u32 s17, $0x3  }
0x95: {  	s16 =	sshll.u32 s16, $0x7;
	s18 =	sadd.s32 s6, s17  }
0x96: {  	[tilespmem:s16], [sflag:$0x2] =	stream.linear.gather [hbm4b:s18+s3], $0x80, $0x38;
	v63 =	vld [tilespmem:$0x0]  }
0x97: {  	s18 =	sand.u32 $0x600, s14  }
0x98: {  	s16 =	sshrl.u32 s18, $0x2  }
0x99: {  	s17 =	sadd.s32 s1, s17;
	s16 =	sor.u32 $0x200, s16  }
0x9a: {  	[tilespmem:s16], [sflag:$0x2] =	stream.linear.gather [hbm4b:s17+s3], $0x80, $0x38;
	v63 =	vld [tilespmem:$0x0]  }
.LBB2_9:
0x9b: {  	s14 =	sadd.s32 $0x200, s14  }
0x9c: {  	p0 =	sne.s32 s14, $0xA400  }
.Ltmp4:
0x9d: {  	_ = 	snop;
	(pc) =	sbr.rel @!p0 .LBB2_10-.Ltmp4, $2  }
0x9e: {  	_ =	sdelay $0x2  }
0x9f: {  	s13 =	sadd.s32 $0x1, s13;
	s15 =	sadd.s32 $0x80, s15  }
.LBB2_4:
0xa0: {  	s16 =	smul.u32 $0xAB, s13;
	_ =	sdelay $0x1  }
0xa1: {  	s16 =	sshrl.u32 s16, $0x9  }
0xa2: {  	s16 =	sand.u32 $0x7F, s16  }
0xa3: {  	s16 =	smul.u32 $0x3, s16  }
0xa4: {  	p0 =	sgt.u32 s13, $0x4C  }
.Ltmp5:
0xa5: {  	s17 =	sadd.s32 $0xFFFFFA00, s14;
	s16 =	ssub.s32 s13, s16;
	(pc) =	sbr.rel @p0 .LBB2_9-.Ltmp5, $4  }
0xa6: {  	_ =	swait.ge [sflag:s31], $0x4000;
	s17 =	sand.u32 $0x600, s17;
	s16 =	sand.u32 $0xFF, s16  }
0xa7: {  	[sflag:s31] =	ssyncset.done $0x0;
	s17 =	sshrl.u32 s17, $0x2;
	s18 =	sshll.u32 s16, $0xE  }
0xa8: {  	[sflag:s31] =	ssyncadd.s32 $0xFFFFC000;
	s17 =	sor.u32 $0x200, s17;
	s18 =	sor.u32 $0x400, s18  }
0xa9: {  	[spmem:s2] =	stream.indirect.scatter.add.f32 [tilespmem:s18], [sflag:$0x3], $0x80, s17, s30, $0xb8;
	v63 =	vld [tilespmem:$0x0]  }
0xaa: {  	s17 =	sadd.s32 $0x2, s13  }
0xab: {  	s18 =	sand.u32 $0xFF, s17  }
0xac: {  	s18 =	smul.u32 $0xAB, s18;
	_ =	sdelay $0x1  }
0xad: {  	s18 =	sshrl.u32 s18, $0x9  }
0xae: {  	_ =	swait.ge [sflag:s26], $0x80;
	p0 =	sne.s32 s14, $0x600;
	s18 =	smul.u32 $0x3, s18  }
.Ltmp6:
0xaf: {  	[sflag:s26] =	ssyncset.done $0x0;
	(pc) =	sbr.rel @!p0 .LBB2_6-.Ltmp6, $4  }
0xb0: {  	[sflag:s26] =	ssyncadd.s32 $0xFFFFFF80;
	s17 =	ssub.s32 s17, s18  }
0xb1: {  	_ =	swait.ge [sflag:s26], $0x80;
	s17 =	sand.u32 $0xFF, s17  }
0xb2: {  	[sflag:s26] =	ssyncset.done $0x0;
	s18 =	sshll.u32 s17, $0xE  }
0xb3: {  	[sflag:s26] =	ssyncadd.s32 $0xFFFFFF80;
	s17 =	sshll.u32 s17, $0x7;
	s18 =	sor.u32 $0x400, s18  }
0xb4: {  	p0 =	seq.s32 s14, $0x9E00  }
.Ltmp7:
0xb5: {  	_ = 	snop;
	(pc) =	sbr.rel @p0 .LBB2_9-.Ltmp7, $4  }
.Ltmp8:
0xb6: {  	_ =	swait.ge [sflag:s4], $0x4000;
	(pc) =	sbr.rel @!p0 .LBB2_8-.Ltmp8, $4  }
0xb7: {  	[sflag:s4] =	ssyncset.done $0x0  }
0xb8: {  	[sflag:s4] =	ssyncadd.s32 $0xFFFFC000  }
0xb9: {  	[tilespmem:s18], [sflag:$0x1] =	stream.indirect.gather [hbm4b:s5+s30], $0x80, s17, s30, $0xb8;
	v63 =	vld [tilespmem:$0x0]  }
0xba: {  	_ = 	snop  }
.LBB2_11:
0xbb: {  	_ =	sfence.sel $0x180000  }
0xbc: {  	[bflag:$0x0] =	sbarrier.arrive $0xFFFF  }
0xbd: {  	_ =	strace $0x9000004A  }
0xbe: {  	s0 =	stileid.u32;
	[bflag:$0x2] =	sbarrier.arrive $0xFFFF  }
0xbf: {  	p0 =	sne.s32 s0, $0x0;
	s0 =	rddreg [dreg:$0x3]  }
0xc0: {  	s0 =	sadd.s32 @!p0 $0x100000, s0  }
0xc1: {  	[sflag:s0] =	ssyncadd.tile.s32 @!p0 $0x1;
	_ =	shalt  }
.Lfunc_end2:
_tile_overlayer_lowered:
.L_overlay_start_2:
0xc2: {  	(tag) =	ssettag $0x2  }
0xc3: {  	s0 =	rddreg [dreg:$0x0];
	s2 =	stileid.u32  }
0xc4: {  	s1 =	rddreg [dreg:$0x1];
	p0 =	sne.s32 s2, $0x0  }
0xc5: {  	s3 =	rddreg [dreg:$0x2];
	[bflag:$0x3] =	sbarrier.arrive $0xFFFF;
	s2 =	simm.s32 @!p0 $0x1C04  }
0xc6: {  	[timem:s3], [sflag:s2] =	dma.local @!p0 [hbm:s0], s1  }
0xc7: {  	s0 =	simm.s32 @!p0 $0x4  }
0xc8: {  	_ =	swait.ge @!p0 [sflag:s0], s1  }
0xc9: {  	s1 =	ssub.s32 @!p0 $0x0, s1;
	[sflag:s0] =	ssyncset.done @!p0 $0x0  }
0xca: {  	[sflag:s0] =	ssyncadd.s32 @!p0 s1  }
0xcb: {  	[bflag:$0x3] =	sbarrier.arrive $0xFFFF  }
0xcc: {  	_ =	shalt  }

// kernel: kernel.15.cloned.1.call-start
scs
__scs_entry_jumppad:
0x0: {  	(pc) =	sbr.rel $0x88, $3  }
0x1: {  	(tag) =	ssettag $0x0;
	lr =	simm.s32 $0x1  }
0x2: {  	[smem:$0x3F9A] =	sst lr;
	_ =	strace $0xD0000000  }
0x3: {  	_ = 	snop  }
0x4: {  	_ = 	snop  }
0x5: {  	_ = 	snop  }
0x6: {  	_ = 	snop  }
0x7: {  	_ = 	snop  }
__scs_overlays_trampoline_lowered:
0x8: {  	[smem:$0x3FA9] =	sst s0  }
0x9: {  	[smem:$0x3FAA] =	sst s1  }
0xa: {  	[smem:$0x3FAB] =	sst s2  }
0xb: {  	[smem:$0x3FAC] =	sst s3  }
0xc: {  	[smem:$0x3FAD] =	sst s4  }
0xd: {  	[smem:$0x3FAE] =	sst s5  }
0xe: {  	[smem:$0x3FAF] =	sst s6  }
0xf: {  	[smem:$0x3FB0] =	sst s7  }
0x10: {  	[smem:$0x3FB1] =	sst s8  }
0x11: {  	[smem:$0x3FB2] =	sst s9;
	s0 =	simm.s32 @!p0 $0x0  }
0x12: {  	s1 =	sld [smem:$0x3F98];
	s0 =	simm.s32 @p0 $0x1  }
0x13: {  	[smem:$0x3FB3] =	sst s0;
	s0 =	simm.s32 @!p1 $0x0  }
0x14: {  	s2 =	sld [smem:$0x3F97];
	s0 =	simm.s32 @p1 $0x1  }
0x15: {  	[smem:$0x3FB4] =	sst s0;
	s0 =	simm.s32 @!p2 $0x0  }
0x16: {  	s3 =	sld [smem:$0x3FDB];
	s0 =	simm.s32 @p2 $0x1  }
0x17: {  	s4 =	simm.s32 $0x1BF5;
	[smem:$0x3FB6] =	sst s0  }
0x18: {  	s0 =	sld [smem:$0x3F99];
	_ =	swait.ge [sflag:s4], $0x0  }
0x19: {  	s7 =	sld [smem:$0x3F9A]  }
0x1a: {  	s8 =	sadd.s32 $0xFFFFE003, lr  }
0x1b: {  	s9 =	sadd.s32 $0xFFFFFEF7, lr;
	s5 =	simm.s32 $0xFFFFFFFF;
	p2 =	slt.u32 s8, $0xFFFFF086  }
0x1c: {  	p1 =	slt.u32 s9, $0xF7A;
	s5 =	simm.s32 @!p2 $0x0  }
0x1d: {  	s5 =	simm.s32 @p1 $0x1;
	p0 =	seq.s32 s7, s2  }
0x1e: {  	s7 =	smul.u32 @!p0 $0xF7A, s2;
	p2 =	seq.s32 @!p0 s5, $0x0  }
0x1f: {  	s9 =	smul.u32 $0xF7A, s1;
	s8 =	simm.s32 @!p0 $0x1BF5;
	p2 =	por !p2, p0  }
0x20: {  	[sflag:s8] =	ssyncset.s32 @!p0 $0xFFFFF086;
	s6 =	sadd.s32 @!p0 s3, s7;
	s7 =	simm.s32 @!p0 $0x108  }
0x21: {  	s3 =	sadd.s32 s3, s9;
	s6 =	sadd.s32 @!p0 $0x88, s6;
	s7 =	simm.s32 @p2 $0x1082  }
0x22: {  	[simem:s7], [sflag:s8] =	dma.local @!p0 [hbm:s6], $0xF7A  }
0x23: {  	s9 =	sor.u32 $0xD0000000, s2;
	s6 =	simm.s32 $0x108;
	_ =	swait.ge @!p0 [sflag:s8], $0x0  }
0x24: {  	s3 =	sadd.s32 $0x88, s3;
	s6 =	simm.s32 @!p1 $0x1082;
	[sflag:s4] =	ssyncset.s32 $0xFFFFF086  }
0x25: {  	[simem:s6], [sflag:s4] =	dma.local [hbm:s3], $0xF7A  }
0x26: {  	[smem:$0x3F9A] =	sst s1;
	(tag) =	ssettag s2;
	_ =	strace s9  }
0x27: {  	s1 =	sld [smem:$0x3FAA]  }
0x28: {  	s2 =	sld [smem:$0x3FAB]  }
0x29: {  	s4 =	sld [smem:$0x3FAD]  }
0x2a: {  	p0 =	seq.s32 s5, $0x0;
	s5 =	sld [smem:$0x3FAE]  }
0x2b: {  	s6 =	sld [smem:$0x3FAF]  }
0x2c: {  	s7 =	sld [smem:$0x3FB0]  }
0x2d: {  	s3 =	simm.s32 $0x108;
	s8 =	sld [smem:$0x3FB1]  }
0x2e: {  	s3 =	simm.s32 @!p0 $0x1082;
	s9 =	sld [smem:$0x3FB2]  }
0x2f: {  	lr =	sadd.s32 s0, s3;
	s0 =	sld [smem:$0x3FA9]  }
0x30: {  	s3 =	sld [smem:$0x3FAC]  }
0x31: {  	[smem:$0x3FB5] =	sst s10  }
0x32: {  	s10 =	sld [smem:$0x3FB3];
	_ =	sdelay $0x3  }
0x33: {  	p0 =	seq.s32 s10, $0x1;
	s10 =	sld [smem:$0x3FB5];
	_ =	sdelay $0x3  }
0x34: {  	[smem:$0x3FB5] =	sst s10  }
0x35: {  	s10 =	sld [smem:$0x3FB4];
	_ =	sdelay $0x3  }
0x36: {  	p1 =	seq.s32 s10, $0x1;
	s10 =	sld [smem:$0x3FB5];
	_ =	sdelay $0x3  }
0x37: {  	[smem:$0x3FB5] =	sst s10  }
0x38: {  	s10 =	sld [smem:$0x3FB6]  }
0x39: {  	_ = 	snop;
	(pc) =	sbr.ind lr, $3  }
0x3a: {  	_ = 	snop  }
0x3b: {  	_ = 	snop  }
0x3c: {  	p2 =	seq.s32 s10, $0x1;
	s10 =	sld [smem:$0x3FB5]  }
0x3d: {  	_ =	shalt  }
0x3e: {  	_ =	shalt  }
0x3f: {  	_ =	shalt  }
0x40: {  	_ =	shalt  }
0x41: {  	_ =	shalt  }
0x42: {  	_ =	shalt  }
0x43: {  	_ =	shalt  }
0x44: {  	_ =	shalt  }
0x45: {  	_ =	shalt  }
0x46: {  	_ =	shalt  }
0x47: {  	_ =	shalt  }
0x48: {  	_ =	shalt  }
0x49: {  	_ =	shalt  }
0x4a: {  	_ =	shalt  }
0x4b: {  	_ =	shalt  }
0x4c: {  	_ =	shalt  }
0x4d: {  	_ =	shalt  }
0x4e: {  	_ =	shalt  }
0x4f: {  	_ =	shalt  }
0x50: {  	_ =	shalt  }
0x51: {  	_ =	shalt  }
0x52: {  	_ =	shalt  }
0x53: {  	_ =	shalt  }
0x54: {  	_ =	shalt  }
0x55: {  	_ =	shalt  }
0x56: {  	_ =	shalt  }
0x57: {  	_ =	shalt  }
0x58: {  	_ =	shalt  }
0x59: {  	_ =	shalt  }
0x5a: {  	_ =	shalt  }
0x5b: {  	_ =	shalt  }
0x5c: {  	_ =	shalt  }
0x5d: {  	_ =	shalt  }
0x5e: {  	_ =	shalt  }
0x5f: {  	_ =	shalt  }
0x60: {  	_ =	shalt  }
0x61: {  	_ =	shalt  }
0x62: {  	_ =	shalt  }
0x63: {  	_ =	shalt  }
0x64: {  	_ =	shalt  }
0x65: {  	_ =	shalt  }
0x66: {  	_ =	shalt  }
0x67: {  	_ =	shalt  }
0x68: {  	_ =	shalt  }
0x69: {  	_ =	shalt  }
0x6a: {  	_ =	shalt  }
0x6b: {  	_ =	shalt  }
0x6c: {  	_ =	shalt  }
0x6d: {  	_ =	shalt  }
0x6e: {  	_ =	shalt  }
0x6f: {  	_ =	shalt  }
0x70: {  	_ =	shalt  }
0x71: {  	_ =	shalt  }
0x72: {  	_ =	shalt  }
0x73: {  	_ =	shalt  }
0x74: {  	_ =	shalt  }
0x75: {  	_ =	shalt  }
0x76: {  	_ =	shalt  }
0x77: {  	_ =	shalt  }
0x78: {  	_ =	shalt  }
0x79: {  	_ =	shalt  }
0x7a: {  	_ =	shalt  }
0x7b: {  	_ =	shalt  }
0x7c: {  	_ =	shalt  }
0x7d: {  	_ =	shalt  }
0x7e: {  	_ =	shalt  }
0x7f: {  	_ =	shalt  }
0x80: {  	_ =	shalt  }
0x81: {  	_ =	shalt  }
0x82: {  	_ =	shalt  }
0x83: {  	_ =	shalt  }
0x84: {  	_ =	shalt  }
0x85: {  	_ =	shalt  }
0x86: {  	_ =	shalt  }
0x87: {  	_ =	shalt  }
.Lfunc_end0:
.L_simem_size_0:
called_computation.2_lowered:
.L_overlay_start_0:
0x88: {  	s2 =	sld [smem:$0x3FD9]  }
0x89: {  	s3 =	sld [smem:$0x3FFE];
	_ =	sdelay $0x1  }
0x8a: {  	s1 =	srdreg.scid  }
0x8b: {  	s0 =	sand.u32 $0x1, s1  }
0x8c: {  	s17 =	sshll.u32 s0, $0xA;
	s2 =	sadd.s32 s3, s2  }
0x8d: {  	s2 =	sadd.s32 s2, s17  }
0x8e: {  	[smem:$0x3FC1] =	sst s2  }
0x8f: {  	_ = 	snop  }
0x90: {  	s2 =	sld [smem:$0x3FD0];
	(tm) =	ssettm $0x1  }
0x91: {  	s18 =	sld [smem:$0x3FFB];
	_ =	sdelay $0x3  }
0x92: {  	_ =	strace s18  }
0x93: {  	s3 =	sld [smem:$0x3FFC];
	_ =	sdelay $0x3  }
0x94: {  	_ =	strace s3  }
0x95: {  	s3 =	sld [smem:$0x3FFD];
	_ =	sdelay $0x3  }
0x96: {  	_ =	strace s3  }
0x97: {  	_ =	strace $0x8FFFFFFF  }
0x98: {  	s19 =	sld [smem:$0x3FDB];
	_ =	sdelay $0x1  }
0x99: {  	s4 =	simm.s32 $_scs_section_size  }
0x9a: {  	s5 =	simm.s32 $_size__tile_overlayer_lowered;
	s6 =	simm.s32 $_tile_overlayer_lowered  }
0x9b: {  	s22 =	simm.s32 $0x1BFF;
	s21 =	sshll.u32 s6, $0x1;
	s3 =	sadd.s32 s4, s19  }
0x9c: {  	s7 =	simm.s32 $0x0;
	s20 =	sshll.u32 s5, $0x1;
	s5 =	sadd.s32 s21, s3  }
0x9d: {  	[timem:s7], [sflag:s22] =	dma.local [hbm:s5], s20  }
0x9e: {  	_ =	swait.ge [sflag:s22], s20  }
0x9f: {  	s4 =	ssub.s32 $0x0, s20;
	[sflag:s22] =	ssyncset.done $0x0  }
0xa0: {  	[sflag:s22] =	ssyncadd.s32 s4;
	_ =	sdelay $0x1  }
0xa1: {  	s23 =	simm.s32 $0x1B8B  }
0xa2: {  	_ =	swait.ge [sflag:s23], $0x1  }
0xa3: {  	[sflag:s23] =	ssyncset.done $0x0  }
0xa4: {  	s25 =	simm.s32 $0x1B8E;
	s24 =	sld [smem:$0x3FFE];
	[sflag:s23] =	ssyncadd.s32 $0xFFFFFFFF  }
0xa5: {  	s26 =	simm.s32 $execute0_lowered;
	[smem:$0x3FD2] =	sst s25  }
0xa6: {  	s5 =	sshll.u32 s26, $0x1;
	_ =	strace $0x8000004C;
	[dreg:$0x1] =	wrdreg $0xFFFFFFFF  }
0xa7: {  	s28 =	simm.s32 $_size_execute0_lowered;
	s3 =	sadd.s32 s3, s5;
	[dreg:$0x0] =	wrdreg $0x0  }
0xa8: {  	s5 =	sshll.u32 s28, $0x1;
	[dreg:$0x2] =	wrdreg s3  }
0xa9: {  	[dreg:$0x3] =	wrdreg s5  }
0xaa: {  	[dreg:$0x4] =	wrdreg $0xC0  }
0xab: {  	_ =	task [dreg:s7], $0x5FFFF  }
0xac: {  	[dreg:$0x1] =	wrdreg $0xFFFFFFFF  }
0xad: {  	[dreg:$0x0] =	wrdreg $0x60  }
0xae: {  	[dreg:$0x2] =	wrdreg s24  }
0xaf: {  	[dreg:$0x3] =	wrdreg s2  }
0xb0: {  	[dreg:$0x4] =	wrdreg $0xC4000  }
0xb1: {  	[dreg:$0x5] =	wrdreg $0x9  }
0xb2: {  	_ =	task.clear_ibuf [dreg:s7], $0x6FFFF;
	_ =	strace $0x9000004C  }
0xb3: {  	s29 =	simm.s32 $0x9;
	_ =	strace $0x8000004E  }
0xb4: {  	_ =	swait.ge [sflag:s29], $0x1  }
0xb5: {  	[sflag:s29] =	ssyncadd.s32 $0xFFFFFFFF  }
0xb6: {  	_ =	strace $0x9000004E  }
0xb7: {  	_ =	sfence  }
0xb8: {  	s30 =	sld [smem:$0x0];
	_ =	sdelay $0x2  }
0xb9: {  	s31 =	sshll.u32 s1, $0xD;
	s1 =	sshrl.u32 s1, $0x2  }
0xba: {  	s3 =	sand.u32 $0x4000, s31;
	s1 =	sadd.s32 s1, s30  }
0xbb: {  	s0 =	sor.u32 s3, s0;
	s1 =	sshll.u32 s1, $0x11  }
0xbc: {  	s0 =	sor.u32 s1, s0  }
0xbd: {  	s0 =	sadd.s32 $0x8F2B, s0  }
0xbe: {  	[sflag:s0] =	ssyncadd.remote.s32 $0x1  }
0xbf: {  	_ =	sfence.sel $0xFFFF  }
0xc0: {  	[dreg:$0x0] =	wrdreg $0xFFFFFFFF;
	(pc) =	sbr.abs _section_cstart, $3  }
0xc1: {  	[dreg:$0x1] =	wrdreg $0xFFFFFFFF  }
0xc2: {  	_ =	task.clear_ibuf [dreg:s7], $0x2FFFF;
	_ =	strace $0x9FFFFFFF  }
0xc3: {  	(tm) =	ssettm $0x7FFFFFFF  }
tec
execute0_lowered:
.L_overlay_start_1:
0x0: {  	(tag) =	ssettag $0x1  }
0x1: {  	s0 =	rddreg [dreg:$0x0]  }
0x2: {  	s1 =	rddreg [dreg:$0x1]  }
0x3: {  	s2 =	rddreg [dreg:$0x2];
	s3 =	simm.s32 $0x0;
	s4 =	srdreg.scid  }
0x4: {  	s11 =	stileid.u32;
	s28 =	simm.s32 $0x4;
	s30 =	simm.s32 $0x80  }
0x5: {  	s31 =	simm.s32 $0x1;
	s29 =	simm.s32 $0x0;
	[smem:$0x7FF] =	sst s3  }
0x6: {  	s5 =	sadd.s32 $0xD400, s0;
	s6 =	sadd.s32 $0x3400, s0;
	s8 =	smul.u32 $0x4F000, s11  }
0x7: {  	s4 =	sand.u32 $0x1, s4;
	s0 =	sadd.s32 $0x34C00, s0;
	s13 =	smul.u32 $0x13C00, s11  }
0x8: {  	_ =	strace $0x8000004D;
	s7 =	ssub.s32 $0x2, s4;
	s10 =	sshll.u32 s4, $0x4  }
0x9: {  	s4 =	smul.u32 $0x13C000, s4;
	s9 =	sshrl.u32 s7, $0x1;
	s20 =	sor.u32 s11, s10  }
0xa: {  	s8 =	sshrl.u32 s8, $0x2;
	s15 =	sadd.s32 $0x4000, s13;
	s16 =	sadd.s32 $0x8000, s13  }
0xb: {  	s17 =	sadd.s32 $0xC000, s13;
	s18 =	sadd.s32 $0x10000, s13;
	s14 =	ssub.s32 s7, s9  }
0xc: {  	s7 =	smul.u32 $0x2800, s20;
	s8 =	sadd.s32 s8, s2;
	s9 =	sadd.s32 s15, s2  }
0xd: {  	s10 =	sadd.s32 s16, s2;
	s11 =	sadd.s32 s17, s2;
	s12 =	sadd.s32 s18, s2  }
0xe: {  	s13 =	sadd.s32 s13, s4;
	s15 =	sadd.s32 s4, s15;
	s16 =	sadd.s32 s4, s16  }
0xf: {  	s17 =	sadd.s32 s4, s17;
	s4 =	sadd.s32 s4, s18;
	s13 =	sshrl.u32 s13, $0x3  }
0x10: {  	s15 =	sshrl.u32 s15, $0x3;
	s25 =	sshrl.u32 s16, $0x3;
	s19 =	sshrl.u32 s7, $0x3  }
0x11: {  	s26 =	sshrl.u32 s17, $0x3;
	s4 =	sshrl.u32 s4, $0x3;
	s20 =	sadd.s32 s6, s19  }
0x12: {  	s21 =	sadd.s32 s1, s19;
	s22 =	sor.u32 $0x10, s19;
	[dreg:$0x4] =	wrdreg s20  }
0x13: {  	s19 =	sor.u32 $0x20, s19;
	[dreg:$0x5] =	wrdreg s21;
	s21 =	sadd.s32 s6, s22  }
0x14: {  	s20 =	sadd.s32 s1, s22;
	s23 =	sadd.s32 s6, s19;
	[dreg:$0x6] =	wrdreg s21  }
.Ltmp0:
0x15: {  	s24 =	sadd.s32 s1, s19;
	[dreg:$0x7] =	wrdreg s20;
	(pc) =	sbr.rel .LBB2_1-.Ltmp0, $4  }
0x16: {  	s19 =	sadd.s32 s0, s13;
	s22 =	sadd.s32 s0, s26;
	[dreg:$0x8] =	wrdreg s23  }
0x17: {  	s26 =	simm.s32 $0x2;
	[dreg:$0x9] =	wrdreg s24;
	s20 =	sadd.s32 s0, s15  }
0x18: {  	s21 =	sadd.s32 s0, s25;
	s23 =	sadd.s32 s0, s4;
	s24 =	smax.u32 s14, $0x1  }
0x19: {  	v0 =	vimm.f32 $0.0e+00;
	s25 =	simm.s32 $0x400;
	s0 =	simm.s32 $0x4400;
	s4 =	simm.s32 $0x3  }
.LBB2_10:
0x1a: {  	_ =	swait.ge [sflag:s4], $0x4000  }
0x1b: {  	[sflag:s4] =	ssyncset.done $0x0  }
0x1c: {  	[sflag:s4] =	ssyncadd.s32 $0xFFFFC000  }
0x1d: {  	_ =	swait.ge [sflag:s4], $0x4000  }
0x1e: {  	[sflag:s4] =	ssyncset.done $0x0  }
0x1f: {  	[sflag:s4] =	ssyncadd.s32 $0xFFFFC000  }
0x20: {  	_ =	swait.ge [sflag:s4], $0x4000  }
0x21: {  	[sflag:s4] =	ssyncset.done $0x0  }
0x22: {  	[sflag:s4] =	ssyncadd.s32 $0xFFFFC000  }
0x23: {  	[bflag:$0x0] =	sbarrier.arrive $0xFFFF  }
0x24: {  	[tilespmem:s25], [sflag:$0x4] =	stream.linear.gather [spmem:s8], $0x4000, $0x38;
	v63 =	vld [tilespmem:$0x0]  }
0x25: {  	_ =	swait.ge [sflag:s28], $0x4000  }
0x26: {  	[sflag:s28] =	ssyncset.done $0x0  }
0x27: {  	[sflag:s28] =	ssyncadd.s32 $0xFFFFC000  }
0x28: {  	[hbm4b:s19+s3] =	stream.linear.scatter [tilespmem:s25], [sflag:$0x2], $0x4000, $0x38;
	v63 =	vld [tilespmem:$0x0]  }
0x29: {  	_ = 	snop  }
0x2a: {  	[tilespmem:s0], [sflag:$0x4] =	stream.linear.gather [spmem:s9], $0x4000, $0x38;
	v63 =	vld [tilespmem:$0x0]  }
0x2b: {  	_ =	swait.ge [sflag:s28], $0x4000  }
0x2c: {  	[sflag:s28] =	ssyncset.done $0x0  }
0x2d: {  	[sflag:s28] =	ssyncadd.s32 $0xFFFFC000  }
0x2e: {  	[hbm4b:s20+s3] =	stream.linear.scatter [tilespmem:s0], [sflag:$0x2], $0x4000, $0x38;
	v63 =	vld [tilespmem:$0x0]  }
0x2f: {  	_ =	swait.ge [sflag:s26], $0x4000  }
0x30: {  	[sflag:s26] =	ssyncset.done $0x0  }
0x31: {  	[sflag:s26] =	ssyncadd.s32 $0xFFFFC000  }
0x32: {  	[tilespmem:s25], [sflag:$0x4] =	stream.linear.gather [spmem:s10], $0x4000, $0x38;
	v63 =	vld [tilespmem:$0x0]  }
0x33: {  	_ =	swait.ge [sflag:s28], $0x4000  }
0x34: {  	[sflag:s28] =	ssyncset.done $0x0  }
0x35: {  	[sflag:s28] =	ssyncadd.s32 $0xFFFFC000  }
0x36: {  	[hbm4b:s21+s3] =	stream.linear.scatter [tilespmem:s25], [sflag:$0x2], $0x4000, $0x38;
	v63 =	vld [tilespmem:$0x0]  }
0x37: {  	_ =	swait.ge [sflag:s26], $0x4000  }
0x38: {  	[sflag:s26] =	ssyncset.done $0x0  }
0x39: {  	[sflag:s26] =	ssyncadd.s32 $0xFFFFC000  }
0x3a: {  	[tilespmem:s0], [sflag:$0x4] =	stream.linear.gather [spmem:s11], $0x4000, $0x38;
	v63 =	vld [tilespmem:$0x0]  }
0x3b: {  	_ =	swait.ge [sflag:s28], $0x4000  }
0x3c: {  	[sflag:s28] =	ssyncset.done $0x0  }
0x3d: {  	[sflag:s28] =	ssyncadd.s32 $0xFFFFC000  }
0x3e: {  	[hbm4b:s22+s3] =	stream.linear.scatter [tilespmem:s0], [sflag:$0x2], $0x4000, $0x38;
	v63 =	vld [tilespmem:$0x0]  }
0x3f: {  	_ =	swait.ge [sflag:s26], $0x4000  }
0x40: {  	[sflag:s26] =	ssyncset.done $0x0  }
0x41: {  	[sflag:s26] =	ssyncadd.s32 $0xFFFFC000  }
0x42: {  	[tilespmem:s25], [sflag:$0x4] =	stream.linear.gather [spmem:s12], $0x3C00, $0x38;
	v63 =	vld [tilespmem:$0x0]  }
0x43: {  	_ =	swait.ge [sflag:s28], $0x3C00  }
0x44: {  	[sflag:s28] =	ssyncset.done $0x0  }
0x45: {  	s29 =	sadd.s32 $0x1, s29;
	[sflag:s28] =	ssyncadd.s32 $0xFFFFC400  }
0x46: {  	[hbm4b:s23+s3] =	stream.linear.scatter [tilespmem:s25], [sflag:$0x2], $0x3C00, $0x38;
	v63 =	vld [tilespmem:$0x0]  }
0x47: {  	p0 =	sne.s32 s29, s24;
	_ =	swait.ge [sflag:s26], $0x4000  }
.Ltmp1:
0x48: {  	[sflag:s26] =	ssyncset.done $0x0;
	(pc) =	sbr.rel @!p0 .LBB2_11-.Ltmp1, $4  }
0x49: {  	[sflag:s26] =	ssyncadd.s32 $0xFFFFC000  }
0x4a: {  	_ =	swait.ge [sflag:s26], $0x3C00  }
0x4b: {  	[sflag:s26] =	ssyncset.done $0x0  }
0x4c: {  	[sflag:s26] =	ssyncadd.s32 $0xFFFFC400  }
.LBB2_1:
0x4d: {  	s13 =	simm.s32 $0x0;
	s14 =	simm.s32 $0x200  }
.LBB2_2:
0x4e: {  	p0 =	sne.s32 s14, $0xFE00;
	[tilespmem:s13+$0x470] =	vst v0  }
0x4f: {  	[tilespmem:s13+$0x400] =	vst v0  }
0x50: {  	[tilespmem:s13+$0x410] =	vst v0  }
.Ltmp2:
0x51: {  	[tilespmem:s13+$0x420] =	vst v0;
	(pc) =	sbr.rel @p0 .LBB2_2-.Ltmp2, $4  }
0x52: {  	[tilespmem:s13+$0x430] =	vst v0  }
0x53: {  	[tilespmem:s13+$0x440] =	vst v0  }
0x54: {  	[tilespmem:s13+$0x450] =	vst v0  }
0x55: {  	[tilespmem:s13+$0x460] =	vst v0;
	s13 =	sshra.s32 s14, $0x2;
	s14 =	sadd.s32 $0x200, s14  }
0x56: {  	[tilespmem:s13+$0x470] =	vst v0  }
0x57: {  	[tilespmem:s13+$0x400] =	vst v0  }
0x58: {  	[tilespmem:s13+$0x410] =	vst v0  }
0x59: {  	[tilespmem:s13+$0x420] =	vst v0  }
0x5a: {  	[tilespmem:s13+$0x430] =	vst v0  }
0x5b: {  	[tilespmem:s13+$0x440] =	vst v0  }
0x5c: {  	[tilespmem:s13+$0x450] =	vst v0  }
0x5d: {  	[tilespmem:s13+$0x460] =	vst v0  }
0x5e: {  	[spmem:s8] =	stream.linear.scatter [tilespmem:s25], [sflag:$0x2], $0x4000, $0x38;
	v63 =	vld [tilespmem:$0x0]  }
0x5f: {  	_ = 	snop  }
0x60: {  	[spmem:s9] =	stream.linear.scatter [tilespmem:s25], [sflag:$0x2], $0x4000, $0x38;
	v63 =	vld [tilespmem:$0x0]  }
0x61: {  	_ = 	snop  }
0x62: {  	[spmem:s10] =	stream.linear.scatter [tilespmem:s25], [sflag:$0x2], $0x4000, $0x38;
	v63 =	vld [tilespmem:$0x0]  }
0x63: {  	_ = 	snop  }
0x64: {  	[spmem:s11] =	stream.linear.scatter [tilespmem:s25], [sflag:$0x2], $0x4000, $0x38;
	v63 =	vld [tilespmem:$0x0]  }
0x65: {  	_ = 	snop  }
0x66: {  	[spmem:s12] =	stream.linear.scatter [tilespmem:s25], [sflag:$0x2], $0x3C00, $0x38;
	v63 =	vld [tilespmem:$0x0]  }
0x67: {  	_ =	swait.ge [sflag:s26], $0x4000  }
0x68: {  	[sflag:s26] =	ssyncset.done $0x0  }
0x69: {  	[sflag:s26] =	ssyncadd.s32 $0xFFFFC000  }
0x6a: {  	_ =	swait.ge [sflag:s26], $0x4000  }
0x6b: {  	[sflag:s26] =	ssyncset.done $0x0  }
0x6c: {  	[sflag:s26] =	ssyncadd.s32 $0xFFFFC000  }
0x6d: {  	_ =	swait.ge [sflag:s26], $0x4000  }
0x6e: {  	[sflag:s26] =	ssyncset.done $0x0  }
0x6f: {  	[sflag:s26] =	ssyncadd.s32 $0xFFFFC000  }
0x70: {  	_ =	swait.ge [sflag:s26], $0x4000  }
0x71: {  	[sflag:s26] =	ssyncset.done $0x0  }
0x72: {  	[sflag:s26] =	ssyncadd.s32 $0xFFFFC000  }
0x73: {  	_ =	swait.ge [sflag:s26], $0x3C00  }
0x74: {  	[sflag:s26] =	ssyncset.done $0x0  }
0x75: {  	s13 =	simm.s32 $0x0;
	s14 =	rddreg [dreg:$0x4];
	[sflag:s26] =	ssyncadd.s32 $0xFFFFC400  }
0x76: {  	[tilespmem:s13], [sflag:$0x4] =	stream.linear.gather [hbm4b:s14+s13], $0x80, $0x38;
	v63 =	vld [tilespmem:$0x0]  }
0x77: {  	_ =	swait.ge [sflag:s28], $0x80  }
0x78: {  	[sflag:s28] =	ssyncset.done $0x0  }
0x79: {  	s15 =	simm.s32 $0x200;
	s18 =	rddreg [dreg:$0x5];
	[sflag:s28] =	ssyncadd.s32 $0xFFFFFF80  }
0x7a: {  	[tilespmem:s15], [sflag:$0x4] =	stream.linear.gather [hbm4b:s18+s13], $0x80, $0x38;
	v63 =	vld [tilespmem:$0x0]  }
0x7b: {  	_ =	swait.ge [sflag:s28], $0x80  }
0x7c: {  	[sflag:s28] =	ssyncset.done $0x0  }
0x7d: {  	[sflag:s28] =	ssyncadd.s32 $0xFFFFFF80  }
0x7e: {  	[tilespmem:s25], [sflag:$0x1] =	stream.indirect.gather [hbm4b:s5+s30], $0x80, s13, s30, $0xb8;
	v63 =	vld [tilespmem:$0x0]  }
0x7f: {  	s16 =	rddreg [dreg:$0x6]  }
0x80: {  	[tilespmem:s30], [sflag:$0x4] =	stream.linear.gather [hbm4b:s16+s13], $0x80, $0x38;
	v63 =	vld [tilespmem:$0x0]  }
0x81: {  	_ =	swait.ge [sflag:s28], $0x80  }
0x82: {  	[sflag:s28] =	ssyncset.done $0x0  }
0x83: {  	s18 =	simm.s32 $0x280;
	s17 =	rddreg [dreg:$0x7];
	[sflag:s28] =	ssyncadd.s32 $0xFFFFFF80  }
0x84: {  	[tilespmem:s18], [sflag:$0x4] =	stream.linear.gather [hbm4b:s17+s13], $0x80, $0x38;
	v63 =	vld [tilespmem:$0x0]  }
0x85: {  	_ =	swait.ge [sflag:s28], $0x80  }
0x86: {  	[sflag:s28] =	ssyncset.done $0x0  }
0x87: {  	[sflag:s28] =	ssyncadd.s32 $0xFFFFFF80  }
0x88: {  	[tilespmem:s0], [sflag:$0x1] =	stream.indirect.gather [hbm4b:s5+s30], $0x80, s30, s30, $0xb8;
	v63 =	vld [tilespmem:$0x0]  }
0x89: {  	s16 =	simm.s32 $0x100;
	s15 =	rddreg [dreg:$0x8]  }
0x8a: {  	[tilespmem:s16], [sflag:$0x2] =	stream.linear.gather [hbm4b:s15+s13], $0x80, $0x38;
	v63 =	vld [tilespmem:$0x0]  }
.Ltmp3:
0x8b: {  	_ = 	snop;
	(pc) =	sbr.rel .LBB2_4-.Ltmp3, $4  }
0x8c: {  	s18 =	simm.s32 $0x300;
	s17 =	rddreg [dreg:$0x9]  }
0x8d: {  	[tilespmem:s18], [sflag:$0x2] =	stream.linear.gather [hbm4b:s17+s13], $0x80, $0x38;
	v63 =	vld [tilespmem:$0x0]  }
0x8e: {  	[bflag:$0x0] =	sbarrier.arrive $0xFFFF  }
0x8f: {  	s14 =	simm.s32 $0x600;
	s15 =	simm.s32 $0x180  }
.LBB2_6:
0x90: {  	[tilespmem:s18], [sflag:$0x1] =	stream.indirect.gather [hbm4b:s5+s30], $0x80, s17, s30, $0xb8;
	v63 =	vld [tilespmem:$0x0]  }
.LBB2_8:
0x91: {  	s17 =	sand.u32 $0x7C00, s15  }
0x92: {  	s18 =	sand.u32 $0x380, s15;
	s17 =	sadd.s32 s7, s17  }
0x93: {  	s17 =	sor.u32 s18, s17  }
0x94: {  	s17 =	sshrl.u32 s17, $0x3  }
0x95: {  	s16 =	sshll.u32 s16, $0x7;
	s18 =	sadd.s32 s6, s17  }
0x96: {  	[tilespmem:s16], [sflag:$0x2] =	stream.linear.gather [hbm4b:s18+s3], $0x80, $0x38;
	v63 =	vld [tilespmem:$0x0]  }
0x97: {  	s18 =	sand.u32 $0x600, s14  }
0x98: {  	s16 =	sshrl.u32 s18, $0x2  }
0x99: {  	s17 =	sadd.s32 s1, s17;
	s16 =	sor.u32 $0x200, s16  }
0x9a: {  	[tilespmem:s16], [sflag:$0x2] =	stream.linear.gather [hbm4b:s17+s3], $0x80, $0x38;
	v63 =	vld [tilespmem:$0x0]  }
.LBB2_9:
0x9b: {  	s14 =	sadd.s32 $0x200, s14  }
0x9c: {  	p0 =	sne.s32 s14, $0xA400  }
.Ltmp4:
0x9d: {  	_ = 	snop;
	(pc) =	sbr.rel @!p0 .LBB2_10-.Ltmp4, $2  }
0x9e: {  	_ =	sdelay $0x2  }
0x9f: {  	s13 =	sadd.s32 $0x1, s13;
	s15 =	sadd.s32 $0x80, s15  }
.LBB2_4:
0xa0: {  	s16 =	smul.u32 $0xAB, s13;
	_ =	sdelay $0x1  }
0xa1: {  	s16 =	sshrl.u32 s16, $0x9  }
0xa2: {  	s16 =	sand.u32 $0x7F, s16  }
0xa3: {  	s16 =	smul.u32 $0x3, s16  }
0xa4: {  	p0 =	sgt.u32 s13, $0x4C  }
.Ltmp5:
0xa5: {  	s17 =	sadd.s32 $0xFFFFFA00, s14;
	s16 =	ssub.s32 s13, s16;
	(pc) =	sbr.rel @p0 .LBB2_9-.Ltmp5, $4  }
0xa6: {  	_ =	swait.ge [sflag:s31], $0x4000;
	s17 =	sand.u32 $0x600, s17;
	s16 =	sand.u32 $0xFF, s16  }
0xa7: {  	[sflag:s31] =	ssyncset.done $0x0;
	s17 =	sshrl.u32 s17, $0x2;
	s18 =	sshll.u32 s16, $0xE  }
0xa8: {  	[sflag:s31] =	ssyncadd.s32 $0xFFFFC000;
	s17 =	sor.u32 $0x200, s17;
	s18 =	sor.u32 $0x400, s18  }
0xa9: {  	[spmem:s2] =	stream.indirect.scatter.add.f32 [tilespmem:s18], [sflag:$0x3], $0x80, s17, s30, $0xb8;
	v63 =	vld [tilespmem:$0x0]  }
0xaa: {  	s17 =	sadd.s32 $0x2, s13  }
0xab: {  	s18 =	sand.u32 $0xFF, s17  }
0xac: {  	s18 =	smul.u32 $0xAB, s18;
	_ =	sdelay $0x1  }
0xad: {  	s18 =	sshrl.u32 s18, $0x9  }
0xae: {  	_ =	swait.ge [sflag:s26], $0x80;
	p0 =	sne.s32 s14, $0x600;
	s18 =	smul.u32 $0x3, s18  }
.Ltmp6:
0xaf: {  	[sflag:s26] =	ssyncset.done $0x0;
	(pc) =	sbr.rel @!p0 .LBB2_6-.Ltmp6, $4  }
0xb0: {  	[sflag:s26] =	ssyncadd.s32 $0xFFFFFF80;
	s17 =	ssub.s32 s17, s18  }
0xb1: {  	_ =	swait.ge [sflag:s26], $0x80;
	s17 =	sand.u32 $0xFF, s17  }
0xb2: {  	[sflag:s26] =	ssyncset.done $0x0;
	s18 =	sshll.u32 s17, $0xE  }
0xb3: {  	[sflag:s26] =	ssyncadd.s32 $0xFFFFFF80;
	s17 =	sshll.u32 s17, $0x7;
	s18 =	sor.u32 $0x400, s18  }
0xb4: {  	p0 =	seq.s32 s14, $0x9E00  }
.Ltmp7:
0xb5: {  	_ = 	snop;
	(pc) =	sbr.rel @p0 .LBB2_9-.Ltmp7, $4  }
.Ltmp8:
0xb6: {  	_ =	swait.ge [sflag:s4], $0x4000;
	(pc) =	sbr.rel @!p0 .LBB2_8-.Ltmp8, $4  }
0xb7: {  	[sflag:s4] =	ssyncset.done $0x0  }
0xb8: {  	[sflag:s4] =	ssyncadd.s32 $0xFFFFC000  }
0xb9: {  	[tilespmem:s18], [sflag:$0x1] =	stream.indirect.gather [hbm4b:s5+s30], $0x80, s17, s30, $0xb8;
	v63 =	vld [tilespmem:$0x0]  }
0xba: {  	_ = 	snop  }
.LBB2_11:
0xbb: {  	_ =	sfence.sel $0x180000  }
0xbc: {  	[bflag:$0x0] =	sbarrier.arrive $0xFFFF  }
0xbd: {  	_ =	strace $0x9000004D  }
0xbe: {  	s0 =	stileid.u32;
	[bflag:$0x2] =	sbarrier.arrive $0xFFFF  }
0xbf: {  	p0 =	sne.s32 s0, $0x0;
	s0 =	rddreg [dreg:$0x3]  }
0xc0: {  	s0 =	sadd.s32 @!p0 $0x100000, s0  }
0xc1: {  	[sflag:s0] =	ssyncadd.tile.s32 @!p0 $0x1;
	_ =	shalt  }
.Lfunc_end2:
_tile_overlayer_lowered:
.L_overlay_start_2:
0xc2: {  	(tag) =	ssettag $0x2  }
0xc3: {  	s0 =	rddreg [dreg:$0x0];
	s2 =	stileid.u32  }
0xc4: {  	s1 =	rddreg [dreg:$0x1];
	p0 =	sne.s32 s2, $0x0  }
0xc5: {  	s3 =	rddreg [dreg:$0x2];
	[bflag:$0x3] =	sbarrier.arrive $0xFFFF;
	s2 =	simm.s32 @!p0 $0x1C04  }
0xc6: {  	[timem:s3], [sflag:s2] =	dma.local @!p0 [hbm:s0], s1  }
0xc7: {  	s0 =	simm.s32 @!p0 $0x4  }
0xc8: {  	_ =	swait.ge @!p0 [sflag:s0], s1  }
0xc9: {  	s1 =	ssub.s32 @!p0 $0x0, s1;
	[sflag:s0] =	ssyncset.done @!p0 $0x0  }
0xca: {  	[sflag:s0] =	ssyncadd.s32 @!p0 s1  }
0xcb: {  	[bflag:$0x3] =	sbarrier.arrive $0xFFFF  }
0xcc: {  	_ =	shalt  }

// kernel: kernel.9.cloned.1.call-start
scs
__scs_entry_jumppad:
0x0: {  	(pc) =	sbr.rel $0x88, $3  }
0x1: {  	(tag) =	ssettag $0x0;
	lr =	simm.s32 $0x1  }
0x2: {  	[smem:$0x3F9A] =	sst lr;
	_ =	strace $0xD0000000  }
0x3: {  	_ = 	snop  }
0x4: {  	_ = 	snop  }
0x5: {  	_ = 	snop  }
0x6: {  	_ = 	snop  }
0x7: {  	_ = 	snop  }
__scs_overlays_trampoline_lowered:
0x8: {  	[smem:$0x3FA9] =	sst s0  }
0x9: {  	[smem:$0x3FAA] =	sst s1  }
0xa: {  	[smem:$0x3FAB] =	sst s2  }
0xb: {  	[smem:$0x3FAC] =	sst s3  }
0xc: {  	[smem:$0x3FAD] =	sst s4  }
0xd: {  	[smem:$0x3FAE] =	sst s5  }
0xe: {  	[smem:$0x3FAF] =	sst s6  }
0xf: {  	[smem:$0x3FB0] =	sst s7  }
0x10: {  	[smem:$0x3FB1] =	sst s8  }
0x11: {  	[smem:$0x3FB2] =	sst s9;
	s0 =	simm.s32 @!p0 $0x0  }
0x12: {  	s1 =	sld [smem:$0x3F98];
	s0 =	simm.s32 @p0 $0x1  }
0x13: {  	[smem:$0x3FB3] =	sst s0;
	s0 =	simm.s32 @!p1 $0x0  }
0x14: {  	s2 =	sld [smem:$0x3F97];
	s0 =	simm.s32 @p1 $0x1  }
0x15: {  	[smem:$0x3FB4] =	sst s0;
	s0 =	simm.s32 @!p2 $0x0  }
0x16: {  	s3 =	sld [smem:$0x3FDB];
	s0 =	simm.s32 @p2 $0x1  }
0x17: {  	s4 =	simm.s32 $0x1BF5;
	[smem:$0x3FB6] =	sst s0  }
0x18: {  	s0 =	sld [smem:$0x3F99];
	_ =	swait.ge [sflag:s4], $0x0  }
0x19: {  	s7 =	sld [smem:$0x3F9A]  }
0x1a: {  	s8 =	sadd.s32 $0xFFFFE003, lr  }
0x1b: {  	s9 =	sadd.s32 $0xFFFFFEF7, lr;
	s5 =	simm.s32 $0xFFFFFFFF;
	p2 =	slt.u32 s8, $0xFFFFF086  }
0x1c: {  	p1 =	slt.u32 s9, $0xF7A;
	s5 =	simm.s32 @!p2 $0x0  }
0x1d: {  	s5 =	simm.s32 @p1 $0x1;
	p0 =	seq.s32 s7, s2  }
0x1e: {  	s7 =	smul.u32 @!p0 $0xF7A, s2;
	p2 =	seq.s32 @!p0 s5, $0x0  }
0x1f: {  	s9 =	smul.u32 $0xF7A, s1;
	s8 =	simm.s32 @!p0 $0x1BF5;
	p2 =	por !p2, p0  }
0x20: {  	[sflag:s8] =	ssyncset.s32 @!p0 $0xFFFFF086;
	s6 =	sadd.s32 @!p0 s3, s7;
	s7 =	simm.s32 @!p0 $0x108  }
0x21: {  	s3 =	sadd.s32 s3, s9;
	s6 =	sadd.s32 @!p0 $0x88, s6;
	s7 =	simm.s32 @p2 $0x1082  }
0x22: {  	[simem:s7], [sflag:s8] =	dma.local @!p0 [hbm:s6], $0xF7A  }
0x23: {  	s9 =	sor.u32 $0xD0000000, s2;
	s6 =	simm.s32 $0x108;
	_ =	swait.ge @!p0 [sflag:s8], $0x0  }
0x24: {  	s3 =	sadd.s32 $0x88, s3;
	s6 =	simm.s32 @!p1 $0x1082;
	[sflag:s4] =	ssyncset.s32 $0xFFFFF086  }
0x25: {  	[simem:s6], [sflag:s4] =	dma.local [hbm:s3], $0xF7A  }
0x26: {  	[smem:$0x3F9A] =	sst s1;
	(tag) =	ssettag s2;
	_ =	strace s9  }
0x27: {  	s1 =	sld [smem:$0x3FAA]  }
0x28: {  	s2 =	sld [smem:$0x3FAB]  }
0x29: {  	s4 =	sld [smem:$0x3FAD]  }
0x2a: {  	p0 =	seq.s32 s5, $0x0;
	s5 =	sld [smem:$0x3FAE]  }
0x2b: {  	s6 =	sld [smem:$0x3FAF]  }
0x2c: {  	s7 =	sld [smem:$0x3FB0]  }
0x2d: {  	s3 =	simm.s32 $0x108;
	s8 =	sld [smem:$0x3FB1]  }
0x2e: {  	s3 =	simm.s32 @!p0 $0x1082;
	s9 =	sld [smem:$0x3FB2]  }
0x2f: {  	lr =	sadd.s32 s0, s3;
	s0 =	sld [smem:$0x3FA9]  }
0x30: {  	s3 =	sld [smem:$0x3FAC]  }
0x31: {  	[smem:$0x3FB5] =	sst s10  }
0x32: {  	s10 =	sld [smem:$0x3FB3];
	_ =	sdelay $0x3  }
0x33: {  	p0 =	seq.s32 s10, $0x1;
	s10 =	sld [smem:$0x3FB5];
	_ =	sdelay $0x3  }
0x34: {  	[smem:$0x3FB5] =	sst s10  }
0x35: {  	s10 =	sld [smem:$0x3FB4];
	_ =	sdelay $0x3  }
0x36: {  	p1 =	seq.s32 s10, $0x1;
	s10 =	sld [smem:$0x3FB5];
	_ =	sdelay $0x3  }
0x37: {  	[smem:$0x3FB5] =	sst s10  }
0x38: {  	s10 =	sld [smem:$0x3FB6]  }
0x39: {  	_ = 	snop;
	(pc) =	sbr.ind lr, $3  }
0x3a: {  	_ = 	snop  }
0x3b: {  	_ = 	snop  }
0x3c: {  	p2 =	seq.s32 s10, $0x1;
	s10 =	sld [smem:$0x3FB5]  }
0x3d: {  	_ =	shalt  }
0x3e: {  	_ =	shalt  }
0x3f: {  	_ =	shalt  }
0x40: {  	_ =	shalt  }
0x41: {  	_ =	shalt  }
0x42: {  	_ =	shalt  }
0x43: {  	_ =	shalt  }
0x44: {  	_ =	shalt  }
0x45: {  	_ =	shalt  }
0x46: {  	_ =	shalt  }
0x47: {  	_ =	shalt  }
0x48: {  	_ =	shalt  }
0x49: {  	_ =	shalt  }
0x4a: {  	_ =	shalt  }
0x4b: {  	_ =	shalt  }
0x4c: {  	_ =	shalt  }
0x4d: {  	_ =	shalt  }
0x4e: {  	_ =	shalt  }
0x4f: {  	_ =	shalt  }
0x50: {  	_ =	shalt  }
0x51: {  	_ =	shalt  }
0x52: {  	_ =	shalt  }
0x53: {  	_ =	shalt  }
0x54: {  	_ =	shalt  }
0x55: {  	_ =	shalt  }
0x56: {  	_ =	shalt  }
0x57: {  	_ =	shalt  }
0x58: {  	_ =	shalt  }
0x59: {  	_ =	shalt  }
0x5a: {  	_ =	shalt  }
0x5b: {  	_ =	shalt  }
0x5c: {  	_ =	shalt  }
0x5d: {  	_ =	shalt  }
0x5e: {  	_ =	shalt  }
0x5f: {  	_ =	shalt  }
0x60: {  	_ =	shalt  }
0x61: {  	_ =	shalt  }
0x62: {  	_ =	shalt  }
0x63: {  	_ =	shalt  }
0x64: {  	_ =	shalt  }
0x65: {  	_ =	shalt  }
0x66: {  	_ =	shalt  }
0x67: {  	_ =	shalt  }
0x68: {  	_ =	shalt  }
0x69: {  	_ =	shalt  }
0x6a: {  	_ =	shalt  }
0x6b: {  	_ =	shalt  }
0x6c: {  	_ =	shalt  }
0x6d: {  	_ =	shalt  }
0x6e: {  	_ =	shalt  }
0x6f: {  	_ =	shalt  }
0x70: {  	_ =	shalt  }
0x71: {  	_ =	shalt  }
0x72: {  	_ =	shalt  }
0x73: {  	_ =	shalt  }
0x74: {  	_ =	shalt  }
0x75: {  	_ =	shalt  }
0x76: {  	_ =	shalt  }
0x77: {  	_ =	shalt  }
0x78: {  	_ =	shalt  }
0x79: {  	_ =	shalt  }
0x7a: {  	_ =	shalt  }
0x7b: {  	_ =	shalt  }
0x7c: {  	_ =	shalt  }
0x7d: {  	_ =	shalt  }
0x7e: {  	_ =	shalt  }
0x7f: {  	_ =	shalt  }
0x80: {  	_ =	shalt  }
0x81: {  	_ =	shalt  }
0x82: {  	_ =	shalt  }
0x83: {  	_ =	shalt  }
0x84: {  	_ =	shalt  }
0x85: {  	_ =	shalt  }
0x86: {  	_ =	shalt  }
0x87: {  	_ =	shalt  }
.Lfunc_end0:
.L_simem_size_0:
called_computation_lowered:
.L_overlay_start_0:
0x88: {  	s2 =	sld [smem:$0x3FD9]  }
0x89: {  	s3 =	sld [smem:$0x3FFE];
	_ =	sdelay $0x1  }
0x8a: {  	s1 =	srdreg.scid  }
0x8b: {  	s0 =	sand.u32 $0x1, s1  }
0x8c: {  	s17 =	sshll.u32 s0, $0xA;
	s2 =	sadd.s32 s3, s2  }
0x8d: {  	s2 =	sadd.s32 s2, s17  }
0x8e: {  	[smem:$0x3FC1] =	sst s2  }
0x8f: {  	_ = 	snop  }
0x90: {  	s2 =	sld [smem:$0x3FD0];
	(tm) =	ssettm $0x1  }
0x91: {  	s18 =	sld [smem:$0x3FFB];
	_ =	sdelay $0x3  }
0x92: {  	_ =	strace s18  }
0x93: {  	s3 =	sld [smem:$0x3FFC];
	_ =	sdelay $0x3  }
0x94: {  	_ =	strace s3  }
0x95: {  	s3 =	sld [smem:$0x3FFD];
	_ =	sdelay $0x3  }
0x96: {  	_ =	strace s3  }
0x97: {  	_ =	strace $0x8FFFFFFF  }
0x98: {  	s19 =	sld [smem:$0x3FDB];
	_ =	sdelay $0x1  }
0x99: {  	s4 =	simm.s32 $_scs_section_size  }
0x9a: {  	s5 =	simm.s32 $_size__tile_overlayer_lowered;
	s6 =	simm.s32 $_tile_overlayer_lowered  }
0x9b: {  	s22 =	simm.s32 $0x1BFF;
	s21 =	sshll.u32 s6, $0x1;
	s3 =	sadd.s32 s4, s19  }
0x9c: {  	s7 =	simm.s32 $0x0;
	s20 =	sshll.u32 s5, $0x1;
	s5 =	sadd.s32 s21, s3  }
0x9d: {  	[timem:s7], [sflag:s22] =	dma.local [hbm:s5], s20  }
0x9e: {  	_ =	swait.ge [sflag:s22], s20  }
0x9f: {  	s4 =	ssub.s32 $0x0, s20;
	[sflag:s22] =	ssyncset.done $0x0  }
0xa0: {  	[sflag:s22] =	ssyncadd.s32 s4;
	_ =	sdelay $0x1  }
0xa1: {  	s23 =	simm.s32 $0x1B8B  }
0xa2: {  	_ =	swait.ge [sflag:s23], $0x1  }
0xa3: {  	[sflag:s23] =	ssyncset.done $0x0  }
0xa4: {  	s25 =	simm.s32 $0x1B8E;
	s24 =	sld [smem:$0x3FFE];
	[sflag:s23] =	ssyncadd.s32 $0xFFFFFFFF  }
0xa5: {  	s26 =	simm.s32 $execute0_lowered;
	[smem:$0x3FD2] =	sst s25  }
0xa6: {  	s5 =	sshll.u32 s26, $0x1;
	_ =	strace $0x80000046;
	[dreg:$0x1] =	wrdreg $0xFFFFFFFF  }
0xa7: {  	s28 =	simm.s32 $_size_execute0_lowered;
	s3 =	sadd.s32 s3, s5;
	[dreg:$0x0] =	wrdreg $0x0  }
0xa8: {  	s5 =	sshll.u32 s28, $0x1;
	[dreg:$0x2] =	wrdreg s3  }
0xa9: {  	[dreg:$0x3] =	wrdreg s5  }
0xaa: {  	[dreg:$0x4] =	wrdreg $0xC0  }
0xab: {  	_ =	task [dreg:s7], $0x5FFFF  }
0xac: {  	[dreg:$0x1] =	wrdreg $0xFFFFFFFF  }
0xad: {  	[dreg:$0x0] =	wrdreg $0x60  }
0xae: {  	[dreg:$0x2] =	wrdreg s2  }
0xaf: {  	[dreg:$0x3] =	wrdreg s24  }
0xb0: {  	[dreg:$0x4] =	wrdreg $0x2B000  }
0xb1: {  	[dreg:$0x5] =	wrdreg $0x9  }
0xb2: {  	_ =	task.clear_ibuf [dreg:s7], $0x6FFFF;
	_ =	strace $0x90000046  }
0xb3: {  	s29 =	simm.s32 $0x9;
	_ =	strace $0x80000048  }
0xb4: {  	_ =	swait.ge [sflag:s29], $0x1  }
0xb5: {  	[sflag:s29] =	ssyncadd.s32 $0xFFFFFFFF  }
0xb6: {  	_ =	strace $0x90000048  }
0xb7: {  	_ =	sfence  }
0xb8: {  	s30 =	sld [smem:$0x0];
	_ =	sdelay $0x2  }
0xb9: {  	s31 =	sshll.u32 s1, $0xD;
	s1 =	sshrl.u32 s1, $0x2  }
0xba: {  	s3 =	sand.u32 $0x4000, s31;
	s1 =	sadd.s32 s1, s30  }
0xbb: {  	s0 =	sor.u32 s3, s0;
	s1 =	sshll.u32 s1, $0x11  }
0xbc: {  	s0 =	sor.u32 s1, s0  }
0xbd: {  	s0 =	sadd.s32 $0x8F2B, s0  }
0xbe: {  	[sflag:s0] =	ssyncadd.remote.s32 $0x1  }
0xbf: {  	_ =	sfence.sel $0xFFFF  }
0xc0: {  	[dreg:$0x0] =	wrdreg $0xFFFFFFFF;
	(pc) =	sbr.abs _section_cstart, $3  }
0xc1: {  	[dreg:$0x1] =	wrdreg $0xFFFFFFFF  }
0xc2: {  	_ =	task.clear_ibuf [dreg:s7], $0x2FFFF;
	_ =	strace $0x9FFFFFFF  }
0xc3: {  	(tm) =	ssettm $0x7FFFFFFF  }
tec
execute0_lowered:
.L_overlay_start_1:
0x0: {  	(tag) =	ssettag $0x1  }
0x1: {  	s5 =	rddreg [dreg:$0x0]  }
0x2: {  	s4 =	rddreg [dreg:$0x1]  }
0x3: {  	s2 =	rddreg [dreg:$0x2]  }
0x4: {  	s0 =	rddreg [dreg:$0x3]  }
0x5: {  	s6 =	srdreg.scid;
	s1 =	stileid.u32;
	s3 =	simm.s32 $0x0  }
0x6: {  	s11 =	simm.s32 $0x2800;
	s6 =	sand.u32 $0x1, s6;
	s7 =	smul.u32 $0x278, s1  }
0x7: {  	s12 =	simm.s32 $0x1;
	[smem:$0x7FF] =	sst s3;
	s8 =	smul.u32 $0x2780, s6  }
0x8: {  	s13 =	simm.s32 $0x0;
	_ =	strace $0x80000047;
	s9 =	sshll.u32 s6, $0x4  }
0x9: {  	s6 =	ssub.s32 $0x2, s6;
	s9 =	sor.u32 s1, s9;
	s8 =	sadd.s32 s7, s8  }
0xa: {  	s10 =	sshrl.u32 s6, $0x1;
	s9 =	smul.u32 $0x500, s9;
	s8 =	sshrl.u32 s8, $0x3  }
0xb: {  	s10 =	ssub.s32 s6, s10;
	s8 =	sadd.s32 s8, s4;
	s4 =	sadd.s32 s7, s2  }
0xc: {  	s5 =	sadd.s32 s5, s9;
	s7 =	smax.u32 s10, $0x1;
	s9 =	simm.s32 $0x2  }
0xd: {  	v0 =	vimm.f32 $1.000000000e+00;
	v1 =	vimm.f32 $0.0e+00;
	s10 =	simm.s32 $0x80;
	s6 =	sadd.s32 $0x2A00, s8;
	s8 =	simm.s32 $0x2880  }
.LBB2_1:
0xe: {  	[tilespmem:$0x2800] =	vst v0  }
0xf: {  	[tilespmem:$0x2810] =	vst v0  }
0x10: {  	[tilespmem:$0x2820] =	vst v0  }
0x11: {  	[tilespmem:$0x2830] =	vst v0  }
0x12: {  	[tilespmem:$0x2840] =	vst v0  }
0x13: {  	[tilespmem:$0x2850] =	vst v0  }
0x14: {  	[tilespmem:$0x2860] =	vst v0  }
0x15: {  	[tilespmem:$0x2870] =	vst v0  }
0x16: {  	[tilespmem:$0x2880] =	vst v1  }
0x17: {  	[tilespmem:$0x2890] =	vst v1  }
0x18: {  	[tilespmem:$0x28A0] =	vst v1  }
0x19: {  	[tilespmem:$0x28B0] =	vst v1  }
0x1a: {  	[tilespmem:$0x28C0] =	vst v1  }
0x1b: {  	[tilespmem:$0x28D0] =	vst v1  }
0x1c: {  	[tilespmem:$0x28E0] =	vst v1  }
0x1d: {  	[tilespmem:$0x28F0] =	vst v1  }
0x1e: {  	[tilespmem:$0x2900] =	vst v1  }
0x1f: {  	[tilespmem:$0x2910] =	vst v1  }
0x20: {  	[tilespmem:$0x2920] =	vst v1  }
0x21: {  	[tilespmem:$0x2930] =	vst v1  }
0x22: {  	[tilespmem:$0x2940] =	vst v1  }
0x23: {  	[tilespmem:$0x2950] =	vst v1  }
0x24: {  	[tilespmem:$0x2960] =	vst v1  }
0x25: {  	[tilespmem:$0x2970] =	vst v1  }
0x26: {  	[tilespmem:$0x2980] =	vst v1  }
0x27: {  	[tilespmem:$0x2990] =	vst v1  }
0x28: {  	[tilespmem:$0x29A0] =	vst v1  }
0x29: {  	[tilespmem:$0x29B0] =	vst v1  }
0x2a: {  	[tilespmem:$0x29C0] =	vst v1  }
0x2b: {  	[tilespmem:$0x29D0] =	vst v1  }
0x2c: {  	[tilespmem:$0x29E0] =	vst v1  }
0x2d: {  	[tilespmem:$0x29F0] =	vst v1  }
0x2e: {  	[tilespmem:$0x2A00] =	vst v1  }
0x2f: {  	[tilespmem:$0x2A10] =	vst v1  }
0x30: {  	[tilespmem:$0x2A20] =	vst v1  }
0x31: {  	[tilespmem:$0x2A30] =	vst v1  }
0x32: {  	[tilespmem:$0x2A40] =	vst v1  }
0x33: {  	[tilespmem:$0x2A50] =	vst v1  }
0x34: {  	[tilespmem:$0x2A60] =	vst v1  }
0x35: {  	[tilespmem:$0x2A70] =	vst v1  }
0x36: {  	[tilespmem:$0x2A80] =	vst v1  }
0x37: {  	[tilespmem:$0x2A90] =	vst v1  }
0x38: {  	[tilespmem:$0x2AA0] =	vst v1  }
0x39: {  	[tilespmem:$0x2AB0] =	vst v1  }
0x3a: {  	[tilespmem:$0x2AC0] =	vst v1  }
0x3b: {  	[tilespmem:$0x2AD0] =	vst v1  }
0x3c: {  	[tilespmem:$0x2AE0] =	vst v1  }
0x3d: {  	[tilespmem:$0x2AE8] =	vst v1  }
0x3e: {  	[spmem:s4] =	stream.linear.scatter [tilespmem:s8], [sflag:$0x2], $0x278, $0x38;
	[tilespmem:$0x2D78] =	vst v63  }
0x3f: {  	_ =	swait.ge [sflag:s9], $0x278  }
0x40: {  	[sflag:s9] =	ssyncset.done $0x0  }
0x41: {  	[sflag:s9] =	ssyncadd.s32 $0xFFFFFD88  }
0x42: {  	[tilespmem:s3], [sflag:$0x2] =	stream.linear.gather [hbm4b:s5+s3], $0x2780, $0x38;
	[tilespmem:$0x2D78] =	vst v63  }
0x43: {  	_ =	swait.ge [sflag:s9], $0x2780  }
0x44: {  	[sflag:s9] =	ssyncset.done $0x0  }
0x45: {  	[sflag:s9] =	ssyncadd.s32 $0xFFFFD880  }
0x46: {  	s14 =	simm.s32 $0x200;
	s15 =	simm.s32 $0x0;
	[bflag:$0x0] =	sbarrier.arrive $0xFFFF  }
.LBB2_2:
0x47: {  	[spmem:s2] =	stream.indirect.scatter.add.f32 [tilespmem:s11], [sflag:$0x1], $0x1, s15, s10, $0xb8;
	[tilespmem:$0x2D78] =	vst v63  }
0x48: {  	s15 =	smov.u32 s14;
	p0 =	sne.s32 s14, $0x9C00  }
.Ltmp0:
0x49: {  	s14 =	sadd.s32 $0x200, s14;
	(pc) =	sbr.rel @p0 .LBB2_2-.Ltmp0, $2  }
0x4a: {  	_ =	sdelay $0x2  }
0x4b: {  	s15 =	sshra.s32 s15, $0x2  }
0x4c: {  	[spmem:s2] =	stream.indirect.scatter.add.f32 [tilespmem:s11], [sflag:$0x1], $0x1, s15, s10, $0xb8;
	[tilespmem:$0x2D78] =	vst v63  }
0x4d: {  	_ =	swait.ge [sflag:s12], $0x2780  }
0x4e: {  	[sflag:s12] =	ssyncset.done $0x0  }
0x4f: {  	[sflag:s12] =	ssyncadd.s32 $0xFFFFD880  }
0x50: {  	[bflag:$0x0] =	sbarrier.arrive $0xFFFF  }
0x51: {  	[tilespmem:s8], [sflag:$0x2] =	stream.linear.gather [spmem:s4], $0x278, $0x38;
	[tilespmem:$0x2D78] =	vst v63  }
0x52: {  	s13 =	sadd.s32 $0x1, s13;
	_ =	swait.ge [sflag:s9], $0x278  }
0x53: {  	p0 =	sne.s32 s13, s7;
	[sflag:s9] =	ssyncset.done $0x0  }
.Ltmp1:
0x54: {  	[sflag:s9] =	ssyncadd.s32 $0xFFFFFD88;
	(pc) =	sbr.rel @p0 .LBB2_1-.Ltmp1, $4  }
0x55: {  	[hbm4b:s6+s3] =	stream.linear.scatter [tilespmem:s8], [sflag:$0x2], $0x278, $0x38;
	[tilespmem:$0x2D78] =	vst v63  }
0x56: {  	_ =	swait.ge [sflag:s9], $0x278  }
0x57: {  	[sflag:s9] =	ssyncset.done $0x0  }
0x58: {  	[sflag:s9] =	ssyncadd.s32 $0xFFFFFD88  }
0x59: {  	_ =	sfence.sel $0x180000  }
0x5a: {  	[bflag:$0x0] =	sbarrier.arrive $0xFFFF  }
0x5b: {  	p0 =	sne.s32 s1, $0x0;
	_ =	strace $0x90000047  }
0x5c: {  	s0 =	sadd.s32 @!p0 $0x100000, s0;
	[bflag:$0x2] =	sbarrier.arrive $0xFFFF  }
0x5d: {  	[sflag:s0] =	ssyncadd.tile.s32 @!p0 $0x1;
	_ =	shalt  }
.Lfunc_end2:
_tile_overlayer_lowered:
.L_overlay_start_2:
0x5e: {  	(tag) =	ssettag $0x2  }
0x5f: {  	s0 =	rddreg [dreg:$0x0];
	s2 =	stileid.u32  }
0x60: {  	s1 =	rddreg [dreg:$0x1];
	p0 =	sne.s32 s2, $0x0  }
0x61: {  	s3 =	rddreg [dreg:$0x2];
	[bflag:$0x3] =	sbarrier.arrive $0xFFFF;
	s2 =	simm.s32 @!p0 $0x1C02  }
0x62: {  	[timem:s3], [sflag:s2] =	dma.local @!p0 [hbm:s0], s1  }
0x63: {  	s0 =	simm.s32 @!p0 $0x2  }
0x64: {  	_ =	swait.ge @!p0 [sflag:s0], s1  }
0x65: {  	s1 =	ssub.s32 @!p0 $0x0, s1;
	[sflag:s0] =	ssyncset.done @!p0 $0x0  }
0x66: {  	[sflag:s0] =	ssyncadd.s32 @!p0 s1  }
0x67: {  	[bflag:$0x3] =	sbarrier.arrive $0xFFFF  }
0x68: {  	_ =	shalt  }

</sc_bundles>
